<compile_context>
chip_gen: v7x
topology: tpu7x:2x2x1
jax: 0.10.2.dev20260603
libtpu: 0.0.44.dev20260713+nightly
codegen_flags: <defaults>
</compile_context>

<pallas_src>
import functools

import jax
import jax.numpy as jnp
from jax import lax
from jax.experimental import pallas as pl
from jax.experimental.pallas import tpu as pltpu
from jax.experimental.pallas import tpu_sc as plsc

BATCH = 16384
HIST = 50
HISTP = 56
DIM = 32
NUM_CORES = 2
NUM_SUBCORES = 16
NUM_WORKERS = NUM_CORES * NUM_SUBCORES
B_PER_WORKER = BATCH // NUM_WORKERS
GB = 8
NUM_GROUPS = B_PER_WORKER // GB
NBUF = 4


@functools.partial(
    pl.kernel,
    mesh=plsc.VectorSubcoreMesh(core_axis_name="c", subcore_axis_name="s"),
    out_type=jax.ShapeDtypeStruct((BATCH, HIST, DIM), jnp.float32),
    scratch_types=[
        pltpu.VMEM((B_PER_WORKER, HISTP), jnp.int32),
        pltpu.VMEM((NBUF, GB, HISTP, DIM), jnp.float32),
    ]
    + [pltpu.SemaphoreType.DMA] * (2 * NBUF),
    compiler_params=pltpu.CompilerParams(use_tc_tiling_on_sc=False),
)
def _gather_kernel(table_hbm, idx_hbm, out_hbm, idx_v, rows_v, *sems):
    gsem = sems[:NBUF]
    osem = sems[NBUF:]
    wid = lax.axis_index("s") * NUM_CORES + lax.axis_index("c")
    bbase = wid * B_PER_WORKER
    pltpu.sync_copy(idx_hbm.at[pl.ds(bbase, B_PER_WORKER)], idx_v)

    def fire(g, b):
        for j in range(GB):
            pltpu.async_copy(
                table_hbm.at[idx_v.at[g * GB + j]],
                rows_v.at[b, j],
                gsem[b],
            )

    def drain_gathers(g, b):
        for j in range(GB):
            pltpu.make_async_copy(
                table_hbm.at[idx_v.at[g * GB + j]],
                rows_v.at[b, j],
                gsem[b],
            ).wait()

    def fire_out(s, b):
        for j in range(GB):
            pltpu.async_copy(
                rows_v.at[b, j, pl.ds(0, HIST)],
                out_hbm.at[bbase + s * GB + j],
                osem[b],
            )

    def drain_out(s, b):
        for j in range(GB):
            pltpu.make_async_copy(
                rows_v.at[b, j, pl.ds(0, HIST)],
                out_hbm.at[bbase + s * GB + j],
                osem[b],
            ).wait()

    for g in range(NBUF - 1):
        fire(g, g)

    def step(s, b):
        drain_gathers(s, b)
        fire_out(s, b)
        bn = (b + NBUF - 1) % NBUF

        @pl.when(s > 0)
        def _():
            drain_out(s - 1, bn)

        @pl.when(s + NBUF - 1 < NUM_GROUPS)
        def _():
            fire(s + NBUF - 1, bn)

    def body(p, carry):
        for b in range(NBUF):
            step(p * NBUF + b, b)
        return carry

    lax.fori_loop(0, NUM_GROUPS // NBUF, body, 0)
    drain_out(NUM_GROUPS - 1, (NUM_GROUPS - 1) % NBUF)


def kernel(input, weight):
    idx = input.astype(jnp.int32)
    idxp = jnp.concatenate([idx, idx[:, : HISTP - HIST]], axis=1)
    return _gather_kernel(weight, idxp)

# --- scband reference (transcript-rebuilt; emitter-appended) ---
"""Pipeline reference for scband-embedding-38646115729647 (READ-ONLY COPY).

The authoritative reference and input builder live on the scoring server;
editing this copy changes nothing except your own understanding.
"""

import jax, jax.numpy as jnp
import numpy as np

NUM_EMBEDDINGS = 1000000
EMBEDDING_DIM = 32
BATCH = 16384
HIST = 50

def setup_inputs(seed: int = 0) -> dict:
    key = jax.random.key(seed)
    k_idx, k_w = jax.random.split(key)
    input_ids = jax.random.randint(k_idx, (BATCH, HIST), 0, NUM_EMBEDDINGS, dtype=jnp.int64 if jax.config.jax_enable_x64 else jnp.int32)
    weight = jax.random.normal(k_w, (NUM_EMBEDDINGS, EMBEDDING_DIM), dtype=jnp.float32)
    return {"input": input_ids, "weight": weight}

def reference(input, weight):
    # nn.Embedding forward: gather rows of weight by indices.
    # padding_idx=None, max_norm=None -> plain lookup.
    return jnp.take(weight, input, axis=0)

if __name__ == "__main__":
    import jax
    _d = setup_inputs()
    print(jax.jit(kernel)(*tuple(_d.values())))

</pallas_src>

<mosaic_0001>
#map = affine_map<(d0, d1) -> (0, 0)>
#map1 = affine_map<(d0, d1) -> (0, 0, 0)>
module attributes {stable_mosaic.version = 14 : i64} {
  func.func @_gather_kernel(%arg0: i32, %arg1: i32, %arg2: memref<1000000x32xf32, #tpu.memory_space<hbm>>, %arg3: memref<16384x56xi32, #tpu.memory_space<hbm>>, %arg4: memref<16384x50x32xf32, #tpu.memory_space<hbm>>, %arg5: memref<512x56xi32, #tpu.memory_space<vmem>>, %arg6: memref<4x8x56x32xf32, #tpu.memory_space<vmem>>, %arg7: memref<!tpu.dma_semaphore, #tpu.memory_space<semaphore_mem>>, %arg8: memref<!tpu.dma_semaphore, #tpu.memory_space<semaphore_mem>>, %arg9: memref<!tpu.dma_semaphore, #tpu.memory_space<semaphore_mem>>, %arg10: memref<!tpu.dma_semaphore, #tpu.memory_space<semaphore_mem>>, %arg11: memref<!tpu.dma_semaphore, #tpu.memory_space<semaphore_mem>>, %arg12: memref<!tpu.dma_semaphore, #tpu.memory_space<semaphore_mem>>, %arg13: memref<!tpu.dma_semaphore, #tpu.memory_space<semaphore_mem>>, %arg14: memref<!tpu.dma_semaphore, #tpu.memory_space<semaphore_mem>>) attributes {dimension_semantics = [#tpu.dimension_semantics<core_parallel>, #tpu.dimension_semantics<subcore_parallel>], iteration_bounds = array<i64: 2, 16>, scalar_prefetch = 0 : i64, scratch_operands = 10 : i64, tpu.core_type = #tpu.core_type<sc_vector_subcore>, window_params = [{transform_indices = #map}, {transform_indices = #map}, {transform_indices = #map1}]} {
    %mul3A = arith.constant 2 : i32
    %mul3A_0 = arith.muli %arg1, %mul3A : i32
    %add3A = arith.addi %mul3A_0, %arg0 : i32
    %mul3A_1 = arith.constant 512 : i32
    %mul3A_2 = arith.muli %add3A, %mul3A_1 : i32
    "tpu.region"() ({
      %run_scoped3A = tpu.sem_alloc : memref<!tpu.dma_semaphore, #tpu.memory_space<semaphore_mem>>
      %dma_start3A_494 = arith.constant 0 : i32
      %dma_start3A_495 = tpu.memref_slice %arg3[%mul3A_2, %dma_start3A_494] : memref<16384x56xi32, #tpu.memory_space<hbm>> -> memref<512x56xi32, #tpu.memory_space<hbm>>
      %dma_start3A_496 = arith.constant 0 : i32
      %dma_start3A_497 = tpu.memref_slice %arg3[%mul3A_2, %dma_start3A_496] : memref<16384x56xi32, #tpu.memory_space<hbm>> -> memref<512x56xi32, #tpu.memory_space<hbm>>
      tpu.enqueue_dma source(%dma_start3A_497 : memref<512x56xi32, #tpu.memory_space<hbm>>) target(%arg5 : memref<512x56xi32, #tpu.memory_space<vmem>>) target_semaphore(%run_scoped3A : memref<!tpu.dma_semaphore, #tpu.memory_space<semaphore_mem>>)
      %dma_wait3A_498 = arith.constant 0 : i32
      %dma_wait3A_499 = tpu.memref_slice %arg3[%mul3A_2, %dma_wait3A_498] : memref<16384x56xi32, #tpu.memory_space<hbm>> -> memref<512x56xi32, #tpu.memory_space<hbm>>
      %dma_wait3A_500 = arith.constant 0 : i32
      %dma_wait3A_501 = tpu.memref_slice %arg3[%mul3A_2, %dma_wait3A_500] : memref<16384x56xi32, #tpu.memory_space<hbm>> -> memref<512x56xi32, #tpu.memory_space<hbm>>
      tpu.wait_dma2 semaphore(%run_scoped3A : memref<!tpu.dma_semaphore, #tpu.memory_space<semaphore_mem>>) src(%dma_wait3A_501 : memref<512x56xi32, #tpu.memory_space<hbm>>) dst(%arg5 : memref<512x56xi32, #tpu.memory_space<vmem>>)
      tpu.yield
    }) : () -> ()
    %dma_start3A = arith.constant 0 : i32
    %dma_start3A_3 = arith.constant 0 : i32
    %dma_start3A_4 = arith.constant 0 : i32
    %dma_start3A_5 = arith.constant 0 : i32
    %dma_start3A_6 = arith.constant 0 : i32
    %dma_start3A_7 = tpu.memref_slice %arg6[%dma_start3A_3, %dma_start3A_4, %dma_start3A_5, %dma_start3A_6] : memref<4x8x56x32xf32, #tpu.memory_space<vmem>> -> memref<1x1x56x32xf32, #tpu.memory_space<vmem>>
    %dma_start3A_8 = tpu.memref_squeeze %dma_start3A_7 : memref<1x1x56x32xf32, #tpu.memory_space<vmem>> -> memref<56x32xf32, #tpu.memory_space<vmem>>
    %dma_start3A_9 = arith.constant 0 : i32
    %dma_start3A_10 = tpu.memref_slice %arg5[%dma_start3A, %dma_start3A_9] : memref<512x56xi32, #tpu.memory_space<vmem>> -> memref<1x56xi32, #tpu.memory_space<vmem>>
    %dma_start3A_11 = tpu.memref_squeeze %dma_start3A_10 : memref<1x56xi32, #tpu.memory_space<vmem>> -> memref<56xi32, #tpu.memory_space<vmem>>
    %dma_start3A_12 = arith.constant 0 : i32
    %dma_start3A_13 = arith.constant 0 : i32
    %dma_start3A_14 = tpu.memref_slice %arg2[%dma_start3A_12, %dma_start3A_13] : memref<1000000x32xf32, #tpu.memory_space<hbm>> -> memref<1000000x32xf32, #tpu.memory_space<hbm>>
    tpu.enqueue_indirect_dma source(%dma_start3A_14 : memref<1000000x32xf32, #tpu.memory_space<hbm>>) target(%dma_start3A_8 : memref<56x32xf32, #tpu.memory_space<vmem>>) offsets(%dma_start3A_11 : memref<56xi32, #tpu.memory_space<vmem>>) semaphore(%arg7 : memref<!tpu.dma_semaphore, #tpu.memory_space<semaphore_mem>>)
    %dma_start3A_15 = arith.constant 1 : i32
    %dma_start3A_16 = arith.constant 0 : i32
    %dma_start3A_17 = arith.constant 1 : i32
    %dma_start3A_18 = arith.constant 0 : i32
    %dma_start3A_19 = arith.constant 0 : i32
    %dma_start3A_20 = tpu.memref_slice %arg6[%dma_start3A_16, %dma_start3A_17, %dma_start3A_18, %dma_start3A_19] : memref<4x8x56x32xf32, #tpu.memory_space<vmem>> -> memref<1x1x56x32xf32, #tpu.memory_space<vmem>>
    %dma_start3A_21 = tpu.memref_squeeze %dma_start3A_20 : memref<1x1x56x32xf32, #tpu.memory_space<vmem>> -> memref<56x32xf32, #tpu.memory_space<vmem>>
    %dma_start3A_22 = arith.constant 0 : i32
    %dma_start3A_23 = tpu.memref_slice %arg5[%dma_start3A_15, %dma_start3A_22] : memref<512x56xi32, #tpu.memory_space<vmem>> -> memref<1x56xi32, #tpu.memory_space<vmem>>
    %dma_start3A_24 = tpu.memref_squeeze %dma_start3A_23 : memref<1x56xi32, #tpu.memory_space<vmem>> -> memref<56xi32, #tpu.memory_space<vmem>>
    %dma_start3A_25 = arith.constant 0 : i32
    %dma_start3A_26 = arith.constant 0 : i32
    %dma_start3A_27 = tpu.memref_slice %arg2[%dma_start3A_25, %dma_start3A_26] : memref<1000000x32xf32, #tpu.memory_space<hbm>> -> memref<1000000x32xf32, #tpu.memory_space<hbm>>
    tpu.enqueue_indirect_dma source(%dma_start3A_27 : memref<1000000x32xf32, #tpu.memory_space<hbm>>) target(%dma_start3A_21 : memref<56x32xf32, #tpu.memory_space<vmem>>) offsets(%dma_start3A_24 : memref<56xi32, #tpu.memory_space<vmem>>) semaphore(%arg7 : memref<!tpu.dma_semaphore, #tpu.memory_space<semaphore_mem>>)
    %dma_start3A_28 = arith.constant 2 : i32
    %dma_start3A_29 = arith.constant 0 : i32
    %dma_start3A_30 = arith.constant 2 : i32
    %dma_start3A_31 = arith.constant 0 : i32
    %dma_start3A_32 = arith.constant 0 : i32
    %dma_start3A_33 = tpu.memref_slice %arg6[%dma_start3A_29, %dma_start3A_30, %dma_start3A_31, %dma_start3A_32] : memref<4x8x56x32xf32, #tpu.memory_space<vmem>> -> memref<1x1x56x32xf32, #tpu.memory_space<vmem>>
    %dma_start3A_34 = tpu.memref_squeeze %dma_start3A_33 : memref<1x1x56x32xf32, #tpu.memory_space<vmem>> -> memref<56x32xf32, #tpu.memory_space<vmem>>
    %dma_start3A_35 = arith.constant 0 : i32
    %dma_start3A_36 = tpu.memref_slice %arg5[%dma_start3A_28, %dma_start3A_35] : memref<512x56xi32, #tpu.memory_space<vmem>> -> memref<1x56xi32, #tpu.memory_space<vmem>>
    %dma_start3A_37 = tpu.memref_squeeze %dma_start3A_36 : memref<1x56xi32, #tpu.memory_space<vmem>> -> memref<56xi32, #tpu.memory_space<vmem>>
    %dma_start3A_38 = arith.constant 0 : i32
    %dma_start3A_39 = arith.constant 0 : i32
    %dma_start3A_40 = tpu.memref_slice %arg2[%dma_start3A_38, %dma_start3A_39] : memref<1000000x32xf32, #tpu.memory_space<hbm>> -> memref<1000000x32xf32, #tpu.memory_space<hbm>>
    tpu.enqueue_indirect_dma source(%dma_start3A_40 : memref<1000000x32xf32, #tpu.memory_space<hbm>>) target(%dma_start3A_34 : memref<56x32xf32, #tpu.memory_space<vmem>>) offsets(%dma_start3A_37 : memref<56xi32, #tpu.memory_space<vmem>>) semaphore(%arg7 : memref<!tpu.dma_semaphore, #tpu.memory_space<semaphore_mem>>)
    %dma_start3A_41 = arith.constant 3 : i32
    %dma_start3A_42 = arith.constant 0 : i32
    %dma_start3A_43 = arith.constant 3 : i32
    %dma_start3A_44 = arith.constant 0 : i32
    %dma_start3A_45 = arith.constant 0 : i32
    %dma_start3A_46 = tpu.memref_slice %arg6[%dma_start3A_42, %dma_start3A_43, %dma_start3A_44, %dma_start3A_45] : memref<4x8x56x32xf32, #tpu.memory_space<vmem>> -> memref<1x1x56x32xf32, #tpu.memory_space<vmem>>
    %dma_start3A_47 = tpu.memref_squeeze %dma_start3A_46 : memref<1x1x56x32xf32, #tpu.memory_space<vmem>> -> memref<56x32xf32, #tpu.memory_space<vmem>>
    %dma_start3A_48 = arith.constant 0 : i32
    %dma_start3A_49 = tpu.memref_slice %arg5[%dma_start3A_41, %dma_start3A_48] : memref<512x56xi32, #tpu.memory_space<vmem>> -> memref<1x56xi32, #tpu.memory_space<vmem>>
    %dma_start3A_50 = tpu.memref_squeeze %dma_start3A_49 : memref<1x56xi32, #tpu.memory_space<vmem>> -> memref<56xi32, #tpu.memory_space<vmem>>
    %dma_start3A_51 = arith.constant 0 : i32
    %dma_start3A_52 = arith.constant 0 : i32
    %dma_start3A_53 = tpu.memref_slice %arg2[%dma_start3A_51, %dma_start3A_52] : memref<1000000x32xf32, #tpu.memory_space<hbm>> -> memref<1000000x32xf32, #tpu.memory_space<hbm>>
    tpu.enqueue_indirect_dma source(%dma_start3A_53 : memref<1000000x32xf32, #tpu.memory_space<hbm>>) target(%dma_start3A_47 : memref<56x32xf32, #tpu.memory_space<vmem>>) offsets(%dma_start3A_50 : memref<56xi32, #tpu.memory_space<vmem>>) semaphore(%arg7 : memref<!tpu.dma_semaphore, #tpu.memory_space<semaphore_mem>>)
    %dma_start3A_54 = arith.constant 4 : i32
    %dma_start3A_55 = arith.constant 0 : i32
    %dma_start3A_56 = arith.constant 4 : i32
    %dma_start3A_57 = arith.constant 0 : i32
    %dma_start3A_58 = arith.constant 0 : i32
    %dma_start3A_59 = tpu.memref_slice %arg6[%dma_start3A_55, %dma_start3A_56, %dma_start3A_57, %dma_start3A_58] : memref<4x8x56x32xf32, #tpu.memory_space<vmem>> -> memref<1x1x56x32xf32, #tpu.memory_space<vmem>>
    %dma_start3A_60 = tpu.memref_squeeze %dma_start3A_59 : memref<1x1x56x32xf32, #tpu.memory_space<vmem>> -> memref<56x32xf32, #tpu.memory_space<vmem>>
    %dma_start3A_61 = arith.constant 0 : i32
    %dma_start3A_62 = tpu.memref_slice %arg5[%dma_start3A_54, %dma_start3A_61] : memref<512x56xi32, #tpu.memory_space<vmem>> -> memref<1x56xi32, #tpu.memory_space<vmem>>
    %dma_start3A_63 = tpu.memref_squeeze %dma_start3A_62 : memref<1x56xi32, #tpu.memory_space<vmem>> -> memref<56xi32, #tpu.memory_space<vmem>>
    %dma_start3A_64 = arith.constant 0 : i32
    %dma_start3A_65 = arith.constant 0 : i32
    %dma_start3A_66 = tpu.memref_slice %arg2[%dma_start3A_64, %dma_start3A_65] : memref<1000000x32xf32, #tpu.memory_space<hbm>> -> memref<1000000x32xf32, #tpu.memory_space<hbm>>
    tpu.enqueue_indirect_dma source(%dma_start3A_66 : memref<1000000x32xf32, #tpu.memory_space<hbm>>) target(%dma_start3A_60 : memref<56x32xf32, #tpu.memory_space<vmem>>) offsets(%dma_start3A_63 : memref<56xi32, #tpu.memory_space<vmem>>) semaphore(%arg7 : memref<!tpu.dma_semaphore, #tpu.memory_space<semaphore_mem>>)
    %dma_start3A_67 = arith.constant 5 : i32
    %dma_start3A_68 = arith.constant 0 : i32
    %dma_start3A_69 = arith.constant 5 : i32
    %dma_start3A_70 = arith.constant 0 : i32
    %dma_start3A_71 = arith.constant 0 : i32
    %dma_start3A_72 = tpu.memref_slice %arg6[%dma_start3A_68, %dma_start3A_69, %dma_start3A_70, %dma_start3A_71] : memref<4x8x56x32xf32, #tpu.memory_space<vmem>> -> memref<1x1x56x32xf32, #tpu.memory_space<vmem>>
    %dma_start3A_73 = tpu.memref_squeeze %dma_start3A_72 : memref<1x1x56x32xf32, #tpu.memory_space<vmem>> -> memref<56x32xf32, #tpu.memory_space<vmem>>
    %dma_start3A_74 = arith.constant 0 : i32
    %dma_start3A_75 = tpu.memref_slice %arg5[%dma_start3A_67, %dma_start3A_74] : memref<512x56xi32, #tpu.memory_space<vmem>> -> memref<1x56xi32, #tpu.memory_space<vmem>>
    %dma_start3A_76 = tpu.memref_squeeze %dma_start3A_75 : memref<1x56xi32, #tpu.memory_space<vmem>> -> memref<56xi32, #tpu.memory_space<vmem>>
    %dma_start3A_77 = arith.constant 0 : i32
    %dma_start3A_78 = arith.constant 0 : i32
    %dma_start3A_79 = tpu.memref_slice %arg2[%dma_start3A_77, %dma_start3A_78] : memref<1000000x32xf32, #tpu.memory_space<hbm>> -> memref<1000000x32xf32, #tpu.memory_space<hbm>>
    tpu.enqueue_indirect_dma source(%dma_start3A_79 : memref<1000000x32xf32, #tpu.memory_space<hbm>>) target(%dma_start3A_73 : memref<56x32xf32, #tpu.memory_space<vmem>>) offsets(%dma_start3A_76 : memref<56xi32, #tpu.memory_space<vmem>>) semaphore(%arg7 : memref<!tpu.dma_semaphore, #tpu.memory_space<semaphore_mem>>)
    %dma_start3A_80 = arith.constant 6 : i32
    %dma_start3A_81 = arith.constant 0 : i32
    %dma_start3A_82 = arith.constant 6 : i32
    %dma_start3A_83 = arith.constant 0 : i32
    %dma_start3A_84 = arith.constant 0 : i32
    %dma_start3A_85 = tpu.memref_slice %arg6[%dma_start3A_81, %dma_start3A_82, %dma_start3A_83, %dma_start3A_84] : memref<4x8x56x32xf32, #tpu.memory_space<vmem>> -> memref<1x1x56x32xf32, #tpu.memory_space<vmem>>
    %dma_start3A_86 = tpu.memref_squeeze %dma_start3A_85 : memref<1x1x56x32xf32, #tpu.memory_space<vmem>> -> memref<56x32xf32, #tpu.memory_space<vmem>>
    %dma_start3A_87 = arith.constant 0 : i32
    %dma_start3A_88 = tpu.memref_slice %arg5[%dma_start3A_80, %dma_start3A_87] : memref<512x56xi32, #tpu.memory_space<vmem>> -> memref<1x56xi32, #tpu.memory_space<vmem>>
    %dma_start3A_89 = tpu.memref_squeeze %dma_start3A_88 : memref<1x56xi32, #tpu.memory_space<vmem>> -> memref<56xi32, #tpu.memory_space<vmem>>
    %dma_start3A_90 = arith.constant 0 : i32
    %dma_start3A_91 = arith.constant 0 : i32
    %dma_start3A_92 = tpu.memref_slice %arg2[%dma_start3A_90, %dma_start3A_91] : memref<1000000x32xf32, #tpu.memory_space<hbm>> -> memref<1000000x32xf32, #tpu.memory_space<hbm>>
    tpu.enqueue_indirect_dma source(%dma_start3A_92 : memref<1000000x32xf32, #tpu.memory_space<hbm>>) target(%dma_start3A_86 : memref<56x32xf32, #tpu.memory_space<vmem>>) offsets(%dma_start3A_89 : memref<56xi32, #tpu.memory_space<vmem>>) semaphore(%arg7 : memref<!tpu.dma_semaphore, #tpu.memory_space<semaphore_mem>>)
    %dma_start3A_93 = arith.constant 7 : i32
    %dma_start3A_94 = arith.constant 0 : i32
    %dma_start3A_95 = arith.constant 7 : i32
    %dma_start3A_96 = arith.constant 0 : i32
    %dma_start3A_97 = arith.constant 0 : i32
    %dma_start3A_98 = tpu.memref_slice %arg6[%dma_start3A_94, %dma_start3A_95, %dma_start3A_96, %dma_start3A_97] : memref<4x8x56x32xf32, #tpu.memory_space<vmem>> -> memref<1x1x56x32xf32, #tpu.memory_space<vmem>>
    %dma_start3A_99 = tpu.memref_squeeze %dma_start3A_98 : memref<1x1x56x32xf32, #tpu.memory_space<vmem>> -> memref<56x32xf32, #tpu.memory_space<vmem>>
    %dma_start3A_100 = arith.constant 0 : i32
    %dma_start3A_101 = tpu.memref_slice %arg5[%dma_start3A_93, %dma_start3A_100] : memref<512x56xi32, #tpu.memory_space<vmem>> -> memref<1x56xi32, #tpu.memory_space<vmem>>
    %dma_start3A_102 = tpu.memref_squeeze %dma_start3A_101 : memref<1x56xi32, #tpu.memory_space<vmem>> -> memref<56xi32, #tpu.memory_space<vmem>>
    %dma_start3A_103 = arith.constant 0 : i32
    %dma_start3A_104 = arith.constant 0 : i32
    %dma_start3A_105 = tpu.memref_slice %arg2[%dma_start3A_103, %dma_start3A_104] : memref<1000000x32xf32, #tpu.memory_space<hbm>> -> memref<1000000x32xf32, #tpu.memory_space<hbm>>
    tpu.enqueue_indirect_dma source(%dma_start3A_105 : memref<1000000x32xf32, #tpu.memory_space<hbm>>) target(%dma_start3A_99 : memref<56x32xf32, #tpu.memory_space<vmem>>) offsets(%dma_start3A_102 : memref<56xi32, #tpu.memory_space<vmem>>) semaphore(%arg7 : memref<!tpu.dma_semaphore, #tpu.memory_space<semaphore_mem>>)
    %dma_start3A_106 = arith.constant 8 : i32
    %dma_start3A_107 = arith.constant 1 : i32
    %dma_start3A_108 = arith.constant 0 : i32
    %dma_start3A_109 = arith.constant 0 : i32
    %dma_start3A_110 = arith.constant 0 : i32
    %dma_start3A_111 = tpu.memref_slice %arg6[%dma_start3A_107, %dma_start3A_108, %dma_start3A_109, %dma_start3A_110] : memref<4x8x56x32xf32, #tpu.memory_space<vmem>> -> memref<1x1x56x32xf32, #tpu.memory_space<vmem>>
    %dma_start3A_112 = tpu.memref_squeeze %dma_start3A_111 : memref<1x1x56x32xf32, #tpu.memory_space<vmem>> -> memref<56x32xf32, #tpu.memory_space<vmem>>
    %dma_start3A_113 = arith.constant 0 : i32
    %dma_start3A_114 = tpu.memref_slice %arg5[%dma_start3A_106, %dma_start3A_113] : memref<512x56xi32, #tpu.memory_space<vmem>> -> memref<1x56xi32, #tpu.memory_space<vmem>>
    %dma_start3A_115 = tpu.memref_squeeze %dma_start3A_114 : memref<1x56xi32, #tpu.memory_space<vmem>> -> memref<56xi32, #tpu.memory_space<vmem>>
    %dma_start3A_116 = arith.constant 0 : i32
    %dma_start3A_117 = arith.constant 0 : i32
    %dma_start3A_118 = tpu.memref_slice %arg2[%dma_start3A_116, %dma_start3A_117] : memref<1000000x32xf32, #tpu.memory_space<hbm>> -> memref<1000000x32xf32, #tpu.memory_space<hbm>>
    tpu.enqueue_indirect_dma source(%dma_start3A_118 : memref<1000000x32xf32, #tpu.memory_space<hbm>>) target(%dma_start3A_112 : memref<56x32xf32, #tpu.memory_space<vmem>>) offsets(%dma_start3A_115 : memref<56xi32, #tpu.memory_space<vmem>>) semaphore(%arg8 : memref<!tpu.dma_semaphore, #tpu.memory_space<semaphore_mem>>)
    %dma_start3A_119 = arith.constant 9 : i32
    %dma_start3A_120 = arith.constant 1 : i32
    %dma_start3A_121 = arith.constant 1 : i32
    %dma_start3A_122 = arith.constant 0 : i32
    %dma_start3A_123 = arith.constant 0 : i32
    %dma_start3A_124 = tpu.memref_slice %arg6[%dma_start3A_120, %dma_start3A_121, %dma_start3A_122, %dma_start3A_123] : memref<4x8x56x32xf32, #tpu.memory_space<vmem>> -> memref<1x1x56x32xf32, #tpu.memory_space<vmem>>
    %dma_start3A_125 = tpu.memref_squeeze %dma_start3A_124 : memref<1x1x56x32xf32, #tpu.memory_space<vmem>> -> memref<56x32xf32, #tpu.memory_space<vmem>>
    %dma_start3A_126 = arith.constant 0 : i32
    %dma_start3A_127 = tpu.memref_slice %arg5[%dma_start3A_119, %dma_start3A_126] : memref<512x56xi32, #tpu.memory_space<vmem>> -> memref<1x56xi32, #tpu.memory_space<vmem>>
    %dma_start3A_128 = tpu.memref_squeeze %dma_start3A_127 : memref<1x56xi32, #tpu.memory_space<vmem>> -> memref<56xi32, #tpu.memory_space<vmem>>
    %dma_start3A_129 = arith.constant 0 : i32
    %dma_start3A_130 = arith.constant 0 : i32
    %dma_start3A_131 = tpu.memref_slice %arg2[%dma_start3A_129, %dma_start3A_130] : memref<1000000x32xf32, #tpu.memory_space<hbm>> -> memref<1000000x32xf32, #tpu.memory_space<hbm>>
    tpu.enqueue_indirect_dma source(%dma_start3A_131 : memref<1000000x32xf32, #tpu.memory_space<hbm>>) target(%dma_start3A_125 : memref<56x32xf32, #tpu.memory_space<vmem>>) offsets(%dma_start3A_128 : memref<56xi32, #tpu.memory_space<vmem>>) semaphore(%arg8 : memref<!tpu.dma_semaphore, #tpu.memory_space<semaphore_mem>>)
    %dma_start3A_132 = arith.constant 10 : i32
    %dma_start3A_133 = arith.constant 1 : i32
    %dma_start3A_134 = arith.constant 2 : i32
    %dma_start3A_135 = arith.constant 0 : i32
    %dma_start3A_136 = arith.constant 0 : i32
    %dma_start3A_137 = tpu.memref_slice %arg6[%dma_start3A_133, %dma_start3A_134, %dma_start3A_135, %dma_start3A_136] : memref<4x8x56x32xf32, #tpu.memory_space<vmem>> -> memref<1x1x56x32xf32, #tpu.memory_space<vmem>>
    %dma_start3A_138 = tpu.memref_squeeze %dma_start3A_137 : memref<1x1x56x32xf32, #tpu.memory_space<vmem>> -> memref<56x32xf32, #tpu.memory_space<vmem>>
    %dma_start3A_139 = arith.constant 0 : i32
    %dma_start3A_140 = tpu.memref_slice %arg5[%dma_start3A_132, %dma_start3A_139] : memref<512x56xi32, #tpu.memory_space<vmem>> -> memref<1x56xi32, #tpu.memory_space<vmem>>
    %dma_start3A_141 = tpu.memref_squeeze %dma_start3A_140 : memref<1x56xi32, #tpu.memory_space<vmem>> -> memref<56xi32, #tpu.memory_space<vmem>>
    %dma_start3A_142 = arith.constant 0 : i32
    %dma_start3A_143 = arith.constant 0 : i32
    %dma_start3A_144 = tpu.memref_slice %arg2[%dma_start3A_142, %dma_start3A_143] : memref<1000000x32xf32, #tpu.memory_space<hbm>> -> memref<1000000x32xf32, #tpu.memory_space<hbm>>
    tpu.enqueue_indirect_dma source(%dma_start3A_144 : memref<1000000x32xf32, #tpu.memory_space<hbm>>) target(%dma_start3A_138 : memref<56x32xf32, #tpu.memory_space<vmem>>) offsets(%dma_start3A_141 : memref<56xi32, #tpu.memory_space<vmem>>) semaphore(%arg8 : memref<!tpu.dma_semaphore, #tpu.memory_space<semaphore_mem>>)
    %dma_start3A_145 = arith.constant 11 : i32
    %dma_start3A_146 = arith.constant 1 : i32
    %dma_start3A_147 = arith.constant 3 : i32
    %dma_start3A_148 = arith.constant 0 : i32
    %dma_start3A_149 = arith.constant 0 : i32
    %dma_start3A_150 = tpu.memref_slice %arg6[%dma_start3A_146, %dma_start3A_147, %dma_start3A_148, %dma_start3A_149] : memref<4x8x56x32xf32, #tpu.memory_space<vmem>> -> memref<1x1x56x32xf32, #tpu.memory_space<vmem>>
    %dma_start3A_151 = tpu.memref_squeeze %dma_start3A_150 : memref<1x1x56x32xf32, #tpu.memory_space<vmem>> -> memref<56x32xf32, #tpu.memory_space<vmem>>
    %dma_start3A_152 = arith.constant 0 : i32
    %dma_start3A_153 = tpu.memref_slice %arg5[%dma_start3A_145, %dma_start3A_152] : memref<512x56xi32, #tpu.memory_space<vmem>> -> memref<1x56xi32, #tpu.memory_space<vmem>>
    %dma_start3A_154 = tpu.memref_squeeze %dma_start3A_153 : memref<1x56xi32, #tpu.memory_space<vmem>> -> memref<56xi32, #tpu.memory_space<vmem>>
    %dma_start3A_155 = arith.constant 0 : i32
    %dma_start3A_156 = arith.constant 0 : i32
    %dma_start3A_157 = tpu.memref_slice %arg2[%dma_start3A_155, %dma_start3A_156] : memref<1000000x32xf32, #tpu.memory_space<hbm>> -> memref<1000000x32xf32, #tpu.memory_space<hbm>>
    tpu.enqueue_indirect_dma source(%dma_start3A_157 : memref<1000000x32xf32, #tpu.memory_space<hbm>>) target(%dma_start3A_151 : memref<56x32xf32, #tpu.memory_space<vmem>>) offsets(%dma_start3A_154 : memref<56xi32, #tpu.memory_space<vmem>>) semaphore(%arg8 : memref<!tpu.dma_semaphore, #tpu.memory_space<semaphore_mem>>)
    %dma_start3A_158 = arith.constant 12 : i32
    %dma_start3A_159 = arith.constant 1 : i32
    %dma_start3A_160 = arith.constant 4 : i32
    %dma_start3A_161 = arith.constant 0 : i32
    %dma_start3A_162 = arith.constant 0 : i32
    %dma_start3A_163 = tpu.memref_slice %arg6[%dma_start3A_159, %dma_start3A_160, %dma_start3A_161, %dma_start3A_162] : memref<4x8x56x32xf32, #tpu.memory_space<vmem>> -> memref<1x1x56x32xf32, #tpu.memory_space<vmem>>
    %dma_start3A_164 = tpu.memref_squeeze %dma_start3A_163 : memref<1x1x56x32xf32, #tpu.memory_space<vmem>> -> memref<56x32xf32, #tpu.memory_space<vmem>>
    %dma_start3A_165 = arith.constant 0 : i32
    %dma_start3A_166 = tpu.memref_slice %arg5[%dma_start3A_158, %dma_start3A_165] : memref<512x56xi32, #tpu.memory_space<vmem>> -> memref<1x56xi32, #tpu.memory_space<vmem>>
    %dma_start3A_167 = tpu.memref_squeeze %dma_start3A_166 : memref<1x56xi32, #tpu.memory_space<vmem>> -> memref<56xi32, #tpu.memory_space<vmem>>
    %dma_start3A_168 = arith.constant 0 : i32
    %dma_start3A_169 = arith.constant 0 : i32
    %dma_start3A_170 = tpu.memref_slice %arg2[%dma_start3A_168, %dma_start3A_169] : memref<1000000x32xf32, #tpu.memory_space<hbm>> -> memref<1000000x32xf32, #tpu.memory_space<hbm>>
    tpu.enqueue_indirect_dma source(%dma_start3A_170 : memref<1000000x32xf32, #tpu.memory_space<hbm>>) target(%dma_start3A_164 : memref<56x32xf32, #tpu.memory_space<vmem>>) offsets(%dma_start3A_167 : memref<56xi32, #tpu.memory_space<vmem>>) semaphore(%arg8 : memref<!tpu.dma_semaphore, #tpu.memory_space<semaphore_mem>>)
    %dma_start3A_171 = arith.constant 13 : i32
    %dma_start3A_172 = arith.constant 1 : i32
    %dma_start3A_173 = arith.constant 5 : i32
    %dma_start3A_174 = arith.constant 0 : i32
    %dma_start3A_175 = arith.constant 0 : i32
    %dma_start3A_176 = tpu.memref_slice %arg6[%dma_start3A_172, %dma_start3A_173, %dma_start3A_174, %dma_start3A_175] : memref<4x8x56x32xf32, #tpu.memory_space<vmem>> -> memref<1x1x56x32xf32, #tpu.memory_space<vmem>>
    %dma_start3A_177 = tpu.memref_squeeze %dma_start3A_176 : memref<1x1x56x32xf32, #tpu.memory_space<vmem>> -> memref<56x32xf32, #tpu.memory_space<vmem>>
    %dma_start3A_178 = arith.constant 0 : i32
    %dma_start3A_179 = tpu.memref_slice %arg5[%dma_start3A_171, %dma_start3A_178] : memref<512x56xi32, #tpu.memory_space<vmem>> -> memref<1x56xi32, #tpu.memory_space<vmem>>
    %dma_start3A_180 = tpu.memref_squeeze %dma_start3A_179 : memref<1x56xi32, #tpu.memory_space<vmem>> -> memref<56xi32, #tpu.memory_space<vmem>>
    %dma_start3A_181 = arith.constant 0 : i32
    %dma_start3A_182 = arith.constant 0 : i32
    %dma_start3A_183 = tpu.memref_slice %arg2[%dma_start3A_181, %dma_start3A_182] : memref<1000000x32xf32, #tpu.memory_space<hbm>> -> memref<1000000x32xf32, #tpu.memory_space<hbm>>
    tpu.enqueue_indirect_dma source(%dma_start3A_183 : memref<1000000x32xf32, #tpu.memory_space<hbm>>) target(%dma_start3A_177 : memref<56x32xf32, #tpu.memory_space<vmem>>) offsets(%dma_start3A_180 : memref<56xi32, #tpu.memory_space<vmem>>) semaphore(%arg8 : memref<!tpu.dma_semaphore, #tpu.memory_space<semaphore_mem>>)
    %dma_start3A_184 = arith.constant 14 : i32
    %dma_start3A_185 = arith.constant 1 : i32
    %dma_start3A_186 = arith.constant 6 : i32
    %dma_start3A_187 = arith.constant 0 : i32
    %dma_start3A_188 = arith.constant 0 : i32
    %dma_start3A_189 = tpu.memref_slice %arg6[%dma_start3A_185, %dma_start3A_186, %dma_start3A_187, %dma_start3A_188] : memref<4x8x56x32xf32, #tpu.memory_space<vmem>> -> memref<1x1x56x32xf32, #tpu.memory_space<vmem>>
    %dma_start3A_190 = tpu.memref_squeeze %dma_start3A_189 : memref<1x1x56x32xf32, #tpu.memory_space<vmem>> -> memref<56x32xf32, #tpu.memory_space<vmem>>
    %dma_start3A_191 = arith.constant 0 : i32
    %dma_start3A_192 = tpu.memref_slice %arg5[%dma_start3A_184, %dma_start3A_191] : memref<512x56xi32, #tpu.memory_space<vmem>> -> memref<1x56xi32, #tpu.memory_space<vmem>>
    %dma_start3A_193 = tpu.memref_squeeze %dma_start3A_192 : memref<1x56xi32, #tpu.memory_space<vmem>> -> memref<56xi32, #tpu.memory_space<vmem>>
    %dma_start3A_194 = arith.constant 0 : i32
    %dma_start3A_195 = arith.constant 0 : i32
    %dma_start3A_196 = tpu.memref_slice %arg2[%dma_start3A_194, %dma_start3A_195] : memref<1000000x32xf32, #tpu.memory_space<hbm>> -> memref<1000000x32xf32, #tpu.memory_space<hbm>>
    tpu.enqueue_indirect_dma source(%dma_start3A_196 : memref<1000000x32xf32, #tpu.memory_space<hbm>>) target(%dma_start3A_190 : memref<56x32xf32, #tpu.memory_space<vmem>>) offsets(%dma_start3A_193 : memref<56xi32, #tpu.memory_space<vmem>>) semaphore(%arg8 : memref<!tpu.dma_semaphore, #tpu.memory_space<semaphore_mem>>)
    %dma_start3A_197 = arith.constant 15 : i32
    %dma_start3A_198 = arith.constant 1 : i32
    %dma_start3A_199 = arith.constant 7 : i32
    %dma_start3A_200 = arith.constant 0 : i32
    %dma_start3A_201 = arith.constant 0 : i32
    %dma_start3A_202 = tpu.memref_slice %arg6[%dma_start3A_198, %dma_start3A_199, %dma_start3A_200, %dma_start3A_201] : memref<4x8x56x32xf32, #tpu.memory_space<vmem>> -> memref<1x1x56x32xf32, #tpu.memory_space<vmem>>
    %dma_start3A_203 = tpu.memref_squeeze %dma_start3A_202 : memref<1x1x56x32xf32, #tpu.memory_space<vmem>> -> memref<56x32xf32, #tpu.memory_space<vmem>>
    %dma_start3A_204 = arith.constant 0 : i32
    %dma_start3A_205 = tpu.memref_slice %arg5[%dma_start3A_197, %dma_start3A_204] : memref<512x56xi32, #tpu.memory_space<vmem>> -> memref<1x56xi32, #tpu.memory_space<vmem>>
    %dma_start3A_206 = tpu.memref_squeeze %dma_start3A_205 : memref<1x56xi32, #tpu.memory_space<vmem>> -> memref<56xi32, #tpu.memory_space<vmem>>
    %dma_start3A_207 = arith.constant 0 : i32
    %dma_start3A_208 = arith.constant 0 : i32
    %dma_start3A_209 = tpu.memref_slice %arg2[%dma_start3A_207, %dma_start3A_208] : memref<1000000x32xf32, #tpu.memory_space<hbm>> -> memref<1000000x32xf32, #tpu.memory_space<hbm>>
    tpu.enqueue_indirect_dma source(%dma_start3A_209 : memref<1000000x32xf32, #tpu.memory_space<hbm>>) target(%dma_start3A_203 : memref<56x32xf32, #tpu.memory_space<vmem>>) offsets(%dma_start3A_206 : memref<56xi32, #tpu.memory_space<vmem>>) semaphore(%arg8 : memref<!tpu.dma_semaphore, #tpu.memory_space<semaphore_mem>>)
    %dma_start3A_210 = arith.constant 16 : i32
    %dma_start3A_211 = arith.constant 2 : i32
    %dma_start3A_212 = arith.constant 0 : i32
    %dma_start3A_213 = arith.constant 0 : i32
    %dma_start3A_214 = arith.constant 0 : i32
    %dma_start3A_215 = tpu.memref_slice %arg6[%dma_start3A_211, %dma_start3A_212, %dma_start3A_213, %dma_start3A_214] : memref<4x8x56x32xf32, #tpu.memory_space<vmem>> -> memref<1x1x56x32xf32, #tpu.memory_space<vmem>>
    %dma_start3A_216 = tpu.memref_squeeze %dma_start3A_215 : memref<1x1x56x32xf32, #tpu.memory_space<vmem>> -> memref<56x32xf32, #tpu.memory_space<vmem>>
    %dma_start3A_217 = arith.constant 0 : i32
    %dma_start3A_218 = tpu.memref_slice %arg5[%dma_start3A_210, %dma_start3A_217] : memref<512x56xi32, #tpu.memory_space<vmem>> -> memref<1x56xi32, #tpu.memory_space<vmem>>
    %dma_start3A_219 = tpu.memref_squeeze %dma_start3A_218 : memref<1x56xi32, #tpu.memory_space<vmem>> -> memref<56xi32, #tpu.memory_space<vmem>>
    %dma_start3A_220 = arith.constant 0 : i32
    %dma_start3A_221 = arith.constant 0 : i32
    %dma_start3A_222 = tpu.memref_slice %arg2[%dma_start3A_220, %dma_start3A_221] : memref<1000000x32xf32, #tpu.memory_space<hbm>> -> memref<1000000x32xf32, #tpu.memory_space<hbm>>
    tpu.enqueue_indirect_dma source(%dma_start3A_222 : memref<1000000x32xf32, #tpu.memory_space<hbm>>) target(%dma_start3A_216 : memref<56x32xf32, #tpu.memory_space<vmem>>) offsets(%dma_start3A_219 : memref<56xi32, #tpu.memory_space<vmem>>) semaphore(%arg9 : memref<!tpu.dma_semaphore, #tpu.memory_space<semaphore_mem>>)
    %dma_start3A_223 = arith.constant 17 : i32
    %dma_start3A_224 = arith.constant 2 : i32
    %dma_start3A_225 = arith.constant 1 : i32
    %dma_start3A_226 = arith.constant 0 : i32
    %dma_start3A_227 = arith.constant 0 : i32
    %dma_start3A_228 = tpu.memref_slice %arg6[%dma_start3A_224, %dma_start3A_225, %dma_start3A_226, %dma_start3A_227] : memref<4x8x56x32xf32, #tpu.memory_space<vmem>> -> memref<1x1x56x32xf32, #tpu.memory_space<vmem>>
    %dma_start3A_229 = tpu.memref_squeeze %dma_start3A_228 : memref<1x1x56x32xf32, #tpu.memory_space<vmem>> -> memref<56x32xf32, #tpu.memory_space<vmem>>
    %dma_start3A_230 = arith.constant 0 : i32
    %dma_start3A_231 = tpu.memref_slice %arg5[%dma_start3A_223, %dma_start3A_230] : memref<512x56xi32, #tpu.memory_space<vmem>> -> memref<1x56xi32, #tpu.memory_space<vmem>>
    %dma_start3A_232 = tpu.memref_squeeze %dma_start3A_231 : memref<1x56xi32, #tpu.memory_space<vmem>> -> memref<56xi32, #tpu.memory_space<vmem>>
    %dma_start3A_233 = arith.constant 0 : i32
    %dma_start3A_234 = arith.constant 0 : i32
    %dma_start3A_235 = tpu.memref_slice %arg2[%dma_start3A_233, %dma_start3A_234] : memref<1000000x32xf32, #tpu.memory_space<hbm>> -> memref<1000000x32xf32, #tpu.memory_space<hbm>>
    tpu.enqueue_indirect_dma source(%dma_start3A_235 : memref<1000000x32xf32, #tpu.memory_space<hbm>>) target(%dma_start3A_229 : memref<56x32xf32, #tpu.memory_space<vmem>>) offsets(%dma_start3A_232 : memref<56xi32, #tpu.memory_space<vmem>>) semaphore(%arg9 : memref<!tpu.dma_semaphore, #tpu.memory_space<semaphore_mem>>)
    %dma_start3A_236 = arith.constant 18 : i32
    %dma_start3A_237 = arith.constant 2 : i32
    %dma_start3A_238 = arith.constant 2 : i32
    %dma_start3A_239 = arith.constant 0 : i32
    %dma_start3A_240 = arith.constant 0 : i32
    %dma_start3A_241 = tpu.memref_slice %arg6[%dma_start3A_237, %dma_start3A_238, %dma_start3A_239, %dma_start3A_240] : memref<4x8x56x32xf32, #tpu.memory_space<vmem>> -> memref<1x1x56x32xf32, #tpu.memory_space<vmem>>
    %dma_start3A_242 = tpu.memref_squeeze %dma_start3A_241 : memref<1x1x56x32xf32, #tpu.memory_space<vmem>> -> memref<56x32xf32, #tpu.memory_space<vmem>>
    %dma_start3A_243 = arith.constant 0 : i32
    %dma_start3A_244 = tpu.memref_slice %arg5[%dma_start3A_236, %dma_start3A_243] : memref<512x56xi32, #tpu.memory_space<vmem>> -> memref<1x56xi32, #tpu.memory_space<vmem>>
    %dma_start3A_245 = tpu.memref_squeeze %dma_start3A_244 : memref<1x56xi32, #tpu.memory_space<vmem>> -> memref<56xi32, #tpu.memory_space<vmem>>
    %dma_start3A_246 = arith.constant 0 : i32
    %dma_start3A_247 = arith.constant 0 : i32
    %dma_start3A_248 = tpu.memref_slice %arg2[%dma_start3A_246, %dma_start3A_247] : memref<1000000x32xf32, #tpu.memory_space<hbm>> -> memref<1000000x32xf32, #tpu.memory_space<hbm>>
    tpu.enqueue_indirect_dma source(%dma_start3A_248 : memref<1000000x32xf32, #tpu.memory_space<hbm>>) target(%dma_start3A_242 : memref<56x32xf32, #tpu.memory_space<vmem>>) offsets(%dma_start3A_245 : memref<56xi32, #tpu.memory_space<vmem>>) semaphore(%arg9 : memref<!tpu.dma_semaphore, #tpu.memory_space<semaphore_mem>>)
    %dma_start3A_249 = arith.constant 19 : i32
    %dma_start3A_250 = arith.constant 2 : i32
    %dma_start3A_251 = arith.constant 3 : i32
    %dma_start3A_252 = arith.constant 0 : i32
    %dma_start3A_253 = arith.constant 0 : i32
    %dma_start3A_254 = tpu.memref_slice %arg6[%dma_start3A_250, %dma_start3A_251, %dma_start3A_252, %dma_start3A_253] : memref<4x8x56x32xf32, #tpu.memory_space<vmem>> -> memref<1x1x56x32xf32, #tpu.memory_space<vmem>>
    %dma_start3A_255 = tpu.memref_squeeze %dma_start3A_254 : memref<1x1x56x32xf32, #tpu.memory_space<vmem>> -> memref<56x32xf32, #tpu.memory_space<vmem>>
    %dma_start3A_256 = arith.constant 0 : i32
    %dma_start3A_257 = tpu.memref_slice %arg5[%dma_start3A_249, %dma_start3A_256] : memref<512x56xi32, #tpu.memory_space<vmem>> -> memref<1x56xi32, #tpu.memory_space<vmem>>
    %dma_start3A_258 = tpu.memref_squeeze %dma_start3A_257 : memref<1x56xi32, #tpu.memory_space<vmem>> -> memref<56xi32, #tpu.memory_space<vmem>>
    %dma_start3A_259 = arith.constant 0 : i32
    %dma_start3A_260 = arith.constant 0 : i32
    %dma_start3A_261 = tpu.memref_slice %arg2[%dma_start3A_259, %dma_start3A_260] : memref<1000000x32xf32, #tpu.memory_space<hbm>> -> memref<1000000x32xf32, #tpu.memory_space<hbm>>
    tpu.enqueue_indirect_dma source(%dma_start3A_261 : memref<1000000x32xf32, #tpu.memory_space<hbm>>) target(%dma_start3A_255 : memref<56x32xf32, #tpu.memory_space<vmem>>) offsets(%dma_start3A_258 : memref<56xi32, #tpu.memory_space<vmem>>) semaphore(%arg9 : memref<!tpu.dma_semaphore, #tpu.memory_space<semaphore_mem>>)
    %dma_start3A_262 = arith.constant 20 : i32
    %dma_start3A_263 = arith.constant 2 : i32
    %dma_start3A_264 = arith.constant 4 : i32
    %dma_start3A_265 = arith.constant 0 : i32
    %dma_start3A_266 = arith.constant 0 : i32
    %dma_start3A_267 = tpu.memref_slice %arg6[%dma_start3A_263, %dma_start3A_264, %dma_start3A_265, %dma_start3A_266] : memref<4x8x56x32xf32, #tpu.memory_space<vmem>> -> memref<1x1x56x32xf32, #tpu.memory_space<vmem>>
    %dma_start3A_268 = tpu.memref_squeeze %dma_start3A_267 : memref<1x1x56x32xf32, #tpu.memory_space<vmem>> -> memref<56x32xf32, #tpu.memory_space<vmem>>
    %dma_start3A_269 = arith.constant 0 : i32
    %dma_start3A_270 = tpu.memref_slice %arg5[%dma_start3A_262, %dma_start3A_269] : memref<512x56xi32, #tpu.memory_space<vmem>> -> memref<1x56xi32, #tpu.memory_space<vmem>>
    %dma_start3A_271 = tpu.memref_squeeze %dma_start3A_270 : memref<1x56xi32, #tpu.memory_space<vmem>> -> memref<56xi32, #tpu.memory_space<vmem>>
    %dma_start3A_272 = arith.constant 0 : i32
    %dma_start3A_273 = arith.constant 0 : i32
    %dma_start3A_274 = tpu.memref_slice %arg2[%dma_start3A_272, %dma_start3A_273] : memref<1000000x32xf32, #tpu.memory_space<hbm>> -> memref<1000000x32xf32, #tpu.memory_space<hbm>>
    tpu.enqueue_indirect_dma source(%dma_start3A_274 : memref<1000000x32xf32, #tpu.memory_space<hbm>>) target(%dma_start3A_268 : memref<56x32xf32, #tpu.memory_space<vmem>>) offsets(%dma_start3A_271 : memref<56xi32, #tpu.memory_space<vmem>>) semaphore(%arg9 : memref<!tpu.dma_semaphore, #tpu.memory_space<semaphore_mem>>)
    %dma_start3A_275 = arith.constant 21 : i32
    %dma_start3A_276 = arith.constant 2 : i32
    %dma_start3A_277 = arith.constant 5 : i32
    %dma_start3A_278 = arith.constant 0 : i32
    %dma_start3A_279 = arith.constant 0 : i32
    %dma_start3A_280 = tpu.memref_slice %arg6[%dma_start3A_276, %dma_start3A_277, %dma_start3A_278, %dma_start3A_279] : memref<4x8x56x32xf32, #tpu.memory_space<vmem>> -> memref<1x1x56x32xf32, #tpu.memory_space<vmem>>
    %dma_start3A_281 = tpu.memref_squeeze %dma_start3A_280 : memref<1x1x56x32xf32, #tpu.memory_space<vmem>> -> memref<56x32xf32, #tpu.memory_space<vmem>>
    %dma_start3A_282 = arith.constant 0 : i32
    %dma_start3A_283 = tpu.memref_slice %arg5[%dma_start3A_275, %dma_start3A_282] : memref<512x56xi32, #tpu.memory_space<vmem>> -> memref<1x56xi32, #tpu.memory_space<vmem>>
    %dma_start3A_284 = tpu.memref_squeeze %dma_start3A_283 : memref<1x56xi32, #tpu.memory_space<vmem>> -> memref<56xi32, #tpu.memory_space<vmem>>
    %dma_start3A_285 = arith.constant 0 : i32
    %dma_start3A_286 = arith.constant 0 : i32
    %dma_start3A_287 = tpu.memref_slice %arg2[%dma_start3A_285, %dma_start3A_286] : memref<1000000x32xf32, #tpu.memory_space<hbm>> -> memref<1000000x32xf32, #tpu.memory_space<hbm>>
    tpu.enqueue_indirect_dma source(%dma_start3A_287 : memref<1000000x32xf32, #tpu.memory_space<hbm>>) target(%dma_start3A_281 : memref<56x32xf32, #tpu.memory_space<vmem>>) offsets(%dma_start3A_284 : memref<56xi32, #tpu.memory_space<vmem>>) semaphore(%arg9 : memref<!tpu.dma_semaphore, #tpu.memory_space<semaphore_mem>>)
    %dma_start3A_288 = arith.constant 22 : i32
    %dma_start3A_289 = arith.constant 2 : i32
    %dma_start3A_290 = arith.constant 6 : i32
    %dma_start3A_291 = arith.constant 0 : i32
    %dma_start3A_292 = arith.constant 0 : i32
    %dma_start3A_293 = tpu.memref_slice %arg6[%dma_start3A_289, %dma_start3A_290, %dma_start3A_291, %dma_start3A_292] : memref<4x8x56x32xf32, #tpu.memory_space<vmem>> -> memref<1x1x56x32xf32, #tpu.memory_space<vmem>>
    %dma_start3A_294 = tpu.memref_squeeze %dma_start3A_293 : memref<1x1x56x32xf32, #tpu.memory_space<vmem>> -> memref<56x32xf32, #tpu.memory_space<vmem>>
    %dma_start3A_295 = arith.constant 0 : i32
    %dma_start3A_296 = tpu.memref_slice %arg5[%dma_start3A_288, %dma_start3A_295] : memref<512x56xi32, #tpu.memory_space<vmem>> -> memref<1x56xi32, #tpu.memory_space<vmem>>
    %dma_start3A_297 = tpu.memref_squeeze %dma_start3A_296 : memref<1x56xi32, #tpu.memory_space<vmem>> -> memref<56xi32, #tpu.memory_space<vmem>>
    %dma_start3A_298 = arith.constant 0 : i32
    %dma_start3A_299 = arith.constant 0 : i32
    %dma_start3A_300 = tpu.memref_slice %arg2[%dma_start3A_298, %dma_start3A_299] : memref<1000000x32xf32, #tpu.memory_space<hbm>> -> memref<1000000x32xf32, #tpu.memory_space<hbm>>
    tpu.enqueue_indirect_dma source(%dma_start3A_300 : memref<1000000x32xf32, #tpu.memory_space<hbm>>) target(%dma_start3A_294 : memref<56x32xf32, #tpu.memory_space<vmem>>) offsets(%dma_start3A_297 : memref<56xi32, #tpu.memory_space<vmem>>) semaphore(%arg9 : memref<!tpu.dma_semaphore, #tpu.memory_space<semaphore_mem>>)
    %dma_start3A_301 = arith.constant 23 : i32
    %dma_start3A_302 = arith.constant 2 : i32
    %dma_start3A_303 = arith.constant 7 : i32
    %dma_start3A_304 = arith.constant 0 : i32
    %dma_start3A_305 = arith.constant 0 : i32
    %dma_start3A_306 = tpu.memref_slice %arg6[%dma_start3A_302, %dma_start3A_303, %dma_start3A_304, %dma_start3A_305] : memref<4x8x56x32xf32, #tpu.memory_space<vmem>> -> memref<1x1x56x32xf32, #tpu.memory_space<vmem>>
    %dma_start3A_307 = tpu.memref_squeeze %dma_start3A_306 : memref<1x1x56x32xf32, #tpu.memory_space<vmem>> -> memref<56x32xf32, #tpu.memory_space<vmem>>
    %dma_start3A_308 = arith.constant 0 : i32
    %dma_start3A_309 = tpu.memref_slice %arg5[%dma_start3A_301, %dma_start3A_308] : memref<512x56xi32, #tpu.memory_space<vmem>> -> memref<1x56xi32, #tpu.memory_space<vmem>>
    %dma_start3A_310 = tpu.memref_squeeze %dma_start3A_309 : memref<1x56xi32, #tpu.memory_space<vmem>> -> memref<56xi32, #tpu.memory_space<vmem>>
    %dma_start3A_311 = arith.constant 0 : i32
    %dma_start3A_312 = arith.constant 0 : i32
    %dma_start3A_313 = tpu.memref_slice %arg2[%dma_start3A_311, %dma_start3A_312] : memref<1000000x32xf32, #tpu.memory_space<hbm>> -> memref<1000000x32xf32, #tpu.memory_space<hbm>>
    tpu.enqueue_indirect_dma source(%dma_start3A_313 : memref<1000000x32xf32, #tpu.memory_space<hbm>>) target(%dma_start3A_307 : memref<56x32xf32, #tpu.memory_space<vmem>>) offsets(%dma_start3A_310 : memref<56xi32, #tpu.memory_space<vmem>>) semaphore(%arg9 : memref<!tpu.dma_semaphore, #tpu.memory_space<semaphore_mem>>)
    %scan3A = arith.constant 0 : i32
    %scan3A_314 = arith.constant 0 : i32
    %scan3A_315 = arith.constant 16 : i32
    %scan3A_316 = arith.addi %scan3A_314, %scan3A_315 : i32
    %scan3A_317 = arith.constant 1 : i32
    scf.for %scan3A_494 = %scan3A_314 to %scan3A_316 step %scan3A_317  : i32 {
      %mul3A_495 = arith.constant 4 : i32
      %mul3A_496 = arith.muli %scan3A_494, %mul3A_495 : i32
      %add3A_497 = arith.constant 0 : i32
      %add3A_498 = arith.addi %mul3A_496, %add3A_497 : i32
      %mul3A_499 = arith.constant 8 : i32
      %mul3A_500 = arith.muli %add3A_498, %mul3A_499 : i32
      %add3A_501 = arith.constant 0 : i32
      %add3A_502 = arith.addi %mul3A_500, %add3A_501 : i32
      %dma_wait3A_503 = arith.constant 0 : i32
      %dma_wait3A_504 = arith.constant 0 : i32
      %dma_wait3A_505 = arith.constant 0 : i32
      %dma_wait3A_506 = arith.constant 0 : i32
      %dma_wait3A_507 = tpu.memref_slice %arg6[%dma_wait3A_503, %dma_wait3A_504, %dma_wait3A_505, %dma_wait3A_506] : memref<4x8x56x32xf32, #tpu.memory_space<vmem>> -> memref<1x1x56x32xf32, #tpu.memory_space<vmem>>
      %dma_wait3A_508 = tpu.memref_squeeze %dma_wait3A_507 : memref<1x1x56x32xf32, #tpu.memory_space<vmem>> -> memref<56x32xf32, #tpu.memory_space<vmem>>
      %dma_wait3A_509 = arith.constant 0 : i32
      %dma_wait3A_510 = tpu.memref_slice %arg5[%add3A_502, %dma_wait3A_509] : memref<512x56xi32, #tpu.memory_space<vmem>> -> memref<1x56xi32, #tpu.memory_space<vmem>>
      %dma_wait3A_511 = tpu.memref_squeeze %dma_wait3A_510 : memref<1x56xi32, #tpu.memory_space<vmem>> -> memref<56xi32, #tpu.memory_space<vmem>>
      %dma_wait3A_512 = arith.constant 0 : i32
      %dma_wait3A_513 = arith.constant 0 : i32
      %dma_wait3A_514 = tpu.memref_slice %arg2[%dma_wait3A_512, %dma_wait3A_513] : memref<1000000x32xf32, #tpu.memory_space<hbm>> -> memref<1000000x32xf32, #tpu.memory_space<hbm>>
      tpu.wait_indirect_dma semaphore(%arg7 : memref<!tpu.dma_semaphore, #tpu.memory_space<semaphore_mem>>) src(%dma_wait3A_514 : memref<1000000x32xf32, #tpu.memory_space<hbm>>) dst(%dma_wait3A_508 : memref<56x32xf32, #tpu.memory_space<vmem>>)
      %mul3A_515 = arith.constant 8 : i32
      %mul3A_516 = arith.muli %add3A_498, %mul3A_515 : i32
      %add3A_517 = arith.constant 1 : i32
      %add3A_518 = arith.addi %mul3A_516, %add3A_517 : i32
      %dma_wait3A_519 = arith.constant 0 : i32
      %dma_wait3A_520 = arith.constant 1 : i32
      %dma_wait3A_521 = arith.constant 0 : i32
      %dma_wait3A_522 = arith.constant 0 : i32
      %dma_wait3A_523 = tpu.memref_slice %arg6[%dma_wait3A_519, %dma_wait3A_520, %dma_wait3A_521, %dma_wait3A_522] : memref<4x8x56x32xf32, #tpu.memory_space<vmem>> -> memref<1x1x56x32xf32, #tpu.memory_space<vmem>>
      %dma_wait3A_524 = tpu.memref_squeeze %dma_wait3A_523 : memref<1x1x56x32xf32, #tpu.memory_space<vmem>> -> memref<56x32xf32, #tpu.memory_space<vmem>>
      %dma_wait3A_525 = arith.constant 0 : i32
      %dma_wait3A_526 = tpu.memref_slice %arg5[%add3A_518, %dma_wait3A_525] : memref<512x56xi32, #tpu.memory_space<vmem>> -> memref<1x56xi32, #tpu.memory_space<vmem>>
      %dma_wait3A_527 = tpu.memref_squeeze %dma_wait3A_526 : memref<1x56xi32, #tpu.memory_space<vmem>> -> memref<56xi32, #tpu.memory_space<vmem>>
      %dma_wait3A_528 = arith.constant 0 : i32
      %dma_wait3A_529 = arith.constant 0 : i32
      %dma_wait3A_530 = tpu.memref_slice %arg2[%dma_wait3A_528, %dma_wait3A_529] : memref<1000000x32xf32, #tpu.memory_space<hbm>> -> memref<1000000x32xf32, #tpu.memory_space<hbm>>
      tpu.wait_indirect_dma semaphore(%arg7 : memref<!tpu.dma_semaphore, #tpu.memory_space<semaphore_mem>>) src(%dma_wait3A_530 : memref<1000000x32xf32, #tpu.memory_space<hbm>>) dst(%dma_wait3A_524 : memref<56x32xf32, #tpu.memory_space<vmem>>)
      %mul3A_531 = arith.constant 8 : i32
      %mul3A_532 = arith.muli %add3A_498, %mul3A_531 : i32
      %add3A_533 = arith.constant 2 : i32
      %add3A_534 = arith.addi %mul3A_532, %add3A_533 : i32
      %dma_wait3A_535 = arith.constant 0 : i32
      %dma_wait3A_536 = arith.constant 2 : i32
      %dma_wait3A_537 = arith.constant 0 : i32
      %dma_wait3A_538 = arith.constant 0 : i32
      %dma_wait3A_539 = tpu.memref_slice %arg6[%dma_wait3A_535, %dma_wait3A_536, %dma_wait3A_537, %dma_wait3A_538] : memref<4x8x56x32xf32, #tpu.memory_space<vmem>> -> memref<1x1x56x32xf32, #tpu.memory_space<vmem>>
      %dma_wait3A_540 = tpu.memref_squeeze %dma_wait3A_539 : memref<1x1x56x32xf32, #tpu.memory_space<vmem>> -> memref<56x32xf32, #tpu.memory_space<vmem>>
      %dma_wait3A_541 = arith.constant 0 : i32
      %dma_wait3A_542 = tpu.memref_slice %arg5[%add3A_534, %dma_wait3A_541] : memref<512x56xi32, #tpu.memory_space<vmem>> -> memref<1x56xi32, #tpu.memory_space<vmem>>
      %dma_wait3A_543 = tpu.memref_squeeze %dma_wait3A_542 : memref<1x56xi32, #tpu.memory_space<vmem>> -> memref<56xi32, #tpu.memory_space<vmem>>
      %dma_wait3A_544 = arith.constant 0 : i32
      %dma_wait3A_545 = arith.constant 0 : i32
      %dma_wait3A_546 = tpu.memref_slice %arg2[%dma_wait3A_544, %dma_wait3A_545] : memref<1000000x32xf32, #tpu.memory_space<hbm>> -> memref<1000000x32xf32, #tpu.memory_space<hbm>>
      tpu.wait_indirect_dma semaphore(%arg7 : memref<!tpu.dma_semaphore, #tpu.memory_space<semaphore_mem>>) src(%dma_wait3A_546 : memref<1000000x32xf32, #tpu.memory_space<hbm>>) dst(%dma_wait3A_540 : memref<56x32xf32, #tpu.memory_space<vmem>>)
      %mul3A_547 = arith.constant 8 : i32
      %mul3A_548 = arith.muli %add3A_498, %mul3A_547 : i32
      %add3A_549 = arith.constant 3 : i32
      %add3A_550 = arith.addi %mul3A_548, %add3A_549 : i32
      %dma_wait3A_551 = arith.constant 0 : i32
      %dma_wait3A_552 = arith.constant 3 : i32
      %dma_wait3A_553 = arith.constant 0 : i32
      %dma_wait3A_554 = arith.constant 0 : i32
      %dma_wait3A_555 = tpu.memref_slice %arg6[%dma_wait3A_551, %dma_wait3A_552, %dma_wait3A_553, %dma_wait3A_554] : memref<4x8x56x32xf32, #tpu.memory_space<vmem>> -> memref<1x1x56x32xf32, #tpu.memory_space<vmem>>
      %dma_wait3A_556 = tpu.memref_squeeze %dma_wait3A_555 : memref<1x1x56x32xf32, #tpu.memory_space<vmem>> -> memref<56x32xf32, #tpu.memory_space<vmem>>
      %dma_wait3A_557 = arith.constant 0 : i32
      %dma_wait3A_558 = tpu.memref_slice %arg5[%add3A_550, %dma_wait3A_557] : memref<512x56xi32, #tpu.memory_space<vmem>> -> memref<1x56xi32, #tpu.memory_space<vmem>>
      %dma_wait3A_559 = tpu.memref_squeeze %dma_wait3A_558 : memref<1x56xi32, #tpu.memory_space<vmem>> -> memref<56xi32, #tpu.memory_space<vmem>>
      %dma_wait3A_560 = arith.constant 0 : i32
      %dma_wait3A_561 = arith.constant 0 : i32
      %dma_wait3A_562 = tpu.memref_slice %arg2[%dma_wait3A_560, %dma_wait3A_561] : memref<1000000x32xf32, #tpu.memory_space<hbm>> -> memref<1000000x32xf32, #tpu.memory_space<hbm>>
      tpu.wait_indirect_dma semaphore(%arg7 : memref<!tpu.dma_semaphore, #tpu.memory_space<semaphore_mem>>) src(%dma_wait3A_562 : memref<1000000x32xf32, #tpu.memory_space<hbm>>) dst(%dma_wait3A_556 : memref<56x32xf32, #tpu.memory_space<vmem>>)
      %mul3A_563 = arith.constant 8 : i32
      %mul3A_564 = arith.muli %add3A_498, %mul3A_563 : i32
      %add3A_565 = arith.constant 4 : i32
      %add3A_566 = arith.addi %mul3A_564, %add3A_565 : i32
      %dma_wait3A_567 = arith.constant 0 : i32
      %dma_wait3A_568 = arith.constant 4 : i32
      %dma_wait3A_569 = arith.constant 0 : i32
      %dma_wait3A_570 = arith.constant 0 : i32
      %dma_wait3A_571 = tpu.memref_slice %arg6[%dma_wait3A_567, %dma_wait3A_568, %dma_wait3A_569, %dma_wait3A_570] : memref<4x8x56x32xf32, #tpu.memory_space<vmem>> -> memref<1x1x56x32xf32, #tpu.memory_space<vmem>>
      %dma_wait3A_572 = tpu.memref_squeeze %dma_wait3A_571 : memref<1x1x56x32xf32, #tpu.memory_space<vmem>> -> memref<56x32xf32, #tpu.memory_space<vmem>>
      %dma_wait3A_573 = arith.constant 0 : i32
      %dma_wait3A_574 = tpu.memref_slice %arg5[%add3A_566, %dma_wait3A_573] : memref<512x56xi32, #tpu.memory_space<vmem>> -> memref<1x56xi32, #tpu.memory_space<vmem>>
      %dma_wait3A_575 = tpu.memref_squeeze %dma_wait3A_574 : memref<1x56xi32, #tpu.memory_space<vmem>> -> memref<56xi32, #tpu.memory_space<vmem>>
      %dma_wait3A_576 = arith.constant 0 : i32
      %dma_wait3A_577 = arith.constant 0 : i32
      %dma_wait3A_578 = tpu.memref_slice %arg2[%dma_wait3A_576, %dma_wait3A_577] : memref<1000000x32xf32, #tpu.memory_space<hbm>> -> memref<1000000x32xf32, #tpu.memory_space<hbm>>
      tpu.wait_indirect_dma semaphore(%arg7 : memref<!tpu.dma_semaphore, #tpu.memory_space<semaphore_mem>>) src(%dma_wait3A_578 : memref<1000000x32xf32, #tpu.memory_space<hbm>>) dst(%dma_wait3A_572 : memref<56x32xf32, #tpu.memory_space<vmem>>)
      %mul3A_579 = arith.constant 8 : i32
      %mul3A_580 = arith.muli %add3A_498, %mul3A_579 : i32
      %add3A_581 = arith.constant 5 : i32
      %add3A_582 = arith.addi %mul3A_580, %add3A_581 : i32
      %dma_wait3A_583 = arith.constant 0 : i32
      %dma_wait3A_584 = arith.constant 5 : i32
      %dma_wait3A_585 = arith.constant 0 : i32
      %dma_wait3A_586 = arith.constant 0 : i32
      %dma_wait3A_587 = tpu.memref_slice %arg6[%dma_wait3A_583, %dma_wait3A_584, %dma_wait3A_585, %dma_wait3A_586] : memref<4x8x56x32xf32, #tpu.memory_space<vmem>> -> memref<1x1x56x32xf32, #tpu.memory_space<vmem>>
      %dma_wait3A_588 = tpu.memref_squeeze %dma_wait3A_587 : memref<1x1x56x32xf32, #tpu.memory_space<vmem>> -> memref<56x32xf32, #tpu.memory_space<vmem>>
      %dma_wait3A_589 = arith.constant 0 : i32
      %dma_wait3A_590 = tpu.memref_slice %arg5[%add3A_582, %dma_wait3A_589] : memref<512x56xi32, #tpu.memory_space<vmem>> -> memref<1x56xi32, #tpu.memory_space<vmem>>
      %dma_wait3A_591 = tpu.memref_squeeze %dma_wait3A_590 : memref<1x56xi32, #tpu.memory_space<vmem>> -> memref<56xi32, #tpu.memory_space<vmem>>
      %dma_wait3A_592 = arith.constant 0 : i32
      %dma_wait3A_593 = arith.constant 0 : i32
      %dma_wait3A_594 = tpu.memref_slice %arg2[%dma_wait3A_592, %dma_wait3A_593] : memref<1000000x32xf32, #tpu.memory_space<hbm>> -> memref<1000000x32xf32, #tpu.memory_space<hbm>>
      tpu.wait_indirect_dma semaphore(%arg7 : memref<!tpu.dma_semaphore, #tpu.memory_space<semaphore_mem>>) src(%dma_wait3A_594 : memref<1000000x32xf32, #tpu.memory_space<hbm>>) dst(%dma_wait3A_588 : memref<56x32xf32, #tpu.memory_space<vmem>>)
      %mul3A_595 = arith.constant 8 : i32
      %mul3A_596 = arith.muli %add3A_498, %mul3A_595 : i32
      %add3A_597 = arith.constant 6 : i32
      %add3A_598 = arith.addi %mul3A_596, %add3A_597 : i32
      %dma_wait3A_599 = arith.constant 0 : i32
      %dma_wait3A_600 = arith.constant 6 : i32
      %dma_wait3A_601 = arith.constant 0 : i32
      %dma_wait3A_602 = arith.constant 0 : i32
      %dma_wait3A_603 = tpu.memref_slice %arg6[%dma_wait3A_599, %dma_wait3A_600, %dma_wait3A_601, %dma_wait3A_602] : memref<4x8x56x32xf32, #tpu.memory_space<vmem>> -> memref<1x1x56x32xf32, #tpu.memory_space<vmem>>
      %dma_wait3A_604 = tpu.memref_squeeze %dma_wait3A_603 : memref<1x1x56x32xf32, #tpu.memory_space<vmem>> -> memref<56x32xf32, #tpu.memory_space<vmem>>
      %dma_wait3A_605 = arith.constant 0 : i32
      %dma_wait3A_606 = tpu.memref_slice %arg5[%add3A_598, %dma_wait3A_605] : memref<512x56xi32, #tpu.memory_space<vmem>> -> memref<1x56xi32, #tpu.memory_space<vmem>>
      %dma_wait3A_607 = tpu.memref_squeeze %dma_wait3A_606 : memref<1x56xi32, #tpu.memory_space<vmem>> -> memref<56xi32, #tpu.memory_space<vmem>>
      %dma_wait3A_608 = arith.constant 0 : i32
      %dma_wait3A_609 = arith.constant 0 : i32
      %dma_wait3A_610 = tpu.memref_slice %arg2[%dma_wait3A_608, %dma_wait3A_609] : memref<1000000x32xf32, #tpu.memory_space<hbm>> -> memref<1000000x32xf32, #tpu.memory_space<hbm>>
      tpu.wait_indirect_dma semaphore(%arg7 : memref<!tpu.dma_semaphore, #tpu.memory_space<semaphore_mem>>) src(%dma_wait3A_610 : memref<1000000x32xf32, #tpu.memory_space<hbm>>) dst(%dma_wait3A_604 : memref<56x32xf32, #tpu.memory_space<vmem>>)
      %mul3A_611 = arith.constant 8 : i32
      %mul3A_612 = arith.muli %add3A_498, %mul3A_611 : i32
      %add3A_613 = arith.constant 7 : i32
      %add3A_614 = arith.addi %mul3A_612, %add3A_613 : i32
      %dma_wait3A_615 = arith.constant 0 : i32
      %dma_wait3A_616 = arith.constant 7 : i32
      %dma_wait3A_617 = arith.constant 0 : i32
      %dma_wait3A_618 = arith.constant 0 : i32
      %dma_wait3A_619 = tpu.memref_slice %arg6[%dma_wait3A_615, %dma_wait3A_616, %dma_wait3A_617, %dma_wait3A_618] : memref<4x8x56x32xf32, #tpu.memory_space<vmem>> -> memref<1x1x56x32xf32, #tpu.memory_space<vmem>>
      %dma_wait3A_620 = tpu.memref_squeeze %dma_wait3A_619 : memref<1x1x56x32xf32, #tpu.memory_space<vmem>> -> memref<56x32xf32, #tpu.memory_space<vmem>>
      %dma_wait3A_621 = arith.constant 0 : i32
      %dma_wait3A_622 = tpu.memref_slice %arg5[%add3A_614, %dma_wait3A_621] : memref<512x56xi32, #tpu.memory_space<vmem>> -> memref<1x56xi32, #tpu.memory_space<vmem>>
      %dma_wait3A_623 = tpu.memref_squeeze %dma_wait3A_622 : memref<1x56xi32, #tpu.memory_space<vmem>> -> memref<56xi32, #tpu.memory_space<vmem>>
      %dma_wait3A_624 = arith.constant 0 : i32
      %dma_wait3A_625 = arith.constant 0 : i32
      %dma_wait3A_626 = tpu.memref_slice %arg2[%dma_wait3A_624, %dma_wait3A_625] : memref<1000000x32xf32, #tpu.memory_space<hbm>> -> memref<1000000x32xf32, #tpu.memory_space<hbm>>
      tpu.wait_indirect_dma semaphore(%arg7 : memref<!tpu.dma_semaphore, #tpu.memory_space<semaphore_mem>>) src(%dma_wait3A_626 : memref<1000000x32xf32, #tpu.memory_space<hbm>>) dst(%dma_wait3A_620 : memref<56x32xf32, #tpu.memory_space<vmem>>)
      %mul3A_627 = arith.constant 8 : i32
      %mul3A_628 = arith.muli %add3A_498, %mul3A_627 : i32
      %add3A_629 = arith.addi %mul3A_2, %mul3A_628 : i32
      %add3A_630 = arith.constant 0 : i32
      %add3A_631 = arith.addi %add3A_629, %add3A_630 : i32
      %dma_start3A_632 = arith.constant 0 : i32
      %dma_start3A_633 = arith.constant 0 : i32
      %dma_start3A_634 = arith.constant 0 : i32
      %dma_start3A_635 = arith.constant 0 : i32
      %dma_start3A_636 = tpu.memref_slice %arg6[%dma_start3A_632, %dma_start3A_633, %dma_start3A_634, %dma_start3A_635] : memref<4x8x56x32xf32, #tpu.memory_space<vmem>> -> memref<1x1x50x32xf32, #tpu.memory_space<vmem>>
      %dma_start3A_637 = tpu.memref_squeeze %dma_start3A_636 : memref<1x1x50x32xf32, #tpu.memory_space<vmem>> -> memref<50x32xf32, #tpu.memory_space<vmem>>
      %dma_start3A_638 = arith.constant 0 : i32
      %dma_start3A_639 = arith.constant 0 : i32
      %dma_start3A_640 = tpu.memref_slice %arg4[%add3A_631, %dma_start3A_638, %dma_start3A_639] : memref<16384x50x32xf32, #tpu.memory_space<hbm>> -> memref<1x50x32xf32, #tpu.memory_space<hbm>>
      %dma_start3A_641 = tpu.memref_squeeze %dma_start3A_640 : memref<1x50x32xf32, #tpu.memory_space<hbm>> -> memref<50x32xf32, #tpu.memory_space<hbm>>
      %dma_start3A_642 = arith.constant 0 : i32
      %dma_start3A_643 = arith.constant 0 : i32
      %dma_start3A_644 = tpu.memref_slice %arg4[%add3A_631, %dma_start3A_642, %dma_start3A_643] : memref<16384x50x32xf32, #tpu.memory_space<hbm>> -> memref<1x50x32xf32, #tpu.memory_space<hbm>>
      %dma_start3A_645 = tpu.memref_squeeze %dma_start3A_644 : memref<1x50x32xf32, #tpu.memory_space<hbm>> -> memref<50x32xf32, #tpu.memory_space<hbm>>
      %dma_start3A_646 = arith.constant 0 : i32
      %dma_start3A_647 = arith.constant 0 : i32
      %dma_start3A_648 = tpu.memref_slice %arg6[%dma_start3A_632, %dma_start3A_633, %dma_start3A_646, %dma_start3A_647] : memref<4x8x56x32xf32, #tpu.memory_space<vmem>> -> memref<1x1x50x32xf32, #tpu.memory_space<vmem>>
      %dma_start3A_649 = tpu.memref_squeeze %dma_start3A_648 : memref<1x1x50x32xf32, #tpu.memory_space<vmem>> -> memref<50x32xf32, #tpu.memory_space<vmem>>
      tpu.enqueue_dma source(%dma_start3A_649 : memref<50x32xf32, #tpu.memory_space<vmem>>) target(%dma_start3A_645 : memref<50x32xf32, #tpu.memory_space<hbm>>) target_semaphore(%arg11 : memref<!tpu.dma_semaphore, #tpu.memory_space<semaphore_mem>>)
      %mul3A_650 = arith.constant 8 : i32
      %mul3A_651 = arith.muli %add3A_498, %mul3A_650 : i32
      %add3A_652 = arith.addi %mul3A_2, %mul3A_651 : i32
      %add3A_653 = arith.constant 1 : i32
      %add3A_654 = arith.addi %add3A_652, %add3A_653 : i32
      %dma_start3A_655 = arith.constant 0 : i32
      %dma_start3A_656 = arith.constant 1 : i32
      %dma_start3A_657 = arith.constant 0 : i32
      %dma_start3A_658 = arith.constant 0 : i32
      %dma_start3A_659 = tpu.memref_slice %arg6[%dma_start3A_655, %dma_start3A_656, %dma_start3A_657, %dma_start3A_658] : memref<4x8x56x32xf32, #tpu.memory_space<vmem>> -> memref<1x1x50x32xf32, #tpu.memory_space<vmem>>
      %dma_start3A_660 = tpu.memref_squeeze %dma_start3A_659 : memref<1x1x50x32xf32, #tpu.memory_space<vmem>> -> memref<50x32xf32, #tpu.memory_space<vmem>>
      %dma_start3A_661 = arith.constant 0 : i32
      %dma_start3A_662 = arith.constant 0 : i32
      %dma_start3A_663 = tpu.memref_slice %arg4[%add3A_654, %dma_start3A_661, %dma_start3A_662] : memref<16384x50x32xf32, #tpu.memory_space<hbm>> -> memref<1x50x32xf32, #tpu.memory_space<hbm>>
      %dma_start3A_664 = tpu.memref_squeeze %dma_start3A_663 : memref<1x50x32xf32, #tpu.memory_space<hbm>> -> memref<50x32xf32, #tpu.memory_space<hbm>>
      %dma_start3A_665 = arith.constant 0 : i32
      %dma_start3A_666 = arith.constant 0 : i32
      %dma_start3A_667 = tpu.memref_slice %arg4[%add3A_654, %dma_start3A_665, %dma_start3A_666] : memref<16384x50x32xf32, #tpu.memory_space<hbm>> -> memref<1x50x32xf32, #tpu.memory_space<hbm>>
      %dma_start3A_668 = tpu.memref_squeeze %dma_start3A_667 : memref<1x50x32xf32, #tpu.memory_space<hbm>> -> memref<50x32xf32, #tpu.memory_space<hbm>>
      %dma_start3A_669 = arith.constant 0 : i32
      %dma_start3A_670 = arith.constant 0 : i32
      %dma_start3A_671 = tpu.memref_slice %arg6[%dma_start3A_655, %dma_start3A_656, %dma_start3A_669, %dma_start3A_670] : memref<4x8x56x32xf32, #tpu.memory_space<vmem>> -> memref<1x1x50x32xf32, #tpu.memory_space<vmem>>
      %dma_start3A_672 = tpu.memref_squeeze %dma_start3A_671 : memref<1x1x50x32xf32, #tpu.memory_space<vmem>> -> memref<50x32xf32, #tpu.memory_space<vmem>>
      tpu.enqueue_dma source(%dma_start3A_672 : memref<50x32xf32, #tpu.memory_space<vmem>>) target(%dma_start3A_668 : memref<50x32xf32, #tpu.memory_space<hbm>>) target_semaphore(%arg11 : memref<!tpu.dma_semaphore, #tpu.memory_space<semaphore_mem>>)
      %mul3A_673 = arith.constant 8 : i32
      %mul3A_674 = arith.muli %add3A_498, %mul3A_673 : i32
      %add3A_675 = arith.addi %mul3A_2, %mul3A_674 : i32
      %add3A_676 = arith.constant 2 : i32
      %add3A_677 = arith.addi %add3A_675, %add3A_676 : i32
      %dma_start3A_678 = arith.constant 0 : i32
      %dma_start3A_679 = arith.constant 2 : i32
      %dma_start3A_680 = arith.constant 0 : i32
      %dma_start3A_681 = arith.constant 0 : i32
      %dma_start3A_682 = tpu.memref_slice %arg6[%dma_start3A_678, %dma_start3A_679, %dma_start3A_680, %dma_start3A_681] : memref<4x8x56x32xf32, #tpu.memory_space<vmem>> -> memref<1x1x50x32xf32, #tpu.memory_space<vmem>>
      %dma_start3A_683 = tpu.memref_squeeze %dma_start3A_682 : memref<1x1x50x32xf32, #tpu.memory_space<vmem>> -> memref<50x32xf32, #tpu.memory_space<vmem>>
      %dma_start3A_684 = arith.constant 0 : i32
      %dma_start3A_685 = arith.constant 0 : i32
      %dma_start3A_686 = tpu.memref_slice %arg4[%add3A_677, %dma_start3A_684, %dma_start3A_685] : memref<16384x50x32xf32, #tpu.memory_space<hbm>> -> memref<1x50x32xf32, #tpu.memory_space<hbm>>
      %dma_start3A_687 = tpu.memref_squeeze %dma_start3A_686 : memref<1x50x32xf32, #tpu.memory_space<hbm>> -> memref<50x32xf32, #tpu.memory_space<hbm>>
      %dma_start3A_688 = arith.constant 0 : i32
      %dma_start3A_689 = arith.constant 0 : i32
      %dma_start3A_690 = tpu.memref_slice %arg4[%add3A_677, %dma_start3A_688, %dma_start3A_689] : memref<16384x50x32xf32, #tpu.memory_space<hbm>> -> memref<1x50x32xf32, #tpu.memory_space<hbm>>
      %dma_start3A_691 = tpu.memref_squeeze %dma_start3A_690 : memref<1x50x32xf32, #tpu.memory_space<hbm>> -> memref<50x32xf32, #tpu.memory_space<hbm>>
      %dma_start3A_692 = arith.constant 0 : i32
      %dma_start3A_693 = arith.constant 0 : i32
      %dma_start3A_694 = tpu.memref_slice %arg6[%dma_start3A_678, %dma_start3A_679, %dma_start3A_692, %dma_start3A_693] : memref<4x8x56x32xf32, #tpu.memory_space<vmem>> -> memref<1x1x50x32xf32, #tpu.memory_space<vmem>>
      %dma_start3A_695 = tpu.memref_squeeze %dma_start3A_694 : memref<1x1x50x32xf32, #tpu.memory_space<vmem>> -> memref<50x32xf32, #tpu.memory_space<vmem>>
      tpu.enqueue_dma source(%dma_start3A_695 : memref<50x32xf32, #tpu.memory_space<vmem>>) target(%dma_start3A_691 : memref<50x32xf32, #tpu.memory_space<hbm>>) target_semaphore(%arg11 : memref<!tpu.dma_semaphore, #tpu.memory_space<semaphore_mem>>)
      %mul3A_696 = arith.constant 8 : i32
      %mul3A_697 = arith.muli %add3A_498, %mul3A_696 : i32
      %add3A_698 = arith.addi %mul3A_2, %mul3A_697 : i32
      %add3A_699 = arith.constant 3 : i32
      %add3A_700 = arith.addi %add3A_698, %add3A_699 : i32
      %dma_start3A_701 = arith.constant 0 : i32
      %dma_start3A_702 = arith.constant 3 : i32
      %dma_start3A_703 = arith.constant 0 : i32
      %dma_start3A_704 = arith.constant 0 : i32
      %dma_start3A_705 = tpu.memref_slice %arg6[%dma_start3A_701, %dma_start3A_702, %dma_start3A_703, %dma_start3A_704] : memref<4x8x56x32xf32, #tpu.memory_space<vmem>> -> memref<1x1x50x32xf32, #tpu.memory_space<vmem>>
      %dma_start3A_706 = tpu.memref_squeeze %dma_start3A_705 : memref<1x1x50x32xf32, #tpu.memory_space<vmem>> -> memref<50x32xf32, #tpu.memory_space<vmem>>
      %dma_start3A_707 = arith.constant 0 : i32
      %dma_start3A_708 = arith.constant 0 : i32
      %dma_start3A_709 = tpu.memref_slice %arg4[%add3A_700, %dma_start3A_707, %dma_start3A_708] : memref<16384x50x32xf32, #tpu.memory_space<hbm>> -> memref<1x50x32xf32, #tpu.memory_space<hbm>>
      %dma_start3A_710 = tpu.memref_squeeze %dma_start3A_709 : memref<1x50x32xf32, #tpu.memory_space<hbm>> -> memref<50x32xf32, #tpu.memory_space<hbm>>
      %dma_start3A_711 = arith.constant 0 : i32
      %dma_start3A_712 = arith.constant 0 : i32
      %dma_start3A_713 = tpu.memref_slice %arg4[%add3A_700, %dma_start3A_711, %dma_start3A_712] : memref<16384x50x32xf32, #tpu.memory_space<hbm>> -> memref<1x50x32xf32, #tpu.memory_space<hbm>>
      %dma_start3A_714 = tpu.memref_squeeze %dma_start3A_713 : memref<1x50x32xf32, #tpu.memory_space<hbm>> -> memref<50x32xf32, #tpu.memory_space<hbm>>
      %dma_start3A_715 = arith.constant 0 : i32
      %dma_start3A_716 = arith.constant 0 : i32
      %dma_start3A_717 = tpu.memref_slice %arg6[%dma_start3A_701, %dma_start3A_702, %dma_start3A_715, %dma_start3A_716] : memref<4x8x56x32xf32, #tpu.memory_space<vmem>> -> memref<1x1x50x32xf32, #tpu.memory_space<vmem>>
      %dma_start3A_718 = tpu.memref_squeeze %dma_start3A_717 : memref<1x1x50x32xf32, #tpu.memory_space<vmem>> -> memref<50x32xf32, #tpu.memory_space<vmem>>
      tpu.enqueue_dma source(%dma_start3A_718 : memref<50x32xf32, #tpu.memory_space<vmem>>) target(%dma_start3A_714 : memref<50x32xf32, #tpu.memory_space<hbm>>) target_semaphore(%arg11 : memref<!tpu.dma_semaphore, #tpu.memory_space<semaphore_mem>>)
      %mul3A_719 = arith.constant 8 : i32
      %mul3A_720 = arith.muli %add3A_498, %mul3A_719 : i32
      %add3A_721 = arith.addi %mul3A_2, %mul3A_720 : i32
      %add3A_722 = arith.constant 4 : i32
      %add3A_723 = arith.addi %add3A_721, %add3A_722 : i32
      %dma_start3A_724 = arith.constant 0 : i32
      %dma_start3A_725 = arith.constant 4 : i32
      %dma_start3A_726 = arith.constant 0 : i32
      %dma_start3A_727 = arith.constant 0 : i32
      %dma_start3A_728 = tpu.memref_slice %arg6[%dma_start3A_724, %dma_start3A_725, %dma_start3A_726, %dma_start3A_727] : memref<4x8x56x32xf32, #tpu.memory_space<vmem>> -> memref<1x1x50x32xf32, #tpu.memory_space<vmem>>
      %dma_start3A_729 = tpu.memref_squeeze %dma_start3A_728 : memref<1x1x50x32xf32, #tpu.memory_space<vmem>> -> memref<50x32xf32, #tpu.memory_space<vmem>>
      %dma_start3A_730 = arith.constant 0 : i32
      %dma_start3A_731 = arith.constant 0 : i32
      %dma_start3A_732 = tpu.memref_slice %arg4[%add3A_723, %dma_start3A_730, %dma_start3A_731] : memref<16384x50x32xf32, #tpu.memory_space<hbm>> -> memref<1x50x32xf32, #tpu.memory_space<hbm>>
      %dma_start3A_733 = tpu.memref_squeeze %dma_start3A_732 : memref<1x50x32xf32, #tpu.memory_space<hbm>> -> memref<50x32xf32, #tpu.memory_space<hbm>>
      %dma_start3A_734 = arith.constant 0 : i32
      %dma_start3A_735 = arith.constant 0 : i32
      %dma_start3A_736 = tpu.memref_slice %arg4[%add3A_723, %dma_start3A_734, %dma_start3A_735] : memref<16384x50x32xf32, #tpu.memory_space<hbm>> -> memref<1x50x32xf32, #tpu.memory_space<hbm>>
      %dma_start3A_737 = tpu.memref_squeeze %dma_start3A_736 : memref<1x50x32xf32, #tpu.memory_space<hbm>> -> memref<50x32xf32, #tpu.memory_space<hbm>>
      %dma_start3A_738 = arith.constant 0 : i32
      %dma_start3A_739 = arith.constant 0 : i32
      %dma_start3A_740 = tpu.memref_slice %arg6[%dma_start3A_724, %dma_start3A_725, %dma_start3A_738, %dma_start3A_739] : memref<4x8x56x32xf32, #tpu.memory_space<vmem>> -> memref<1x1x50x32xf32, #tpu.memory_space<vmem>>
      %dma_start3A_741 = tpu.memref_squeeze %dma_start3A_740 : memref<1x1x50x32xf32, #tpu.memory_space<vmem>> -> memref<50x32xf32, #tpu.memory_space<vmem>>
      tpu.enqueue_dma source(%dma_start3A_741 : memref<50x32xf32, #tpu.memory_space<vmem>>) target(%dma_start3A_737 : memref<50x32xf32, #tpu.memory_space<hbm>>) target_semaphore(%arg11 : memref<!tpu.dma_semaphore, #tpu.memory_space<semaphore_mem>>)
      %mul3A_742 = arith.constant 8 : i32
      %mul3A_743 = arith.muli %add3A_498, %mul3A_742 : i32
      %add3A_744 = arith.addi %mul3A_2, %mul3A_743 : i32
      %add3A_745 = arith.constant 5 : i32
      %add3A_746 = arith.addi %add3A_744, %add3A_745 : i32
      %dma_start3A_747 = arith.constant 0 : i32
      %dma_start3A_748 = arith.constant 5 : i32
      %dma_start3A_749 = arith.constant 0 : i32
      %dma_start3A_750 = arith.constant 0 : i32
      %dma_start3A_751 = tpu.memref_slice %arg6[%dma_start3A_747, %dma_start3A_748, %dma_start3A_749, %dma_start3A_750] : memref<4x8x56x32xf32, #tpu.memory_space<vmem>> -> memref<1x1x50x32xf32, #tpu.memory_space<vmem>>
      %dma_start3A_752 = tpu.memref_squeeze %dma_start3A_751 : memref<1x1x50x32xf32, #tpu.memory_space<vmem>> -> memref<50x32xf32, #tpu.memory_space<vmem>>
      %dma_start3A_753 = arith.constant 0 : i32
      %dma_start3A_754 = arith.constant 0 : i32
      %dma_start3A_755 = tpu.memref_slice %arg4[%add3A_746, %dma_start3A_753, %dma_start3A_754] : memref<16384x50x32xf32, #tpu.memory_space<hbm>> -> memref<1x50x32xf32, #tpu.memory_space<hbm>>
      %dma_start3A_756 = tpu.memref_squeeze %dma_start3A_755 : memref<1x50x32xf32, #tpu.memory_space<hbm>> -> memref<50x32xf32, #tpu.memory_space<hbm>>
      %dma_start3A_757 = arith.constant 0 : i32
      %dma_start3A_758 = arith.constant 0 : i32
      %dma_start3A_759 = tpu.memref_slice %arg4[%add3A_746, %dma_start3A_757, %dma_start3A_758] : memref<16384x50x32xf32, #tpu.memory_space<hbm>> -> memref<1x50x32xf32, #tpu.memory_space<hbm>>
      %dma_start3A_760 = tpu.memref_squeeze %dma_start3A_759 : memref<1x50x32xf32, #tpu.memory_space<hbm>> -> memref<50x32xf32, #tpu.memory_space<hbm>>
      %dma_start3A_761 = arith.constant 0 : i32
      %dma_start3A_762 = arith.constant 0 : i32
      %dma_start3A_763 = tpu.memref_slice %arg6[%dma_start3A_747, %dma_start3A_748, %dma_start3A_761, %dma_start3A_762] : memref<4x8x56x32xf32, #tpu.memory_space<vmem>> -> memref<1x1x50x32xf32, #tpu.memory_space<vmem>>
      %dma_start3A_764 = tpu.memref_squeeze %dma_start3A_763 : memref<1x1x50x32xf32, #tpu.memory_space<vmem>> -> memref<50x32xf32, #tpu.memory_space<vmem>>
      tpu.enqueue_dma source(%dma_start3A_764 : memref<50x32xf32, #tpu.memory_space<vmem>>) target(%dma_start3A_760 : memref<50x32xf32, #tpu.memory_space<hbm>>) target_semaphore(%arg11 : memref<!tpu.dma_semaphore, #tpu.memory_space<semaphore_mem>>)
      %mul3A_765 = arith.constant 8 : i32
      %mul3A_766 = arith.muli %add3A_498, %mul3A_765 : i32
      %add3A_767 = arith.addi %mul3A_2, %mul3A_766 : i32
      %add3A_768 = arith.constant 6 : i32
      %add3A_769 = arith.addi %add3A_767, %add3A_768 : i32
      %dma_start3A_770 = arith.constant 0 : i32
      %dma_start3A_771 = arith.constant 6 : i32
      %dma_start3A_772 = arith.constant 0 : i32
      %dma_start3A_773 = arith.constant 0 : i32
      %dma_start3A_774 = tpu.memref_slice %arg6[%dma_start3A_770, %dma_start3A_771, %dma_start3A_772, %dma_start3A_773] : memref<4x8x56x32xf32, #tpu.memory_space<vmem>> -> memref<1x1x50x32xf32, #tpu.memory_space<vmem>>
      %dma_start3A_775 = tpu.memref_squeeze %dma_start3A_774 : memref<1x1x50x32xf32, #tpu.memory_space<vmem>> -> memref<50x32xf32, #tpu.memory_space<vmem>>
      %dma_start3A_776 = arith.constant 0 : i32
      %dma_start3A_777 = arith.constant 0 : i32
      %dma_start3A_778 = tpu.memref_slice %arg4[%add3A_769, %dma_start3A_776, %dma_start3A_777] : memref<16384x50x32xf32, #tpu.memory_space<hbm>> -> memref<1x50x32xf32, #tpu.memory_space<hbm>>
      %dma_start3A_779 = tpu.memref_squeeze %dma_start3A_778 : memref<1x50x32xf32, #tpu.memory_space<hbm>> -> memref<50x32xf32, #tpu.memory_space<hbm>>
      %dma_start3A_780 = arith.constant 0 : i32
      %dma_start3A_781 = arith.constant 0 : i32
      %dma_start3A_782 = tpu.memref_slice %arg4[%add3A_769, %dma_start3A_780, %dma_start3A_781] : memref<16384x50x32xf32, #tpu.memory_space<hbm>> -> memref<1x50x32xf32, #tpu.memory_space<hbm>>
      %dma_start3A_783 = tpu.memref_squeeze %dma_start3A_782 : memref<1x50x32xf32, #tpu.memory_space<hbm>> -> memref<50x32xf32, #tpu.memory_space<hbm>>
      %dma_start3A_784 = arith.constant 0 : i32
      %dma_start3A_785 = arith.constant 0 : i32
      %dma_start3A_786 = tpu.memref_slice %arg6[%dma_start3A_770, %dma_start3A_771, %dma_start3A_784, %dma_start3A_785] : memref<4x8x56x32xf32, #tpu.memory_space<vmem>> -> memref<1x1x50x32xf32, #tpu.memory_space<vmem>>
      %dma_start3A_787 = tpu.memref_squeeze %dma_start3A_786 : memref<1x1x50x32xf32, #tpu.memory_space<vmem>> -> memref<50x32xf32, #tpu.memory_space<vmem>>
      tpu.enqueue_dma source(%dma_start3A_787 : memref<50x32xf32, #tpu.memory_space<vmem>>) target(%dma_start3A_783 : memref<50x32xf32, #tpu.memory_space<hbm>>) target_semaphore(%arg11 : memref<!tpu.dma_semaphore, #tpu.memory_space<semaphore_mem>>)
      %mul3A_788 = arith.constant 8 : i32
      %mul3A_789 = arith.muli %add3A_498, %mul3A_788 : i32
      %add3A_790 = arith.addi %mul3A_2, %mul3A_789 : i32
      %add3A_791 = arith.constant 7 : i32
      %add3A_792 = arith.addi %add3A_790, %add3A_791 : i32
      %dma_start3A_793 = arith.constant 0 : i32
      %dma_start3A_794 = arith.constant 7 : i32
      %dma_start3A_795 = arith.constant 0 : i32
      %dma_start3A_796 = arith.constant 0 : i32
      %dma_start3A_797 = tpu.memref_slice %arg6[%dma_start3A_793, %dma_start3A_794, %dma_start3A_795, %dma_start3A_796] : memref<4x8x56x32xf32, #tpu.memory_space<vmem>> -> memref<1x1x50x32xf32, #tpu.memory_space<vmem>>
      %dma_start3A_798 = tpu.memref_squeeze %dma_start3A_797 : memref<1x1x50x32xf32, #tpu.memory_space<vmem>> -> memref<50x32xf32, #tpu.memory_space<vmem>>
      %dma_start3A_799 = arith.constant 0 : i32
      %dma_start3A_800 = arith.constant 0 : i32
      %dma_start3A_801 = tpu.memref_slice %arg4[%add3A_792, %dma_start3A_799, %dma_start3A_800] : memref<16384x50x32xf32, #tpu.memory_space<hbm>> -> memref<1x50x32xf32, #tpu.memory_space<hbm>>
      %dma_start3A_802 = tpu.memref_squeeze %dma_start3A_801 : memref<1x50x32xf32, #tpu.memory_space<hbm>> -> memref<50x32xf32, #tpu.memory_space<hbm>>
      %dma_start3A_803 = arith.constant 0 : i32
      %dma_start3A_804 = arith.constant 0 : i32
      %dma_start3A_805 = tpu.memref_slice %arg4[%add3A_792, %dma_start3A_803, %dma_start3A_804] : memref<16384x50x32xf32, #tpu.memory_space<hbm>> -> memref<1x50x32xf32, #tpu.memory_space<hbm>>
      %dma_start3A_806 = tpu.memref_squeeze %dma_start3A_805 : memref<1x50x32xf32, #tpu.memory_space<hbm>> -> memref<50x32xf32, #tpu.memory_space<hbm>>
      %dma_start3A_807 = arith.constant 0 : i32
      %dma_start3A_808 = arith.constant 0 : i32
      %dma_start3A_809 = tpu.memref_slice %arg6[%dma_start3A_793, %dma_start3A_794, %dma_start3A_807, %dma_start3A_808] : memref<4x8x56x32xf32, #tpu.memory_space<vmem>> -> memref<1x1x50x32xf32, #tpu.memory_space<vmem>>
      %dma_start3A_810 = tpu.memref_squeeze %dma_start3A_809 : memref<1x1x50x32xf32, #tpu.memory_space<vmem>> -> memref<50x32xf32, #tpu.memory_space<vmem>>
      tpu.enqueue_dma source(%dma_start3A_810 : memref<50x32xf32, #tpu.memory_space<vmem>>) target(%dma_start3A_806 : memref<50x32xf32, #tpu.memory_space<hbm>>) target_semaphore(%arg11 : memref<!tpu.dma_semaphore, #tpu.memory_space<semaphore_mem>>)
      %gt3A = arith.constant 0 : i32
      %gt3A_811 = arith.cmpi sgt, %add3A_498, %gt3A : i32
      %convert_element_type3A = arith.extui %gt3A_811 : i1 to i32
      %cond3A = arith.constant 0 : i32
      %cond3A_812 = arith.cmpi ne, %convert_element_type3A, %cond3A : i32
      scf.if %cond3A_812 {
        %sub3A_1810 = arith.constant 1 : i32
        %sub3A_1811 = arith.subi %add3A_498, %sub3A_1810 : i32
        %mul3A_1812 = arith.constant 8 : i32
        %mul3A_1813 = arith.muli %sub3A_1811, %mul3A_1812 : i32
        %add3A_1814 = arith.addi %mul3A_2, %mul3A_1813 : i32
        %add3A_1815 = arith.constant 0 : i32
        %add3A_1816 = arith.addi %add3A_1814, %add3A_1815 : i32
        %dma_wait3A_1817 = arith.constant 3 : i32
        %dma_wait3A_1818 = arith.constant 0 : i32
        %dma_wait3A_1819 = arith.constant 0 : i32
        %dma_wait3A_1820 = arith.constant 0 : i32
        %dma_wait3A_1821 = tpu.memref_slice %arg6[%dma_wait3A_1817, %dma_wait3A_1818, %dma_wait3A_1819, %dma_wait3A_1820] : memref<4x8x56x32xf32, #tpu.memory_space<vmem>> -> memref<1x1x50x32xf32, #tpu.memory_space<vmem>>
        %dma_wait3A_1822 = tpu.memref_squeeze %dma_wait3A_1821 : memref<1x1x50x32xf32, #tpu.memory_space<vmem>> -> memref<50x32xf32, #tpu.memory_space<vmem>>
        %dma_wait3A_1823 = arith.constant 0 : i32
        %dma_wait3A_1824 = arith.constant 0 : i32
        %dma_wait3A_1825 = tpu.memref_slice %arg4[%add3A_1816, %dma_wait3A_1823, %dma_wait3A_1824] : memref<16384x50x32xf32, #tpu.memory_space<hbm>> -> memref<1x50x32xf32, #tpu.memory_space<hbm>>
        %dma_wait3A_1826 = tpu.memref_squeeze %dma_wait3A_1825 : memref<1x50x32xf32, #tpu.memory_space<hbm>> -> memref<50x32xf32, #tpu.memory_space<hbm>>
        %dma_wait3A_1827 = arith.constant 0 : i32
        %dma_wait3A_1828 = arith.constant 0 : i32
        %dma_wait3A_1829 = tpu.memref_slice %arg4[%add3A_1816, %dma_wait3A_1827, %dma_wait3A_1828] : memref<16384x50x32xf32, #tpu.memory_space<hbm>> -> memref<1x50x32xf32, #tpu.memory_space<hbm>>
        %dma_wait3A_1830 = tpu.memref_squeeze %dma_wait3A_1829 : memref<1x50x32xf32, #tpu.memory_space<hbm>> -> memref<50x32xf32, #tpu.memory_space<hbm>>
        %dma_wait3A_1831 = arith.constant 0 : i32
        %dma_wait3A_1832 = arith.constant 0 : i32
        %dma_wait3A_1833 = tpu.memref_slice %arg6[%dma_wait3A_1817, %dma_wait3A_1818, %dma_wait3A_1831, %dma_wait3A_1832] : memref<4x8x56x32xf32, #tpu.memory_space<vmem>> -> memref<1x1x50x32xf32, #tpu.memory_space<vmem>>
        %dma_wait3A_1834 = tpu.memref_squeeze %dma_wait3A_1833 : memref<1x1x50x32xf32, #tpu.memory_space<vmem>> -> memref<50x32xf32, #tpu.memory_space<vmem>>
        tpu.wait_dma2 semaphore(%arg14 : memref<!tpu.dma_semaphore, #tpu.memory_space<semaphore_mem>>) src(%dma_wait3A_1834 : memref<50x32xf32, #tpu.memory_space<vmem>>) dst(%dma_wait3A_1830 : memref<50x32xf32, #tpu.memory_space<hbm>>)
        %mul3A_1835 = arith.constant 8 : i32
        %mul3A_1836 = arith.muli %sub3A_1811, %mul3A_1835 : i32
        %add3A_1837 = arith.addi %mul3A_2, %mul3A_1836 : i32
        %add3A_1838 = arith.constant 1 : i32
        %add3A_1839 = arith.addi %add3A_1837, %add3A_1838 : i32
        %dma_wait3A_1840 = arith.constant 3 : i32
        %dma_wait3A_1841 = arith.constant 1 : i32
        %dma_wait3A_1842 = arith.constant 0 : i32
        %dma_wait3A_1843 = arith.constant 0 : i32
        %dma_wait3A_1844 = tpu.memref_slice %arg6[%dma_wait3A_1840, %dma_wait3A_1841, %dma_wait3A_1842, %dma_wait3A_1843] : memref<4x8x56x32xf32, #tpu.memory_space<vmem>> -> memref<1x1x50x32xf32, #tpu.memory_space<vmem>>
        %dma_wait3A_1845 = tpu.memref_squeeze %dma_wait3A_1844 : memref<1x1x50x32xf32, #tpu.memory_space<vmem>> -> memref<50x32xf32, #tpu.memory_space<vmem>>
        %dma_wait3A_1846 = arith.constant 0 : i32
        %dma_wait3A_1847 = arith.constant 0 : i32
        %dma_wait3A_1848 = tpu.memref_slice %arg4[%add3A_1839, %dma_wait3A_1846, %dma_wait3A_1847] : memref<16384x50x32xf32, #tpu.memory_space<hbm>> -> memref<1x50x32xf32, #tpu.memory_space<hbm>>
        %dma_wait3A_1849 = tpu.memref_squeeze %dma_wait3A_1848 : memref<1x50x32xf32, #tpu.memory_space<hbm>> -> memref<50x32xf32, #tpu.memory_space<hbm>>
        %dma_wait3A_1850 = arith.constant 0 : i32
        %dma_wait3A_1851 = arith.constant 0 : i32
        %dma_wait3A_1852 = tpu.memref_slice %arg4[%add3A_1839, %dma_wait3A_1850, %dma_wait3A_1851] : memref<16384x50x32xf32, #tpu.memory_space<hbm>> -> memref<1x50x32xf32, #tpu.memory_space<hbm>>
        %dma_wait3A_1853 = tpu.memref_squeeze %dma_wait3A_1852 : memref<1x50x32xf32, #tpu.memory_space<hbm>> -> memref<50x32xf32, #tpu.memory_space<hbm>>
        %dma_wait3A_1854 = arith.constant 0 : i32
        %dma_wait3A_1855 = arith.constant 0 : i32
        %dma_wait3A_1856 = tpu.memref_slice %arg6[%dma_wait3A_1840, %dma_wait3A_1841, %dma_wait3A_1854, %dma_wait3A_1855] : memref<4x8x56x32xf32, #tpu.memory_space<vmem>> -> memref<1x1x50x32xf32, #tpu.memory_space<vmem>>
        %dma_wait3A_1857 = tpu.memref_squeeze %dma_wait3A_1856 : memref<1x1x50x32xf32, #tpu.memory_space<vmem>> -> memref<50x32xf32, #tpu.memory_space<vmem>>
        tpu.wait_dma2 semaphore(%arg14 : memref<!tpu.dma_semaphore, #tpu.memory_space<semaphore_mem>>) src(%dma_wait3A_1857 : memref<50x32xf32, #tpu.memory_space<vmem>>) dst(%dma_wait3A_1853 : memref<50x32xf32, #tpu.memory_space<hbm>>)
        %mul3A_1858 = arith.constant 8 : i32
        %mul3A_1859 = arith.muli %sub3A_1811, %mul3A_1858 : i32
        %add3A_1860 = arith.addi %mul3A_2, %mul3A_1859 : i32
        %add3A_1861 = arith.constant 2 : i32
        %add3A_1862 = arith.addi %add3A_1860, %add3A_1861 : i32
        %dma_wait3A_1863 = arith.constant 3 : i32
        %dma_wait3A_1864 = arith.constant 2 : i32
        %dma_wait3A_1865 = arith.constant 0 : i32
        %dma_wait3A_1866 = arith.constant 0 : i32
        %dma_wait3A_1867 = tpu.memref_slice %arg6[%dma_wait3A_1863, %dma_wait3A_1864, %dma_wait3A_1865, %dma_wait3A_1866] : memref<4x8x56x32xf32, #tpu.memory_space<vmem>> -> memref<1x1x50x32xf32, #tpu.memory_space<vmem>>
        %dma_wait3A_1868 = tpu.memref_squeeze %dma_wait3A_1867 : memref<1x1x50x32xf32, #tpu.memory_space<vmem>> -> memref<50x32xf32, #tpu.memory_space<vmem>>
        %dma_wait3A_1869 = arith.constant 0 : i32
        %dma_wait3A_1870 = arith.constant 0 : i32
        %dma_wait3A_1871 = tpu.memref_slice %arg4[%add3A_1862, %dma_wait3A_1869, %dma_wait3A_1870] : memref<16384x50x32xf32, #tpu.memory_space<hbm>> -> memref<1x50x32xf32, #tpu.memory_space<hbm>>
        %dma_wait3A_1872 = tpu.memref_squeeze %dma_wait3A_1871 : memref<1x50x32xf32, #tpu.memory_space<hbm>> -> memref<50x32xf32, #tpu.memory_space<hbm>>
        %dma_wait3A_1873 = arith.constant 0 : i32
        %dma_wait3A_1874 = arith.constant 0 : i32
        %dma_wait3A_1875 = tpu.memref_slice %arg4[%add3A_1862, %dma_wait3A_1873, %dma_wait3A_1874] : memref<16384x50x32xf32, #tpu.memory_space<hbm>> -> memref<1x50x32xf32, #tpu.memory_space<hbm>>
        %dma_wait3A_1876 = tpu.memref_squeeze %dma_wait3A_1875 : memref<1x50x32xf32, #tpu.memory_space<hbm>> -> memref<50x32xf32, #tpu.memory_space<hbm>>
        %dma_wait3A_1877 = arith.constant 0 : i32
        %dma_wait3A_1878 = arith.constant 0 : i32
        %dma_wait3A_1879 = tpu.memref_slice %arg6[%dma_wait3A_1863, %dma_wait3A_1864, %dma_wait3A_1877, %dma_wait3A_1878] : memref<4x8x56x32xf32, #tpu.memory_space<vmem>> -> memref<1x1x50x32xf32, #tpu.memory_space<vmem>>
        %dma_wait3A_1880 = tpu.memref_squeeze %dma_wait3A_1879 : memref<1x1x50x32xf32, #tpu.memory_space<vmem>> -> memref<50x32xf32, #tpu.memory_space<vmem>>
        tpu.wait_dma2 semaphore(%arg14 : memref<!tpu.dma_semaphore, #tpu.memory_space<semaphore_mem>>) src(%dma_wait3A_1880 : memref<50x32xf32, #tpu.memory_space<vmem>>) dst(%dma_wait3A_1876 : memref<50x32xf32, #tpu.memory_space<hbm>>)
        %mul3A_1881 = arith.constant 8 : i32
        %mul3A_1882 = arith.muli %sub3A_1811, %mul3A_1881 : i32
        %add3A_1883 = arith.addi %mul3A_2, %mul3A_1882 : i32
        %add3A_1884 = arith.constant 3 : i32
        %add3A_1885 = arith.addi %add3A_1883, %add3A_1884 : i32
        %dma_wait3A_1886 = arith.constant 3 : i32
        %dma_wait3A_1887 = arith.constant 3 : i32
        %dma_wait3A_1888 = arith.constant 0 : i32
        %dma_wait3A_1889 = arith.constant 0 : i32
        %dma_wait3A_1890 = tpu.memref_slice %arg6[%dma_wait3A_1886, %dma_wait3A_1887, %dma_wait3A_1888, %dma_wait3A_1889] : memref<4x8x56x32xf32, #tpu.memory_space<vmem>> -> memref<1x1x50x32xf32, #tpu.memory_space<vmem>>
        %dma_wait3A_1891 = tpu.memref_squeeze %dma_wait3A_1890 : memref<1x1x50x32xf32, #tpu.memory_space<vmem>> -> memref<50x32xf32, #tpu.memory_space<vmem>>
        %dma_wait3A_1892 = arith.constant 0 : i32
        %dma_wait3A_1893 = arith.constant 0 : i32
        %dma_wait3A_1894 = tpu.memref_slice %arg4[%add3A_1885, %dma_wait3A_1892, %dma_wait3A_1893] : memref<16384x50x32xf32, #tpu.memory_space<hbm>> -> memref<1x50x32xf32, #tpu.memory_space<hbm>>
        %dma_wait3A_1895 = tpu.memref_squeeze %dma_wait3A_1894 : memref<1x50x32xf32, #tpu.memory_space<hbm>> -> memref<50x32xf32, #tpu.memory_space<hbm>>
        %dma_wait3A_1896 = arith.constant 0 : i32
        %dma_wait3A_1897 = arith.constant 0 : i32
        %dma_wait3A_1898 = tpu.memref_slice %arg4[%add3A_1885, %dma_wait3A_1896, %dma_wait3A_1897] : memref<16384x50x32xf32, #tpu.memory_space<hbm>> -> memref<1x50x32xf32, #tpu.memory_space<hbm>>
        %dma_wait3A_1899 = tpu.memref_squeeze %dma_wait3A_1898 : memref<1x50x32xf32, #tpu.memory_space<hbm>> -> memref<50x32xf32, #tpu.memory_space<hbm>>
        %dma_wait3A_1900 = arith.constant 0 : i32
        %dma_wait3A_1901 = arith.constant 0 : i32
        %dma_wait3A_1902 = tpu.memref_slice %arg6[%dma_wait3A_1886, %dma_wait3A_1887, %dma_wait3A_1900, %dma_wait3A_1901] : memref<4x8x56x32xf32, #tpu.memory_space<vmem>> -> memref<1x1x50x32xf32, #tpu.memory_space<vmem>>
        %dma_wait3A_1903 = tpu.memref_squeeze %dma_wait3A_1902 : memref<1x1x50x32xf32, #tpu.memory_space<vmem>> -> memref<50x32xf32, #tpu.memory_space<vmem>>
        tpu.wait_dma2 semaphore(%arg14 : memref<!tpu.dma_semaphore, #tpu.memory_space<semaphore_mem>>) src(%dma_wait3A_1903 : memref<50x32xf32, #tpu.memory_space<vmem>>) dst(%dma_wait3A_1899 : memref<50x32xf32, #tpu.memory_space<hbm>>)
        %mul3A_1904 = arith.constant 8 : i32
        %mul3A_1905 = arith.muli %sub3A_1811, %mul3A_1904 : i32
        %add3A_1906 = arith.addi %mul3A_2, %mul3A_1905 : i32
        %add3A_1907 = arith.constant 4 : i32
        %add3A_1908 = arith.addi %add3A_1906, %add3A_1907 : i32
        %dma_wait3A_1909 = arith.constant 3 : i32
        %dma_wait3A_1910 = arith.constant 4 : i32
        %dma_wait3A_1911 = arith.constant 0 : i32
        %dma_wait3A_1912 = arith.constant 0 : i32
        %dma_wait3A_1913 = tpu.memref_slice %arg6[%dma_wait3A_1909, %dma_wait3A_1910, %dma_wait3A_1911, %dma_wait3A_1912] : memref<4x8x56x32xf32, #tpu.memory_space<vmem>> -> memref<1x1x50x32xf32, #tpu.memory_space<vmem>>
        %dma_wait3A_1914 = tpu.memref_squeeze %dma_wait3A_1913 : memref<1x1x50x32xf32, #tpu.memory_space<vmem>> -> memref<50x32xf32, #tpu.memory_space<vmem>>
        %dma_wait3A_1915 = arith.constant 0 : i32
        %dma_wait3A_1916 = arith.constant 0 : i32
        %dma_wait3A_1917 = tpu.memref_slice %arg4[%add3A_1908, %dma_wait3A_1915, %dma_wait3A_1916] : memref<16384x50x32xf32, #tpu.memory_space<hbm>> -> memref<1x50x32xf32, #tpu.memory_space<hbm>>
        %dma_wait3A_1918 = tpu.memref_squeeze %dma_wait3A_1917 : memref<1x50x32xf32, #tpu.memory_space<hbm>> -> memref<50x32xf32, #tpu.memory_space<hbm>>
        %dma_wait3A_1919 = arith.constant 0 : i32
        %dma_wait3A_1920 = arith.constant 0 : i32
        %dma_wait3A_1921 = tpu.memref_slice %arg4[%add3A_1908, %dma_wait3A_1919, %dma_wait3A_1920] : memref<16384x50x32xf32, #tpu.memory_space<hbm>> -> memref<1x50x32xf32, #tpu.memory_space<hbm>>
        %dma_wait3A_1922 = tpu.memref_squeeze %dma_wait3A_1921 : memref<1x50x32xf32, #tpu.memory_space<hbm>> -> memref<50x32xf32, #tpu.memory_space<hbm>>
        %dma_wait3A_1923 = arith.constant 0 : i32
        %dma_wait3A_1924 = arith.constant 0 : i32
        %dma_wait3A_1925 = tpu.memref_slice %arg6[%dma_wait3A_1909, %dma_wait3A_1910, %dma_wait3A_1923, %dma_wait3A_1924] : memref<4x8x56x32xf32, #tpu.memory_space<vmem>> -> memref<1x1x50x32xf32, #tpu.memory_space<vmem>>
        %dma_wait3A_1926 = tpu.memref_squeeze %dma_wait3A_1925 : memref<1x1x50x32xf32, #tpu.memory_space<vmem>> -> memref<50x32xf32, #tpu.memory_space<vmem>>
        tpu.wait_dma2 semaphore(%arg14 : memref<!tpu.dma_semaphore, #tpu.memory_space<semaphore_mem>>) src(%dma_wait3A_1926 : memref<50x32xf32, #tpu.memory_space<vmem>>) dst(%dma_wait3A_1922 : memref<50x32xf32, #tpu.memory_space<hbm>>)
        %mul3A_1927 = arith.constant 8 : i32
        %mul3A_1928 = arith.muli %sub3A_1811, %mul3A_1927 : i32
        %add3A_1929 = arith.addi %mul3A_2, %mul3A_1928 : i32
        %add3A_1930 = arith.constant 5 : i32
        %add3A_1931 = arith.addi %add3A_1929, %add3A_1930 : i32
        %dma_wait3A_1932 = arith.constant 3 : i32
        %dma_wait3A_1933 = arith.constant 5 : i32
        %dma_wait3A_1934 = arith.constant 0 : i32
        %dma_wait3A_1935 = arith.constant 0 : i32
        %dma_wait3A_1936 = tpu.memref_slice %arg6[%dma_wait3A_1932, %dma_wait3A_1933, %dma_wait3A_1934, %dma_wait3A_1935] : memref<4x8x56x32xf32, #tpu.memory_space<vmem>> -> memref<1x1x50x32xf32, #tpu.memory_space<vmem>>
        %dma_wait3A_1937 = tpu.memref_squeeze %dma_wait3A_1936 : memref<1x1x50x32xf32, #tpu.memory_space<vmem>> -> memref<50x32xf32, #tpu.memory_space<vmem>>
        %dma_wait3A_1938 = arith.constant 0 : i32
        %dma_wait3A_1939 = arith.constant 0 : i32
        %dma_wait3A_1940 = tpu.memref_slice %arg4[%add3A_1931, %dma_wait3A_1938, %dma_wait3A_1939] : memref<16384x50x32xf32, #tpu.memory_space<hbm>> -> memref<1x50x32xf32, #tpu.memory_space<hbm>>
        %dma_wait3A_1941 = tpu.memref_squeeze %dma_wait3A_1940 : memref<1x50x32xf32, #tpu.memory_space<hbm>> -> memref<50x32xf32, #tpu.memory_space<hbm>>
        %dma_wait3A_1942 = arith.constant 0 : i32
        %dma_wait3A_1943 = arith.constant 0 : i32
        %dma_wait3A_1944 = tpu.memref_slice %arg4[%add3A_1931, %dma_wait3A_1942, %dma_wait3A_1943] : memref<16384x50x32xf32, #tpu.memory_space<hbm>> -> memref<1x50x32xf32, #tpu.memory_space<hbm>>
        %dma_wait3A_1945 = tpu.memref_squeeze %dma_wait3A_1944 : memref<1x50x32xf32, #tpu.memory_space<hbm>> -> memref<50x32xf32, #tpu.memory_space<hbm>>
        %dma_wait3A_1946 = arith.constant 0 : i32
        %dma_wait3A_1947 = arith.constant 0 : i32
        %dma_wait3A_1948 = tpu.memref_slice %arg6[%dma_wait3A_1932, %dma_wait3A_1933, %dma_wait3A_1946, %dma_wait3A_1947] : memref<4x8x56x32xf32, #tpu.memory_space<vmem>> -> memref<1x1x50x32xf32, #tpu.memory_space<vmem>>
        %dma_wait3A_1949 = tpu.memref_squeeze %dma_wait3A_1948 : memref<1x1x50x32xf32, #tpu.memory_space<vmem>> -> memref<50x32xf32, #tpu.memory_space<vmem>>
        tpu.wait_dma2 semaphore(%arg14 : memref<!tpu.dma_semaphore, #tpu.memory_space<semaphore_mem>>) src(%dma_wait3A_1949 : memref<50x32xf32, #tpu.memory_space<vmem>>) dst(%dma_wait3A_1945 : memref<50x32xf32, #tpu.memory_space<hbm>>)
        %mul3A_1950 = arith.constant 8 : i32
        %mul3A_1951 = arith.muli %sub3A_1811, %mul3A_1950 : i32
        %add3A_1952 = arith.addi %mul3A_2, %mul3A_1951 : i32
        %add3A_1953 = arith.constant 6 : i32
        %add3A_1954 = arith.addi %add3A_1952, %add3A_1953 : i32
        %dma_wait3A_1955 = arith.constant 3 : i32
        %dma_wait3A_1956 = arith.constant 6 : i32
        %dma_wait3A_1957 = arith.constant 0 : i32
        %dma_wait3A_1958 = arith.constant 0 : i32
        %dma_wait3A_1959 = tpu.memref_slice %arg6[%dma_wait3A_1955, %dma_wait3A_1956, %dma_wait3A_1957, %dma_wait3A_1958] : memref<4x8x56x32xf32, #tpu.memory_space<vmem>> -> memref<1x1x50x32xf32, #tpu.memory_space<vmem>>
        %dma_wait3A_1960 = tpu.memref_squeeze %dma_wait3A_1959 : memref<1x1x50x32xf32, #tpu.memory_space<vmem>> -> memref<50x32xf32, #tpu.memory_space<vmem>>
        %dma_wait3A_1961 = arith.constant 0 : i32
        %dma_wait3A_1962 = arith.constant 0 : i32
        %dma_wait3A_1963 = tpu.memref_slice %arg4[%add3A_1954, %dma_wait3A_1961, %dma_wait3A_1962] : memref<16384x50x32xf32, #tpu.memory_space<hbm>> -> memref<1x50x32xf32, #tpu.memory_space<hbm>>
        %dma_wait3A_1964 = tpu.memref_squeeze %dma_wait3A_1963 : memref<1x50x32xf32, #tpu.memory_space<hbm>> -> memref<50x32xf32, #tpu.memory_space<hbm>>
        %dma_wait3A_1965 = arith.constant 0 : i32
        %dma_wait3A_1966 = arith.constant 0 : i32
        %dma_wait3A_1967 = tpu.memref_slice %arg4[%add3A_1954, %dma_wait3A_1965, %dma_wait3A_1966] : memref<16384x50x32xf32, #tpu.memory_space<hbm>> -> memref<1x50x32xf32, #tpu.memory_space<hbm>>
        %dma_wait3A_1968 = tpu.memref_squeeze %dma_wait3A_1967 : memref<1x50x32xf32, #tpu.memory_space<hbm>> -> memref<50x32xf32, #tpu.memory_space<hbm>>
        %dma_wait3A_1969 = arith.constant 0 : i32
        %dma_wait3A_1970 = arith.constant 0 : i32
        %dma_wait3A_1971 = tpu.memref_slice %arg6[%dma_wait3A_1955, %dma_wait3A_1956, %dma_wait3A_1969, %dma_wait3A_1970] : memref<4x8x56x32xf32, #tpu.memory_space<vmem>> -> memref<1x1x50x32xf32, #tpu.memory_space<vmem>>
        %dma_wait3A_1972 = tpu.memref_squeeze %dma_wait3A_1971 : memref<1x1x50x32xf32, #tpu.memory_space<vmem>> -> memref<50x32xf32, #tpu.memory_space<vmem>>
        tpu.wait_dma2 semaphore(%arg14 : memref<!tpu.dma_semaphore, #tpu.memory_space<semaphore_mem>>) src(%dma_wait3A_1972 : memref<50x32xf32, #tpu.memory_space<vmem>>) dst(%dma_wait3A_1968 : memref<50x32xf32, #tpu.memory_space<hbm>>)
        %mul3A_1973 = arith.constant 8 : i32
        %mul3A_1974 = arith.muli %sub3A_1811, %mul3A_1973 : i32
        %add3A_1975 = arith.addi %mul3A_2, %mul3A_1974 : i32
        %add3A_1976 = arith.constant 7 : i32
        %add3A_1977 = arith.addi %add3A_1975, %add3A_1976 : i32
        %dma_wait3A_1978 = arith.constant 3 : i32
        %dma_wait3A_1979 = arith.constant 7 : i32
        %dma_wait3A_1980 = arith.constant 0 : i32
        %dma_wait3A_1981 = arith.constant 0 : i32
        %dma_wait3A_1982 = tpu.memref_slice %arg6[%dma_wait3A_1978, %dma_wait3A_1979, %dma_wait3A_1980, %dma_wait3A_1981] : memref<4x8x56x32xf32, #tpu.memory_space<vmem>> -> memref<1x1x50x32xf32, #tpu.memory_space<vmem>>
        %dma_wait3A_1983 = tpu.memref_squeeze %dma_wait3A_1982 : memref<1x1x50x32xf32, #tpu.memory_space<vmem>> -> memref<50x32xf32, #tpu.memory_space<vmem>>
        %dma_wait3A_1984 = arith.constant 0 : i32
        %dma_wait3A_1985 = arith.constant 0 : i32
        %dma_wait3A_1986 = tpu.memref_slice %arg4[%add3A_1977, %dma_wait3A_1984, %dma_wait3A_1985] : memref<16384x50x32xf32, #tpu.memory_space<hbm>> -> memref<1x50x32xf32, #tpu.memory_space<hbm>>
        %dma_wait3A_1987 = tpu.memref_squeeze %dma_wait3A_1986 : memref<1x50x32xf32, #tpu.memory_space<hbm>> -> memref<50x32xf32, #tpu.memory_space<hbm>>
        %dma_wait3A_1988 = arith.constant 0 : i32
        %dma_wait3A_1989 = arith.constant 0 : i32
        %dma_wait3A_1990 = tpu.memref_slice %arg4[%add3A_1977, %dma_wait3A_1988, %dma_wait3A_1989] : memref<16384x50x32xf32, #tpu.memory_space<hbm>> -> memref<1x50x32xf32, #tpu.memory_space<hbm>>
        %dma_wait3A_1991 = tpu.memref_squeeze %dma_wait3A_1990 : memref<1x50x32xf32, #tpu.memory_space<hbm>> -> memref<50x32xf32, #tpu.memory_space<hbm>>
        %dma_wait3A_1992 = arith.constant 0 : i32
        %dma_wait3A_1993 = arith.constant 0 : i32
        %dma_wait3A_1994 = tpu.memref_slice %arg6[%dma_wait3A_1978, %dma_wait3A_1979, %dma_wait3A_1992, %dma_wait3A_1993] : memref<4x8x56x32xf32, #tpu.memory_space<vmem>> -> memref<1x1x50x32xf32, #tpu.memory_space<vmem>>
        %dma_wait3A_1995 = tpu.memref_squeeze %dma_wait3A_1994 : memref<1x1x50x32xf32, #tpu.memory_space<vmem>> -> memref<50x32xf32, #tpu.memory_space<vmem>>
        tpu.wait_dma2 semaphore(%arg14 : memref<!tpu.dma_semaphore, #tpu.memory_space<semaphore_mem>>) src(%dma_wait3A_1995 : memref<50x32xf32, #tpu.memory_space<vmem>>) dst(%dma_wait3A_1991 : memref<50x32xf32, #tpu.memory_space<hbm>>)
      } else {
      }
      %add3A_813 = arith.constant 4 : i32
      %add3A_814 = arith.addi %add3A_498, %add3A_813 : i32
      %sub3A = arith.constant 1 : i32
      %sub3A_815 = arith.subi %add3A_814, %sub3A : i32
      %lt3A = arith.constant 64 : i32
      %lt3A_816 = arith.cmpi slt, %sub3A_815, %lt3A : i32
      %convert_element_type3A_817 = arith.extui %lt3A_816 : i1 to i32
      %cond3A_818 = arith.constant 0 : i32
      %cond3A_819 = arith.cmpi ne, %convert_element_type3A_817, %cond3A_818 : i32
      scf.if %cond3A_819 {
        %add3A_1810 = arith.constant 4 : i32
        %add3A_1811 = arith.addi %add3A_498, %add3A_1810 : i32
        %sub3A_1812 = arith.constant 1 : i32
        %sub3A_1813 = arith.subi %add3A_1811, %sub3A_1812 : i32
        %mul3A_1814 = arith.constant 8 : i32
        %mul3A_1815 = arith.muli %sub3A_1813, %mul3A_1814 : i32
        %add3A_1816 = arith.constant 0 : i32
        %add3A_1817 = arith.addi %mul3A_1815, %add3A_1816 : i32
        %dma_start3A_1818 = arith.constant 3 : i32
        %dma_start3A_1819 = arith.constant 0 : i32
        %dma_start3A_1820 = arith.constant 0 : i32
        %dma_start3A_1821 = arith.constant 0 : i32
        %dma_start3A_1822 = tpu.memref_slice %arg6[%dma_start3A_1818, %dma_start3A_1819, %dma_start3A_1820, %dma_start3A_1821] : memref<4x8x56x32xf32, #tpu.memory_space<vmem>> -> memref<1x1x56x32xf32, #tpu.memory_space<vmem>>
        %dma_start3A_1823 = tpu.memref_squeeze %dma_start3A_1822 : memref<1x1x56x32xf32, #tpu.memory_space<vmem>> -> memref<56x32xf32, #tpu.memory_space<vmem>>
        %dma_start3A_1824 = arith.constant 0 : i32
        %dma_start3A_1825 = tpu.memref_slice %arg5[%add3A_1817, %dma_start3A_1824] : memref<512x56xi32, #tpu.memory_space<vmem>> -> memref<1x56xi32, #tpu.memory_space<vmem>>
        %dma_start3A_1826 = tpu.memref_squeeze %dma_start3A_1825 : memref<1x56xi32, #tpu.memory_space<vmem>> -> memref<56xi32, #tpu.memory_space<vmem>>
        %dma_start3A_1827 = arith.constant 0 : i32
        %dma_start3A_1828 = arith.constant 0 : i32
        %dma_start3A_1829 = tpu.memref_slice %arg2[%dma_start3A_1827, %dma_start3A_1828] : memref<1000000x32xf32, #tpu.memory_space<hbm>> -> memref<1000000x32xf32, #tpu.memory_space<hbm>>
        tpu.enqueue_indirect_dma source(%dma_start3A_1829 : memref<1000000x32xf32, #tpu.memory_space<hbm>>) target(%dma_start3A_1823 : memref<56x32xf32, #tpu.memory_space<vmem>>) offsets(%dma_start3A_1826 : memref<56xi32, #tpu.memory_space<vmem>>) semaphore(%arg10 : memref<!tpu.dma_semaphore, #tpu.memory_space<semaphore_mem>>)
        %mul3A_1830 = arith.constant 8 : i32
        %mul3A_1831 = arith.muli %sub3A_1813, %mul3A_1830 : i32
        %add3A_1832 = arith.constant 1 : i32
        %add3A_1833 = arith.addi %mul3A_1831, %add3A_1832 : i32
        %dma_start3A_1834 = arith.constant 3 : i32
        %dma_start3A_1835 = arith.constant 1 : i32
        %dma_start3A_1836 = arith.constant 0 : i32
        %dma_start3A_1837 = arith.constant 0 : i32
        %dma_start3A_1838 = tpu.memref_slice %arg6[%dma_start3A_1834, %dma_start3A_1835, %dma_start3A_1836, %dma_start3A_1837] : memref<4x8x56x32xf32, #tpu.memory_space<vmem>> -> memref<1x1x56x32xf32, #tpu.memory_space<vmem>>
        %dma_start3A_1839 = tpu.memref_squeeze %dma_start3A_1838 : memref<1x1x56x32xf32, #tpu.memory_space<vmem>> -> memref<56x32xf32, #tpu.memory_space<vmem>>
        %dma_start3A_1840 = arith.constant 0 : i32
        %dma_start3A_1841 = tpu.memref_slice %arg5[%add3A_1833, %dma_start3A_1840] : memref<512x56xi32, #tpu.memory_space<vmem>> -> memref<1x56xi32, #tpu.memory_space<vmem>>
        %dma_start3A_1842 = tpu.memref_squeeze %dma_start3A_1841 : memref<1x56xi32, #tpu.memory_space<vmem>> -> memref<56xi32, #tpu.memory_space<vmem>>
        %dma_start3A_1843 = arith.constant 0 : i32
        %dma_start3A_1844 = arith.constant 0 : i32
        %dma_start3A_1845 = tpu.memref_slice %arg2[%dma_start3A_1843, %dma_start3A_1844] : memref<1000000x32xf32, #tpu.memory_space<hbm>> -> memref<1000000x32xf32, #tpu.memory_space<hbm>>
        tpu.enqueue_indirect_dma source(%dma_start3A_1845 : memref<1000000x32xf32, #tpu.memory_space<hbm>>) target(%dma_start3A_1839 : memref<56x32xf32, #tpu.memory_space<vmem>>) offsets(%dma_start3A_1842 : memref<56xi32, #tpu.memory_space<vmem>>) semaphore(%arg10 : memref<!tpu.dma_semaphore, #tpu.memory_space<semaphore_mem>>)
        %mul3A_1846 = arith.constant 8 : i32
        %mul3A_1847 = arith.muli %sub3A_1813, %mul3A_1846 : i32
        %add3A_1848 = arith.constant 2 : i32
        %add3A_1849 = arith.addi %mul3A_1847, %add3A_1848 : i32
        %dma_start3A_1850 = arith.constant 3 : i32
        %dma_start3A_1851 = arith.constant 2 : i32
        %dma_start3A_1852 = arith.constant 0 : i32
        %dma_start3A_1853 = arith.constant 0 : i32
        %dma_start3A_1854 = tpu.memref_slice %arg6[%dma_start3A_1850, %dma_start3A_1851, %dma_start3A_1852, %dma_start3A_1853] : memref<4x8x56x32xf32, #tpu.memory_space<vmem>> -> memref<1x1x56x32xf32, #tpu.memory_space<vmem>>
        %dma_start3A_1855 = tpu.memref_squeeze %dma_start3A_1854 : memref<1x1x56x32xf32, #tpu.memory_space<vmem>> -> memref<56x32xf32, #tpu.memory_space<vmem>>
        %dma_start3A_1856 = arith.constant 0 : i32
        %dma_start3A_1857 = tpu.memref_slice %arg5[%add3A_1849, %dma_start3A_1856] : memref<512x56xi32, #tpu.memory_space<vmem>> -> memref<1x56xi32, #tpu.memory_space<vmem>>
        %dma_start3A_1858 = tpu.memref_squeeze %dma_start3A_1857 : memref<1x56xi32, #tpu.memory_space<vmem>> -> memref<56xi32, #tpu.memory_space<vmem>>
        %dma_start3A_1859 = arith.constant 0 : i32
        %dma_start3A_1860 = arith.constant 0 : i32
        %dma_start3A_1861 = tpu.memref_slice %arg2[%dma_start3A_1859, %dma_start3A_1860] : memref<1000000x32xf32, #tpu.memory_space<hbm>> -> memref<1000000x32xf32, #tpu.memory_space<hbm>>
        tpu.enqueue_indirect_dma source(%dma_start3A_1861 : memref<1000000x32xf32, #tpu.memory_space<hbm>>) target(%dma_start3A_1855 : memref<56x32xf32, #tpu.memory_space<vmem>>) offsets(%dma_start3A_1858 : memref<56xi32, #tpu.memory_space<vmem>>) semaphore(%arg10 : memref<!tpu.dma_semaphore, #tpu.memory_space<semaphore_mem>>)
        %mul3A_1862 = arith.constant 8 : i32
        %mul3A_1863 = arith.muli %sub3A_1813, %mul3A_1862 : i32
        %add3A_1864 = arith.constant 3 : i32
        %add3A_1865 = arith.addi %mul3A_1863, %add3A_1864 : i32
        %dma_start3A_1866 = arith.constant 3 : i32
        %dma_start3A_1867 = arith.constant 3 : i32
        %dma_start3A_1868 = arith.constant 0 : i32
        %dma_start3A_1869 = arith.constant 0 : i32
        %dma_start3A_1870 = tpu.memref_slice %arg6[%dma_start3A_1866, %dma_start3A_1867, %dma_start3A_1868, %dma_start3A_1869] : memref<4x8x56x32xf32, #tpu.memory_space<vmem>> -> memref<1x1x56x32xf32, #tpu.memory_space<vmem>>
        %dma_start3A_1871 = tpu.memref_squeeze %dma_start3A_1870 : memref<1x1x56x32xf32, #tpu.memory_space<vmem>> -> memref<56x32xf32, #tpu.memory_space<vmem>>
        %dma_start3A_1872 = arith.constant 0 : i32
        %dma_start3A_1873 = tpu.memref_slice %arg5[%add3A_1865, %dma_start3A_1872] : memref<512x56xi32, #tpu.memory_space<vmem>> -> memref<1x56xi32, #tpu.memory_space<vmem>>
        %dma_start3A_1874 = tpu.memref_squeeze %dma_start3A_1873 : memref<1x56xi32, #tpu.memory_space<vmem>> -> memref<56xi32, #tpu.memory_space<vmem>>
        %dma_start3A_1875 = arith.constant 0 : i32
        %dma_start3A_1876 = arith.constant 0 : i32
        %dma_start3A_1877 = tpu.memref_slice %arg2[%dma_start3A_1875, %dma_start3A_1876] : memref<1000000x32xf32, #tpu.memory_space<hbm>> -> memref<1000000x32xf32, #tpu.memory_space<hbm>>
        tpu.enqueue_indirect_dma source(%dma_start3A_1877 : memref<1000000x32xf32, #tpu.memory_space<hbm>>) target(%dma_start3A_1871 : memref<56x32xf32, #tpu.memory_space<vmem>>) offsets(%dma_start3A_1874 : memref<56xi32, #tpu.memory_space<vmem>>) semaphore(%arg10 : memref<!tpu.dma_semaphore, #tpu.memory_space<semaphore_mem>>)
        %mul3A_1878 = arith.constant 8 : i32
        %mul3A_1879 = arith.muli %sub3A_1813, %mul3A_1878 : i32
        %add3A_1880 = arith.constant 4 : i32
        %add3A_1881 = arith.addi %mul3A_1879, %add3A_1880 : i32
        %dma_start3A_1882 = arith.constant 3 : i32
        %dma_start3A_1883 = arith.constant 4 : i32
        %dma_start3A_1884 = arith.constant 0 : i32
        %dma_start3A_1885 = arith.constant 0 : i32
        %dma_start3A_1886 = tpu.memref_slice %arg6[%dma_start3A_1882, %dma_start3A_1883, %dma_start3A_1884, %dma_start3A_1885] : memref<4x8x56x32xf32, #tpu.memory_space<vmem>> -> memref<1x1x56x32xf32, #tpu.memory_space<vmem>>
        %dma_start3A_1887 = tpu.memref_squeeze %dma_start3A_1886 : memref<1x1x56x32xf32, #tpu.memory_space<vmem>> -> memref<56x32xf32, #tpu.memory_space<vmem>>
        %dma_start3A_1888 = arith.constant 0 : i32
        %dma_start3A_1889 = tpu.memref_slice %arg5[%add3A_1881, %dma_start3A_1888] : memref<512x56xi32, #tpu.memory_space<vmem>> -> memref<1x56xi32, #tpu.memory_space<vmem>>
        %dma_start3A_1890 = tpu.memref_squeeze %dma_start3A_1889 : memref<1x56xi32, #tpu.memory_space<vmem>> -> memref<56xi32, #tpu.memory_space<vmem>>
        %dma_start3A_1891 = arith.constant 0 : i32
        %dma_start3A_1892 = arith.constant 0 : i32
        %dma_start3A_1893 = tpu.memref_slice %arg2[%dma_start3A_1891, %dma_start3A_1892] : memref<1000000x32xf32, #tpu.memory_space<hbm>> -> memref<1000000x32xf32, #tpu.memory_space<hbm>>
        tpu.enqueue_indirect_dma source(%dma_start3A_1893 : memref<1000000x32xf32, #tpu.memory_space<hbm>>) target(%dma_start3A_1887 : memref<56x32xf32, #tpu.memory_space<vmem>>) offsets(%dma_start3A_1890 : memref<56xi32, #tpu.memory_space<vmem>>) semaphore(%arg10 : memref<!tpu.dma_semaphore, #tpu.memory_space<semaphore_mem>>)
        %mul3A_1894 = arith.constant 8 : i32
        %mul3A_1895 = arith.muli %sub3A_1813, %mul3A_1894 : i32
        %add3A_1896 = arith.constant 5 : i32
        %add3A_1897 = arith.addi %mul3A_1895, %add3A_1896 : i32
        %dma_start3A_1898 = arith.constant 3 : i32
        %dma_start3A_1899 = arith.constant 5 : i32
        %dma_start3A_1900 = arith.constant 0 : i32
        %dma_start3A_1901 = arith.constant 0 : i32
        %dma_start3A_1902 = tpu.memref_slice %arg6[%dma_start3A_1898, %dma_start3A_1899, %dma_start3A_1900, %dma_start3A_1901] : memref<4x8x56x32xf32, #tpu.memory_space<vmem>> -> memref<1x1x56x32xf32, #tpu.memory_space<vmem>>
        %dma_start3A_1903 = tpu.memref_squeeze %dma_start3A_1902 : memref<1x1x56x32xf32, #tpu.memory_space<vmem>> -> memref<56x32xf32, #tpu.memory_space<vmem>>
        %dma_start3A_1904 = arith.constant 0 : i32
        %dma_start3A_1905 = tpu.memref_slice %arg5[%add3A_1897, %dma_start3A_1904] : memref<512x56xi32, #tpu.memory_space<vmem>> -> memref<1x56xi32, #tpu.memory_space<vmem>>
        %dma_start3A_1906 = tpu.memref_squeeze %dma_start3A_1905 : memref<1x56xi32, #tpu.memory_space<vmem>> -> memref<56xi32, #tpu.memory_space<vmem>>
        %dma_start3A_1907 = arith.constant 0 : i32
        %dma_start3A_1908 = arith.constant 0 : i32
        %dma_start3A_1909 = tpu.memref_slice %arg2[%dma_start3A_1907, %dma_start3A_1908] : memref<1000000x32xf32, #tpu.memory_space<hbm>> -> memref<1000000x32xf32, #tpu.memory_space<hbm>>
        tpu.enqueue_indirect_dma source(%dma_start3A_1909 : memref<1000000x32xf32, #tpu.memory_space<hbm>>) target(%dma_start3A_1903 : memref<56x32xf32, #tpu.memory_space<vmem>>) offsets(%dma_start3A_1906 : memref<56xi32, #tpu.memory_space<vmem>>) semaphore(%arg10 : memref<!tpu.dma_semaphore, #tpu.memory_space<semaphore_mem>>)
        %mul3A_1910 = arith.constant 8 : i32
        %mul3A_1911 = arith.muli %sub3A_1813, %mul3A_1910 : i32
        %add3A_1912 = arith.constant 6 : i32
        %add3A_1913 = arith.addi %mul3A_1911, %add3A_1912 : i32
        %dma_start3A_1914 = arith.constant 3 : i32
        %dma_start3A_1915 = arith.constant 6 : i32
        %dma_start3A_1916 = arith.constant 0 : i32
        %dma_start3A_1917 = arith.constant 0 : i32
        %dma_start3A_1918 = tpu.memref_slice %arg6[%dma_start3A_1914, %dma_start3A_1915, %dma_start3A_1916, %dma_start3A_1917] : memref<4x8x56x32xf32, #tpu.memory_space<vmem>> -> memref<1x1x56x32xf32, #tpu.memory_space<vmem>>
        %dma_start3A_1919 = tpu.memref_squeeze %dma_start3A_1918 : memref<1x1x56x32xf32, #tpu.memory_space<vmem>> -> memref<56x32xf32, #tpu.memory_space<vmem>>
        %dma_start3A_1920 = arith.constant 0 : i32
        %dma_start3A_1921 = tpu.memref_slice %arg5[%add3A_1913, %dma_start3A_1920] : memref<512x56xi32, #tpu.memory_space<vmem>> -> memref<1x56xi32, #tpu.memory_space<vmem>>
        %dma_start3A_1922 = tpu.memref_squeeze %dma_start3A_1921 : memref<1x56xi32, #tpu.memory_space<vmem>> -> memref<56xi32, #tpu.memory_space<vmem>>
        %dma_start3A_1923 = arith.constant 0 : i32
        %dma_start3A_1924 = arith.constant 0 : i32
        %dma_start3A_1925 = tpu.memref_slice %arg2[%dma_start3A_1923, %dma_start3A_1924] : memref<1000000x32xf32, #tpu.memory_space<hbm>> -> memref<1000000x32xf32, #tpu.memory_space<hbm>>
        tpu.enqueue_indirect_dma source(%dma_start3A_1925 : memref<1000000x32xf32, #tpu.memory_space<hbm>>) target(%dma_start3A_1919 : memref<56x32xf32, #tpu.memory_space<vmem>>) offsets(%dma_start3A_1922 : memref<56xi32, #tpu.memory_space<vmem>>) semaphore(%arg10 : memref<!tpu.dma_semaphore, #tpu.memory_space<semaphore_mem>>)
        %mul3A_1926 = arith.constant 8 : i32
        %mul3A_1927 = arith.muli %sub3A_1813, %mul3A_1926 : i32
        %add3A_1928 = arith.constant 7 : i32
        %add3A_1929 = arith.addi %mul3A_1927, %add3A_1928 : i32
        %dma_start3A_1930 = arith.constant 3 : i32
        %dma_start3A_1931 = arith.constant 7 : i32
        %dma_start3A_1932 = arith.constant 0 : i32
        %dma_start3A_1933 = arith.constant 0 : i32
        %dma_start3A_1934 = tpu.memref_slice %arg6[%dma_start3A_1930, %dma_start3A_1931, %dma_start3A_1932, %dma_start3A_1933] : memref<4x8x56x32xf32, #tpu.memory_space<vmem>> -> memref<1x1x56x32xf32, #tpu.memory_space<vmem>>
        %dma_start3A_1935 = tpu.memref_squeeze %dma_start3A_1934 : memref<1x1x56x32xf32, #tpu.memory_space<vmem>> -> memref<56x32xf32, #tpu.memory_space<vmem>>
        %dma_start3A_1936 = arith.constant 0 : i32
        %dma_start3A_1937 = tpu.memref_slice %arg5[%add3A_1929, %dma_start3A_1936] : memref<512x56xi32, #tpu.memory_space<vmem>> -> memref<1x56xi32, #tpu.memory_space<vmem>>
        %dma_start3A_1938 = tpu.memref_squeeze %dma_start3A_1937 : memref<1x56xi32, #tpu.memory_space<vmem>> -> memref<56xi32, #tpu.memory_space<vmem>>
        %dma_start3A_1939 = arith.constant 0 : i32
        %dma_start3A_1940 = arith.constant 0 : i32
        %dma_start3A_1941 = tpu.memref_slice %arg2[%dma_start3A_1939, %dma_start3A_1940] : memref<1000000x32xf32, #tpu.memory_space<hbm>> -> memref<1000000x32xf32, #tpu.memory_space<hbm>>
        tpu.enqueue_indirect_dma source(%dma_start3A_1941 : memref<1000000x32xf32, #tpu.memory_space<hbm>>) target(%dma_start3A_1935 : memref<56x32xf32, #tpu.memory_space<vmem>>) offsets(%dma_start3A_1938 : memref<56xi32, #tpu.memory_space<vmem>>) semaphore(%arg10 : memref<!tpu.dma_semaphore, #tpu.memory_space<semaphore_mem>>)
      } else {
      }
      %mul3A_820 = arith.constant 4 : i32
      %mul3A_821 = arith.muli %scan3A_494, %mul3A_820 : i32
      %add3A_822 = arith.constant 1 : i32
      %add3A_823 = arith.addi %mul3A_821, %add3A_822 : i32
      %mul3A_824 = arith.constant 8 : i32
      %mul3A_825 = arith.muli %add3A_823, %mul3A_824 : i32
      %add3A_826 = arith.constant 0 : i32
      %add3A_827 = arith.addi %mul3A_825, %add3A_826 : i32
      %dma_wait3A_828 = arith.constant 1 : i32
      %dma_wait3A_829 = arith.constant 0 : i32
      %dma_wait3A_830 = arith.constant 0 : i32
      %dma_wait3A_831 = arith.constant 0 : i32
      %dma_wait3A_832 = tpu.memref_slice %arg6[%dma_wait3A_828, %dma_wait3A_829, %dma_wait3A_830, %dma_wait3A_831] : memref<4x8x56x32xf32, #tpu.memory_space<vmem>> -> memref<1x1x56x32xf32, #tpu.memory_space<vmem>>
      %dma_wait3A_833 = tpu.memref_squeeze %dma_wait3A_832 : memref<1x1x56x32xf32, #tpu.memory_space<vmem>> -> memref<56x32xf32, #tpu.memory_space<vmem>>
      %dma_wait3A_834 = arith.constant 0 : i32
      %dma_wait3A_835 = tpu.memref_slice %arg5[%add3A_827, %dma_wait3A_834] : memref<512x56xi32, #tpu.memory_space<vmem>> -> memref<1x56xi32, #tpu.memory_space<vmem>>
      %dma_wait3A_836 = tpu.memref_squeeze %dma_wait3A_835 : memref<1x56xi32, #tpu.memory_space<vmem>> -> memref<56xi32, #tpu.memory_space<vmem>>
      %dma_wait3A_837 = arith.constant 0 : i32
      %dma_wait3A_838 = arith.constant 0 : i32
      %dma_wait3A_839 = tpu.memref_slice %arg2[%dma_wait3A_837, %dma_wait3A_838] : memref<1000000x32xf32, #tpu.memory_space<hbm>> -> memref<1000000x32xf32, #tpu.memory_space<hbm>>
      tpu.wait_indirect_dma semaphore(%arg8 : memref<!tpu.dma_semaphore, #tpu.memory_space<semaphore_mem>>) src(%dma_wait3A_839 : memref<1000000x32xf32, #tpu.memory_space<hbm>>) dst(%dma_wait3A_833 : memref<56x32xf32, #tpu.memory_space<vmem>>)
      %mul3A_840 = arith.constant 8 : i32
      %mul3A_841 = arith.muli %add3A_823, %mul3A_840 : i32
      %add3A_842 = arith.constant 1 : i32
      %add3A_843 = arith.addi %mul3A_841, %add3A_842 : i32
      %dma_wait3A_844 = arith.constant 1 : i32
      %dma_wait3A_845 = arith.constant 1 : i32
      %dma_wait3A_846 = arith.constant 0 : i32
      %dma_wait3A_847 = arith.constant 0 : i32
      %dma_wait3A_848 = tpu.memref_slice %arg6[%dma_wait3A_844, %dma_wait3A_845, %dma_wait3A_846, %dma_wait3A_847] : memref<4x8x56x32xf32, #tpu.memory_space<vmem>> -> memref<1x1x56x32xf32, #tpu.memory_space<vmem>>
      %dma_wait3A_849 = tpu.memref_squeeze %dma_wait3A_848 : memref<1x1x56x32xf32, #tpu.memory_space<vmem>> -> memref<56x32xf32, #tpu.memory_space<vmem>>
      %dma_wait3A_850 = arith.constant 0 : i32
      %dma_wait3A_851 = tpu.memref_slice %arg5[%add3A_843, %dma_wait3A_850] : memref<512x56xi32, #tpu.memory_space<vmem>> -> memref<1x56xi32, #tpu.memory_space<vmem>>
      %dma_wait3A_852 = tpu.memref_squeeze %dma_wait3A_851 : memref<1x56xi32, #tpu.memory_space<vmem>> -> memref<56xi32, #tpu.memory_space<vmem>>
      %dma_wait3A_853 = arith.constant 0 : i32
      %dma_wait3A_854 = arith.constant 0 : i32
      %dma_wait3A_855 = tpu.memref_slice %arg2[%dma_wait3A_853, %dma_wait3A_854] : memref<1000000x32xf32, #tpu.memory_space<hbm>> -> memref<1000000x32xf32, #tpu.memory_space<hbm>>
      tpu.wait_indirect_dma semaphore(%arg8 : memref<!tpu.dma_semaphore, #tpu.memory_space<semaphore_mem>>) src(%dma_wait3A_855 : memref<1000000x32xf32, #tpu.memory_space<hbm>>) dst(%dma_wait3A_849 : memref<56x32xf32, #tpu.memory_space<vmem>>)
      %mul3A_856 = arith.constant 8 : i32
      %mul3A_857 = arith.muli %add3A_823, %mul3A_856 : i32
      %add3A_858 = arith.constant 2 : i32
      %add3A_859 = arith.addi %mul3A_857, %add3A_858 : i32
      %dma_wait3A_860 = arith.constant 1 : i32
      %dma_wait3A_861 = arith.constant 2 : i32
      %dma_wait3A_862 = arith.constant 0 : i32
      %dma_wait3A_863 = arith.constant 0 : i32
      %dma_wait3A_864 = tpu.memref_slice %arg6[%dma_wait3A_860, %dma_wait3A_861, %dma_wait3A_862, %dma_wait3A_863] : memref<4x8x56x32xf32, #tpu.memory_space<vmem>> -> memref<1x1x56x32xf32, #tpu.memory_space<vmem>>
      %dma_wait3A_865 = tpu.memref_squeeze %dma_wait3A_864 : memref<1x1x56x32xf32, #tpu.memory_space<vmem>> -> memref<56x32xf32, #tpu.memory_space<vmem>>
      %dma_wait3A_866 = arith.constant 0 : i32
      %dma_wait3A_867 = tpu.memref_slice %arg5[%add3A_859, %dma_wait3A_866] : memref<512x56xi32, #tpu.memory_space<vmem>> -> memref<1x56xi32, #tpu.memory_space<vmem>>
      %dma_wait3A_868 = tpu.memref_squeeze %dma_wait3A_867 : memref<1x56xi32, #tpu.memory_space<vmem>> -> memref<56xi32, #tpu.memory_space<vmem>>
      %dma_wait3A_869 = arith.constant 0 : i32
      %dma_wait3A_870 = arith.constant 0 : i32
      %dma_wait3A_871 = tpu.memref_slice %arg2[%dma_wait3A_869, %dma_wait3A_870] : memref<1000000x32xf32, #tpu.memory_space<hbm>> -> memref<1000000x32xf32, #tpu.memory_space<hbm>>
      tpu.wait_indirect_dma semaphore(%arg8 : memref<!tpu.dma_semaphore, #tpu.memory_space<semaphore_mem>>) src(%dma_wait3A_871 : memref<1000000x32xf32, #tpu.memory_space<hbm>>) dst(%dma_wait3A_865 : memref<56x32xf32, #tpu.memory_space<vmem>>)
      %mul3A_872 = arith.constant 8 : i32
      %mul3A_873 = arith.muli %add3A_823, %mul3A_872 : i32
      %add3A_874 = arith.constant 3 : i32
      %add3A_875 = arith.addi %mul3A_873, %add3A_874 : i32
      %dma_wait3A_876 = arith.constant 1 : i32
      %dma_wait3A_877 = arith.constant 3 : i32
      %dma_wait3A_878 = arith.constant 0 : i32
      %dma_wait3A_879 = arith.constant 0 : i32
      %dma_wait3A_880 = tpu.memref_slice %arg6[%dma_wait3A_876, %dma_wait3A_877, %dma_wait3A_878, %dma_wait3A_879] : memref<4x8x56x32xf32, #tpu.memory_space<vmem>> -> memref<1x1x56x32xf32, #tpu.memory_space<vmem>>
      %dma_wait3A_881 = tpu.memref_squeeze %dma_wait3A_880 : memref<1x1x56x32xf32, #tpu.memory_space<vmem>> -> memref<56x32xf32, #tpu.memory_space<vmem>>
      %dma_wait3A_882 = arith.constant 0 : i32
      %dma_wait3A_883 = tpu.memref_slice %arg5[%add3A_875, %dma_wait3A_882] : memref<512x56xi32, #tpu.memory_space<vmem>> -> memref<1x56xi32, #tpu.memory_space<vmem>>
      %dma_wait3A_884 = tpu.memref_squeeze %dma_wait3A_883 : memref<1x56xi32, #tpu.memory_space<vmem>> -> memref<56xi32, #tpu.memory_space<vmem>>
      %dma_wait3A_885 = arith.constant 0 : i32
      %dma_wait3A_886 = arith.constant 0 : i32
      %dma_wait3A_887 = tpu.memref_slice %arg2[%dma_wait3A_885, %dma_wait3A_886] : memref<1000000x32xf32, #tpu.memory_space<hbm>> -> memref<1000000x32xf32, #tpu.memory_space<hbm>>
      tpu.wait_indirect_dma semaphore(%arg8 : memref<!tpu.dma_semaphore, #tpu.memory_space<semaphore_mem>>) src(%dma_wait3A_887 : memref<1000000x32xf32, #tpu.memory_space<hbm>>) dst(%dma_wait3A_881 : memref<56x32xf32, #tpu.memory_space<vmem>>)
      %mul3A_888 = arith.constant 8 : i32
      %mul3A_889 = arith.muli %add3A_823, %mul3A_888 : i32
      %add3A_890 = arith.constant 4 : i32
      %add3A_891 = arith.addi %mul3A_889, %add3A_890 : i32
      %dma_wait3A_892 = arith.constant 1 : i32
      %dma_wait3A_893 = arith.constant 4 : i32
      %dma_wait3A_894 = arith.constant 0 : i32
      %dma_wait3A_895 = arith.constant 0 : i32
      %dma_wait3A_896 = tpu.memref_slice %arg6[%dma_wait3A_892, %dma_wait3A_893, %dma_wait3A_894, %dma_wait3A_895] : memref<4x8x56x32xf32, #tpu.memory_space<vmem>> -> memref<1x1x56x32xf32, #tpu.memory_space<vmem>>
      %dma_wait3A_897 = tpu.memref_squeeze %dma_wait3A_896 : memref<1x1x56x32xf32, #tpu.memory_space<vmem>> -> memref<56x32xf32, #tpu.memory_space<vmem>>
      %dma_wait3A_898 = arith.constant 0 : i32
      %dma_wait3A_899 = tpu.memref_slice %arg5[%add3A_891, %dma_wait3A_898] : memref<512x56xi32, #tpu.memory_space<vmem>> -> memref<1x56xi32, #tpu.memory_space<vmem>>
      %dma_wait3A_900 = tpu.memref_squeeze %dma_wait3A_899 : memref<1x56xi32, #tpu.memory_space<vmem>> -> memref<56xi32, #tpu.memory_space<vmem>>
      %dma_wait3A_901 = arith.constant 0 : i32
      %dma_wait3A_902 = arith.constant 0 : i32
      %dma_wait3A_903 = tpu.memref_slice %arg2[%dma_wait3A_901, %dma_wait3A_902] : memref<1000000x32xf32, #tpu.memory_space<hbm>> -> memref<1000000x32xf32, #tpu.memory_space<hbm>>
      tpu.wait_indirect_dma semaphore(%arg8 : memref<!tpu.dma_semaphore, #tpu.memory_space<semaphore_mem>>) src(%dma_wait3A_903 : memref<1000000x32xf32, #tpu.memory_space<hbm>>) dst(%dma_wait3A_897 : memref<56x32xf32, #tpu.memory_space<vmem>>)
      %mul3A_904 = arith.constant 8 : i32
      %mul3A_905 = arith.muli %add3A_823, %mul3A_904 : i32
      %add3A_906 = arith.constant 5 : i32
      %add3A_907 = arith.addi %mul3A_905, %add3A_906 : i32
      %dma_wait3A_908 = arith.constant 1 : i32
      %dma_wait3A_909 = arith.constant 5 : i32
      %dma_wait3A_910 = arith.constant 0 : i32
      %dma_wait3A_911 = arith.constant 0 : i32
      %dma_wait3A_912 = tpu.memref_slice %arg6[%dma_wait3A_908, %dma_wait3A_909, %dma_wait3A_910, %dma_wait3A_911] : memref<4x8x56x32xf32, #tpu.memory_space<vmem>> -> memref<1x1x56x32xf32, #tpu.memory_space<vmem>>
      %dma_wait3A_913 = tpu.memref_squeeze %dma_wait3A_912 : memref<1x1x56x32xf32, #tpu.memory_space<vmem>> -> memref<56x32xf32, #tpu.memory_space<vmem>>
      %dma_wait3A_914 = arith.constant 0 : i32
      %dma_wait3A_915 = tpu.memref_slice %arg5[%add3A_907, %dma_wait3A_914] : memref<512x56xi32, #tpu.memory_space<vmem>> -> memref<1x56xi32, #tpu.memory_space<vmem>>
      %dma_wait3A_916 = tpu.memref_squeeze %dma_wait3A_915 : memref<1x56xi32, #tpu.memory_space<vmem>> -> memref<56xi32, #tpu.memory_space<vmem>>
      %dma_wait3A_917 = arith.constant 0 : i32
      %dma_wait3A_918 = arith.constant 0 : i32
      %dma_wait3A_919 = tpu.memref_slice %arg2[%dma_wait3A_917, %dma_wait3A_918] : memref<1000000x32xf32, #tpu.memory_space<hbm>> -> memref<1000000x32xf32, #tpu.memory_space<hbm>>
      tpu.wait_indirect_dma semaphore(%arg8 : memref<!tpu.dma_semaphore, #tpu.memory_space<semaphore_mem>>) src(%dma_wait3A_919 : memref<1000000x32xf32, #tpu.memory_space<hbm>>) dst(%dma_wait3A_913 : memref<56x32xf32, #tpu.memory_space<vmem>>)
      %mul3A_920 = arith.constant 8 : i32
      %mul3A_921 = arith.muli %add3A_823, %mul3A_920 : i32
      %add3A_922 = arith.constant 6 : i32
      %add3A_923 = arith.addi %mul3A_921, %add3A_922 : i32
      %dma_wait3A_924 = arith.constant 1 : i32
      %dma_wait3A_925 = arith.constant 6 : i32
      %dma_wait3A_926 = arith.constant 0 : i32
      %dma_wait3A_927 = arith.constant 0 : i32
      %dma_wait3A_928 = tpu.memref_slice %arg6[%dma_wait3A_924, %dma_wait3A_925, %dma_wait3A_926, %dma_wait3A_927] : memref<4x8x56x32xf32, #tpu.memory_space<vmem>> -> memref<1x1x56x32xf32, #tpu.memory_space<vmem>>
      %dma_wait3A_929 = tpu.memref_squeeze %dma_wait3A_928 : memref<1x1x56x32xf32, #tpu.memory_space<vmem>> -> memref<56x32xf32, #tpu.memory_space<vmem>>
      %dma_wait3A_930 = arith.constant 0 : i32
      %dma_wait3A_931 = tpu.memref_slice %arg5[%add3A_923, %dma_wait3A_930] : memref<512x56xi32, #tpu.memory_space<vmem>> -> memref<1x56xi32, #tpu.memory_space<vmem>>
      %dma_wait3A_932 = tpu.memref_squeeze %dma_wait3A_931 : memref<1x56xi32, #tpu.memory_space<vmem>> -> memref<56xi32, #tpu.memory_space<vmem>>
      %dma_wait3A_933 = arith.constant 0 : i32
      %dma_wait3A_934 = arith.constant 0 : i32
      %dma_wait3A_935 = tpu.memref_slice %arg2[%dma_wait3A_933, %dma_wait3A_934] : memref<1000000x32xf32, #tpu.memory_space<hbm>> -> memref<1000000x32xf32, #tpu.memory_space<hbm>>
      tpu.wait_indirect_dma semaphore(%arg8 : memref<!tpu.dma_semaphore, #tpu.memory_space<semaphore_mem>>) src(%dma_wait3A_935 : memref<1000000x32xf32, #tpu.memory_space<hbm>>) dst(%dma_wait3A_929 : memref<56x32xf32, #tpu.memory_space<vmem>>)
      %mul3A_936 = arith.constant 8 : i32
      %mul3A_937 = arith.muli %add3A_823, %mul3A_936 : i32
      %add3A_938 = arith.constant 7 : i32
      %add3A_939 = arith.addi %mul3A_937, %add3A_938 : i32
      %dma_wait3A_940 = arith.constant 1 : i32
      %dma_wait3A_941 = arith.constant 7 : i32
      %dma_wait3A_942 = arith.constant 0 : i32
      %dma_wait3A_943 = arith.constant 0 : i32
      %dma_wait3A_944 = tpu.memref_slice %arg6[%dma_wait3A_940, %dma_wait3A_941, %dma_wait3A_942, %dma_wait3A_943] : memref<4x8x56x32xf32, #tpu.memory_space<vmem>> -> memref<1x1x56x32xf32, #tpu.memory_space<vmem>>
      %dma_wait3A_945 = tpu.memref_squeeze %dma_wait3A_944 : memref<1x1x56x32xf32, #tpu.memory_space<vmem>> -> memref<56x32xf32, #tpu.memory_space<vmem>>
      %dma_wait3A_946 = arith.constant 0 : i32
      %dma_wait3A_947 = tpu.memref_slice %arg5[%add3A_939, %dma_wait3A_946] : memref<512x56xi32, #tpu.memory_space<vmem>> -> memref<1x56xi32, #tpu.memory_space<vmem>>
      %dma_wait3A_948 = tpu.memref_squeeze %dma_wait3A_947 : memref<1x56xi32, #tpu.memory_space<vmem>> -> memref<56xi32, #tpu.memory_space<vmem>>
      %dma_wait3A_949 = arith.constant 0 : i32
      %dma_wait3A_950 = arith.constant 0 : i32
      %dma_wait3A_951 = tpu.memref_slice %arg2[%dma_wait3A_949, %dma_wait3A_950] : memref<1000000x32xf32, #tpu.memory_space<hbm>> -> memref<1000000x32xf32, #tpu.memory_space<hbm>>
      tpu.wait_indirect_dma semaphore(%arg8 : memref<!tpu.dma_semaphore, #tpu.memory_space<semaphore_mem>>) src(%dma_wait3A_951 : memref<1000000x32xf32, #tpu.memory_space<hbm>>) dst(%dma_wait3A_945 : memref<56x32xf32, #tpu.memory_space<vmem>>)
      %mul3A_952 = arith.constant 8 : i32
      %mul3A_953 = arith.muli %add3A_823, %mul3A_952 : i32
      %add3A_954 = arith.addi %mul3A_2, %mul3A_953 : i32
      %add3A_955 = arith.constant 0 : i32
      %add3A_956 = arith.addi %add3A_954, %add3A_955 : i32
      %dma_start3A_957 = arith.constant 1 : i32
      %dma_start3A_958 = arith.constant 0 : i32
      %dma_start3A_959 = arith.constant 0 : i32
      %dma_start3A_960 = arith.constant 0 : i32
      %dma_start3A_961 = tpu.memref_slice %arg6[%dma_start3A_957, %dma_start3A_958, %dma_start3A_959, %dma_start3A_960] : memref<4x8x56x32xf32, #tpu.memory_space<vmem>> -> memref<1x1x50x32xf32, #tpu.memory_space<vmem>>
      %dma_start3A_962 = tpu.memref_squeeze %dma_start3A_961 : memref<1x1x50x32xf32, #tpu.memory_space<vmem>> -> memref<50x32xf32, #tpu.memory_space<vmem>>
      %dma_start3A_963 = arith.constant 0 : i32
      %dma_start3A_964 = arith.constant 0 : i32
      %dma_start3A_965 = tpu.memref_slice %arg4[%add3A_956, %dma_start3A_963, %dma_start3A_964] : memref<16384x50x32xf32, #tpu.memory_space<hbm>> -> memref<1x50x32xf32, #tpu.memory_space<hbm>>
      %dma_start3A_966 = tpu.memref_squeeze %dma_start3A_965 : memref<1x50x32xf32, #tpu.memory_space<hbm>> -> memref<50x32xf32, #tpu.memory_space<hbm>>
      %dma_start3A_967 = arith.constant 0 : i32
      %dma_start3A_968 = arith.constant 0 : i32
      %dma_start3A_969 = tpu.memref_slice %arg4[%add3A_956, %dma_start3A_967, %dma_start3A_968] : memref<16384x50x32xf32, #tpu.memory_space<hbm>> -> memref<1x50x32xf32, #tpu.memory_space<hbm>>
      %dma_start3A_970 = tpu.memref_squeeze %dma_start3A_969 : memref<1x50x32xf32, #tpu.memory_space<hbm>> -> memref<50x32xf32, #tpu.memory_space<hbm>>
      %dma_start3A_971 = arith.constant 0 : i32
      %dma_start3A_972 = arith.constant 0 : i32
      %dma_start3A_973 = tpu.memref_slice %arg6[%dma_start3A_957, %dma_start3A_958, %dma_start3A_971, %dma_start3A_972] : memref<4x8x56x32xf32, #tpu.memory_space<vmem>> -> memref<1x1x50x32xf32, #tpu.memory_space<vmem>>
      %dma_start3A_974 = tpu.memref_squeeze %dma_start3A_973 : memref<1x1x50x32xf32, #tpu.memory_space<vmem>> -> memref<50x32xf32, #tpu.memory_space<vmem>>
      tpu.enqueue_dma source(%dma_start3A_974 : memref<50x32xf32, #tpu.memory_space<vmem>>) target(%dma_start3A_970 : memref<50x32xf32, #tpu.memory_space<hbm>>) target_semaphore(%arg12 : memref<!tpu.dma_semaphore, #tpu.memory_space<semaphore_mem>>)
      %mul3A_975 = arith.constant 8 : i32
      %mul3A_976 = arith.muli %add3A_823, %mul3A_975 : i32
      %add3A_977 = arith.addi %mul3A_2, %mul3A_976 : i32
      %add3A_978 = arith.constant 1 : i32
      %add3A_979 = arith.addi %add3A_977, %add3A_978 : i32
      %dma_start3A_980 = arith.constant 1 : i32
      %dma_start3A_981 = arith.constant 1 : i32
      %dma_start3A_982 = arith.constant 0 : i32
      %dma_start3A_983 = arith.constant 0 : i32
      %dma_start3A_984 = tpu.memref_slice %arg6[%dma_start3A_980, %dma_start3A_981, %dma_start3A_982, %dma_start3A_983] : memref<4x8x56x32xf32, #tpu.memory_space<vmem>> -> memref<1x1x50x32xf32, #tpu.memory_space<vmem>>
      %dma_start3A_985 = tpu.memref_squeeze %dma_start3A_984 : memref<1x1x50x32xf32, #tpu.memory_space<vmem>> -> memref<50x32xf32, #tpu.memory_space<vmem>>
      %dma_start3A_986 = arith.constant 0 : i32
      %dma_start3A_987 = arith.constant 0 : i32
      %dma_start3A_988 = tpu.memref_slice %arg4[%add3A_979, %dma_start3A_986, %dma_start3A_987] : memref<16384x50x32xf32, #tpu.memory_space<hbm>> -> memref<1x50x32xf32, #tpu.memory_space<hbm>>
      %dma_start3A_989 = tpu.memref_squeeze %dma_start3A_988 : memref<1x50x32xf32, #tpu.memory_space<hbm>> -> memref<50x32xf32, #tpu.memory_space<hbm>>
      %dma_start3A_990 = arith.constant 0 : i32
      %dma_start3A_991 = arith.constant 0 : i32
      %dma_start3A_992 = tpu.memref_slice %arg4[%add3A_979, %dma_start3A_990, %dma_start3A_991] : memref<16384x50x32xf32, #tpu.memory_space<hbm>> -> memref<1x50x32xf32, #tpu.memory_space<hbm>>
      %dma_start3A_993 = tpu.memref_squeeze %dma_start3A_992 : memref<1x50x32xf32, #tpu.memory_space<hbm>> -> memref<50x32xf32, #tpu.memory_space<hbm>>
      %dma_start3A_994 = arith.constant 0 : i32
      %dma_start3A_995 = arith.constant 0 : i32
      %dma_start3A_996 = tpu.memref_slice %arg6[%dma_start3A_980, %dma_start3A_981, %dma_start3A_994, %dma_start3A_995] : memref<4x8x56x32xf32, #tpu.memory_space<vmem>> -> memref<1x1x50x32xf32, #tpu.memory_space<vmem>>
      %dma_start3A_997 = tpu.memref_squeeze %dma_start3A_996 : memref<1x1x50x32xf32, #tpu.memory_space<vmem>> -> memref<50x32xf32, #tpu.memory_space<vmem>>
      tpu.enqueue_dma source(%dma_start3A_997 : memref<50x32xf32, #tpu.memory_space<vmem>>) target(%dma_start3A_993 : memref<50x32xf32, #tpu.memory_space<hbm>>) target_semaphore(%arg12 : memref<!tpu.dma_semaphore, #tpu.memory_space<semaphore_mem>>)
      %mul3A_998 = arith.constant 8 : i32
      %mul3A_999 = arith.muli %add3A_823, %mul3A_998 : i32
      %add3A_1000 = arith.addi %mul3A_2, %mul3A_999 : i32
      %add3A_1001 = arith.constant 2 : i32
      %add3A_1002 = arith.addi %add3A_1000, %add3A_1001 : i32
      %dma_start3A_1003 = arith.constant 1 : i32
      %dma_start3A_1004 = arith.constant 2 : i32
      %dma_start3A_1005 = arith.constant 0 : i32
      %dma_start3A_1006 = arith.constant 0 : i32
      %dma_start3A_1007 = tpu.memref_slice %arg6[%dma_start3A_1003, %dma_start3A_1004, %dma_start3A_1005, %dma_start3A_1006] : memref<4x8x56x32xf32, #tpu.memory_space<vmem>> -> memref<1x1x50x32xf32, #tpu.memory_space<vmem>>
      %dma_start3A_1008 = tpu.memref_squeeze %dma_start3A_1007 : memref<1x1x50x32xf32, #tpu.memory_space<vmem>> -> memref<50x32xf32, #tpu.memory_space<vmem>>
      %dma_start3A_1009 = arith.constant 0 : i32
      %dma_start3A_1010 = arith.constant 0 : i32
      %dma_start3A_1011 = tpu.memref_slice %arg4[%add3A_1002, %dma_start3A_1009, %dma_start3A_1010] : memref<16384x50x32xf32, #tpu.memory_space<hbm>> -> memref<1x50x32xf32, #tpu.memory_space<hbm>>
      %dma_start3A_1012 = tpu.memref_squeeze %dma_start3A_1011 : memref<1x50x32xf32, #tpu.memory_space<hbm>> -> memref<50x32xf32, #tpu.memory_space<hbm>>
      %dma_start3A_1013 = arith.constant 0 : i32
      %dma_start3A_1014 = arith.constant 0 : i32
      %dma_start3A_1015 = tpu.memref_slice %arg4[%add3A_1002, %dma_start3A_1013, %dma_start3A_1014] : memref<16384x50x32xf32, #tpu.memory_space<hbm>> -> memref<1x50x32xf32, #tpu.memory_space<hbm>>
      %dma_start3A_1016 = tpu.memref_squeeze %dma_start3A_1015 : memref<1x50x32xf32, #tpu.memory_space<hbm>> -> memref<50x32xf32, #tpu.memory_space<hbm>>
      %dma_start3A_1017 = arith.constant 0 : i32
      %dma_start3A_1018 = arith.constant 0 : i32
      %dma_start3A_1019 = tpu.memref_slice %arg6[%dma_start3A_1003, %dma_start3A_1004, %dma_start3A_1017, %dma_start3A_1018] : memref<4x8x56x32xf32, #tpu.memory_space<vmem>> -> memref<1x1x50x32xf32, #tpu.memory_space<vmem>>
      %dma_start3A_1020 = tpu.memref_squeeze %dma_start3A_1019 : memref<1x1x50x32xf32, #tpu.memory_space<vmem>> -> memref<50x32xf32, #tpu.memory_space<vmem>>
      tpu.enqueue_dma source(%dma_start3A_1020 : memref<50x32xf32, #tpu.memory_space<vmem>>) target(%dma_start3A_1016 : memref<50x32xf32, #tpu.memory_space<hbm>>) target_semaphore(%arg12 : memref<!tpu.dma_semaphore, #tpu.memory_space<semaphore_mem>>)
      %mul3A_1021 = arith.constant 8 : i32
      %mul3A_1022 = arith.muli %add3A_823, %mul3A_1021 : i32
      %add3A_1023 = arith.addi %mul3A_2, %mul3A_1022 : i32
      %add3A_1024 = arith.constant 3 : i32
      %add3A_1025 = arith.addi %add3A_1023, %add3A_1024 : i32
      %dma_start3A_1026 = arith.constant 1 : i32
      %dma_start3A_1027 = arith.constant 3 : i32
      %dma_start3A_1028 = arith.constant 0 : i32
      %dma_start3A_1029 = arith.constant 0 : i32
      %dma_start3A_1030 = tpu.memref_slice %arg6[%dma_start3A_1026, %dma_start3A_1027, %dma_start3A_1028, %dma_start3A_1029] : memref<4x8x56x32xf32, #tpu.memory_space<vmem>> -> memref<1x1x50x32xf32, #tpu.memory_space<vmem>>
      %dma_start3A_1031 = tpu.memref_squeeze %dma_start3A_1030 : memref<1x1x50x32xf32, #tpu.memory_space<vmem>> -> memref<50x32xf32, #tpu.memory_space<vmem>>
      %dma_start3A_1032 = arith.constant 0 : i32
      %dma_start3A_1033 = arith.constant 0 : i32
      %dma_start3A_1034 = tpu.memref_slice %arg4[%add3A_1025, %dma_start3A_1032, %dma_start3A_1033] : memref<16384x50x32xf32, #tpu.memory_space<hbm>> -> memref<1x50x32xf32, #tpu.memory_space<hbm>>
      %dma_start3A_1035 = tpu.memref_squeeze %dma_start3A_1034 : memref<1x50x32xf32, #tpu.memory_space<hbm>> -> memref<50x32xf32, #tpu.memory_space<hbm>>
      %dma_start3A_1036 = arith.constant 0 : i32
      %dma_start3A_1037 = arith.constant 0 : i32
      %dma_start3A_1038 = tpu.memref_slice %arg4[%add3A_1025, %dma_start3A_1036, %dma_start3A_1037] : memref<16384x50x32xf32, #tpu.memory_space<hbm>> -> memref<1x50x32xf32, #tpu.memory_space<hbm>>
      %dma_start3A_1039 = tpu.memref_squeeze %dma_start3A_1038 : memref<1x50x32xf32, #tpu.memory_space<hbm>> -> memref<50x32xf32, #tpu.memory_space<hbm>>
      %dma_start3A_1040 = arith.constant 0 : i32
      %dma_start3A_1041 = arith.constant 0 : i32
      %dma_start3A_1042 = tpu.memref_slice %arg6[%dma_start3A_1026, %dma_start3A_1027, %dma_start3A_1040, %dma_start3A_1041] : memref<4x8x56x32xf32, #tpu.memory_space<vmem>> -> memref<1x1x50x32xf32, #tpu.memory_space<vmem>>
      %dma_start3A_1043 = tpu.memref_squeeze %dma_start3A_1042 : memref<1x1x50x32xf32, #tpu.memory_space<vmem>> -> memref<50x32xf32, #tpu.memory_space<vmem>>
      tpu.enqueue_dma source(%dma_start3A_1043 : memref<50x32xf32, #tpu.memory_space<vmem>>) target(%dma_start3A_1039 : memref<50x32xf32, #tpu.memory_space<hbm>>) target_semaphore(%arg12 : memref<!tpu.dma_semaphore, #tpu.memory_space<semaphore_mem>>)
      %mul3A_1044 = arith.constant 8 : i32
      %mul3A_1045 = arith.muli %add3A_823, %mul3A_1044 : i32
      %add3A_1046 = arith.addi %mul3A_2, %mul3A_1045 : i32
      %add3A_1047 = arith.constant 4 : i32
      %add3A_1048 = arith.addi %add3A_1046, %add3A_1047 : i32
      %dma_start3A_1049 = arith.constant 1 : i32
      %dma_start3A_1050 = arith.constant 4 : i32
      %dma_start3A_1051 = arith.constant 0 : i32
      %dma_start3A_1052 = arith.constant 0 : i32
      %dma_start3A_1053 = tpu.memref_slice %arg6[%dma_start3A_1049, %dma_start3A_1050, %dma_start3A_1051, %dma_start3A_1052] : memref<4x8x56x32xf32, #tpu.memory_space<vmem>> -> memref<1x1x50x32xf32, #tpu.memory_space<vmem>>
      %dma_start3A_1054 = tpu.memref_squeeze %dma_start3A_1053 : memref<1x1x50x32xf32, #tpu.memory_space<vmem>> -> memref<50x32xf32, #tpu.memory_space<vmem>>
      %dma_start3A_1055 = arith.constant 0 : i32
      %dma_start3A_1056 = arith.constant 0 : i32
      %dma_start3A_1057 = tpu.memref_slice %arg4[%add3A_1048, %dma_start3A_1055, %dma_start3A_1056] : memref<16384x50x32xf32, #tpu.memory_space<hbm>> -> memref<1x50x32xf32, #tpu.memory_space<hbm>>
      %dma_start3A_1058 = tpu.memref_squeeze %dma_start3A_1057 : memref<1x50x32xf32, #tpu.memory_space<hbm>> -> memref<50x32xf32, #tpu.memory_space<hbm>>
      %dma_start3A_1059 = arith.constant 0 : i32
      %dma_start3A_1060 = arith.constant 0 : i32
      %dma_start3A_1061 = tpu.memref_slice %arg4[%add3A_1048, %dma_start3A_1059, %dma_start3A_1060] : memref<16384x50x32xf32, #tpu.memory_space<hbm>> -> memref<1x50x32xf32, #tpu.memory_space<hbm>>
      %dma_start3A_1062 = tpu.memref_squeeze %dma_start3A_1061 : memref<1x50x32xf32, #tpu.memory_space<hbm>> -> memref<50x32xf32, #tpu.memory_space<hbm>>
      %dma_start3A_1063 = arith.constant 0 : i32
      %dma_start3A_1064 = arith.constant 0 : i32
      %dma_start3A_1065 = tpu.memref_slice %arg6[%dma_start3A_1049, %dma_start3A_1050, %dma_start3A_1063, %dma_start3A_1064] : memref<4x8x56x32xf32, #tpu.memory_space<vmem>> -> memref<1x1x50x32xf32, #tpu.memory_space<vmem>>
      %dma_start3A_1066 = tpu.memref_squeeze %dma_start3A_1065 : memref<1x1x50x32xf32, #tpu.memory_space<vmem>> -> memref<50x32xf32, #tpu.memory_space<vmem>>
      tpu.enqueue_dma source(%dma_start3A_1066 : memref<50x32xf32, #tpu.memory_space<vmem>>) target(%dma_start3A_1062 : memref<50x32xf32, #tpu.memory_space<hbm>>) target_semaphore(%arg12 : memref<!tpu.dma_semaphore, #tpu.memory_space<semaphore_mem>>)
      %mul3A_1067 = arith.constant 8 : i32
      %mul3A_1068 = arith.muli %add3A_823, %mul3A_1067 : i32
      %add3A_1069 = arith.addi %mul3A_2, %mul3A_1068 : i32
      %add3A_1070 = arith.constant 5 : i32
      %add3A_1071 = arith.addi %add3A_1069, %add3A_1070 : i32
      %dma_start3A_1072 = arith.constant 1 : i32
      %dma_start3A_1073 = arith.constant 5 : i32
      %dma_start3A_1074 = arith.constant 0 : i32
      %dma_start3A_1075 = arith.constant 0 : i32
      %dma_start3A_1076 = tpu.memref_slice %arg6[%dma_start3A_1072, %dma_start3A_1073, %dma_start3A_1074, %dma_start3A_1075] : memref<4x8x56x32xf32, #tpu.memory_space<vmem>> -> memref<1x1x50x32xf32, #tpu.memory_space<vmem>>
      %dma_start3A_1077 = tpu.memref_squeeze %dma_start3A_1076 : memref<1x1x50x32xf32, #tpu.memory_space<vmem>> -> memref<50x32xf32, #tpu.memory_space<vmem>>
      %dma_start3A_1078 = arith.constant 0 : i32
      %dma_start3A_1079 = arith.constant 0 : i32
      %dma_start3A_1080 = tpu.memref_slice %arg4[%add3A_1071, %dma_start3A_1078, %dma_start3A_1079] : memref<16384x50x32xf32, #tpu.memory_space<hbm>> -> memref<1x50x32xf32, #tpu.memory_space<hbm>>
      %dma_start3A_1081 = tpu.memref_squeeze %dma_start3A_1080 : memref<1x50x32xf32, #tpu.memory_space<hbm>> -> memref<50x32xf32, #tpu.memory_space<hbm>>
      %dma_start3A_1082 = arith.constant 0 : i32
      %dma_start3A_1083 = arith.constant 0 : i32
      %dma_start3A_1084 = tpu.memref_slice %arg4[%add3A_1071, %dma_start3A_1082, %dma_start3A_1083] : memref<16384x50x32xf32, #tpu.memory_space<hbm>> -> memref<1x50x32xf32, #tpu.memory_space<hbm>>
      %dma_start3A_1085 = tpu.memref_squeeze %dma_start3A_1084 : memref<1x50x32xf32, #tpu.memory_space<hbm>> -> memref<50x32xf32, #tpu.memory_space<hbm>>
      %dma_start3A_1086 = arith.constant 0 : i32
      %dma_start3A_1087 = arith.constant 0 : i32
      %dma_start3A_1088 = tpu.memref_slice %arg6[%dma_start3A_1072, %dma_start3A_1073, %dma_start3A_1086, %dma_start3A_1087] : memref<4x8x56x32xf32, #tpu.memory_space<vmem>> -> memref<1x1x50x32xf32, #tpu.memory_space<vmem>>
      %dma_start3A_1089 = tpu.memref_squeeze %dma_start3A_1088 : memref<1x1x50x32xf32, #tpu.memory_space<vmem>> -> memref<50x32xf32, #tpu.memory_space<vmem>>
      tpu.enqueue_dma source(%dma_start3A_1089 : memref<50x32xf32, #tpu.memory_space<vmem>>) target(%dma_start3A_1085 : memref<50x32xf32, #tpu.memory_space<hbm>>) target_semaphore(%arg12 : memref<!tpu.dma_semaphore, #tpu.memory_space<semaphore_mem>>)
      %mul3A_1090 = arith.constant 8 : i32
      %mul3A_1091 = arith.muli %add3A_823, %mul3A_1090 : i32
      %add3A_1092 = arith.addi %mul3A_2, %mul3A_1091 : i32
      %add3A_1093 = arith.constant 6 : i32
      %add3A_1094 = arith.addi %add3A_1092, %add3A_1093 : i32
      %dma_start3A_1095 = arith.constant 1 : i32
      %dma_start3A_1096 = arith.constant 6 : i32
      %dma_start3A_1097 = arith.constant 0 : i32
      %dma_start3A_1098 = arith.constant 0 : i32
      %dma_start3A_1099 = tpu.memref_slice %arg6[%dma_start3A_1095, %dma_start3A_1096, %dma_start3A_1097, %dma_start3A_1098] : memref<4x8x56x32xf32, #tpu.memory_space<vmem>> -> memref<1x1x50x32xf32, #tpu.memory_space<vmem>>
      %dma_start3A_1100 = tpu.memref_squeeze %dma_start3A_1099 : memref<1x1x50x32xf32, #tpu.memory_space<vmem>> -> memref<50x32xf32, #tpu.memory_space<vmem>>
      %dma_start3A_1101 = arith.constant 0 : i32
      %dma_start3A_1102 = arith.constant 0 : i32
      %dma_start3A_1103 = tpu.memref_slice %arg4[%add3A_1094, %dma_start3A_1101, %dma_start3A_1102] : memref<16384x50x32xf32, #tpu.memory_space<hbm>> -> memref<1x50x32xf32, #tpu.memory_space<hbm>>
      %dma_start3A_1104 = tpu.memref_squeeze %dma_start3A_1103 : memref<1x50x32xf32, #tpu.memory_space<hbm>> -> memref<50x32xf32, #tpu.memory_space<hbm>>
      %dma_start3A_1105 = arith.constant 0 : i32
      %dma_start3A_1106 = arith.constant 0 : i32
      %dma_start3A_1107 = tpu.memref_slice %arg4[%add3A_1094, %dma_start3A_1105, %dma_start3A_1106] : memref<16384x50x32xf32, #tpu.memory_space<hbm>> -> memref<1x50x32xf32, #tpu.memory_space<hbm>>
      %dma_start3A_1108 = tpu.memref_squeeze %dma_start3A_1107 : memref<1x50x32xf32, #tpu.memory_space<hbm>> -> memref<50x32xf32, #tpu.memory_space<hbm>>
      %dma_start3A_1109 = arith.constant 0 : i32
      %dma_start3A_1110 = arith.constant 0 : i32
      %dma_start3A_1111 = tpu.memref_slice %arg6[%dma_start3A_1095, %dma_start3A_1096, %dma_start3A_1109, %dma_start3A_1110] : memref<4x8x56x32xf32, #tpu.memory_space<vmem>> -> memref<1x1x50x32xf32, #tpu.memory_space<vmem>>
      %dma_start3A_1112 = tpu.memref_squeeze %dma_start3A_1111 : memref<1x1x50x32xf32, #tpu.memory_space<vmem>> -> memref<50x32xf32, #tpu.memory_space<vmem>>
      tpu.enqueue_dma source(%dma_start3A_1112 : memref<50x32xf32, #tpu.memory_space<vmem>>) target(%dma_start3A_1108 : memref<50x32xf32, #tpu.memory_space<hbm>>) target_semaphore(%arg12 : memref<!tpu.dma_semaphore, #tpu.memory_space<semaphore_mem>>)
      %mul3A_1113 = arith.constant 8 : i32
      %mul3A_1114 = arith.muli %add3A_823, %mul3A_1113 : i32
      %add3A_1115 = arith.addi %mul3A_2, %mul3A_1114 : i32
      %add3A_1116 = arith.constant 7 : i32
      %add3A_1117 = arith.addi %add3A_1115, %add3A_1116 : i32
      %dma_start3A_1118 = arith.constant 1 : i32
      %dma_start3A_1119 = arith.constant 7 : i32
      %dma_start3A_1120 = arith.constant 0 : i32
      %dma_start3A_1121 = arith.constant 0 : i32
      %dma_start3A_1122 = tpu.memref_slice %arg6[%dma_start3A_1118, %dma_start3A_1119, %dma_start3A_1120, %dma_start3A_1121] : memref<4x8x56x32xf32, #tpu.memory_space<vmem>> -> memref<1x1x50x32xf32, #tpu.memory_space<vmem>>
      %dma_start3A_1123 = tpu.memref_squeeze %dma_start3A_1122 : memref<1x1x50x32xf32, #tpu.memory_space<vmem>> -> memref<50x32xf32, #tpu.memory_space<vmem>>
      %dma_start3A_1124 = arith.constant 0 : i32
      %dma_start3A_1125 = arith.constant 0 : i32
      %dma_start3A_1126 = tpu.memref_slice %arg4[%add3A_1117, %dma_start3A_1124, %dma_start3A_1125] : memref<16384x50x32xf32, #tpu.memory_space<hbm>> -> memref<1x50x32xf32, #tpu.memory_space<hbm>>
      %dma_start3A_1127 = tpu.memref_squeeze %dma_start3A_1126 : memref<1x50x32xf32, #tpu.memory_space<hbm>> -> memref<50x32xf32, #tpu.memory_space<hbm>>
      %dma_start3A_1128 = arith.constant 0 : i32
      %dma_start3A_1129 = arith.constant 0 : i32
      %dma_start3A_1130 = tpu.memref_slice %arg4[%add3A_1117, %dma_start3A_1128, %dma_start3A_1129] : memref<16384x50x32xf32, #tpu.memory_space<hbm>> -> memref<1x50x32xf32, #tpu.memory_space<hbm>>
      %dma_start3A_1131 = tpu.memref_squeeze %dma_start3A_1130 : memref<1x50x32xf32, #tpu.memory_space<hbm>> -> memref<50x32xf32, #tpu.memory_space<hbm>>
      %dma_start3A_1132 = arith.constant 0 : i32
      %dma_start3A_1133 = arith.constant 0 : i32
      %dma_start3A_1134 = tpu.memref_slice %arg6[%dma_start3A_1118, %dma_start3A_1119, %dma_start3A_1132, %dma_start3A_1133] : memref<4x8x56x32xf32, #tpu.memory_space<vmem>> -> memref<1x1x50x32xf32, #tpu.memory_space<vmem>>
      %dma_start3A_1135 = tpu.memref_squeeze %dma_start3A_1134 : memref<1x1x50x32xf32, #tpu.memory_space<vmem>> -> memref<50x32xf32, #tpu.memory_space<vmem>>
      tpu.enqueue_dma source(%dma_start3A_1135 : memref<50x32xf32, #tpu.memory_space<vmem>>) target(%dma_start3A_1131 : memref<50x32xf32, #tpu.memory_space<hbm>>) target_semaphore(%arg12 : memref<!tpu.dma_semaphore, #tpu.memory_space<semaphore_mem>>)
      %gt3A_1136 = arith.constant 0 : i32
      %gt3A_1137 = arith.cmpi sgt, %add3A_823, %gt3A_1136 : i32
      %convert_element_type3A_1138 = arith.extui %gt3A_1137 : i1 to i32
      %cond3A_1139 = arith.constant 0 : i32
      %cond3A_1140 = arith.cmpi ne, %convert_element_type3A_1138, %cond3A_1139 : i32
      scf.if %cond3A_1140 {
        %sub3A_1810 = arith.constant 1 : i32
        %sub3A_1811 = arith.subi %add3A_823, %sub3A_1810 : i32
        %mul3A_1812 = arith.constant 8 : i32
        %mul3A_1813 = arith.muli %sub3A_1811, %mul3A_1812 : i32
        %add3A_1814 = arith.addi %mul3A_2, %mul3A_1813 : i32
        %add3A_1815 = arith.constant 0 : i32
        %add3A_1816 = arith.addi %add3A_1814, %add3A_1815 : i32
        %dma_wait3A_1817 = arith.constant 0 : i32
        %dma_wait3A_1818 = arith.constant 0 : i32
        %dma_wait3A_1819 = arith.constant 0 : i32
        %dma_wait3A_1820 = arith.constant 0 : i32
        %dma_wait3A_1821 = tpu.memref_slice %arg6[%dma_wait3A_1817, %dma_wait3A_1818, %dma_wait3A_1819, %dma_wait3A_1820] : memref<4x8x56x32xf32, #tpu.memory_space<vmem>> -> memref<1x1x50x32xf32, #tpu.memory_space<vmem>>
        %dma_wait3A_1822 = tpu.memref_squeeze %dma_wait3A_1821 : memref<1x1x50x32xf32, #tpu.memory_space<vmem>> -> memref<50x32xf32, #tpu.memory_space<vmem>>
        %dma_wait3A_1823 = arith.constant 0 : i32
        %dma_wait3A_1824 = arith.constant 0 : i32
        %dma_wait3A_1825 = tpu.memref_slice %arg4[%add3A_1816, %dma_wait3A_1823, %dma_wait3A_1824] : memref<16384x50x32xf32, #tpu.memory_space<hbm>> -> memref<1x50x32xf32, #tpu.memory_space<hbm>>
        %dma_wait3A_1826 = tpu.memref_squeeze %dma_wait3A_1825 : memref<1x50x32xf32, #tpu.memory_space<hbm>> -> memref<50x32xf32, #tpu.memory_space<hbm>>
        %dma_wait3A_1827 = arith.constant 0 : i32
        %dma_wait3A_1828 = arith.constant 0 : i32
        %dma_wait3A_1829 = tpu.memref_slice %arg4[%add3A_1816, %dma_wait3A_1827, %dma_wait3A_1828] : memref<16384x50x32xf32, #tpu.memory_space<hbm>> -> memref<1x50x32xf32, #tpu.memory_space<hbm>>
        %dma_wait3A_1830 = tpu.memref_squeeze %dma_wait3A_1829 : memref<1x50x32xf32, #tpu.memory_space<hbm>> -> memref<50x32xf32, #tpu.memory_space<hbm>>
        %dma_wait3A_1831 = arith.constant 0 : i32
        %dma_wait3A_1832 = arith.constant 0 : i32
        %dma_wait3A_1833 = tpu.memref_slice %arg6[%dma_wait3A_1817, %dma_wait3A_1818, %dma_wait3A_1831, %dma_wait3A_1832] : memref<4x8x56x32xf32, #tpu.memory_space<vmem>> -> memref<1x1x50x32xf32, #tpu.memory_space<vmem>>
        %dma_wait3A_1834 = tpu.memref_squeeze %dma_wait3A_1833 : memref<1x1x50x32xf32, #tpu.memory_space<vmem>> -> memref<50x32xf32, #tpu.memory_space<vmem>>
        tpu.wait_dma2 semaphore(%arg11 : memref<!tpu.dma_semaphore, #tpu.memory_space<semaphore_mem>>) src(%dma_wait3A_1834 : memref<50x32xf32, #tpu.memory_space<vmem>>) dst(%dma_wait3A_1830 : memref<50x32xf32, #tpu.memory_space<hbm>>)
        %mul3A_1835 = arith.constant 8 : i32
        %mul3A_1836 = arith.muli %sub3A_1811, %mul3A_1835 : i32
        %add3A_1837 = arith.addi %mul3A_2, %mul3A_1836 : i32
        %add3A_1838 = arith.constant 1 : i32
        %add3A_1839 = arith.addi %add3A_1837, %add3A_1838 : i32
        %dma_wait3A_1840 = arith.constant 0 : i32
        %dma_wait3A_1841 = arith.constant 1 : i32
        %dma_wait3A_1842 = arith.constant 0 : i32
        %dma_wait3A_1843 = arith.constant 0 : i32
        %dma_wait3A_1844 = tpu.memref_slice %arg6[%dma_wait3A_1840, %dma_wait3A_1841, %dma_wait3A_1842, %dma_wait3A_1843] : memref<4x8x56x32xf32, #tpu.memory_space<vmem>> -> memref<1x1x50x32xf32, #tpu.memory_space<vmem>>
        %dma_wait3A_1845 = tpu.memref_squeeze %dma_wait3A_1844 : memref<1x1x50x32xf32, #tpu.memory_space<vmem>> -> memref<50x32xf32, #tpu.memory_space<vmem>>
        %dma_wait3A_1846 = arith.constant 0 : i32
        %dma_wait3A_1847 = arith.constant 0 : i32
        %dma_wait3A_1848 = tpu.memref_slice %arg4[%add3A_1839, %dma_wait3A_1846, %dma_wait3A_1847] : memref<16384x50x32xf32, #tpu.memory_space<hbm>> -> memref<1x50x32xf32, #tpu.memory_space<hbm>>
        %dma_wait3A_1849 = tpu.memref_squeeze %dma_wait3A_1848 : memref<1x50x32xf32, #tpu.memory_space<hbm>> -> memref<50x32xf32, #tpu.memory_space<hbm>>
        %dma_wait3A_1850 = arith.constant 0 : i32
        %dma_wait3A_1851 = arith.constant 0 : i32
        %dma_wait3A_1852 = tpu.memref_slice %arg4[%add3A_1839, %dma_wait3A_1850, %dma_wait3A_1851] : memref<16384x50x32xf32, #tpu.memory_space<hbm>> -> memref<1x50x32xf32, #tpu.memory_space<hbm>>
        %dma_wait3A_1853 = tpu.memref_squeeze %dma_wait3A_1852 : memref<1x50x32xf32, #tpu.memory_space<hbm>> -> memref<50x32xf32, #tpu.memory_space<hbm>>
        %dma_wait3A_1854 = arith.constant 0 : i32
        %dma_wait3A_1855 = arith.constant 0 : i32
        %dma_wait3A_1856 = tpu.memref_slice %arg6[%dma_wait3A_1840, %dma_wait3A_1841, %dma_wait3A_1854, %dma_wait3A_1855] : memref<4x8x56x32xf32, #tpu.memory_space<vmem>> -> memref<1x1x50x32xf32, #tpu.memory_space<vmem>>
        %dma_wait3A_1857 = tpu.memref_squeeze %dma_wait3A_1856 : memref<1x1x50x32xf32, #tpu.memory_space<vmem>> -> memref<50x32xf32, #tpu.memory_space<vmem>>
        tpu.wait_dma2 semaphore(%arg11 : memref<!tpu.dma_semaphore, #tpu.memory_space<semaphore_mem>>) src(%dma_wait3A_1857 : memref<50x32xf32, #tpu.memory_space<vmem>>) dst(%dma_wait3A_1853 : memref<50x32xf32, #tpu.memory_space<hbm>>)
        %mul3A_1858 = arith.constant 8 : i32
        %mul3A_1859 = arith.muli %sub3A_1811, %mul3A_1858 : i32
        %add3A_1860 = arith.addi %mul3A_2, %mul3A_1859 : i32
        %add3A_1861 = arith.constant 2 : i32
        %add3A_1862 = arith.addi %add3A_1860, %add3A_1861 : i32
        %dma_wait3A_1863 = arith.constant 0 : i32
        %dma_wait3A_1864 = arith.constant 2 : i32
        %dma_wait3A_1865 = arith.constant 0 : i32
        %dma_wait3A_1866 = arith.constant 0 : i32
        %dma_wait3A_1867 = tpu.memref_slice %arg6[%dma_wait3A_1863, %dma_wait3A_1864, %dma_wait3A_1865, %dma_wait3A_1866] : memref<4x8x56x32xf32, #tpu.memory_space<vmem>> -> memref<1x1x50x32xf32, #tpu.memory_space<vmem>>
        %dma_wait3A_1868 = tpu.memref_squeeze %dma_wait3A_1867 : memref<1x1x50x32xf32, #tpu.memory_space<vmem>> -> memref<50x32xf32, #tpu.memory_space<vmem>>
        %dma_wait3A_1869 = arith.constant 0 : i32
        %dma_wait3A_1870 = arith.constant 0 : i32
        %dma_wait3A_1871 = tpu.memref_slice %arg4[%add3A_1862, %dma_wait3A_1869, %dma_wait3A_1870] : memref<16384x50x32xf32, #tpu.memory_space<hbm>> -> memref<1x50x32xf32, #tpu.memory_space<hbm>>
        %dma_wait3A_1872 = tpu.memref_squeeze %dma_wait3A_1871 : memref<1x50x32xf32, #tpu.memory_space<hbm>> -> memref<50x32xf32, #tpu.memory_space<hbm>>
        %dma_wait3A_1873 = arith.constant 0 : i32
        %dma_wait3A_1874 = arith.constant 0 : i32
        %dma_wait3A_1875 = tpu.memref_slice %arg4[%add3A_1862, %dma_wait3A_1873, %dma_wait3A_1874] : memref<16384x50x32xf32, #tpu.memory_space<hbm>> -> memref<1x50x32xf32, #tpu.memory_space<hbm>>
        %dma_wait3A_1876 = tpu.memref_squeeze %dma_wait3A_1875 : memref<1x50x32xf32, #tpu.memory_space<hbm>> -> memref<50x32xf32, #tpu.memory_space<hbm>>
        %dma_wait3A_1877 = arith.constant 0 : i32
        %dma_wait3A_1878 = arith.constant 0 : i32
        %dma_wait3A_1879 = tpu.memref_slice %arg6[%dma_wait3A_1863, %dma_wait3A_1864, %dma_wait3A_1877, %dma_wait3A_1878] : memref<4x8x56x32xf32, #tpu.memory_space<vmem>> -> memref<1x1x50x32xf32, #tpu.memory_space<vmem>>
        %dma_wait3A_1880 = tpu.memref_squeeze %dma_wait3A_1879 : memref<1x1x50x32xf32, #tpu.memory_space<vmem>> -> memref<50x32xf32, #tpu.memory_space<vmem>>
        tpu.wait_dma2 semaphore(%arg11 : memref<!tpu.dma_semaphore, #tpu.memory_space<semaphore_mem>>) src(%dma_wait3A_1880 : memref<50x32xf32, #tpu.memory_space<vmem>>) dst(%dma_wait3A_1876 : memref<50x32xf32, #tpu.memory_space<hbm>>)
        %mul3A_1881 = arith.constant 8 : i32
        %mul3A_1882 = arith.muli %sub3A_1811, %mul3A_1881 : i32
        %add3A_1883 = arith.addi %mul3A_2, %mul3A_1882 : i32
        %add3A_1884 = arith.constant 3 : i32
        %add3A_1885 = arith.addi %add3A_1883, %add3A_1884 : i32
        %dma_wait3A_1886 = arith.constant 0 : i32
        %dma_wait3A_1887 = arith.constant 3 : i32
        %dma_wait3A_1888 = arith.constant 0 : i32
        %dma_wait3A_1889 = arith.constant 0 : i32
        %dma_wait3A_1890 = tpu.memref_slice %arg6[%dma_wait3A_1886, %dma_wait3A_1887, %dma_wait3A_1888, %dma_wait3A_1889] : memref<4x8x56x32xf32, #tpu.memory_space<vmem>> -> memref<1x1x50x32xf32, #tpu.memory_space<vmem>>
        %dma_wait3A_1891 = tpu.memref_squeeze %dma_wait3A_1890 : memref<1x1x50x32xf32, #tpu.memory_space<vmem>> -> memref<50x32xf32, #tpu.memory_space<vmem>>
        %dma_wait3A_1892 = arith.constant 0 : i32
        %dma_wait3A_1893 = arith.constant 0 : i32
        %dma_wait3A_1894 = tpu.memref_slice %arg4[%add3A_1885, %dma_wait3A_1892, %dma_wait3A_1893] : memref<16384x50x32xf32, #tpu.memory_space<hbm>> -> memref<1x50x32xf32, #tpu.memory_space<hbm>>
        %dma_wait3A_1895 = tpu.memref_squeeze %dma_wait3A_1894 : memref<1x50x32xf32, #tpu.memory_space<hbm>> -> memref<50x32xf32, #tpu.memory_space<hbm>>
        %dma_wait3A_1896 = arith.constant 0 : i32
        %dma_wait3A_1897 = arith.constant 0 : i32
        %dma_wait3A_1898 = tpu.memref_slice %arg4[%add3A_1885, %dma_wait3A_1896, %dma_wait3A_1897] : memref<16384x50x32xf32, #tpu.memory_space<hbm>> -> memref<1x50x32xf32, #tpu.memory_space<hbm>>
        %dma_wait3A_1899 = tpu.memref_squeeze %dma_wait3A_1898 : memref<1x50x32xf32, #tpu.memory_space<hbm>> -> memref<50x32xf32, #tpu.memory_space<hbm>>
        %dma_wait3A_1900 = arith.constant 0 : i32
        %dma_wait3A_1901 = arith.constant 0 : i32
        %dma_wait3A_1902 = tpu.memref_slice %arg6[%dma_wait3A_1886, %dma_wait3A_1887, %dma_wait3A_1900, %dma_wait3A_1901] : memref<4x8x56x32xf32, #tpu.memory_space<vmem>> -> memref<1x1x50x32xf32, #tpu.memory_space<vmem>>
        %dma_wait3A_1903 = tpu.memref_squeeze %dma_wait3A_1902 : memref<1x1x50x32xf32, #tpu.memory_space<vmem>> -> memref<50x32xf32, #tpu.memory_space<vmem>>
        tpu.wait_dma2 semaphore(%arg11 : memref<!tpu.dma_semaphore, #tpu.memory_space<semaphore_mem>>) src(%dma_wait3A_1903 : memref<50x32xf32, #tpu.memory_space<vmem>>) dst(%dma_wait3A_1899 : memref<50x32xf32, #tpu.memory_space<hbm>>)
        %mul3A_1904 = arith.constant 8 : i32
        %mul3A_1905 = arith.muli %sub3A_1811, %mul3A_1904 : i32
        %add3A_1906 = arith.addi %mul3A_2, %mul3A_1905 : i32
        %add3A_1907 = arith.constant 4 : i32
        %add3A_1908 = arith.addi %add3A_1906, %add3A_1907 : i32
        %dma_wait3A_1909 = arith.constant 0 : i32
        %dma_wait3A_1910 = arith.constant 4 : i32
        %dma_wait3A_1911 = arith.constant 0 : i32
        %dma_wait3A_1912 = arith.constant 0 : i32
        %dma_wait3A_1913 = tpu.memref_slice %arg6[%dma_wait3A_1909, %dma_wait3A_1910, %dma_wait3A_1911, %dma_wait3A_1912] : memref<4x8x56x32xf32, #tpu.memory_space<vmem>> -> memref<1x1x50x32xf32, #tpu.memory_space<vmem>>
        %dma_wait3A_1914 = tpu.memref_squeeze %dma_wait3A_1913 : memref<1x1x50x32xf32, #tpu.memory_space<vmem>> -> memref<50x32xf32, #tpu.memory_space<vmem>>
        %dma_wait3A_1915 = arith.constant 0 : i32
        %dma_wait3A_1916 = arith.constant 0 : i32
        %dma_wait3A_1917 = tpu.memref_slice %arg4[%add3A_1908, %dma_wait3A_1915, %dma_wait3A_1916] : memref<16384x50x32xf32, #tpu.memory_space<hbm>> -> memref<1x50x32xf32, #tpu.memory_space<hbm>>
        %dma_wait3A_1918 = tpu.memref_squeeze %dma_wait3A_1917 : memref<1x50x32xf32, #tpu.memory_space<hbm>> -> memref<50x32xf32, #tpu.memory_space<hbm>>
        %dma_wait3A_1919 = arith.constant 0 : i32
        %dma_wait3A_1920 = arith.constant 0 : i32
        %dma_wait3A_1921 = tpu.memref_slice %arg4[%add3A_1908, %dma_wait3A_1919, %dma_wait3A_1920] : memref<16384x50x32xf32, #tpu.memory_space<hbm>> -> memref<1x50x32xf32, #tpu.memory_space<hbm>>
        %dma_wait3A_1922 = tpu.memref_squeeze %dma_wait3A_1921 : memref<1x50x32xf32, #tpu.memory_space<hbm>> -> memref<50x32xf32, #tpu.memory_space<hbm>>
        %dma_wait3A_1923 = arith.constant 0 : i32
        %dma_wait3A_1924 = arith.constant 0 : i32
        %dma_wait3A_1925 = tpu.memref_slice %arg6[%dma_wait3A_1909, %dma_wait3A_1910, %dma_wait3A_1923, %dma_wait3A_1924] : memref<4x8x56x32xf32, #tpu.memory_space<vmem>> -> memref<1x1x50x32xf32, #tpu.memory_space<vmem>>
        %dma_wait3A_1926 = tpu.memref_squeeze %dma_wait3A_1925 : memref<1x1x50x32xf32, #tpu.memory_space<vmem>> -> memref<50x32xf32, #tpu.memory_space<vmem>>
        tpu.wait_dma2 semaphore(%arg11 : memref<!tpu.dma_semaphore, #tpu.memory_space<semaphore_mem>>) src(%dma_wait3A_1926 : memref<50x32xf32, #tpu.memory_space<vmem>>) dst(%dma_wait3A_1922 : memref<50x32xf32, #tpu.memory_space<hbm>>)
        %mul3A_1927 = arith.constant 8 : i32
        %mul3A_1928 = arith.muli %sub3A_1811, %mul3A_1927 : i32
        %add3A_1929 = arith.addi %mul3A_2, %mul3A_1928 : i32
        %add3A_1930 = arith.constant 5 : i32
        %add3A_1931 = arith.addi %add3A_1929, %add3A_1930 : i32
        %dma_wait3A_1932 = arith.constant 0 : i32
        %dma_wait3A_1933 = arith.constant 5 : i32
        %dma_wait3A_1934 = arith.constant 0 : i32
        %dma_wait3A_1935 = arith.constant 0 : i32
        %dma_wait3A_1936 = tpu.memref_slice %arg6[%dma_wait3A_1932, %dma_wait3A_1933, %dma_wait3A_1934, %dma_wait3A_1935] : memref<4x8x56x32xf32, #tpu.memory_space<vmem>> -> memref<1x1x50x32xf32, #tpu.memory_space<vmem>>
        %dma_wait3A_1937 = tpu.memref_squeeze %dma_wait3A_1936 : memref<1x1x50x32xf32, #tpu.memory_space<vmem>> -> memref<50x32xf32, #tpu.memory_space<vmem>>
        %dma_wait3A_1938 = arith.constant 0 : i32
        %dma_wait3A_1939 = arith.constant 0 : i32
        %dma_wait3A_1940 = tpu.memref_slice %arg4[%add3A_1931, %dma_wait3A_1938, %dma_wait3A_1939] : memref<16384x50x32xf32, #tpu.memory_space<hbm>> -> memref<1x50x32xf32, #tpu.memory_space<hbm>>
        %dma_wait3A_1941 = tpu.memref_squeeze %dma_wait3A_1940 : memref<1x50x32xf32, #tpu.memory_space<hbm>> -> memref<50x32xf32, #tpu.memory_space<hbm>>
        %dma_wait3A_1942 = arith.constant 0 : i32
        %dma_wait3A_1943 = arith.constant 0 : i32
        %dma_wait3A_1944 = tpu.memref_slice %arg4[%add3A_1931, %dma_wait3A_1942, %dma_wait3A_1943] : memref<16384x50x32xf32, #tpu.memory_space<hbm>> -> memref<1x50x32xf32, #tpu.memory_space<hbm>>
        %dma_wait3A_1945 = tpu.memref_squeeze %dma_wait3A_1944 : memref<1x50x32xf32, #tpu.memory_space<hbm>> -> memref<50x32xf32, #tpu.memory_space<hbm>>
        %dma_wait3A_1946 = arith.constant 0 : i32
        %dma_wait3A_1947 = arith.constant 0 : i32
        %dma_wait3A_1948 = tpu.memref_slice %arg6[%dma_wait3A_1932, %dma_wait3A_1933, %dma_wait3A_1946, %dma_wait3A_1947] : memref<4x8x56x32xf32, #tpu.memory_space<vmem>> -> memref<1x1x50x32xf32, #tpu.memory_space<vmem>>
        %dma_wait3A_1949 = tpu.memref_squeeze %dma_wait3A_1948 : memref<1x1x50x32xf32, #tpu.memory_space<vmem>> -> memref<50x32xf32, #tpu.memory_space<vmem>>
        tpu.wait_dma2 semaphore(%arg11 : memref<!tpu.dma_semaphore, #tpu.memory_space<semaphore_mem>>) src(%dma_wait3A_1949 : memref<50x32xf32, #tpu.memory_space<vmem>>) dst(%dma_wait3A_1945 : memref<50x32xf32, #tpu.memory_space<hbm>>)
        %mul3A_1950 = arith.constant 8 : i32
        %mul3A_1951 = arith.muli %sub3A_1811, %mul3A_1950 : i32
        %add3A_1952 = arith.addi %mul3A_2, %mul3A_1951 : i32
        %add3A_1953 = arith.constant 6 : i32
        %add3A_1954 = arith.addi %add3A_1952, %add3A_1953 : i32
        %dma_wait3A_1955 = arith.constant 0 : i32
        %dma_wait3A_1956 = arith.constant 6 : i32
        %dma_wait3A_1957 = arith.constant 0 : i32
        %dma_wait3A_1958 = arith.constant 0 : i32
        %dma_wait3A_1959 = tpu.memref_slice %arg6[%dma_wait3A_1955, %dma_wait3A_1956, %dma_wait3A_1957, %dma_wait3A_1958] : memref<4x8x56x32xf32, #tpu.memory_space<vmem>> -> memref<1x1x50x32xf32, #tpu.memory_space<vmem>>
        %dma_wait3A_1960 = tpu.memref_squeeze %dma_wait3A_1959 : memref<1x1x50x32xf32, #tpu.memory_space<vmem>> -> memref<50x32xf32, #tpu.memory_space<vmem>>
        %dma_wait3A_1961 = arith.constant 0 : i32
        %dma_wait3A_1962 = arith.constant 0 : i32
        %dma_wait3A_1963 = tpu.memref_slice %arg4[%add3A_1954, %dma_wait3A_1961, %dma_wait3A_1962] : memref<16384x50x32xf32, #tpu.memory_space<hbm>> -> memref<1x50x32xf32, #tpu.memory_space<hbm>>
        %dma_wait3A_1964 = tpu.memref_squeeze %dma_wait3A_1963 : memref<1x50x32xf32, #tpu.memory_space<hbm>> -> memref<50x32xf32, #tpu.memory_space<hbm>>
        %dma_wait3A_1965 = arith.constant 0 : i32
        %dma_wait3A_1966 = arith.constant 0 : i32
        %dma_wait3A_1967 = tpu.memref_slice %arg4[%add3A_1954, %dma_wait3A_1965, %dma_wait3A_1966] : memref<16384x50x32xf32, #tpu.memory_space<hbm>> -> memref<1x50x32xf32, #tpu.memory_space<hbm>>
        %dma_wait3A_1968 = tpu.memref_squeeze %dma_wait3A_1967 : memref<1x50x32xf32, #tpu.memory_space<hbm>> -> memref<50x32xf32, #tpu.memory_space<hbm>>
        %dma_wait3A_1969 = arith.constant 0 : i32
        %dma_wait3A_1970 = arith.constant 0 : i32
        %dma_wait3A_1971 = tpu.memref_slice %arg6[%dma_wait3A_1955, %dma_wait3A_1956, %dma_wait3A_1969, %dma_wait3A_1970] : memref<4x8x56x32xf32, #tpu.memory_space<vmem>> -> memref<1x1x50x32xf32, #tpu.memory_space<vmem>>
        %dma_wait3A_1972 = tpu.memref_squeeze %dma_wait3A_1971 : memref<1x1x50x32xf32, #tpu.memory_space<vmem>> -> memref<50x32xf32, #tpu.memory_space<vmem>>
        tpu.wait_dma2 semaphore(%arg11 : memref<!tpu.dma_semaphore, #tpu.memory_space<semaphore_mem>>) src(%dma_wait3A_1972 : memref<50x32xf32, #tpu.memory_space<vmem>>) dst(%dma_wait3A_1968 : memref<50x32xf32, #tpu.memory_space<hbm>>)
        %mul3A_1973 = arith.constant 8 : i32
        %mul3A_1974 = arith.muli %sub3A_1811, %mul3A_1973 : i32
        %add3A_1975 = arith.addi %mul3A_2, %mul3A_1974 : i32
        %add3A_1976 = arith.constant 7 : i32
        %add3A_1977 = arith.addi %add3A_1975, %add3A_1976 : i32
        %dma_wait3A_1978 = arith.constant 0 : i32
        %dma_wait3A_1979 = arith.constant 7 : i32
        %dma_wait3A_1980 = arith.constant 0 : i32
        %dma_wait3A_1981 = arith.constant 0 : i32
        %dma_wait3A_1982 = tpu.memref_slice %arg6[%dma_wait3A_1978, %dma_wait3A_1979, %dma_wait3A_1980, %dma_wait3A_1981] : memref<4x8x56x32xf32, #tpu.memory_space<vmem>> -> memref<1x1x50x32xf32, #tpu.memory_space<vmem>>
        %dma_wait3A_1983 = tpu.memref_squeeze %dma_wait3A_1982 : memref<1x1x50x32xf32, #tpu.memory_space<vmem>> -> memref<50x32xf32, #tpu.memory_space<vmem>>
        %dma_wait3A_1984 = arith.constant 0 : i32
        %dma_wait3A_1985 = arith.constant 0 : i32
        %dma_wait3A_1986 = tpu.memref_slice %arg4[%add3A_1977, %dma_wait3A_1984, %dma_wait3A_1985] : memref<16384x50x32xf32, #tpu.memory_space<hbm>> -> memref<1x50x32xf32, #tpu.memory_space<hbm>>
        %dma_wait3A_1987 = tpu.memref_squeeze %dma_wait3A_1986 : memref<1x50x32xf32, #tpu.memory_space<hbm>> -> memref<50x32xf32, #tpu.memory_space<hbm>>
        %dma_wait3A_1988 = arith.constant 0 : i32
        %dma_wait3A_1989 = arith.constant 0 : i32
        %dma_wait3A_1990 = tpu.memref_slice %arg4[%add3A_1977, %dma_wait3A_1988, %dma_wait3A_1989] : memref<16384x50x32xf32, #tpu.memory_space<hbm>> -> memref<1x50x32xf32, #tpu.memory_space<hbm>>
        %dma_wait3A_1991 = tpu.memref_squeeze %dma_wait3A_1990 : memref<1x50x32xf32, #tpu.memory_space<hbm>> -> memref<50x32xf32, #tpu.memory_space<hbm>>
        %dma_wait3A_1992 = arith.constant 0 : i32
        %dma_wait3A_1993 = arith.constant 0 : i32
        %dma_wait3A_1994 = tpu.memref_slice %arg6[%dma_wait3A_1978, %dma_wait3A_1979, %dma_wait3A_1992, %dma_wait3A_1993] : memref<4x8x56x32xf32, #tpu.memory_space<vmem>> -> memref<1x1x50x32xf32, #tpu.memory_space<vmem>>
        %dma_wait3A_1995 = tpu.memref_squeeze %dma_wait3A_1994 : memref<1x1x50x32xf32, #tpu.memory_space<vmem>> -> memref<50x32xf32, #tpu.memory_space<vmem>>
        tpu.wait_dma2 semaphore(%arg11 : memref<!tpu.dma_semaphore, #tpu.memory_space<semaphore_mem>>) src(%dma_wait3A_1995 : memref<50x32xf32, #tpu.memory_space<vmem>>) dst(%dma_wait3A_1991 : memref<50x32xf32, #tpu.memory_space<hbm>>)
      } else {
      }
      %add3A_1141 = arith.constant 4 : i32
      %add3A_1142 = arith.addi %add3A_823, %add3A_1141 : i32
      %sub3A_1143 = arith.constant 1 : i32
      %sub3A_1144 = arith.subi %add3A_1142, %sub3A_1143 : i32
      %lt3A_1145 = arith.constant 64 : i32
      %lt3A_1146 = arith.cmpi slt, %sub3A_1144, %lt3A_1145 : i32
      %convert_element_type3A_1147 = arith.extui %lt3A_1146 : i1 to i32
      %cond3A_1148 = arith.constant 0 : i32
      %cond3A_1149 = arith.cmpi ne, %convert_element_type3A_1147, %cond3A_1148 : i32
      scf.if %cond3A_1149 {
        %add3A_1810 = arith.constant 4 : i32
        %add3A_1811 = arith.addi %add3A_823, %add3A_1810 : i32
        %sub3A_1812 = arith.constant 1 : i32
        %sub3A_1813 = arith.subi %add3A_1811, %sub3A_1812 : i32
        %mul3A_1814 = arith.constant 8 : i32
        %mul3A_1815 = arith.muli %sub3A_1813, %mul3A_1814 : i32
        %add3A_1816 = arith.constant 0 : i32
        %add3A_1817 = arith.addi %mul3A_1815, %add3A_1816 : i32
        %dma_start3A_1818 = arith.constant 0 : i32
        %dma_start3A_1819 = arith.constant 0 : i32
        %dma_start3A_1820 = arith.constant 0 : i32
        %dma_start3A_1821 = arith.constant 0 : i32
        %dma_start3A_1822 = tpu.memref_slice %arg6[%dma_start3A_1818, %dma_start3A_1819, %dma_start3A_1820, %dma_start3A_1821] : memref<4x8x56x32xf32, #tpu.memory_space<vmem>> -> memref<1x1x56x32xf32, #tpu.memory_space<vmem>>
        %dma_start3A_1823 = tpu.memref_squeeze %dma_start3A_1822 : memref<1x1x56x32xf32, #tpu.memory_space<vmem>> -> memref<56x32xf32, #tpu.memory_space<vmem>>
        %dma_start3A_1824 = arith.constant 0 : i32
        %dma_start3A_1825 = tpu.memref_slice %arg5[%add3A_1817, %dma_start3A_1824] : memref<512x56xi32, #tpu.memory_space<vmem>> -> memref<1x56xi32, #tpu.memory_space<vmem>>
        %dma_start3A_1826 = tpu.memref_squeeze %dma_start3A_1825 : memref<1x56xi32, #tpu.memory_space<vmem>> -> memref<56xi32, #tpu.memory_space<vmem>>
        %dma_start3A_1827 = arith.constant 0 : i32
        %dma_start3A_1828 = arith.constant 0 : i32
        %dma_start3A_1829 = tpu.memref_slice %arg2[%dma_start3A_1827, %dma_start3A_1828] : memref<1000000x32xf32, #tpu.memory_space<hbm>> -> memref<1000000x32xf32, #tpu.memory_space<hbm>>
        tpu.enqueue_indirect_dma source(%dma_start3A_1829 : memref<1000000x32xf32, #tpu.memory_space<hbm>>) target(%dma_start3A_1823 : memref<56x32xf32, #tpu.memory_space<vmem>>) offsets(%dma_start3A_1826 : memref<56xi32, #tpu.memory_space<vmem>>) semaphore(%arg7 : memref<!tpu.dma_semaphore, #tpu.memory_space<semaphore_mem>>)
        %mul3A_1830 = arith.constant 8 : i32
        %mul3A_1831 = arith.muli %sub3A_1813, %mul3A_1830 : i32
        %add3A_1832 = arith.constant 1 : i32
        %add3A_1833 = arith.addi %mul3A_1831, %add3A_1832 : i32
        %dma_start3A_1834 = arith.constant 0 : i32
        %dma_start3A_1835 = arith.constant 1 : i32
        %dma_start3A_1836 = arith.constant 0 : i32
        %dma_start3A_1837 = arith.constant 0 : i32
        %dma_start3A_1838 = tpu.memref_slice %arg6[%dma_start3A_1834, %dma_start3A_1835, %dma_start3A_1836, %dma_start3A_1837] : memref<4x8x56x32xf32, #tpu.memory_space<vmem>> -> memref<1x1x56x32xf32, #tpu.memory_space<vmem>>
        %dma_start3A_1839 = tpu.memref_squeeze %dma_start3A_1838 : memref<1x1x56x32xf32, #tpu.memory_space<vmem>> -> memref<56x32xf32, #tpu.memory_space<vmem>>
        %dma_start3A_1840 = arith.constant 0 : i32
        %dma_start3A_1841 = tpu.memref_slice %arg5[%add3A_1833, %dma_start3A_1840] : memref<512x56xi32, #tpu.memory_space<vmem>> -> memref<1x56xi32, #tpu.memory_space<vmem>>
        %dma_start3A_1842 = tpu.memref_squeeze %dma_start3A_1841 : memref<1x56xi32, #tpu.memory_space<vmem>> -> memref<56xi32, #tpu.memory_space<vmem>>
        %dma_start3A_1843 = arith.constant 0 : i32
        %dma_start3A_1844 = arith.constant 0 : i32
        %dma_start3A_1845 = tpu.memref_slice %arg2[%dma_start3A_1843, %dma_start3A_1844] : memref<1000000x32xf32, #tpu.memory_space<hbm>> -> memref<1000000x32xf32, #tpu.memory_space<hbm>>
        tpu.enqueue_indirect_dma source(%dma_start3A_1845 : memref<1000000x32xf32, #tpu.memory_space<hbm>>) target(%dma_start3A_1839 : memref<56x32xf32, #tpu.memory_space<vmem>>) offsets(%dma_start3A_1842 : memref<56xi32, #tpu.memory_space<vmem>>) semaphore(%arg7 : memref<!tpu.dma_semaphore, #tpu.memory_space<semaphore_mem>>)
        %mul3A_1846 = arith.constant 8 : i32
        %mul3A_1847 = arith.muli %sub3A_1813, %mul3A_1846 : i32
        %add3A_1848 = arith.constant 2 : i32
        %add3A_1849 = arith.addi %mul3A_1847, %add3A_1848 : i32
        %dma_start3A_1850 = arith.constant 0 : i32
        %dma_start3A_1851 = arith.constant 2 : i32
        %dma_start3A_1852 = arith.constant 0 : i32
        %dma_start3A_1853 = arith.constant 0 : i32
        %dma_start3A_1854 = tpu.memref_slice %arg6[%dma_start3A_1850, %dma_start3A_1851, %dma_start3A_1852, %dma_start3A_1853] : memref<4x8x56x32xf32, #tpu.memory_space<vmem>> -> memref<1x1x56x32xf32, #tpu.memory_space<vmem>>
        %dma_start3A_1855 = tpu.memref_squeeze %dma_start3A_1854 : memref<1x1x56x32xf32, #tpu.memory_space<vmem>> -> memref<56x32xf32, #tpu.memory_space<vmem>>
        %dma_start3A_1856 = arith.constant 0 : i32
        %dma_start3A_1857 = tpu.memref_slice %arg5[%add3A_1849, %dma_start3A_1856] : memref<512x56xi32, #tpu.memory_space<vmem>> -> memref<1x56xi32, #tpu.memory_space<vmem>>
        %dma_start3A_1858 = tpu.memref_squeeze %dma_start3A_1857 : memref<1x56xi32, #tpu.memory_space<vmem>> -> memref<56xi32, #tpu.memory_space<vmem>>
        %dma_start3A_1859 = arith.constant 0 : i32
        %dma_start3A_1860 = arith.constant 0 : i32
        %dma_start3A_1861 = tpu.memref_slice %arg2[%dma_start3A_1859, %dma_start3A_1860] : memref<1000000x32xf32, #tpu.memory_space<hbm>> -> memref<1000000x32xf32, #tpu.memory_space<hbm>>
        tpu.enqueue_indirect_dma source(%dma_start3A_1861 : memref<1000000x32xf32, #tpu.memory_space<hbm>>) target(%dma_start3A_1855 : memref<56x32xf32, #tpu.memory_space<vmem>>) offsets(%dma_start3A_1858 : memref<56xi32, #tpu.memory_space<vmem>>) semaphore(%arg7 : memref<!tpu.dma_semaphore, #tpu.memory_space<semaphore_mem>>)
        %mul3A_1862 = arith.constant 8 : i32
        %mul3A_1863 = arith.muli %sub3A_1813, %mul3A_1862 : i32
        %add3A_1864 = arith.constant 3 : i32
        %add3A_1865 = arith.addi %mul3A_1863, %add3A_1864 : i32
        %dma_start3A_1866 = arith.constant 0 : i32
        %dma_start3A_1867 = arith.constant 3 : i32
        %dma_start3A_1868 = arith.constant 0 : i32
        %dma_start3A_1869 = arith.constant 0 : i32
        %dma_start3A_1870 = tpu.memref_slice %arg6[%dma_start3A_1866, %dma_start3A_1867, %dma_start3A_1868, %dma_start3A_1869] : memref<4x8x56x32xf32, #tpu.memory_space<vmem>> -> memref<1x1x56x32xf32, #tpu.memory_space<vmem>>
        %dma_start3A_1871 = tpu.memref_squeeze %dma_start3A_1870 : memref<1x1x56x32xf32, #tpu.memory_space<vmem>> -> memref<56x32xf32, #tpu.memory_space<vmem>>
        %dma_start3A_1872 = arith.constant 0 : i32
        %dma_start3A_1873 = tpu.memref_slice %arg5[%add3A_1865, %dma_start3A_1872] : memref<512x56xi32, #tpu.memory_space<vmem>> -> memref<1x56xi32, #tpu.memory_space<vmem>>
        %dma_start3A_1874 = tpu.memref_squeeze %dma_start3A_1873 : memref<1x56xi32, #tpu.memory_space<vmem>> -> memref<56xi32, #tpu.memory_space<vmem>>
        %dma_start3A_1875 = arith.constant 0 : i32
        %dma_start3A_1876 = arith.constant 0 : i32
        %dma_start3A_1877 = tpu.memref_slice %arg2[%dma_start3A_1875, %dma_start3A_1876] : memref<1000000x32xf32, #tpu.memory_space<hbm>> -> memref<1000000x32xf32, #tpu.memory_space<hbm>>
        tpu.enqueue_indirect_dma source(%dma_start3A_1877 : memref<1000000x32xf32, #tpu.memory_space<hbm>>) target(%dma_start3A_1871 : memref<56x32xf32, #tpu.memory_space<vmem>>) offsets(%dma_start3A_1874 : memref<56xi32, #tpu.memory_space<vmem>>) semaphore(%arg7 : memref<!tpu.dma_semaphore, #tpu.memory_space<semaphore_mem>>)
        %mul3A_1878 = arith.constant 8 : i32
        %mul3A_1879 = arith.muli %sub3A_1813, %mul3A_1878 : i32
        %add3A_1880 = arith.constant 4 : i32
        %add3A_1881 = arith.addi %mul3A_1879, %add3A_1880 : i32
        %dma_start3A_1882 = arith.constant 0 : i32
        %dma_start3A_1883 = arith.constant 4 : i32
        %dma_start3A_1884 = arith.constant 0 : i32
        %dma_start3A_1885 = arith.constant 0 : i32
        %dma_start3A_1886 = tpu.memref_slice %arg6[%dma_start3A_1882, %dma_start3A_1883, %dma_start3A_1884, %dma_start3A_1885] : memref<4x8x56x32xf32, #tpu.memory_space<vmem>> -> memref<1x1x56x32xf32, #tpu.memory_space<vmem>>
        %dma_start3A_1887 = tpu.memref_squeeze %dma_start3A_1886 : memref<1x1x56x32xf32, #tpu.memory_space<vmem>> -> memref<56x32xf32, #tpu.memory_space<vmem>>
        %dma_start3A_1888 = arith.constant 0 : i32
        %dma_start3A_1889 = tpu.memref_slice %arg5[%add3A_1881, %dma_start3A_1888] : memref<512x56xi32, #tpu.memory_space<vmem>> -> memref<1x56xi32, #tpu.memory_space<vmem>>
        %dma_start3A_1890 = tpu.memref_squeeze %dma_start3A_1889 : memref<1x56xi32, #tpu.memory_space<vmem>> -> memref<56xi32, #tpu.memory_space<vmem>>
        %dma_start3A_1891 = arith.constant 0 : i32
        %dma_start3A_1892 = arith.constant 0 : i32
        %dma_start3A_1893 = tpu.memref_slice %arg2[%dma_start3A_1891, %dma_start3A_1892] : memref<1000000x32xf32, #tpu.memory_space<hbm>> -> memref<1000000x32xf32, #tpu.memory_space<hbm>>
        tpu.enqueue_indirect_dma source(%dma_start3A_1893 : memref<1000000x32xf32, #tpu.memory_space<hbm>>) target(%dma_start3A_1887 : memref<56x32xf32, #tpu.memory_space<vmem>>) offsets(%dma_start3A_1890 : memref<56xi32, #tpu.memory_space<vmem>>) semaphore(%arg7 : memref<!tpu.dma_semaphore, #tpu.memory_space<semaphore_mem>>)
        %mul3A_1894 = arith.constant 8 : i32
        %mul3A_1895 = arith.muli %sub3A_1813, %mul3A_1894 : i32
        %add3A_1896 = arith.constant 5 : i32
        %add3A_1897 = arith.addi %mul3A_1895, %add3A_1896 : i32
        %dma_start3A_1898 = arith.constant 0 : i32
        %dma_start3A_1899 = arith.constant 5 : i32
        %dma_start3A_1900 = arith.constant 0 : i32
        %dma_start3A_1901 = arith.constant 0 : i32
        %dma_start3A_1902 = tpu.memref_slice %arg6[%dma_start3A_1898, %dma_start3A_1899, %dma_start3A_1900, %dma_start3A_1901] : memref<4x8x56x32xf32, #tpu.memory_space<vmem>> -> memref<1x1x56x32xf32, #tpu.memory_space<vmem>>
        %dma_start3A_1903 = tpu.memref_squeeze %dma_start3A_1902 : memref<1x1x56x32xf32, #tpu.memory_space<vmem>> -> memref<56x32xf32, #tpu.memory_space<vmem>>
        %dma_start3A_1904 = arith.constant 0 : i32
        %dma_start3A_1905 = tpu.memref_slice %arg5[%add3A_1897, %dma_start3A_1904] : memref<512x56xi32, #tpu.memory_space<vmem>> -> memref<1x56xi32, #tpu.memory_space<vmem>>
        %dma_start3A_1906 = tpu.memref_squeeze %dma_start3A_1905 : memref<1x56xi32, #tpu.memory_space<vmem>> -> memref<56xi32, #tpu.memory_space<vmem>>
        %dma_start3A_1907 = arith.constant 0 : i32
        %dma_start3A_1908 = arith.constant 0 : i32
        %dma_start3A_1909 = tpu.memref_slice %arg2[%dma_start3A_1907, %dma_start3A_1908] : memref<1000000x32xf32, #tpu.memory_space<hbm>> -> memref<1000000x32xf32, #tpu.memory_space<hbm>>
        tpu.enqueue_indirect_dma source(%dma_start3A_1909 : memref<1000000x32xf32, #tpu.memory_space<hbm>>) target(%dma_start3A_1903 : memref<56x32xf32, #tpu.memory_space<vmem>>) offsets(%dma_start3A_1906 : memref<56xi32, #tpu.memory_space<vmem>>) semaphore(%arg7 : memref<!tpu.dma_semaphore, #tpu.memory_space<semaphore_mem>>)
        %mul3A_1910 = arith.constant 8 : i32
        %mul3A_1911 = arith.muli %sub3A_1813, %mul3A_1910 : i32
        %add3A_1912 = arith.constant 6 : i32
        %add3A_1913 = arith.addi %mul3A_1911, %add3A_1912 : i32
        %dma_start3A_1914 = arith.constant 0 : i32
        %dma_start3A_1915 = arith.constant 6 : i32
        %dma_start3A_1916 = arith.constant 0 : i32
        %dma_start3A_1917 = arith.constant 0 : i32
        %dma_start3A_1918 = tpu.memref_slice %arg6[%dma_start3A_1914, %dma_start3A_1915, %dma_start3A_1916, %dma_start3A_1917] : memref<4x8x56x32xf32, #tpu.memory_space<vmem>> -> memref<1x1x56x32xf32, #tpu.memory_space<vmem>>
        %dma_start3A_1919 = tpu.memref_squeeze %dma_start3A_1918 : memref<1x1x56x32xf32, #tpu.memory_space<vmem>> -> memref<56x32xf32, #tpu.memory_space<vmem>>
        %dma_start3A_1920 = arith.constant 0 : i32
        %dma_start3A_1921 = tpu.memref_slice %arg5[%add3A_1913, %dma_start3A_1920] : memref<512x56xi32, #tpu.memory_space<vmem>> -> memref<1x56xi32, #tpu.memory_space<vmem>>
        %dma_start3A_1922 = tpu.memref_squeeze %dma_start3A_1921 : memref<1x56xi32, #tpu.memory_space<vmem>> -> memref<56xi32, #tpu.memory_space<vmem>>
        %dma_start3A_1923 = arith.constant 0 : i32
        %dma_start3A_1924 = arith.constant 0 : i32
        %dma_start3A_1925 = tpu.memref_slice %arg2[%dma_start3A_1923, %dma_start3A_1924] : memref<1000000x32xf32, #tpu.memory_space<hbm>> -> memref<1000000x32xf32, #tpu.memory_space<hbm>>
        tpu.enqueue_indirect_dma source(%dma_start3A_1925 : memref<1000000x32xf32, #tpu.memory_space<hbm>>) target(%dma_start3A_1919 : memref<56x32xf32, #tpu.memory_space<vmem>>) offsets(%dma_start3A_1922 : memref<56xi32, #tpu.memory_space<vmem>>) semaphore(%arg7 : memref<!tpu.dma_semaphore, #tpu.memory_space<semaphore_mem>>)
        %mul3A_1926 = arith.constant 8 : i32
        %mul3A_1927 = arith.muli %sub3A_1813, %mul3A_1926 : i32
        %add3A_1928 = arith.constant 7 : i32
        %add3A_1929 = arith.addi %mul3A_1927, %add3A_1928 : i32
        %dma_start3A_1930 = arith.constant 0 : i32
        %dma_start3A_1931 = arith.constant 7 : i32
        %dma_start3A_1932 = arith.constant 0 : i32
        %dma_start3A_1933 = arith.constant 0 : i32
        %dma_start3A_1934 = tpu.memref_slice %arg6[%dma_start3A_1930, %dma_start3A_1931, %dma_start3A_1932, %dma_start3A_1933] : memref<4x8x56x32xf32, #tpu.memory_space<vmem>> -> memref<1x1x56x32xf32, #tpu.memory_space<vmem>>
        %dma_start3A_1935 = tpu.memref_squeeze %dma_start3A_1934 : memref<1x1x56x32xf32, #tpu.memory_space<vmem>> -> memref<56x32xf32, #tpu.memory_space<vmem>>
        %dma_start3A_1936 = arith.constant 0 : i32
        %dma_start3A_1937 = tpu.memref_slice %arg5[%add3A_1929, %dma_start3A_1936] : memref<512x56xi32, #tpu.memory_space<vmem>> -> memref<1x56xi32, #tpu.memory_space<vmem>>
        %dma_start3A_1938 = tpu.memref_squeeze %dma_start3A_1937 : memref<1x56xi32, #tpu.memory_space<vmem>> -> memref<56xi32, #tpu.memory_space<vmem>>
        %dma_start3A_1939 = arith.constant 0 : i32
        %dma_start3A_1940 = arith.constant 0 : i32
        %dma_start3A_1941 = tpu.memref_slice %arg2[%dma_start3A_1939, %dma_start3A_1940] : memref<1000000x32xf32, #tpu.memory_space<hbm>> -> memref<1000000x32xf32, #tpu.memory_space<hbm>>
        tpu.enqueue_indirect_dma source(%dma_start3A_1941 : memref<1000000x32xf32, #tpu.memory_space<hbm>>) target(%dma_start3A_1935 : memref<56x32xf32, #tpu.memory_space<vmem>>) offsets(%dma_start3A_1938 : memref<56xi32, #tpu.memory_space<vmem>>) semaphore(%arg7 : memref<!tpu.dma_semaphore, #tpu.memory_space<semaphore_mem>>)
      } else {
      }
      %mul3A_1150 = arith.constant 4 : i32
      %mul3A_1151 = arith.muli %scan3A_494, %mul3A_1150 : i32
      %add3A_1152 = arith.constant 2 : i32
      %add3A_1153 = arith.addi %mul3A_1151, %add3A_1152 : i32
      %mul3A_1154 = arith.constant 8 : i32
      %mul3A_1155 = arith.muli %add3A_1153, %mul3A_1154 : i32
      %add3A_1156 = arith.constant 0 : i32
      %add3A_1157 = arith.addi %mul3A_1155, %add3A_1156 : i32
      %dma_wait3A_1158 = arith.constant 2 : i32
      %dma_wait3A_1159 = arith.constant 0 : i32
      %dma_wait3A_1160 = arith.constant 0 : i32
      %dma_wait3A_1161 = arith.constant 0 : i32
      %dma_wait3A_1162 = tpu.memref_slice %arg6[%dma_wait3A_1158, %dma_wait3A_1159, %dma_wait3A_1160, %dma_wait3A_1161] : memref<4x8x56x32xf32, #tpu.memory_space<vmem>> -> memref<1x1x56x32xf32, #tpu.memory_space<vmem>>
      %dma_wait3A_1163 = tpu.memref_squeeze %dma_wait3A_1162 : memref<1x1x56x32xf32, #tpu.memory_space<vmem>> -> memref<56x32xf32, #tpu.memory_space<vmem>>
      %dma_wait3A_1164 = arith.constant 0 : i32
      %dma_wait3A_1165 = tpu.memref_slice %arg5[%add3A_1157, %dma_wait3A_1164] : memref<512x56xi32, #tpu.memory_space<vmem>> -> memref<1x56xi32, #tpu.memory_space<vmem>>
      %dma_wait3A_1166 = tpu.memref_squeeze %dma_wait3A_1165 : memref<1x56xi32, #tpu.memory_space<vmem>> -> memref<56xi32, #tpu.memory_space<vmem>>
      %dma_wait3A_1167 = arith.constant 0 : i32
      %dma_wait3A_1168 = arith.constant 0 : i32
      %dma_wait3A_1169 = tpu.memref_slice %arg2[%dma_wait3A_1167, %dma_wait3A_1168] : memref<1000000x32xf32, #tpu.memory_space<hbm>> -> memref<1000000x32xf32, #tpu.memory_space<hbm>>
      tpu.wait_indirect_dma semaphore(%arg9 : memref<!tpu.dma_semaphore, #tpu.memory_space<semaphore_mem>>) src(%dma_wait3A_1169 : memref<1000000x32xf32, #tpu.memory_space<hbm>>) dst(%dma_wait3A_1163 : memref<56x32xf32, #tpu.memory_space<vmem>>)
      %mul3A_1170 = arith.constant 8 : i32
      %mul3A_1171 = arith.muli %add3A_1153, %mul3A_1170 : i32
      %add3A_1172 = arith.constant 1 : i32
      %add3A_1173 = arith.addi %mul3A_1171, %add3A_1172 : i32
      %dma_wait3A_1174 = arith.constant 2 : i32
      %dma_wait3A_1175 = arith.constant 1 : i32
      %dma_wait3A_1176 = arith.constant 0 : i32
      %dma_wait3A_1177 = arith.constant 0 : i32
      %dma_wait3A_1178 = tpu.memref_slice %arg6[%dma_wait3A_1174, %dma_wait3A_1175, %dma_wait3A_1176, %dma_wait3A_1177] : memref<4x8x56x32xf32, #tpu.memory_space<vmem>> -> memref<1x1x56x32xf32, #tpu.memory_space<vmem>>
      %dma_wait3A_1179 = tpu.memref_squeeze %dma_wait3A_1178 : memref<1x1x56x32xf32, #tpu.memory_space<vmem>> -> memref<56x32xf32, #tpu.memory_space<vmem>>
      %dma_wait3A_1180 = arith.constant 0 : i32
      %dma_wait3A_1181 = tpu.memref_slice %arg5[%add3A_1173, %dma_wait3A_1180] : memref<512x56xi32, #tpu.memory_space<vmem>> -> memref<1x56xi32, #tpu.memory_space<vmem>>
      %dma_wait3A_1182 = tpu.memref_squeeze %dma_wait3A_1181 : memref<1x56xi32, #tpu.memory_space<vmem>> -> memref<56xi32, #tpu.memory_space<vmem>>
      %dma_wait3A_1183 = arith.constant 0 : i32
      %dma_wait3A_1184 = arith.constant 0 : i32
      %dma_wait3A_1185 = tpu.memref_slice %arg2[%dma_wait3A_1183, %dma_wait3A_1184] : memref<1000000x32xf32, #tpu.memory_space<hbm>> -> memref<1000000x32xf32, #tpu.memory_space<hbm>>
      tpu.wait_indirect_dma semaphore(%arg9 : memref<!tpu.dma_semaphore, #tpu.memory_space<semaphore_mem>>) src(%dma_wait3A_1185 : memref<1000000x32xf32, #tpu.memory_space<hbm>>) dst(%dma_wait3A_1179 : memref<56x32xf32, #tpu.memory_space<vmem>>)
      %mul3A_1186 = arith.constant 8 : i32
      %mul3A_1187 = arith.muli %add3A_1153, %mul3A_1186 : i32
      %add3A_1188 = arith.constant 2 : i32
      %add3A_1189 = arith.addi %mul3A_1187, %add3A_1188 : i32
      %dma_wait3A_1190 = arith.constant 2 : i32
      %dma_wait3A_1191 = arith.constant 2 : i32
      %dma_wait3A_1192 = arith.constant 0 : i32
      %dma_wait3A_1193 = arith.constant 0 : i32
      %dma_wait3A_1194 = tpu.memref_slice %arg6[%dma_wait3A_1190, %dma_wait3A_1191, %dma_wait3A_1192, %dma_wait3A_1193] : memref<4x8x56x32xf32, #tpu.memory_space<vmem>> -> memref<1x1x56x32xf32, #tpu.memory_space<vmem>>
      %dma_wait3A_1195 = tpu.memref_squeeze %dma_wait3A_1194 : memref<1x1x56x32xf32, #tpu.memory_space<vmem>> -> memref<56x32xf32, #tpu.memory_space<vmem>>
      %dma_wait3A_1196 = arith.constant 0 : i32
      %dma_wait3A_1197 = tpu.memref_slice %arg5[%add3A_1189, %dma_wait3A_1196] : memref<512x56xi32, #tpu.memory_space<vmem>> -> memref<1x56xi32, #tpu.memory_space<vmem>>
      %dma_wait3A_1198 = tpu.memref_squeeze %dma_wait3A_1197 : memref<1x56xi32, #tpu.memory_space<vmem>> -> memref<56xi32, #tpu.memory_space<vmem>>
      %dma_wait3A_1199 = arith.constant 0 : i32
      %dma_wait3A_1200 = arith.constant 0 : i32
      %dma_wait3A_1201 = tpu.memref_slice %arg2[%dma_wait3A_1199, %dma_wait3A_1200] : memref<1000000x32xf32, #tpu.memory_space<hbm>> -> memref<1000000x32xf32, #tpu.memory_space<hbm>>
      tpu.wait_indirect_dma semaphore(%arg9 : memref<!tpu.dma_semaphore, #tpu.memory_space<semaphore_mem>>) src(%dma_wait3A_1201 : memref<1000000x32xf32, #tpu.memory_space<hbm>>) dst(%dma_wait3A_1195 : memref<56x32xf32, #tpu.memory_space<vmem>>)
      %mul3A_1202 = arith.constant 8 : i32
      %mul3A_1203 = arith.muli %add3A_1153, %mul3A_1202 : i32
      %add3A_1204 = arith.constant 3 : i32
      %add3A_1205 = arith.addi %mul3A_1203, %add3A_1204 : i32
      %dma_wait3A_1206 = arith.constant 2 : i32
      %dma_wait3A_1207 = arith.constant 3 : i32
      %dma_wait3A_1208 = arith.constant 0 : i32
      %dma_wait3A_1209 = arith.constant 0 : i32
      %dma_wait3A_1210 = tpu.memref_slice %arg6[%dma_wait3A_1206, %dma_wait3A_1207, %dma_wait3A_1208, %dma_wait3A_1209] : memref<4x8x56x32xf32, #tpu.memory_space<vmem>> -> memref<1x1x56x32xf32, #tpu.memory_space<vmem>>
      %dma_wait3A_1211 = tpu.memref_squeeze %dma_wait3A_1210 : memref<1x1x56x32xf32, #tpu.memory_space<vmem>> -> memref<56x32xf32, #tpu.memory_space<vmem>>
      %dma_wait3A_1212 = arith.constant 0 : i32
      %dma_wait3A_1213 = tpu.memref_slice %arg5[%add3A_1205, %dma_wait3A_1212] : memref<512x56xi32, #tpu.memory_space<vmem>> -> memref<1x56xi32, #tpu.memory_space<vmem>>
      %dma_wait3A_1214 = tpu.memref_squeeze %dma_wait3A_1213 : memref<1x56xi32, #tpu.memory_space<vmem>> -> memref<56xi32, #tpu.memory_space<vmem>>
      %dma_wait3A_1215 = arith.constant 0 : i32
      %dma_wait3A_1216 = arith.constant 0 : i32
      %dma_wait3A_1217 = tpu.memref_slice %arg2[%dma_wait3A_1215, %dma_wait3A_1216] : memref<1000000x32xf32, #tpu.memory_space<hbm>> -> memref<1000000x32xf32, #tpu.memory_space<hbm>>
      tpu.wait_indirect_dma semaphore(%arg9 : memref<!tpu.dma_semaphore, #tpu.memory_space<semaphore_mem>>) src(%dma_wait3A_1217 : memref<1000000x32xf32, #tpu.memory_space<hbm>>) dst(%dma_wait3A_1211 : memref<56x32xf32, #tpu.memory_space<vmem>>)
      %mul3A_1218 = arith.constant 8 : i32
      %mul3A_1219 = arith.muli %add3A_1153, %mul3A_1218 : i32
      %add3A_1220 = arith.constant 4 : i32
      %add3A_1221 = arith.addi %mul3A_1219, %add3A_1220 : i32
      %dma_wait3A_1222 = arith.constant 2 : i32
      %dma_wait3A_1223 = arith.constant 4 : i32
      %dma_wait3A_1224 = arith.constant 0 : i32
      %dma_wait3A_1225 = arith.constant 0 : i32
      %dma_wait3A_1226 = tpu.memref_slice %arg6[%dma_wait3A_1222, %dma_wait3A_1223, %dma_wait3A_1224, %dma_wait3A_1225] : memref<4x8x56x32xf32, #tpu.memory_space<vmem>> -> memref<1x1x56x32xf32, #tpu.memory_space<vmem>>
      %dma_wait3A_1227 = tpu.memref_squeeze %dma_wait3A_1226 : memref<1x1x56x32xf32, #tpu.memory_space<vmem>> -> memref<56x32xf32, #tpu.memory_space<vmem>>
      %dma_wait3A_1228 = arith.constant 0 : i32
      %dma_wait3A_1229 = tpu.memref_slice %arg5[%add3A_1221, %dma_wait3A_1228] : memref<512x56xi32, #tpu.memory_space<vmem>> -> memref<1x56xi32, #tpu.memory_space<vmem>>
      %dma_wait3A_1230 = tpu.memref_squeeze %dma_wait3A_1229 : memref<1x56xi32, #tpu.memory_space<vmem>> -> memref<56xi32, #tpu.memory_space<vmem>>
      %dma_wait3A_1231 = arith.constant 0 : i32
      %dma_wait3A_1232 = arith.constant 0 : i32
      %dma_wait3A_1233 = tpu.memref_slice %arg2[%dma_wait3A_1231, %dma_wait3A_1232] : memref<1000000x32xf32, #tpu.memory_space<hbm>> -> memref<1000000x32xf32, #tpu.memory_space<hbm>>
      tpu.wait_indirect_dma semaphore(%arg9 : memref<!tpu.dma_semaphore, #tpu.memory_space<semaphore_mem>>) src(%dma_wait3A_1233 : memref<1000000x32xf32, #tpu.memory_space<hbm>>) dst(%dma_wait3A_1227 : memref<56x32xf32, #tpu.memory_space<vmem>>)
      %mul3A_1234 = arith.constant 8 : i32
      %mul3A_1235 = arith.muli %add3A_1153, %mul3A_1234 : i32
      %add3A_1236 = arith.constant 5 : i32
      %add3A_1237 = arith.addi %mul3A_1235, %add3A_1236 : i32
      %dma_wait3A_1238 = arith.constant 2 : i32
      %dma_wait3A_1239 = arith.constant 5 : i32
      %dma_wait3A_1240 = arith.constant 0 : i32
      %dma_wait3A_1241 = arith.constant 0 : i32
      %dma_wait3A_1242 = tpu.memref_slice %arg6[%dma_wait3A_1238, %dma_wait3A_1239, %dma_wait3A_1240, %dma_wait3A_1241] : memref<4x8x56x32xf32, #tpu.memory_space<vmem>> -> memref<1x1x56x32xf32, #tpu.memory_space<vmem>>
      %dma_wait3A_1243 = tpu.memref_squeeze %dma_wait3A_1242 : memref<1x1x56x32xf32, #tpu.memory_space<vmem>> -> memref<56x32xf32, #tpu.memory_space<vmem>>
      %dma_wait3A_1244 = arith.constant 0 : i32
      %dma_wait3A_1245 = tpu.memref_slice %arg5[%add3A_1237, %dma_wait3A_1244] : memref<512x56xi32, #tpu.memory_space<vmem>> -> memref<1x56xi32, #tpu.memory_space<vmem>>
      %dma_wait3A_1246 = tpu.memref_squeeze %dma_wait3A_1245 : memref<1x56xi32, #tpu.memory_space<vmem>> -> memref<56xi32, #tpu.memory_space<vmem>>
      %dma_wait3A_1247 = arith.constant 0 : i32
      %dma_wait3A_1248 = arith.constant 0 : i32
      %dma_wait3A_1249 = tpu.memref_slice %arg2[%dma_wait3A_1247, %dma_wait3A_1248] : memref<1000000x32xf32, #tpu.memory_space<hbm>> -> memref<1000000x32xf32, #tpu.memory_space<hbm>>
      tpu.wait_indirect_dma semaphore(%arg9 : memref<!tpu.dma_semaphore, #tpu.memory_space<semaphore_mem>>) src(%dma_wait3A_1249 : memref<1000000x32xf32, #tpu.memory_space<hbm>>) dst(%dma_wait3A_1243 : memref<56x32xf32, #tpu.memory_space<vmem>>)
      %mul3A_1250 = arith.constant 8 : i32
      %mul3A_1251 = arith.muli %add3A_1153, %mul3A_1250 : i32
      %add3A_1252 = arith.constant 6 : i32
      %add3A_1253 = arith.addi %mul3A_1251, %add3A_1252 : i32
      %dma_wait3A_1254 = arith.constant 2 : i32
      %dma_wait3A_1255 = arith.constant 6 : i32
      %dma_wait3A_1256 = arith.constant 0 : i32
      %dma_wait3A_1257 = arith.constant 0 : i32
      %dma_wait3A_1258 = tpu.memref_slice %arg6[%dma_wait3A_1254, %dma_wait3A_1255, %dma_wait3A_1256, %dma_wait3A_1257] : memref<4x8x56x32xf32, #tpu.memory_space<vmem>> -> memref<1x1x56x32xf32, #tpu.memory_space<vmem>>
      %dma_wait3A_1259 = tpu.memref_squeeze %dma_wait3A_1258 : memref<1x1x56x32xf32, #tpu.memory_space<vmem>> -> memref<56x32xf32, #tpu.memory_space<vmem>>
      %dma_wait3A_1260 = arith.constant 0 : i32
      %dma_wait3A_1261 = tpu.memref_slice %arg5[%add3A_1253, %dma_wait3A_1260] : memref<512x56xi32, #tpu.memory_space<vmem>> -> memref<1x56xi32, #tpu.memory_space<vmem>>
      %dma_wait3A_1262 = tpu.memref_squeeze %dma_wait3A_1261 : memref<1x56xi32, #tpu.memory_space<vmem>> -> memref<56xi32, #tpu.memory_space<vmem>>
      %dma_wait3A_1263 = arith.constant 0 : i32
      %dma_wait3A_1264 = arith.constant 0 : i32
      %dma_wait3A_1265 = tpu.memref_slice %arg2[%dma_wait3A_1263, %dma_wait3A_1264] : memref<1000000x32xf32, #tpu.memory_space<hbm>> -> memref<1000000x32xf32, #tpu.memory_space<hbm>>
      tpu.wait_indirect_dma semaphore(%arg9 : memref<!tpu.dma_semaphore, #tpu.memory_space<semaphore_mem>>) src(%dma_wait3A_1265 : memref<1000000x32xf32, #tpu.memory_space<hbm>>) dst(%dma_wait3A_1259 : memref<56x32xf32, #tpu.memory_space<vmem>>)
      %mul3A_1266 = arith.constant 8 : i32
      %mul3A_1267 = arith.muli %add3A_1153, %mul3A_1266 : i32
      %add3A_1268 = arith.constant 7 : i32
      %add3A_1269 = arith.addi %mul3A_1267, %add3A_1268 : i32
      %dma_wait3A_1270 = arith.constant 2 : i32
      %dma_wait3A_1271 = arith.constant 7 : i32
      %dma_wait3A_1272 = arith.constant 0 : i32
      %dma_wait3A_1273 = arith.constant 0 : i32
      %dma_wait3A_1274 = tpu.memref_slice %arg6[%dma_wait3A_1270, %dma_wait3A_1271, %dma_wait3A_1272, %dma_wait3A_1273] : memref<4x8x56x32xf32, #tpu.memory_space<vmem>> -> memref<1x1x56x32xf32, #tpu.memory_space<vmem>>
      %dma_wait3A_1275 = tpu.memref_squeeze %dma_wait3A_1274 : memref<1x1x56x32xf32, #tpu.memory_space<vmem>> -> memref<56x32xf32, #tpu.memory_space<vmem>>
      %dma_wait3A_1276 = arith.constant 0 : i32
      %dma_wait3A_1277 = tpu.memref_slice %arg5[%add3A_1269, %dma_wait3A_1276] : memref<512x56xi32, #tpu.memory_space<vmem>> -> memref<1x56xi32, #tpu.memory_space<vmem>>
      %dma_wait3A_1278 = tpu.memref_squeeze %dma_wait3A_1277 : memref<1x56xi32, #tpu.memory_space<vmem>> -> memref<56xi32, #tpu.memory_space<vmem>>
      %dma_wait3A_1279 = arith.constant 0 : i32
      %dma_wait3A_1280 = arith.constant 0 : i32
      %dma_wait3A_1281 = tpu.memref_slice %arg2[%dma_wait3A_1279, %dma_wait3A_1280] : memref<1000000x32xf32, #tpu.memory_space<hbm>> -> memref<1000000x32xf32, #tpu.memory_space<hbm>>
      tpu.wait_indirect_dma semaphore(%arg9 : memref<!tpu.dma_semaphore, #tpu.memory_space<semaphore_mem>>) src(%dma_wait3A_1281 : memref<1000000x32xf32, #tpu.memory_space<hbm>>) dst(%dma_wait3A_1275 : memref<56x32xf32, #tpu.memory_space<vmem>>)
      %mul3A_1282 = arith.constant 8 : i32
      %mul3A_1283 = arith.muli %add3A_1153, %mul3A_1282 : i32
      %add3A_1284 = arith.addi %mul3A_2, %mul3A_1283 : i32
      %add3A_1285 = arith.constant 0 : i32
      %add3A_1286 = arith.addi %add3A_1284, %add3A_1285 : i32
      %dma_start3A_1287 = arith.constant 2 : i32
      %dma_start3A_1288 = arith.constant 0 : i32
      %dma_start3A_1289 = arith.constant 0 : i32
      %dma_start3A_1290 = arith.constant 0 : i32
      %dma_start3A_1291 = tpu.memref_slice %arg6[%dma_start3A_1287, %dma_start3A_1288, %dma_start3A_1289, %dma_start3A_1290] : memref<4x8x56x32xf32, #tpu.memory_space<vmem>> -> memref<1x1x50x32xf32, #tpu.memory_space<vmem>>
      %dma_start3A_1292 = tpu.memref_squeeze %dma_start3A_1291 : memref<1x1x50x32xf32, #tpu.memory_space<vmem>> -> memref<50x32xf32, #tpu.memory_space<vmem>>
      %dma_start3A_1293 = arith.constant 0 : i32
      %dma_start3A_1294 = arith.constant 0 : i32
      %dma_start3A_1295 = tpu.memref_slice %arg4[%add3A_1286, %dma_start3A_1293, %dma_start3A_1294] : memref<16384x50x32xf32, #tpu.memory_space<hbm>> -> memref<1x50x32xf32, #tpu.memory_space<hbm>>
      %dma_start3A_1296 = tpu.memref_squeeze %dma_start3A_1295 : memref<1x50x32xf32, #tpu.memory_space<hbm>> -> memref<50x32xf32, #tpu.memory_space<hbm>>
      %dma_start3A_1297 = arith.constant 0 : i32
      %dma_start3A_1298 = arith.constant 0 : i32
      %dma_start3A_1299 = tpu.memref_slice %arg4[%add3A_1286, %dma_start3A_1297, %dma_start3A_1298] : memref<16384x50x32xf32, #tpu.memory_space<hbm>> -> memref<1x50x32xf32, #tpu.memory_space<hbm>>
      %dma_start3A_1300 = tpu.memref_squeeze %dma_start3A_1299 : memref<1x50x32xf32, #tpu.memory_space<hbm>> -> memref<50x32xf32, #tpu.memory_space<hbm>>
      %dma_start3A_1301 = arith.constant 0 : i32
      %dma_start3A_1302 = arith.constant 0 : i32
      %dma_start3A_1303 = tpu.memref_slice %arg6[%dma_start3A_1287, %dma_start3A_1288, %dma_start3A_1301, %dma_start3A_1302] : memref<4x8x56x32xf32, #tpu.memory_space<vmem>> -> memref<1x1x50x32xf32, #tpu.memory_space<vmem>>
      %dma_start3A_1304 = tpu.memref_squeeze %dma_start3A_1303 : memref<1x1x50x32xf32, #tpu.memory_space<vmem>> -> memref<50x32xf32, #tpu.memory_space<vmem>>
      tpu.enqueue_dma source(%dma_start3A_1304 : memref<50x32xf32, #tpu.memory_space<vmem>>) target(%dma_start3A_1300 : memref<50x32xf32, #tpu.memory_space<hbm>>) target_semaphore(%arg13 : memref<!tpu.dma_semaphore, #tpu.memory_space<semaphore_mem>>)
      %mul3A_1305 = arith.constant 8 : i32
      %mul3A_1306 = arith.muli %add3A_1153, %mul3A_1305 : i32
      %add3A_1307 = arith.addi %mul3A_2, %mul3A_1306 : i32
      %add3A_1308 = arith.constant 1 : i32
      %add3A_1309 = arith.addi %add3A_1307, %add3A_1308 : i32
      %dma_start3A_1310 = arith.constant 2 : i32
      %dma_start3A_1311 = arith.constant 1 : i32
      %dma_start3A_1312 = arith.constant 0 : i32
      %dma_start3A_1313 = arith.constant 0 : i32
      %dma_start3A_1314 = tpu.memref_slice %arg6[%dma_start3A_1310, %dma_start3A_1311, %dma_start3A_1312, %dma_start3A_1313] : memref<4x8x56x32xf32, #tpu.memory_space<vmem>> -> memref<1x1x50x32xf32, #tpu.memory_space<vmem>>
      %dma_start3A_1315 = tpu.memref_squeeze %dma_start3A_1314 : memref<1x1x50x32xf32, #tpu.memory_space<vmem>> -> memref<50x32xf32, #tpu.memory_space<vmem>>
      %dma_start3A_1316 = arith.constant 0 : i32
      %dma_start3A_1317 = arith.constant 0 : i32
      %dma_start3A_1318 = tpu.memref_slice %arg4[%add3A_1309, %dma_start3A_1316, %dma_start3A_1317] : memref<16384x50x32xf32, #tpu.memory_space<hbm>> -> memref<1x50x32xf32, #tpu.memory_space<hbm>>
      %dma_start3A_1319 = tpu.memref_squeeze %dma_start3A_1318 : memref<1x50x32xf32, #tpu.memory_space<hbm>> -> memref<50x32xf32, #tpu.memory_space<hbm>>
      %dma_start3A_1320 = arith.constant 0 : i32
      %dma_start3A_1321 = arith.constant 0 : i32
      %dma_start3A_1322 = tpu.memref_slice %arg4[%add3A_1309, %dma_start3A_1320, %dma_start3A_1321] : memref<16384x50x32xf32, #tpu.memory_space<hbm>> -> memref<1x50x32xf32, #tpu.memory_space<hbm>>
      %dma_start3A_1323 = tpu.memref_squeeze %dma_start3A_1322 : memref<1x50x32xf32, #tpu.memory_space<hbm>> -> memref<50x32xf32, #tpu.memory_space<hbm>>
      %dma_start3A_1324 = arith.constant 0 : i32
      %dma_start3A_1325 = arith.constant 0 : i32
      %dma_start3A_1326 = tpu.memref_slice %arg6[%dma_start3A_1310, %dma_start3A_1311, %dma_start3A_1324, %dma_start3A_1325] : memref<4x8x56x32xf32, #tpu.memory_space<vmem>> -> memref<1x1x50x32xf32, #tpu.memory_space<vmem>>
      %dma_start3A_1327 = tpu.memref_squeeze %dma_start3A_1326 : memref<1x1x50x32xf32, #tpu.memory_space<vmem>> -> memref<50x32xf32, #tpu.memory_space<vmem>>
      tpu.enqueue_dma source(%dma_start3A_1327 : memref<50x32xf32, #tpu.memory_space<vmem>>) target(%dma_start3A_1323 : memref<50x32xf32, #tpu.memory_space<hbm>>) target_semaphore(%arg13 : memref<!tpu.dma_semaphore, #tpu.memory_space<semaphore_mem>>)
      %mul3A_1328 = arith.constant 8 : i32
      %mul3A_1329 = arith.muli %add3A_1153, %mul3A_1328 : i32
      %add3A_1330 = arith.addi %mul3A_2, %mul3A_1329 : i32
      %add3A_1331 = arith.constant 2 : i32
      %add3A_1332 = arith.addi %add3A_1330, %add3A_1331 : i32
      %dma_start3A_1333 = arith.constant 2 : i32
      %dma_start3A_1334 = arith.constant 2 : i32
      %dma_start3A_1335 = arith.constant 0 : i32
      %dma_start3A_1336 = arith.constant 0 : i32
      %dma_start3A_1337 = tpu.memref_slice %arg6[%dma_start3A_1333, %dma_start3A_1334, %dma_start3A_1335, %dma_start3A_1336] : memref<4x8x56x32xf32, #tpu.memory_space<vmem>> -> memref<1x1x50x32xf32, #tpu.memory_space<vmem>>
      %dma_start3A_1338 = tpu.memref_squeeze %dma_start3A_1337 : memref<1x1x50x32xf32, #tpu.memory_space<vmem>> -> memref<50x32xf32, #tpu.memory_space<vmem>>
      %dma_start3A_1339 = arith.constant 0 : i32
      %dma_start3A_1340 = arith.constant 0 : i32
      %dma_start3A_1341 = tpu.memref_slice %arg4[%add3A_1332, %dma_start3A_1339, %dma_start3A_1340] : memref<16384x50x32xf32, #tpu.memory_space<hbm>> -> memref<1x50x32xf32, #tpu.memory_space<hbm>>
      %dma_start3A_1342 = tpu.memref_squeeze %dma_start3A_1341 : memref<1x50x32xf32, #tpu.memory_space<hbm>> -> memref<50x32xf32, #tpu.memory_space<hbm>>
      %dma_start3A_1343 = arith.constant 0 : i32
      %dma_start3A_1344 = arith.constant 0 : i32
      %dma_start3A_1345 = tpu.memref_slice %arg4[%add3A_1332, %dma_start3A_1343, %dma_start3A_1344] : memref<16384x50x32xf32, #tpu.memory_space<hbm>> -> memref<1x50x32xf32, #tpu.memory_space<hbm>>
      %dma_start3A_1346 = tpu.memref_squeeze %dma_start3A_1345 : memref<1x50x32xf32, #tpu.memory_space<hbm>> -> memref<50x32xf32, #tpu.memory_space<hbm>>
      %dma_start3A_1347 = arith.constant 0 : i32
      %dma_start3A_1348 = arith.constant 0 : i32
      %dma_start3A_1349 = tpu.memref_slice %arg6[%dma_start3A_1333, %dma_start3A_1334, %dma_start3A_1347, %dma_start3A_1348] : memref<4x8x56x32xf32, #tpu.memory_space<vmem>> -> memref<1x1x50x32xf32, #tpu.memory_space<vmem>>
      %dma_start3A_1350 = tpu.memref_squeeze %dma_start3A_1349 : memref<1x1x50x32xf32, #tpu.memory_space<vmem>> -> memref<50x32xf32, #tpu.memory_space<vmem>>
      tpu.enqueue_dma source(%dma_start3A_1350 : memref<50x32xf32, #tpu.memory_space<vmem>>) target(%dma_start3A_1346 : memref<50x32xf32, #tpu.memory_space<hbm>>) target_semaphore(%arg13 : memref<!tpu.dma_semaphore, #tpu.memory_space<semaphore_mem>>)
      %mul3A_1351 = arith.constant 8 : i32
      %mul3A_1352 = arith.muli %add3A_1153, %mul3A_1351 : i32
      %add3A_1353 = arith.addi %mul3A_2, %mul3A_1352 : i32
      %add3A_1354 = arith.constant 3 : i32
      %add3A_1355 = arith.addi %add3A_1353, %add3A_1354 : i32
      %dma_start3A_1356 = arith.constant 2 : i32
      %dma_start3A_1357 = arith.constant 3 : i32
      %dma_start3A_1358 = arith.constant 0 : i32
      %dma_start3A_1359 = arith.constant 0 : i32
      %dma_start3A_1360 = tpu.memref_slice %arg6[%dma_start3A_1356, %dma_start3A_1357, %dma_start3A_1358, %dma_start3A_1359] : memref<4x8x56x32xf32, #tpu.memory_space<vmem>> -> memref<1x1x50x32xf32, #tpu.memory_space<vmem>>
      %dma_start3A_1361 = tpu.memref_squeeze %dma_start3A_1360 : memref<1x1x50x32xf32, #tpu.memory_space<vmem>> -> memref<50x32xf32, #tpu.memory_space<vmem>>
      %dma_start3A_1362 = arith.constant 0 : i32
      %dma_start3A_1363 = arith.constant 0 : i32
      %dma_start3A_1364 = tpu.memref_slice %arg4[%add3A_1355, %dma_start3A_1362, %dma_start3A_1363] : memref<16384x50x32xf32, #tpu.memory_space<hbm>> -> memref<1x50x32xf32, #tpu.memory_space<hbm>>
      %dma_start3A_1365 = tpu.memref_squeeze %dma_start3A_1364 : memref<1x50x32xf32, #tpu.memory_space<hbm>> -> memref<50x32xf32, #tpu.memory_space<hbm>>
      %dma_start3A_1366 = arith.constant 0 : i32
      %dma_start3A_1367 = arith.constant 0 : i32
      %dma_start3A_1368 = tpu.memref_slice %arg4[%add3A_1355, %dma_start3A_1366, %dma_start3A_1367] : memref<16384x50x32xf32, #tpu.memory_space<hbm>> -> memref<1x50x32xf32, #tpu.memory_space<hbm>>
      %dma_start3A_1369 = tpu.memref_squeeze %dma_start3A_1368 : memref<1x50x32xf32, #tpu.memory_space<hbm>> -> memref<50x32xf32, #tpu.memory_space<hbm>>
      %dma_start3A_1370 = arith.constant 0 : i32
      %dma_start3A_1371 = arith.constant 0 : i32
      %dma_start3A_1372 = tpu.memref_slice %arg6[%dma_start3A_1356, %dma_start3A_1357, %dma_start3A_1370, %dma_start3A_1371] : memref<4x8x56x32xf32, #tpu.memory_space<vmem>> -> memref<1x1x50x32xf32, #tpu.memory_space<vmem>>
      %dma_start3A_1373 = tpu.memref_squeeze %dma_start3A_1372 : memref<1x1x50x32xf32, #tpu.memory_space<vmem>> -> memref<50x32xf32, #tpu.memory_space<vmem>>
      tpu.enqueue_dma source(%dma_start3A_1373 : memref<50x32xf32, #tpu.memory_space<vmem>>) target(%dma_start3A_1369 : memref<50x32xf32, #tpu.memory_space<hbm>>) target_semaphore(%arg13 : memref<!tpu.dma_semaphore, #tpu.memory_space<semaphore_mem>>)
      %mul3A_1374 = arith.constant 8 : i32
      %mul3A_1375 = arith.muli %add3A_1153, %mul3A_1374 : i32
      %add3A_1376 = arith.addi %mul3A_2, %mul3A_1375 : i32
      %add3A_1377 = arith.constant 4 : i32
      %add3A_1378 = arith.addi %add3A_1376, %add3A_1377 : i32
      %dma_start3A_1379 = arith.constant 2 : i32
      %dma_start3A_1380 = arith.constant 4 : i32
      %dma_start3A_1381 = arith.constant 0 : i32
      %dma_start3A_1382 = arith.constant 0 : i32
      %dma_start3A_1383 = tpu.memref_slice %arg6[%dma_start3A_1379, %dma_start3A_1380, %dma_start3A_1381, %dma_start3A_1382] : memref<4x8x56x32xf32, #tpu.memory_space<vmem>> -> memref<1x1x50x32xf32, #tpu.memory_space<vmem>>
      %dma_start3A_1384 = tpu.memref_squeeze %dma_start3A_1383 : memref<1x1x50x32xf32, #tpu.memory_space<vmem>> -> memref<50x32xf32, #tpu.memory_space<vmem>>
      %dma_start3A_1385 = arith.constant 0 : i32
      %dma_start3A_1386 = arith.constant 0 : i32
      %dma_start3A_1387 = tpu.memref_slice %arg4[%add3A_1378, %dma_start3A_1385, %dma_start3A_1386] : memref<16384x50x32xf32, #tpu.memory_space<hbm>> -> memref<1x50x32xf32, #tpu.memory_space<hbm>>
      %dma_start3A_1388 = tpu.memref_squeeze %dma_start3A_1387 : memref<1x50x32xf32, #tpu.memory_space<hbm>> -> memref<50x32xf32, #tpu.memory_space<hbm>>
      %dma_start3A_1389 = arith.constant 0 : i32
      %dma_start3A_1390 = arith.constant 0 : i32
      %dma_start3A_1391 = tpu.memref_slice %arg4[%add3A_1378, %dma_start3A_1389, %dma_start3A_1390] : memref<16384x50x32xf32, #tpu.memory_space<hbm>> -> memref<1x50x32xf32, #tpu.memory_space<hbm>>
      %dma_start3A_1392 = tpu.memref_squeeze %dma_start3A_1391 : memref<1x50x32xf32, #tpu.memory_space<hbm>> -> memref<50x32xf32, #tpu.memory_space<hbm>>
      %dma_start3A_1393 = arith.constant 0 : i32
      %dma_start3A_1394 = arith.constant 0 : i32
      %dma_start3A_1395 = tpu.memref_slice %arg6[%dma_start3A_1379, %dma_start3A_1380, %dma_start3A_1393, %dma_start3A_1394] : memref<4x8x56x32xf32, #tpu.memory_space<vmem>> -> memref<1x1x50x32xf32, #tpu.memory_space<vmem>>
      %dma_start3A_1396 = tpu.memref_squeeze %dma_start3A_1395 : memref<1x1x50x32xf32, #tpu.memory_space<vmem>> -> memref<50x32xf32, #tpu.memory_space<vmem>>
      tpu.enqueue_dma source(%dma_start3A_1396 : memref<50x32xf32, #tpu.memory_space<vmem>>) target(%dma_start3A_1392 : memref<50x32xf32, #tpu.memory_space<hbm>>) target_semaphore(%arg13 : memref<!tpu.dma_semaphore, #tpu.memory_space<semaphore_mem>>)
      %mul3A_1397 = arith.constant 8 : i32
      %mul3A_1398 = arith.muli %add3A_1153, %mul3A_1397 : i32
      %add3A_1399 = arith.addi %mul3A_2, %mul3A_1398 : i32
      %add3A_1400 = arith.constant 5 : i32
      %add3A_1401 = arith.addi %add3A_1399, %add3A_1400 : i32
      %dma_start3A_1402 = arith.constant 2 : i32
      %dma_start3A_1403 = arith.constant 5 : i32
      %dma_start3A_1404 = arith.constant 0 : i32
      %dma_start3A_1405 = arith.constant 0 : i32
      %dma_start3A_1406 = tpu.memref_slice %arg6[%dma_start3A_1402, %dma_start3A_1403, %dma_start3A_1404, %dma_start3A_1405] : memref<4x8x56x32xf32, #tpu.memory_space<vmem>> -> memref<1x1x50x32xf32, #tpu.memory_space<vmem>>
      %dma_start3A_1407 = tpu.memref_squeeze %dma_start3A_1406 : memref<1x1x50x32xf32, #tpu.memory_space<vmem>> -> memref<50x32xf32, #tpu.memory_space<vmem>>
      %dma_start3A_1408 = arith.constant 0 : i32
      %dma_start3A_1409 = arith.constant 0 : i32
      %dma_start3A_1410 = tpu.memref_slice %arg4[%add3A_1401, %dma_start3A_1408, %dma_start3A_1409] : memref<16384x50x32xf32, #tpu.memory_space<hbm>> -> memref<1x50x32xf32, #tpu.memory_space<hbm>>
      %dma_start3A_1411 = tpu.memref_squeeze %dma_start3A_1410 : memref<1x50x32xf32, #tpu.memory_space<hbm>> -> memref<50x32xf32, #tpu.memory_space<hbm>>
      %dma_start3A_1412 = arith.constant 0 : i32
      %dma_start3A_1413 = arith.constant 0 : i32
      %dma_start3A_1414 = tpu.memref_slice %arg4[%add3A_1401, %dma_start3A_1412, %dma_start3A_1413] : memref<16384x50x32xf32, #tpu.memory_space<hbm>> -> memref<1x50x32xf32, #tpu.memory_space<hbm>>
      %dma_start3A_1415 = tpu.memref_squeeze %dma_start3A_1414 : memref<1x50x32xf32, #tpu.memory_space<hbm>> -> memref<50x32xf32, #tpu.memory_space<hbm>>
      %dma_start3A_1416 = arith.constant 0 : i32
      %dma_start3A_1417 = arith.constant 0 : i32
      %dma_start3A_1418 = tpu.memref_slice %arg6[%dma_start3A_1402, %dma_start3A_1403, %dma_start3A_1416, %dma_start3A_1417] : memref<4x8x56x32xf32, #tpu.memory_space<vmem>> -> memref<1x1x50x32xf32, #tpu.memory_space<vmem>>
      %dma_start3A_1419 = tpu.memref_squeeze %dma_start3A_1418 : memref<1x1x50x32xf32, #tpu.memory_space<vmem>> -> memref<50x32xf32, #tpu.memory_space<vmem>>
      tpu.enqueue_dma source(%dma_start3A_1419 : memref<50x32xf32, #tpu.memory_space<vmem>>) target(%dma_start3A_1415 : memref<50x32xf32, #tpu.memory_space<hbm>>) target_semaphore(%arg13 : memref<!tpu.dma_semaphore, #tpu.memory_space<semaphore_mem>>)
      %mul3A_1420 = arith.constant 8 : i32
      %mul3A_1421 = arith.muli %add3A_1153, %mul3A_1420 : i32
      %add3A_1422 = arith.addi %mul3A_2, %mul3A_1421 : i32
      %add3A_1423 = arith.constant 6 : i32
      %add3A_1424 = arith.addi %add3A_1422, %add3A_1423 : i32
      %dma_start3A_1425 = arith.constant 2 : i32
      %dma_start3A_1426 = arith.constant 6 : i32
      %dma_start3A_1427 = arith.constant 0 : i32
      %dma_start3A_1428 = arith.constant 0 : i32
      %dma_start3A_1429 = tpu.memref_slice %arg6[%dma_start3A_1425, %dma_start3A_1426, %dma_start3A_1427, %dma_start3A_1428] : memref<4x8x56x32xf32, #tpu.memory_space<vmem>> -> memref<1x1x50x32xf32, #tpu.memory_space<vmem>>
      %dma_start3A_1430 = tpu.memref_squeeze %dma_start3A_1429 : memref<1x1x50x32xf32, #tpu.memory_space<vmem>> -> memref<50x32xf32, #tpu.memory_space<vmem>>
      %dma_start3A_1431 = arith.constant 0 : i32
      %dma_start3A_1432 = arith.constant 0 : i32
      %dma_start3A_1433 = tpu.memref_slice %arg4[%add3A_1424, %dma_start3A_1431, %dma_start3A_1432] : memref<16384x50x32xf32, #tpu.memory_space<hbm>> -> memref<1x50x32xf32, #tpu.memory_space<hbm>>
      %dma_start3A_1434 = tpu.memref_squeeze %dma_start3A_1433 : memref<1x50x32xf32, #tpu.memory_space<hbm>> -> memref<50x32xf32, #tpu.memory_space<hbm>>
      %dma_start3A_1435 = arith.constant 0 : i32
      %dma_start3A_1436 = arith.constant 0 : i32
      %dma_start3A_1437 = tpu.memref_slice %arg4[%add3A_1424, %dma_start3A_1435, %dma_start3A_1436] : memref<16384x50x32xf32, #tpu.memory_space<hbm>> -> memref<1x50x32xf32, #tpu.memory_space<hbm>>
      %dma_start3A_1438 = tpu.memref_squeeze %dma_start3A_1437 : memref<1x50x32xf32, #tpu.memory_space<hbm>> -> memref<50x32xf32, #tpu.memory_space<hbm>>
      %dma_start3A_1439 = arith.constant 0 : i32
      %dma_start3A_1440 = arith.constant 0 : i32
      %dma_start3A_1441 = tpu.memref_slice %arg6[%dma_start3A_1425, %dma_start3A_1426, %dma_start3A_1439, %dma_start3A_1440] : memref<4x8x56x32xf32, #tpu.memory_space<vmem>> -> memref<1x1x50x32xf32, #tpu.memory_space<vmem>>
      %dma_start3A_1442 = tpu.memref_squeeze %dma_start3A_1441 : memref<1x1x50x32xf32, #tpu.memory_space<vmem>> -> memref<50x32xf32, #tpu.memory_space<vmem>>
      tpu.enqueue_dma source(%dma_start3A_1442 : memref<50x32xf32, #tpu.memory_space<vmem>>) target(%dma_start3A_1438 : memref<50x32xf32, #tpu.memory_space<hbm>>) target_semaphore(%arg13 : memref<!tpu.dma_semaphore, #tpu.memory_space<semaphore_mem>>)
      %mul3A_1443 = arith.constant 8 : i32
      %mul3A_1444 = arith.muli %add3A_1153, %mul3A_1443 : i32
      %add3A_1445 = arith.addi %mul3A_2, %mul3A_1444 : i32
      %add3A_1446 = arith.constant 7 : i32
      %add3A_1447 = arith.addi %add3A_1445, %add3A_1446 : i32
      %dma_start3A_1448 = arith.constant 2 : i32
      %dma_start3A_1449 = arith.constant 7 : i32
      %dma_start3A_1450 = arith.constant 0 : i32
      %dma_start3A_1451 = arith.constant 0 : i32
      %dma_start3A_1452 = tpu.memref_slice %arg6[%dma_start3A_1448, %dma_start3A_1449, %dma_start3A_1450, %dma_start3A_1451] : memref<4x8x56x32xf32, #tpu.memory_space<vmem>> -> memref<1x1x50x32xf32, #tpu.memory_space<vmem>>
      %dma_start3A_1453 = tpu.memref_squeeze %dma_start3A_1452 : memref<1x1x50x32xf32, #tpu.memory_space<vmem>> -> memref<50x32xf32, #tpu.memory_space<vmem>>
      %dma_start3A_1454 = arith.constant 0 : i32
      %dma_start3A_1455 = arith.constant 0 : i32
      %dma_start3A_1456 = tpu.memref_slice %arg4[%add3A_1447, %dma_start3A_1454, %dma_start3A_1455] : memref<16384x50x32xf32, #tpu.memory_space<hbm>> -> memref<1x50x32xf32, #tpu.memory_space<hbm>>
      %dma_start3A_1457 = tpu.memref_squeeze %dma_start3A_1456 : memref<1x50x32xf32, #tpu.memory_space<hbm>> -> memref<50x32xf32, #tpu.memory_space<hbm>>
      %dma_start3A_1458 = arith.constant 0 : i32
      %dma_start3A_1459 = arith.constant 0 : i32
      %dma_start3A_1460 = tpu.memref_slice %arg4[%add3A_1447, %dma_start3A_1458, %dma_start3A_1459] : memref<16384x50x32xf32, #tpu.memory_space<hbm>> -> memref<1x50x32xf32, #tpu.memory_space<hbm>>
      %dma_start3A_1461 = tpu.memref_squeeze %dma_start3A_1460 : memref<1x50x32xf32, #tpu.memory_space<hbm>> -> memref<50x32xf32, #tpu.memory_space<hbm>>
      %dma_start3A_1462 = arith.constant 0 : i32
      %dma_start3A_1463 = arith.constant 0 : i32
      %dma_start3A_1464 = tpu.memref_slice %arg6[%dma_start3A_1448, %dma_start3A_1449, %dma_start3A_1462, %dma_start3A_1463] : memref<4x8x56x32xf32, #tpu.memory_space<vmem>> -> memref<1x1x50x32xf32, #tpu.memory_space<vmem>>
      %dma_start3A_1465 = tpu.memref_squeeze %dma_start3A_1464 : memref<1x1x50x32xf32, #tpu.memory_space<vmem>> -> memref<50x32xf32, #tpu.memory_space<vmem>>
      tpu.enqueue_dma source(%dma_start3A_1465 : memref<50x32xf32, #tpu.memory_space<vmem>>) target(%dma_start3A_1461 : memref<50x32xf32, #tpu.memory_space<hbm>>) target_semaphore(%arg13 : memref<!tpu.dma_semaphore, #tpu.memory_space<semaphore_mem>>)
      %gt3A_1466 = arith.constant 0 : i32
      %gt3A_1467 = arith.cmpi sgt, %add3A_1153, %gt3A_1466 : i32
      %convert_element_type3A_1468 = arith.extui %gt3A_1467 : i1 to i32
      %cond3A_1469 = arith.constant 0 : i32
      %cond3A_1470 = arith.cmpi ne, %convert_element_type3A_1468, %cond3A_1469 : i32
      scf.if %cond3A_1470 {
        %sub3A_1810 = arith.constant 1 : i32
        %sub3A_1811 = arith.subi %add3A_1153, %sub3A_1810 : i32
        %mul3A_1812 = arith.constant 8 : i32
        %mul3A_1813 = arith.muli %sub3A_1811, %mul3A_1812 : i32
        %add3A_1814 = arith.addi %mul3A_2, %mul3A_1813 : i32
        %add3A_1815 = arith.constant 0 : i32
        %add3A_1816 = arith.addi %add3A_1814, %add3A_1815 : i32
        %dma_wait3A_1817 = arith.constant 1 : i32
        %dma_wait3A_1818 = arith.constant 0 : i32
        %dma_wait3A_1819 = arith.constant 0 : i32
        %dma_wait3A_1820 = arith.constant 0 : i32
        %dma_wait3A_1821 = tpu.memref_slice %arg6[%dma_wait3A_1817, %dma_wait3A_1818, %dma_wait3A_1819, %dma_wait3A_1820] : memref<4x8x56x32xf32, #tpu.memory_space<vmem>> -> memref<1x1x50x32xf32, #tpu.memory_space<vmem>>
        %dma_wait3A_1822 = tpu.memref_squeeze %dma_wait3A_1821 : memref<1x1x50x32xf32, #tpu.memory_space<vmem>> -> memref<50x32xf32, #tpu.memory_space<vmem>>
        %dma_wait3A_1823 = arith.constant 0 : i32
        %dma_wait3A_1824 = arith.constant 0 : i32
        %dma_wait3A_1825 = tpu.memref_slice %arg4[%add3A_1816, %dma_wait3A_1823, %dma_wait3A_1824] : memref<16384x50x32xf32, #tpu.memory_space<hbm>> -> memref<1x50x32xf32, #tpu.memory_space<hbm>>
        %dma_wait3A_1826 = tpu.memref_squeeze %dma_wait3A_1825 : memref<1x50x32xf32, #tpu.memory_space<hbm>> -> memref<50x32xf32, #tpu.memory_space<hbm>>
        %dma_wait3A_1827 = arith.constant 0 : i32
        %dma_wait3A_1828 = arith.constant 0 : i32
        %dma_wait3A_1829 = tpu.memref_slice %arg4[%add3A_1816, %dma_wait3A_1827, %dma_wait3A_1828] : memref<16384x50x32xf32, #tpu.memory_space<hbm>> -> memref<1x50x32xf32, #tpu.memory_space<hbm>>
        %dma_wait3A_1830 = tpu.memref_squeeze %dma_wait3A_1829 : memref<1x50x32xf32, #tpu.memory_space<hbm>> -> memref<50x32xf32, #tpu.memory_space<hbm>>
        %dma_wait3A_1831 = arith.constant 0 : i32
        %dma_wait3A_1832 = arith.constant 0 : i32
        %dma_wait3A_1833 = tpu.memref_slice %arg6[%dma_wait3A_1817, %dma_wait3A_1818, %dma_wait3A_1831, %dma_wait3A_1832] : memref<4x8x56x32xf32, #tpu.memory_space<vmem>> -> memref<1x1x50x32xf32, #tpu.memory_space<vmem>>
        %dma_wait3A_1834 = tpu.memref_squeeze %dma_wait3A_1833 : memref<1x1x50x32xf32, #tpu.memory_space<vmem>> -> memref<50x32xf32, #tpu.memory_space<vmem>>
        tpu.wait_dma2 semaphore(%arg12 : memref<!tpu.dma_semaphore, #tpu.memory_space<semaphore_mem>>) src(%dma_wait3A_1834 : memref<50x32xf32, #tpu.memory_space<vmem>>) dst(%dma_wait3A_1830 : memref<50x32xf32, #tpu.memory_space<hbm>>)
        %mul3A_1835 = arith.constant 8 : i32
        %mul3A_1836 = arith.muli %sub3A_1811, %mul3A_1835 : i32
        %add3A_1837 = arith.addi %mul3A_2, %mul3A_1836 : i32
        %add3A_1838 = arith.constant 1 : i32
        %add3A_1839 = arith.addi %add3A_1837, %add3A_1838 : i32
        %dma_wait3A_1840 = arith.constant 1 : i32
        %dma_wait3A_1841 = arith.constant 1 : i32
        %dma_wait3A_1842 = arith.constant 0 : i32
        %dma_wait3A_1843 = arith.constant 0 : i32
        %dma_wait3A_1844 = tpu.memref_slice %arg6[%dma_wait3A_1840, %dma_wait3A_1841, %dma_wait3A_1842, %dma_wait3A_1843] : memref<4x8x56x32xf32, #tpu.memory_space<vmem>> -> memref<1x1x50x32xf32, #tpu.memory_space<vmem>>
        %dma_wait3A_1845 = tpu.memref_squeeze %dma_wait3A_1844 : memref<1x1x50x32xf32, #tpu.memory_space<vmem>> -> memref<50x32xf32, #tpu.memory_space<vmem>>
        %dma_wait3A_1846 = arith.constant 0 : i32
        %dma_wait3A_1847 = arith.constant 0 : i32
        %dma_wait3A_1848 = tpu.memref_slice %arg4[%add3A_1839, %dma_wait3A_1846, %dma_wait3A_1847] : memref<16384x50x32xf32, #tpu.memory_space<hbm>> -> memref<1x50x32xf32, #tpu.memory_space<hbm>>
        %dma_wait3A_1849 = tpu.memref_squeeze %dma_wait3A_1848 : memref<1x50x32xf32, #tpu.memory_space<hbm>> -> memref<50x32xf32, #tpu.memory_space<hbm>>
        %dma_wait3A_1850 = arith.constant 0 : i32
        %dma_wait3A_1851 = arith.constant 0 : i32
        %dma_wait3A_1852 = tpu.memref_slice %arg4[%add3A_1839, %dma_wait3A_1850, %dma_wait3A_1851] : memref<16384x50x32xf32, #tpu.memory_space<hbm>> -> memref<1x50x32xf32, #tpu.memory_space<hbm>>
        %dma_wait3A_1853 = tpu.memref_squeeze %dma_wait3A_1852 : memref<1x50x32xf32, #tpu.memory_space<hbm>> -> memref<50x32xf32, #tpu.memory_space<hbm>>
        %dma_wait3A_1854 = arith.constant 0 : i32
        %dma_wait3A_1855 = arith.constant 0 : i32
        %dma_wait3A_1856 = tpu.memref_slice %arg6[%dma_wait3A_1840, %dma_wait3A_1841, %dma_wait3A_1854, %dma_wait3A_1855] : memref<4x8x56x32xf32, #tpu.memory_space<vmem>> -> memref<1x1x50x32xf32, #tpu.memory_space<vmem>>
        %dma_wait3A_1857 = tpu.memref_squeeze %dma_wait3A_1856 : memref<1x1x50x32xf32, #tpu.memory_space<vmem>> -> memref<50x32xf32, #tpu.memory_space<vmem>>
        tpu.wait_dma2 semaphore(%arg12 : memref<!tpu.dma_semaphore, #tpu.memory_space<semaphore_mem>>) src(%dma_wait3A_1857 : memref<50x32xf32, #tpu.memory_space<vmem>>) dst(%dma_wait3A_1853 : memref<50x32xf32, #tpu.memory_space<hbm>>)
        %mul3A_1858 = arith.constant 8 : i32
        %mul3A_1859 = arith.muli %sub3A_1811, %mul3A_1858 : i32
        %add3A_1860 = arith.addi %mul3A_2, %mul3A_1859 : i32
        %add3A_1861 = arith.constant 2 : i32
        %add3A_1862 = arith.addi %add3A_1860, %add3A_1861 : i32
        %dma_wait3A_1863 = arith.constant 1 : i32
        %dma_wait3A_1864 = arith.constant 2 : i32
        %dma_wait3A_1865 = arith.constant 0 : i32
        %dma_wait3A_1866 = arith.constant 0 : i32
        %dma_wait3A_1867 = tpu.memref_slice %arg6[%dma_wait3A_1863, %dma_wait3A_1864, %dma_wait3A_1865, %dma_wait3A_1866] : memref<4x8x56x32xf32, #tpu.memory_space<vmem>> -> memref<1x1x50x32xf32, #tpu.memory_space<vmem>>
        %dma_wait3A_1868 = tpu.memref_squeeze %dma_wait3A_1867 : memref<1x1x50x32xf32, #tpu.memory_space<vmem>> -> memref<50x32xf32, #tpu.memory_space<vmem>>
        %dma_wait3A_1869 = arith.constant 0 : i32
        %dma_wait3A_1870 = arith.constant 0 : i32
        %dma_wait3A_1871 = tpu.memref_slice %arg4[%add3A_1862, %dma_wait3A_1869, %dma_wait3A_1870] : memref<16384x50x32xf32, #tpu.memory_space<hbm>> -> memref<1x50x32xf32, #tpu.memory_space<hbm>>
        %dma_wait3A_1872 = tpu.memref_squeeze %dma_wait3A_1871 : memref<1x50x32xf32, #tpu.memory_space<hbm>> -> memref<50x32xf32, #tpu.memory_space<hbm>>
        %dma_wait3A_1873 = arith.constant 0 : i32
        %dma_wait3A_1874 = arith.constant 0 : i32
        %dma_wait3A_1875 = tpu.memref_slice %arg4[%add3A_1862, %dma_wait3A_1873, %dma_wait3A_1874] : memref<16384x50x32xf32, #tpu.memory_space<hbm>> -> memref<1x50x32xf32, #tpu.memory_space<hbm>>
        %dma_wait3A_1876 = tpu.memref_squeeze %dma_wait3A_1875 : memref<1x50x32xf32, #tpu.memory_space<hbm>> -> memref<50x32xf32, #tpu.memory_space<hbm>>
        %dma_wait3A_1877 = arith.constant 0 : i32
        %dma_wait3A_1878 = arith.constant 0 : i32
        %dma_wait3A_1879 = tpu.memref_slice %arg6[%dma_wait3A_1863, %dma_wait3A_1864, %dma_wait3A_1877, %dma_wait3A_1878] : memref<4x8x56x32xf32, #tpu.memory_space<vmem>> -> memref<1x1x50x32xf32, #tpu.memory_space<vmem>>
        %dma_wait3A_1880 = tpu.memref_squeeze %dma_wait3A_1879 : memref<1x1x50x32xf32, #tpu.memory_space<vmem>> -> memref<50x32xf32, #tpu.memory_space<vmem>>
        tpu.wait_dma2 semaphore(%arg12 : memref<!tpu.dma_semaphore, #tpu.memory_space<semaphore_mem>>) src(%dma_wait3A_1880 : memref<50x32xf32, #tpu.memory_space<vmem>>) dst(%dma_wait3A_1876 : memref<50x32xf32, #tpu.memory_space<hbm>>)
        %mul3A_1881 = arith.constant 8 : i32
        %mul3A_1882 = arith.muli %sub3A_1811, %mul3A_1881 : i32
        %add3A_1883 = arith.addi %mul3A_2, %mul3A_1882 : i32
        %add3A_1884 = arith.constant 3 : i32
        %add3A_1885 = arith.addi %add3A_1883, %add3A_1884 : i32
        %dma_wait3A_1886 = arith.constant 1 : i32
        %dma_wait3A_1887 = arith.constant 3 : i32
        %dma_wait3A_1888 = arith.constant 0 : i32
        %dma_wait3A_1889 = arith.constant 0 : i32
        %dma_wait3A_1890 = tpu.memref_slice %arg6[%dma_wait3A_1886, %dma_wait3A_1887, %dma_wait3A_1888, %dma_wait3A_1889] : memref<4x8x56x32xf32, #tpu.memory_space<vmem>> -> memref<1x1x50x32xf32, #tpu.memory_space<vmem>>
        %dma_wait3A_1891 = tpu.memref_squeeze %dma_wait3A_1890 : memref<1x1x50x32xf32, #tpu.memory_space<vmem>> -> memref<50x32xf32, #tpu.memory_space<vmem>>
        %dma_wait3A_1892 = arith.constant 0 : i32
        %dma_wait3A_1893 = arith.constant 0 : i32
        %dma_wait3A_1894 = tpu.memref_slice %arg4[%add3A_1885, %dma_wait3A_1892, %dma_wait3A_1893] : memref<16384x50x32xf32, #tpu.memory_space<hbm>> -> memref<1x50x32xf32, #tpu.memory_space<hbm>>
        %dma_wait3A_1895 = tpu.memref_squeeze %dma_wait3A_1894 : memref<1x50x32xf32, #tpu.memory_space<hbm>> -> memref<50x32xf32, #tpu.memory_space<hbm>>
        %dma_wait3A_1896 = arith.constant 0 : i32
        %dma_wait3A_1897 = arith.constant 0 : i32
        %dma_wait3A_1898 = tpu.memref_slice %arg4[%add3A_1885, %dma_wait3A_1896, %dma_wait3A_1897] : memref<16384x50x32xf32, #tpu.memory_space<hbm>> -> memref<1x50x32xf32, #tpu.memory_space<hbm>>
        %dma_wait3A_1899 = tpu.memref_squeeze %dma_wait3A_1898 : memref<1x50x32xf32, #tpu.memory_space<hbm>> -> memref<50x32xf32, #tpu.memory_space<hbm>>
        %dma_wait3A_1900 = arith.constant 0 : i32
        %dma_wait3A_1901 = arith.constant 0 : i32
        %dma_wait3A_1902 = tpu.memref_slice %arg6[%dma_wait3A_1886, %dma_wait3A_1887, %dma_wait3A_1900, %dma_wait3A_1901] : memref<4x8x56x32xf32, #tpu.memory_space<vmem>> -> memref<1x1x50x32xf32, #tpu.memory_space<vmem>>
        %dma_wait3A_1903 = tpu.memref_squeeze %dma_wait3A_1902 : memref<1x1x50x32xf32, #tpu.memory_space<vmem>> -> memref<50x32xf32, #tpu.memory_space<vmem>>
        tpu.wait_dma2 semaphore(%arg12 : memref<!tpu.dma_semaphore, #tpu.memory_space<semaphore_mem>>) src(%dma_wait3A_1903 : memref<50x32xf32, #tpu.memory_space<vmem>>) dst(%dma_wait3A_1899 : memref<50x32xf32, #tpu.memory_space<hbm>>)
        %mul3A_1904 = arith.constant 8 : i32
        %mul3A_1905 = arith.muli %sub3A_1811, %mul3A_1904 : i32
        %add3A_1906 = arith.addi %mul3A_2, %mul3A_1905 : i32
        %add3A_1907 = arith.constant 4 : i32
        %add3A_1908 = arith.addi %add3A_1906, %add3A_1907 : i32
        %dma_wait3A_1909 = arith.constant 1 : i32
        %dma_wait3A_1910 = arith.constant 4 : i32
        %dma_wait3A_1911 = arith.constant 0 : i32
        %dma_wait3A_1912 = arith.constant 0 : i32
        %dma_wait3A_1913 = tpu.memref_slice %arg6[%dma_wait3A_1909, %dma_wait3A_1910, %dma_wait3A_1911, %dma_wait3A_1912] : memref<4x8x56x32xf32, #tpu.memory_space<vmem>> -> memref<1x1x50x32xf32, #tpu.memory_space<vmem>>
        %dma_wait3A_1914 = tpu.memref_squeeze %dma_wait3A_1913 : memref<1x1x50x32xf32, #tpu.memory_space<vmem>> -> memref<50x32xf32, #tpu.memory_space<vmem>>
        %dma_wait3A_1915 = arith.constant 0 : i32
        %dma_wait3A_1916 = arith.constant 0 : i32
        %dma_wait3A_1917 = tpu.memref_slice %arg4[%add3A_1908, %dma_wait3A_1915, %dma_wait3A_1916] : memref<16384x50x32xf32, #tpu.memory_space<hbm>> -> memref<1x50x32xf32, #tpu.memory_space<hbm>>
        %dma_wait3A_1918 = tpu.memref_squeeze %dma_wait3A_1917 : memref<1x50x32xf32, #tpu.memory_space<hbm>> -> memref<50x32xf32, #tpu.memory_space<hbm>>
        %dma_wait3A_1919 = arith.constant 0 : i32
        %dma_wait3A_1920 = arith.constant 0 : i32
        %dma_wait3A_1921 = tpu.memref_slice %arg4[%add3A_1908, %dma_wait3A_1919, %dma_wait3A_1920] : memref<16384x50x32xf32, #tpu.memory_space<hbm>> -> memref<1x50x32xf32, #tpu.memory_space<hbm>>
        %dma_wait3A_1922 = tpu.memref_squeeze %dma_wait3A_1921 : memref<1x50x32xf32, #tpu.memory_space<hbm>> -> memref<50x32xf32, #tpu.memory_space<hbm>>
        %dma_wait3A_1923 = arith.constant 0 : i32
        %dma_wait3A_1924 = arith.constant 0 : i32
        %dma_wait3A_1925 = tpu.memref_slice %arg6[%dma_wait3A_1909, %dma_wait3A_1910, %dma_wait3A_1923, %dma_wait3A_1924] : memref<4x8x56x32xf32, #tpu.memory_space<vmem>> -> memref<1x1x50x32xf32, #tpu.memory_space<vmem>>
        %dma_wait3A_1926 = tpu.memref_squeeze %dma_wait3A_1925 : memref<1x1x50x32xf32, #tpu.memory_space<vmem>> -> memref<50x32xf32, #tpu.memory_space<vmem>>
        tpu.wait_dma2 semaphore(%arg12 : memref<!tpu.dma_semaphore, #tpu.memory_space<semaphore_mem>>) src(%dma_wait3A_1926 : memref<50x32xf32, #tpu.memory_space<vmem>>) dst(%dma_wait3A_1922 : memref<50x32xf32, #tpu.memory_space<hbm>>)
        %mul3A_1927 = arith.constant 8 : i32
        %mul3A_1928 = arith.muli %sub3A_1811, %mul3A_1927 : i32
        %add3A_1929 = arith.addi %mul3A_2, %mul3A_1928 : i32
        %add3A_1930 = arith.constant 5 : i32
        %add3A_1931 = arith.addi %add3A_1929, %add3A_1930 : i32
        %dma_wait3A_1932 = arith.constant 1 : i32
        %dma_wait3A_1933 = arith.constant 5 : i32
        %dma_wait3A_1934 = arith.constant 0 : i32
        %dma_wait3A_1935 = arith.constant 0 : i32
        %dma_wait3A_1936 = tpu.memref_slice %arg6[%dma_wait3A_1932, %dma_wait3A_1933, %dma_wait3A_1934, %dma_wait3A_1935] : memref<4x8x56x32xf32, #tpu.memory_space<vmem>> -> memref<1x1x50x32xf32, #tpu.memory_space<vmem>>
        %dma_wait3A_1937 = tpu.memref_squeeze %dma_wait3A_1936 : memref<1x1x50x32xf32, #tpu.memory_space<vmem>> -> memref<50x32xf32, #tpu.memory_space<vmem>>
        %dma_wait3A_1938 = arith.constant 0 : i32
        %dma_wait3A_1939 = arith.constant 0 : i32
        %dma_wait3A_1940 = tpu.memref_slice %arg4[%add3A_1931, %dma_wait3A_1938, %dma_wait3A_1939] : memref<16384x50x32xf32, #tpu.memory_space<hbm>> -> memref<1x50x32xf32, #tpu.memory_space<hbm>>
        %dma_wait3A_1941 = tpu.memref_squeeze %dma_wait3A_1940 : memref<1x50x32xf32, #tpu.memory_space<hbm>> -> memref<50x32xf32, #tpu.memory_space<hbm>>
        %dma_wait3A_1942 = arith.constant 0 : i32
        %dma_wait3A_1943 = arith.constant 0 : i32
        %dma_wait3A_1944 = tpu.memref_slice %arg4[%add3A_1931, %dma_wait3A_1942, %dma_wait3A_1943] : memref<16384x50x32xf32, #tpu.memory_space<hbm>> -> memref<1x50x32xf32, #tpu.memory_space<hbm>>
        %dma_wait3A_1945 = tpu.memref_squeeze %dma_wait3A_1944 : memref<1x50x32xf32, #tpu.memory_space<hbm>> -> memref<50x32xf32, #tpu.memory_space<hbm>>
        %dma_wait3A_1946 = arith.constant 0 : i32
        %dma_wait3A_1947 = arith.constant 0 : i32
        %dma_wait3A_1948 = tpu.memref_slice %arg6[%dma_wait3A_1932, %dma_wait3A_1933, %dma_wait3A_1946, %dma_wait3A_1947] : memref<4x8x56x32xf32, #tpu.memory_space<vmem>> -> memref<1x1x50x32xf32, #tpu.memory_space<vmem>>
        %dma_wait3A_1949 = tpu.memref_squeeze %dma_wait3A_1948 : memref<1x1x50x32xf32, #tpu.memory_space<vmem>> -> memref<50x32xf32, #tpu.memory_space<vmem>>
        tpu.wait_dma2 semaphore(%arg12 : memref<!tpu.dma_semaphore, #tpu.memory_space<semaphore_mem>>) src(%dma_wait3A_1949 : memref<50x32xf32, #tpu.memory_space<vmem>>) dst(%dma_wait3A_1945 : memref<50x32xf32, #tpu.memory_space<hbm>>)
        %mul3A_1950 = arith.constant 8 : i32
        %mul3A_1951 = arith.muli %sub3A_1811, %mul3A_1950 : i32
        %add3A_1952 = arith.addi %mul3A_2, %mul3A_1951 : i32
        %add3A_1953 = arith.constant 6 : i32
        %add3A_1954 = arith.addi %add3A_1952, %add3A_1953 : i32
        %dma_wait3A_1955 = arith.constant 1 : i32
        %dma_wait3A_1956 = arith.constant 6 : i32
        %dma_wait3A_1957 = arith.constant 0 : i32
        %dma_wait3A_1958 = arith.constant 0 : i32
        %dma_wait3A_1959 = tpu.memref_slice %arg6[%dma_wait3A_1955, %dma_wait3A_1956, %dma_wait3A_1957, %dma_wait3A_1958] : memref<4x8x56x32xf32, #tpu.memory_space<vmem>> -> memref<1x1x50x32xf32, #tpu.memory_space<vmem>>
        %dma_wait3A_1960 = tpu.memref_squeeze %dma_wait3A_1959 : memref<1x1x50x32xf32, #tpu.memory_space<vmem>> -> memref<50x32xf32, #tpu.memory_space<vmem>>
        %dma_wait3A_1961 = arith.constant 0 : i32
        %dma_wait3A_1962 = arith.constant 0 : i32
        %dma_wait3A_1963 = tpu.memref_slice %arg4[%add3A_1954, %dma_wait3A_1961, %dma_wait3A_1962] : memref<16384x50x32xf32, #tpu.memory_space<hbm>> -> memref<1x50x32xf32, #tpu.memory_space<hbm>>
        %dma_wait3A_1964 = tpu.memref_squeeze %dma_wait3A_1963 : memref<1x50x32xf32, #tpu.memory_space<hbm>> -> memref<50x32xf32, #tpu.memory_space<hbm>>
        %dma_wait3A_1965 = arith.constant 0 : i32
        %dma_wait3A_1966 = arith.constant 0 : i32
        %dma_wait3A_1967 = tpu.memref_slice %arg4[%add3A_1954, %dma_wait3A_1965, %dma_wait3A_1966] : memref<16384x50x32xf32, #tpu.memory_space<hbm>> -> memref<1x50x32xf32, #tpu.memory_space<hbm>>
        %dma_wait3A_1968 = tpu.memref_squeeze %dma_wait3A_1967 : memref<1x50x32xf32, #tpu.memory_space<hbm>> -> memref<50x32xf32, #tpu.memory_space<hbm>>
        %dma_wait3A_1969 = arith.constant 0 : i32
        %dma_wait3A_1970 = arith.constant 0 : i32
        %dma_wait3A_1971 = tpu.memref_slice %arg6[%dma_wait3A_1955, %dma_wait3A_1956, %dma_wait3A_1969, %dma_wait3A_1970] : memref<4x8x56x32xf32, #tpu.memory_space<vmem>> -> memref<1x1x50x32xf32, #tpu.memory_space<vmem>>
        %dma_wait3A_1972 = tpu.memref_squeeze %dma_wait3A_1971 : memref<1x1x50x32xf32, #tpu.memory_space<vmem>> -> memref<50x32xf32, #tpu.memory_space<vmem>>
        tpu.wait_dma2 semaphore(%arg12 : memref<!tpu.dma_semaphore, #tpu.memory_space<semaphore_mem>>) src(%dma_wait3A_1972 : memref<50x32xf32, #tpu.memory_space<vmem>>) dst(%dma_wait3A_1968 : memref<50x32xf32, #tpu.memory_space<hbm>>)
        %mul3A_1973 = arith.constant 8 : i32
        %mul3A_1974 = arith.muli %sub3A_1811, %mul3A_1973 : i32
        %add3A_1975 = arith.addi %mul3A_2, %mul3A_1974 : i32
        %add3A_1976 = arith.constant 7 : i32
        %add3A_1977 = arith.addi %add3A_1975, %add3A_1976 : i32
        %dma_wait3A_1978 = arith.constant 1 : i32
        %dma_wait3A_1979 = arith.constant 7 : i32
        %dma_wait3A_1980 = arith.constant 0 : i32
        %dma_wait3A_1981 = arith.constant 0 : i32
        %dma_wait3A_1982 = tpu.memref_slice %arg6[%dma_wait3A_1978, %dma_wait3A_1979, %dma_wait3A_1980, %dma_wait3A_1981] : memref<4x8x56x32xf32, #tpu.memory_space<vmem>> -> memref<1x1x50x32xf32, #tpu.memory_space<vmem>>
        %dma_wait3A_1983 = tpu.memref_squeeze %dma_wait3A_1982 : memref<1x1x50x32xf32, #tpu.memory_space<vmem>> -> memref<50x32xf32, #tpu.memory_space<vmem>>
        %dma_wait3A_1984 = arith.constant 0 : i32
        %dma_wait3A_1985 = arith.constant 0 : i32
        %dma_wait3A_1986 = tpu.memref_slice %arg4[%add3A_1977, %dma_wait3A_1984, %dma_wait3A_1985] : memref<16384x50x32xf32, #tpu.memory_space<hbm>> -> memref<1x50x32xf32, #tpu.memory_space<hbm>>
        %dma_wait3A_1987 = tpu.memref_squeeze %dma_wait3A_1986 : memref<1x50x32xf32, #tpu.memory_space<hbm>> -> memref<50x32xf32, #tpu.memory_space<hbm>>
        %dma_wait3A_1988 = arith.constant 0 : i32
        %dma_wait3A_1989 = arith.constant 0 : i32
        %dma_wait3A_1990 = tpu.memref_slice %arg4[%add3A_1977, %dma_wait3A_1988, %dma_wait3A_1989] : memref<16384x50x32xf32, #tpu.memory_space<hbm>> -> memref<1x50x32xf32, #tpu.memory_space<hbm>>
        %dma_wait3A_1991 = tpu.memref_squeeze %dma_wait3A_1990 : memref<1x50x32xf32, #tpu.memory_space<hbm>> -> memref<50x32xf32, #tpu.memory_space<hbm>>
        %dma_wait3A_1992 = arith.constant 0 : i32
        %dma_wait3A_1993 = arith.constant 0 : i32
        %dma_wait3A_1994 = tpu.memref_slice %arg6[%dma_wait3A_1978, %dma_wait3A_1979, %dma_wait3A_1992, %dma_wait3A_1993] : memref<4x8x56x32xf32, #tpu.memory_space<vmem>> -> memref<1x1x50x32xf32, #tpu.memory_space<vmem>>
        %dma_wait3A_1995 = tpu.memref_squeeze %dma_wait3A_1994 : memref<1x1x50x32xf32, #tpu.memory_space<vmem>> -> memref<50x32xf32, #tpu.memory_space<vmem>>
        tpu.wait_dma2 semaphore(%arg12 : memref<!tpu.dma_semaphore, #tpu.memory_space<semaphore_mem>>) src(%dma_wait3A_1995 : memref<50x32xf32, #tpu.memory_space<vmem>>) dst(%dma_wait3A_1991 : memref<50x32xf32, #tpu.memory_space<hbm>>)
      } else {
      }
      %add3A_1471 = arith.constant 4 : i32
      %add3A_1472 = arith.addi %add3A_1153, %add3A_1471 : i32
      %sub3A_1473 = arith.constant 1 : i32
      %sub3A_1474 = arith.subi %add3A_1472, %sub3A_1473 : i32
      %lt3A_1475 = arith.constant 64 : i32
      %lt3A_1476 = arith.cmpi slt, %sub3A_1474, %lt3A_1475 : i32
      %convert_element_type3A_1477 = arith.extui %lt3A_1476 : i1 to i32
      %cond3A_1478 = arith.constant 0 : i32
      %cond3A_1479 = arith.cmpi ne, %convert_element_type3A_1477, %cond3A_1478 : i32
      scf.if %cond3A_1479 {
        %add3A_1810 = arith.constant 4 : i32
        %add3A_1811 = arith.addi %add3A_1153, %add3A_1810 : i32
        %sub3A_1812 = arith.constant 1 : i32
        %sub3A_1813 = arith.subi %add3A_1811, %sub3A_1812 : i32
        %mul3A_1814 = arith.constant 8 : i32
        %mul3A_1815 = arith.muli %sub3A_1813, %mul3A_1814 : i32
        %add3A_1816 = arith.constant 0 : i32
        %add3A_1817 = arith.addi %mul3A_1815, %add3A_1816 : i32
        %dma_start3A_1818 = arith.constant 1 : i32
        %dma_start3A_1819 = arith.constant 0 : i32
        %dma_start3A_1820 = arith.constant 0 : i32
        %dma_start3A_1821 = arith.constant 0 : i32
        %dma_start3A_1822 = tpu.memref_slice %arg6[%dma_start3A_1818, %dma_start3A_1819, %dma_start3A_1820, %dma_start3A_1821] : memref<4x8x56x32xf32, #tpu.memory_space<vmem>> -> memref<1x1x56x32xf32, #tpu.memory_space<vmem>>
        %dma_start3A_1823 = tpu.memref_squeeze %dma_start3A_1822 : memref<1x1x56x32xf32, #tpu.memory_space<vmem>> -> memref<56x32xf32, #tpu.memory_space<vmem>>
        %dma_start3A_1824 = arith.constant 0 : i32
        %dma_start3A_1825 = tpu.memref_slice %arg5[%add3A_1817, %dma_start3A_1824] : memref<512x56xi32, #tpu.memory_space<vmem>> -> memref<1x56xi32, #tpu.memory_space<vmem>>
        %dma_start3A_1826 = tpu.memref_squeeze %dma_start3A_1825 : memref<1x56xi32, #tpu.memory_space<vmem>> -> memref<56xi32, #tpu.memory_space<vmem>>
        %dma_start3A_1827 = arith.constant 0 : i32
        %dma_start3A_1828 = arith.constant 0 : i32
        %dma_start3A_1829 = tpu.memref_slice %arg2[%dma_start3A_1827, %dma_start3A_1828] : memref<1000000x32xf32, #tpu.memory_space<hbm>> -> memref<1000000x32xf32, #tpu.memory_space<hbm>>
        tpu.enqueue_indirect_dma source(%dma_start3A_1829 : memref<1000000x32xf32, #tpu.memory_space<hbm>>) target(%dma_start3A_1823 : memref<56x32xf32, #tpu.memory_space<vmem>>) offsets(%dma_start3A_1826 : memref<56xi32, #tpu.memory_space<vmem>>) semaphore(%arg8 : memref<!tpu.dma_semaphore, #tpu.memory_space<semaphore_mem>>)
        %mul3A_1830 = arith.constant 8 : i32
        %mul3A_1831 = arith.muli %sub3A_1813, %mul3A_1830 : i32
        %add3A_1832 = arith.constant 1 : i32
        %add3A_1833 = arith.addi %mul3A_1831, %add3A_1832 : i32
        %dma_start3A_1834 = arith.constant 1 : i32
        %dma_start3A_1835 = arith.constant 1 : i32
        %dma_start3A_1836 = arith.constant 0 : i32
        %dma_start3A_1837 = arith.constant 0 : i32
        %dma_start3A_1838 = tpu.memref_slice %arg6[%dma_start3A_1834, %dma_start3A_1835, %dma_start3A_1836, %dma_start3A_1837] : memref<4x8x56x32xf32, #tpu.memory_space<vmem>> -> memref<1x1x56x32xf32, #tpu.memory_space<vmem>>
        %dma_start3A_1839 = tpu.memref_squeeze %dma_start3A_1838 : memref<1x1x56x32xf32, #tpu.memory_space<vmem>> -> memref<56x32xf32, #tpu.memory_space<vmem>>
        %dma_start3A_1840 = arith.constant 0 : i32
        %dma_start3A_1841 = tpu.memref_slice %arg5[%add3A_1833, %dma_start3A_1840] : memref<512x56xi32, #tpu.memory_space<vmem>> -> memref<1x56xi32, #tpu.memory_space<vmem>>
        %dma_start3A_1842 = tpu.memref_squeeze %dma_start3A_1841 : memref<1x56xi32, #tpu.memory_space<vmem>> -> memref<56xi32, #tpu.memory_space<vmem>>
        %dma_start3A_1843 = arith.constant 0 : i32
        %dma_start3A_1844 = arith.constant 0 : i32
        %dma_start3A_1845 = tpu.memref_slice %arg2[%dma_start3A_1843, %dma_start3A_1844] : memref<1000000x32xf32, #tpu.memory_space<hbm>> -> memref<1000000x32xf32, #tpu.memory_space<hbm>>
        tpu.enqueue_indirect_dma source(%dma_start3A_1845 : memref<1000000x32xf32, #tpu.memory_space<hbm>>) target(%dma_start3A_1839 : memref<56x32xf32, #tpu.memory_space<vmem>>) offsets(%dma_start3A_1842 : memref<56xi32, #tpu.memory_space<vmem>>) semaphore(%arg8 : memref<!tpu.dma_semaphore, #tpu.memory_space<semaphore_mem>>)
        %mul3A_1846 = arith.constant 8 : i32
        %mul3A_1847 = arith.muli %sub3A_1813, %mul3A_1846 : i32
        %add3A_1848 = arith.constant 2 : i32
        %add3A_1849 = arith.addi %mul3A_1847, %add3A_1848 : i32
        %dma_start3A_1850 = arith.constant 1 : i32
        %dma_start3A_1851 = arith.constant 2 : i32
        %dma_start3A_1852 = arith.constant 0 : i32
        %dma_start3A_1853 = arith.constant 0 : i32
        %dma_start3A_1854 = tpu.memref_slice %arg6[%dma_start3A_1850, %dma_start3A_1851, %dma_start3A_1852, %dma_start3A_1853] : memref<4x8x56x32xf32, #tpu.memory_space<vmem>> -> memref<1x1x56x32xf32, #tpu.memory_space<vmem>>
        %dma_start3A_1855 = tpu.memref_squeeze %dma_start3A_1854 : memref<1x1x56x32xf32, #tpu.memory_space<vmem>> -> memref<56x32xf32, #tpu.memory_space<vmem>>
        %dma_start3A_1856 = arith.constant 0 : i32
        %dma_start3A_1857 = tpu.memref_slice %arg5[%add3A_1849, %dma_start3A_1856] : memref<512x56xi32, #tpu.memory_space<vmem>> -> memref<1x56xi32, #tpu.memory_space<vmem>>
        %dma_start3A_1858 = tpu.memref_squeeze %dma_start3A_1857 : memref<1x56xi32, #tpu.memory_space<vmem>> -> memref<56xi32, #tpu.memory_space<vmem>>
        %dma_start3A_1859 = arith.constant 0 : i32
        %dma_start3A_1860 = arith.constant 0 : i32
        %dma_start3A_1861 = tpu.memref_slice %arg2[%dma_start3A_1859, %dma_start3A_1860] : memref<1000000x32xf32, #tpu.memory_space<hbm>> -> memref<1000000x32xf32, #tpu.memory_space<hbm>>
        tpu.enqueue_indirect_dma source(%dma_start3A_1861 : memref<1000000x32xf32, #tpu.memory_space<hbm>>) target(%dma_start3A_1855 : memref<56x32xf32, #tpu.memory_space<vmem>>) offsets(%dma_start3A_1858 : memref<56xi32, #tpu.memory_space<vmem>>) semaphore(%arg8 : memref<!tpu.dma_semaphore, #tpu.memory_space<semaphore_mem>>)
        %mul3A_1862 = arith.constant 8 : i32
        %mul3A_1863 = arith.muli %sub3A_1813, %mul3A_1862 : i32
        %add3A_1864 = arith.constant 3 : i32
        %add3A_1865 = arith.addi %mul3A_1863, %add3A_1864 : i32
        %dma_start3A_1866 = arith.constant 1 : i32
        %dma_start3A_1867 = arith.constant 3 : i32
        %dma_start3A_1868 = arith.constant 0 : i32
        %dma_start3A_1869 = arith.constant 0 : i32
        %dma_start3A_1870 = tpu.memref_slice %arg6[%dma_start3A_1866, %dma_start3A_1867, %dma_start3A_1868, %dma_start3A_1869] : memref<4x8x56x32xf32, #tpu.memory_space<vmem>> -> memref<1x1x56x32xf32, #tpu.memory_space<vmem>>
        %dma_start3A_1871 = tpu.memref_squeeze %dma_start3A_1870 : memref<1x1x56x32xf32, #tpu.memory_space<vmem>> -> memref<56x32xf32, #tpu.memory_space<vmem>>
        %dma_start3A_1872 = arith.constant 0 : i32
        %dma_start3A_1873 = tpu.memref_slice %arg5[%add3A_1865, %dma_start3A_1872] : memref<512x56xi32, #tpu.memory_space<vmem>> -> memref<1x56xi32, #tpu.memory_space<vmem>>
        %dma_start3A_1874 = tpu.memref_squeeze %dma_start3A_1873 : memref<1x56xi32, #tpu.memory_space<vmem>> -> memref<56xi32, #tpu.memory_space<vmem>>
        %dma_start3A_1875 = arith.constant 0 : i32
        %dma_start3A_1876 = arith.constant 0 : i32
        %dma_start3A_1877 = tpu.memref_slice %arg2[%dma_start3A_1875, %dma_start3A_1876] : memref<1000000x32xf32, #tpu.memory_space<hbm>> -> memref<1000000x32xf32, #tpu.memory_space<hbm>>
        tpu.enqueue_indirect_dma source(%dma_start3A_1877 : memref<1000000x32xf32, #tpu.memory_space<hbm>>) target(%dma_start3A_1871 : memref<56x32xf32, #tpu.memory_space<vmem>>) offsets(%dma_start3A_1874 : memref<56xi32, #tpu.memory_space<vmem>>) semaphore(%arg8 : memref<!tpu.dma_semaphore, #tpu.memory_space<semaphore_mem>>)
        %mul3A_1878 = arith.constant 8 : i32
        %mul3A_1879 = arith.muli %sub3A_1813, %mul3A_1878 : i32
        %add3A_1880 = arith.constant 4 : i32
        %add3A_1881 = arith.addi %mul3A_1879, %add3A_1880 : i32
        %dma_start3A_1882 = arith.constant 1 : i32
        %dma_start3A_1883 = arith.constant 4 : i32
        %dma_start3A_1884 = arith.constant 0 : i32
        %dma_start3A_1885 = arith.constant 0 : i32
        %dma_start3A_1886 = tpu.memref_slice %arg6[%dma_start3A_1882, %dma_start3A_1883, %dma_start3A_1884, %dma_start3A_1885] : memref<4x8x56x32xf32, #tpu.memory_space<vmem>> -> memref<1x1x56x32xf32, #tpu.memory_space<vmem>>
        %dma_start3A_1887 = tpu.memref_squeeze %dma_start3A_1886 : memref<1x1x56x32xf32, #tpu.memory_space<vmem>> -> memref<56x32xf32, #tpu.memory_space<vmem>>
        %dma_start3A_1888 = arith.constant 0 : i32
        %dma_start3A_1889 = tpu.memref_slice %arg5[%add3A_1881, %dma_start3A_1888] : memref<512x56xi32, #tpu.memory_space<vmem>> -> memref<1x56xi32, #tpu.memory_space<vmem>>
        %dma_start3A_1890 = tpu.memref_squeeze %dma_start3A_1889 : memref<1x56xi32, #tpu.memory_space<vmem>> -> memref<56xi32, #tpu.memory_space<vmem>>
        %dma_start3A_1891 = arith.constant 0 : i32
        %dma_start3A_1892 = arith.constant 0 : i32
        %dma_start3A_1893 = tpu.memref_slice %arg2[%dma_start3A_1891, %dma_start3A_1892] : memref<1000000x32xf32, #tpu.memory_space<hbm>> -> memref<1000000x32xf32, #tpu.memory_space<hbm>>
        tpu.enqueue_indirect_dma source(%dma_start3A_1893 : memref<1000000x32xf32, #tpu.memory_space<hbm>>) target(%dma_start3A_1887 : memref<56x32xf32, #tpu.memory_space<vmem>>) offsets(%dma_start3A_1890 : memref<56xi32, #tpu.memory_space<vmem>>) semaphore(%arg8 : memref<!tpu.dma_semaphore, #tpu.memory_space<semaphore_mem>>)
        %mul3A_1894 = arith.constant 8 : i32
        %mul3A_1895 = arith.muli %sub3A_1813, %mul3A_1894 : i32
        %add3A_1896 = arith.constant 5 : i32
        %add3A_1897 = arith.addi %mul3A_1895, %add3A_1896 : i32
        %dma_start3A_1898 = arith.constant 1 : i32
        %dma_start3A_1899 = arith.constant 5 : i32
        %dma_start3A_1900 = arith.constant 0 : i32
        %dma_start3A_1901 = arith.constant 0 : i32
        %dma_start3A_1902 = tpu.memref_slice %arg6[%dma_start3A_1898, %dma_start3A_1899, %dma_start3A_1900, %dma_start3A_1901] : memref<4x8x56x32xf32, #tpu.memory_space<vmem>> -> memref<1x1x56x32xf32, #tpu.memory_space<vmem>>
        %dma_start3A_1903 = tpu.memref_squeeze %dma_start3A_1902 : memref<1x1x56x32xf32, #tpu.memory_space<vmem>> -> memref<56x32xf32, #tpu.memory_space<vmem>>
        %dma_start3A_1904 = arith.constant 0 : i32
        %dma_start3A_1905 = tpu.memref_slice %arg5[%add3A_1897, %dma_start3A_1904] : memref<512x56xi32, #tpu.memory_space<vmem>> -> memref<1x56xi32, #tpu.memory_space<vmem>>
        %dma_start3A_1906 = tpu.memref_squeeze %dma_start3A_1905 : memref<1x56xi32, #tpu.memory_space<vmem>> -> memref<56xi32, #tpu.memory_space<vmem>>
        %dma_start3A_1907 = arith.constant 0 : i32
        %dma_start3A_1908 = arith.constant 0 : i32
        %dma_start3A_1909 = tpu.memref_slice %arg2[%dma_start3A_1907, %dma_start3A_1908] : memref<1000000x32xf32, #tpu.memory_space<hbm>> -> memref<1000000x32xf32, #tpu.memory_space<hbm>>
        tpu.enqueue_indirect_dma source(%dma_start3A_1909 : memref<1000000x32xf32, #tpu.memory_space<hbm>>) target(%dma_start3A_1903 : memref<56x32xf32, #tpu.memory_space<vmem>>) offsets(%dma_start3A_1906 : memref<56xi32, #tpu.memory_space<vmem>>) semaphore(%arg8 : memref<!tpu.dma_semaphore, #tpu.memory_space<semaphore_mem>>)
        %mul3A_1910 = arith.constant 8 : i32
        %mul3A_1911 = arith.muli %sub3A_1813, %mul3A_1910 : i32
        %add3A_1912 = arith.constant 6 : i32
        %add3A_1913 = arith.addi %mul3A_1911, %add3A_1912 : i32
        %dma_start3A_1914 = arith.constant 1 : i32
        %dma_start3A_1915 = arith.constant 6 : i32
        %dma_start3A_1916 = arith.constant 0 : i32
        %dma_start3A_1917 = arith.constant 0 : i32
        %dma_start3A_1918 = tpu.memref_slice %arg6[%dma_start3A_1914, %dma_start3A_1915, %dma_start3A_1916, %dma_start3A_1917] : memref<4x8x56x32xf32, #tpu.memory_space<vmem>> -> memref<1x1x56x32xf32, #tpu.memory_space<vmem>>
        %dma_start3A_1919 = tpu.memref_squeeze %dma_start3A_1918 : memref<1x1x56x32xf32, #tpu.memory_space<vmem>> -> memref<56x32xf32, #tpu.memory_space<vmem>>
        %dma_start3A_1920 = arith.constant 0 : i32
        %dma_start3A_1921 = tpu.memref_slice %arg5[%add3A_1913, %dma_start3A_1920] : memref<512x56xi32, #tpu.memory_space<vmem>> -> memref<1x56xi32, #tpu.memory_space<vmem>>
        %dma_start3A_1922 = tpu.memref_squeeze %dma_start3A_1921 : memref<1x56xi32, #tpu.memory_space<vmem>> -> memref<56xi32, #tpu.memory_space<vmem>>
        %dma_start3A_1923 = arith.constant 0 : i32
        %dma_start3A_1924 = arith.constant 0 : i32
        %dma_start3A_1925 = tpu.memref_slice %arg2[%dma_start3A_1923, %dma_start3A_1924] : memref<1000000x32xf32, #tpu.memory_space<hbm>> -> memref<1000000x32xf32, #tpu.memory_space<hbm>>
        tpu.enqueue_indirect_dma source(%dma_start3A_1925 : memref<1000000x32xf32, #tpu.memory_space<hbm>>) target(%dma_start3A_1919 : memref<56x32xf32, #tpu.memory_space<vmem>>) offsets(%dma_start3A_1922 : memref<56xi32, #tpu.memory_space<vmem>>) semaphore(%arg8 : memref<!tpu.dma_semaphore, #tpu.memory_space<semaphore_mem>>)
        %mul3A_1926 = arith.constant 8 : i32
        %mul3A_1927 = arith.muli %sub3A_1813, %mul3A_1926 : i32
        %add3A_1928 = arith.constant 7 : i32
        %add3A_1929 = arith.addi %mul3A_1927, %add3A_1928 : i32
        %dma_start3A_1930 = arith.constant 1 : i32
        %dma_start3A_1931 = arith.constant 7 : i32
        %dma_start3A_1932 = arith.constant 0 : i32
        %dma_start3A_1933 = arith.constant 0 : i32
        %dma_start3A_1934 = tpu.memref_slice %arg6[%dma_start3A_1930, %dma_start3A_1931, %dma_start3A_1932, %dma_start3A_1933] : memref<4x8x56x32xf32, #tpu.memory_space<vmem>> -> memref<1x1x56x32xf32, #tpu.memory_space<vmem>>
        %dma_start3A_1935 = tpu.memref_squeeze %dma_start3A_1934 : memref<1x1x56x32xf32, #tpu.memory_space<vmem>> -> memref<56x32xf32, #tpu.memory_space<vmem>>
        %dma_start3A_1936 = arith.constant 0 : i32
        %dma_start3A_1937 = tpu.memref_slice %arg5[%add3A_1929, %dma_start3A_1936] : memref<512x56xi32, #tpu.memory_space<vmem>> -> memref<1x56xi32, #tpu.memory_space<vmem>>
        %dma_start3A_1938 = tpu.memref_squeeze %dma_start3A_1937 : memref<1x56xi32, #tpu.memory_space<vmem>> -> memref<56xi32, #tpu.memory_space<vmem>>
        %dma_start3A_1939 = arith.constant 0 : i32
        %dma_start3A_1940 = arith.constant 0 : i32
        %dma_start3A_1941 = tpu.memref_slice %arg2[%dma_start3A_1939, %dma_start3A_1940] : memref<1000000x32xf32, #tpu.memory_space<hbm>> -> memref<1000000x32xf32, #tpu.memory_space<hbm>>
        tpu.enqueue_indirect_dma source(%dma_start3A_1941 : memref<1000000x32xf32, #tpu.memory_space<hbm>>) target(%dma_start3A_1935 : memref<56x32xf32, #tpu.memory_space<vmem>>) offsets(%dma_start3A_1938 : memref<56xi32, #tpu.memory_space<vmem>>) semaphore(%arg8 : memref<!tpu.dma_semaphore, #tpu.memory_space<semaphore_mem>>)
      } else {
      }
      %mul3A_1480 = arith.constant 4 : i32
      %mul3A_1481 = arith.muli %scan3A_494, %mul3A_1480 : i32
      %add3A_1482 = arith.constant 3 : i32
      %add3A_1483 = arith.addi %mul3A_1481, %add3A_1482 : i32
      %mul3A_1484 = arith.constant 8 : i32
      %mul3A_1485 = arith.muli %add3A_1483, %mul3A_1484 : i32
      %add3A_1486 = arith.constant 0 : i32
      %add3A_1487 = arith.addi %mul3A_1485, %add3A_1486 : i32
      %dma_wait3A_1488 = arith.constant 3 : i32
      %dma_wait3A_1489 = arith.constant 0 : i32
      %dma_wait3A_1490 = arith.constant 0 : i32
      %dma_wait3A_1491 = arith.constant 0 : i32
      %dma_wait3A_1492 = tpu.memref_slice %arg6[%dma_wait3A_1488, %dma_wait3A_1489, %dma_wait3A_1490, %dma_wait3A_1491] : memref<4x8x56x32xf32, #tpu.memory_space<vmem>> -> memref<1x1x56x32xf32, #tpu.memory_space<vmem>>
      %dma_wait3A_1493 = tpu.memref_squeeze %dma_wait3A_1492 : memref<1x1x56x32xf32, #tpu.memory_space<vmem>> -> memref<56x32xf32, #tpu.memory_space<vmem>>
      %dma_wait3A_1494 = arith.constant 0 : i32
      %dma_wait3A_1495 = tpu.memref_slice %arg5[%add3A_1487, %dma_wait3A_1494] : memref<512x56xi32, #tpu.memory_space<vmem>> -> memref<1x56xi32, #tpu.memory_space<vmem>>
      %dma_wait3A_1496 = tpu.memref_squeeze %dma_wait3A_1495 : memref<1x56xi32, #tpu.memory_space<vmem>> -> memref<56xi32, #tpu.memory_space<vmem>>
      %dma_wait3A_1497 = arith.constant 0 : i32
      %dma_wait3A_1498 = arith.constant 0 : i32
      %dma_wait3A_1499 = tpu.memref_slice %arg2[%dma_wait3A_1497, %dma_wait3A_1498] : memref<1000000x32xf32, #tpu.memory_space<hbm>> -> memref<1000000x32xf32, #tpu.memory_space<hbm>>
      tpu.wait_indirect_dma semaphore(%arg10 : memref<!tpu.dma_semaphore, #tpu.memory_space<semaphore_mem>>) src(%dma_wait3A_1499 : memref<1000000x32xf32, #tpu.memory_space<hbm>>) dst(%dma_wait3A_1493 : memref<56x32xf32, #tpu.memory_space<vmem>>)
      %mul3A_1500 = arith.constant 8 : i32
      %mul3A_1501 = arith.muli %add3A_1483, %mul3A_1500 : i32
      %add3A_1502 = arith.constant 1 : i32
      %add3A_1503 = arith.addi %mul3A_1501, %add3A_1502 : i32
      %dma_wait3A_1504 = arith.constant 3 : i32
      %dma_wait3A_1505 = arith.constant 1 : i32
      %dma_wait3A_1506 = arith.constant 0 : i32
      %dma_wait3A_1507 = arith.constant 0 : i32
      %dma_wait3A_1508 = tpu.memref_slice %arg6[%dma_wait3A_1504, %dma_wait3A_1505, %dma_wait3A_1506, %dma_wait3A_1507] : memref<4x8x56x32xf32, #tpu.memory_space<vmem>> -> memref<1x1x56x32xf32, #tpu.memory_space<vmem>>
      %dma_wait3A_1509 = tpu.memref_squeeze %dma_wait3A_1508 : memref<1x1x56x32xf32, #tpu.memory_space<vmem>> -> memref<56x32xf32, #tpu.memory_space<vmem>>
      %dma_wait3A_1510 = arith.constant 0 : i32
      %dma_wait3A_1511 = tpu.memref_slice %arg5[%add3A_1503, %dma_wait3A_1510] : memref<512x56xi32, #tpu.memory_space<vmem>> -> memref<1x56xi32, #tpu.memory_space<vmem>>
      %dma_wait3A_1512 = tpu.memref_squeeze %dma_wait3A_1511 : memref<1x56xi32, #tpu.memory_space<vmem>> -> memref<56xi32, #tpu.memory_space<vmem>>
      %dma_wait3A_1513 = arith.constant 0 : i32
      %dma_wait3A_1514 = arith.constant 0 : i32
      %dma_wait3A_1515 = tpu.memref_slice %arg2[%dma_wait3A_1513, %dma_wait3A_1514] : memref<1000000x32xf32, #tpu.memory_space<hbm>> -> memref<1000000x32xf32, #tpu.memory_space<hbm>>
      tpu.wait_indirect_dma semaphore(%arg10 : memref<!tpu.dma_semaphore, #tpu.memory_space<semaphore_mem>>) src(%dma_wait3A_1515 : memref<1000000x32xf32, #tpu.memory_space<hbm>>) dst(%dma_wait3A_1509 : memref<56x32xf32, #tpu.memory_space<vmem>>)
      %mul3A_1516 = arith.constant 8 : i32
      %mul3A_1517 = arith.muli %add3A_1483, %mul3A_1516 : i32
      %add3A_1518 = arith.constant 2 : i32
      %add3A_1519 = arith.addi %mul3A_1517, %add3A_1518 : i32
      %dma_wait3A_1520 = arith.constant 3 : i32
      %dma_wait3A_1521 = arith.constant 2 : i32
      %dma_wait3A_1522 = arith.constant 0 : i32
      %dma_wait3A_1523 = arith.constant 0 : i32
      %dma_wait3A_1524 = tpu.memref_slice %arg6[%dma_wait3A_1520, %dma_wait3A_1521, %dma_wait3A_1522, %dma_wait3A_1523] : memref<4x8x56x32xf32, #tpu.memory_space<vmem>> -> memref<1x1x56x32xf32, #tpu.memory_space<vmem>>
      %dma_wait3A_1525 = tpu.memref_squeeze %dma_wait3A_1524 : memref<1x1x56x32xf32, #tpu.memory_space<vmem>> -> memref<56x32xf32, #tpu.memory_space<vmem>>
      %dma_wait3A_1526 = arith.constant 0 : i32
      %dma_wait3A_1527 = tpu.memref_slice %arg5[%add3A_1519, %dma_wait3A_1526] : memref<512x56xi32, #tpu.memory_space<vmem>> -> memref<1x56xi32, #tpu.memory_space<vmem>>
      %dma_wait3A_1528 = tpu.memref_squeeze %dma_wait3A_1527 : memref<1x56xi32, #tpu.memory_space<vmem>> -> memref<56xi32, #tpu.memory_space<vmem>>
      %dma_wait3A_1529 = arith.constant 0 : i32
      %dma_wait3A_1530 = arith.constant 0 : i32
      %dma_wait3A_1531 = tpu.memref_slice %arg2[%dma_wait3A_1529, %dma_wait3A_1530] : memref<1000000x32xf32, #tpu.memory_space<hbm>> -> memref<1000000x32xf32, #tpu.memory_space<hbm>>
      tpu.wait_indirect_dma semaphore(%arg10 : memref<!tpu.dma_semaphore, #tpu.memory_space<semaphore_mem>>) src(%dma_wait3A_1531 : memref<1000000x32xf32, #tpu.memory_space<hbm>>) dst(%dma_wait3A_1525 : memref<56x32xf32, #tpu.memory_space<vmem>>)
      %mul3A_1532 = arith.constant 8 : i32
      %mul3A_1533 = arith.muli %add3A_1483, %mul3A_1532 : i32
      %add3A_1534 = arith.constant 3 : i32
      %add3A_1535 = arith.addi %mul3A_1533, %add3A_1534 : i32
      %dma_wait3A_1536 = arith.constant 3 : i32
      %dma_wait3A_1537 = arith.constant 3 : i32
      %dma_wait3A_1538 = arith.constant 0 : i32
      %dma_wait3A_1539 = arith.constant 0 : i32
      %dma_wait3A_1540 = tpu.memref_slice %arg6[%dma_wait3A_1536, %dma_wait3A_1537, %dma_wait3A_1538, %dma_wait3A_1539] : memref<4x8x56x32xf32, #tpu.memory_space<vmem>> -> memref<1x1x56x32xf32, #tpu.memory_space<vmem>>
      %dma_wait3A_1541 = tpu.memref_squeeze %dma_wait3A_1540 : memref<1x1x56x32xf32, #tpu.memory_space<vmem>> -> memref<56x32xf32, #tpu.memory_space<vmem>>
      %dma_wait3A_1542 = arith.constant 0 : i32
      %dma_wait3A_1543 = tpu.memref_slice %arg5[%add3A_1535, %dma_wait3A_1542] : memref<512x56xi32, #tpu.memory_space<vmem>> -> memref<1x56xi32, #tpu.memory_space<vmem>>
      %dma_wait3A_1544 = tpu.memref_squeeze %dma_wait3A_1543 : memref<1x56xi32, #tpu.memory_space<vmem>> -> memref<56xi32, #tpu.memory_space<vmem>>
      %dma_wait3A_1545 = arith.constant 0 : i32
      %dma_wait3A_1546 = arith.constant 0 : i32
      %dma_wait3A_1547 = tpu.memref_slice %arg2[%dma_wait3A_1545, %dma_wait3A_1546] : memref<1000000x32xf32, #tpu.memory_space<hbm>> -> memref<1000000x32xf32, #tpu.memory_space<hbm>>
      tpu.wait_indirect_dma semaphore(%arg10 : memref<!tpu.dma_semaphore, #tpu.memory_space<semaphore_mem>>) src(%dma_wait3A_1547 : memref<1000000x32xf32, #tpu.memory_space<hbm>>) dst(%dma_wait3A_1541 : memref<56x32xf32, #tpu.memory_space<vmem>>)
      %mul3A_1548 = arith.constant 8 : i32
      %mul3A_1549 = arith.muli %add3A_1483, %mul3A_1548 : i32
      %add3A_1550 = arith.constant 4 : i32
      %add3A_1551 = arith.addi %mul3A_1549, %add3A_1550 : i32
      %dma_wait3A_1552 = arith.constant 3 : i32
      %dma_wait3A_1553 = arith.constant 4 : i32
      %dma_wait3A_1554 = arith.constant 0 : i32
      %dma_wait3A_1555 = arith.constant 0 : i32
      %dma_wait3A_1556 = tpu.memref_slice %arg6[%dma_wait3A_1552, %dma_wait3A_1553, %dma_wait3A_1554, %dma_wait3A_1555] : memref<4x8x56x32xf32, #tpu.memory_space<vmem>> -> memref<1x1x56x32xf32, #tpu.memory_space<vmem>>
      %dma_wait3A_1557 = tpu.memref_squeeze %dma_wait3A_1556 : memref<1x1x56x32xf32, #tpu.memory_space<vmem>> -> memref<56x32xf32, #tpu.memory_space<vmem>>
      %dma_wait3A_1558 = arith.constant 0 : i32
      %dma_wait3A_1559 = tpu.memref_slice %arg5[%add3A_1551, %dma_wait3A_1558] : memref<512x56xi32, #tpu.memory_space<vmem>> -> memref<1x56xi32, #tpu.memory_space<vmem>>
      %dma_wait3A_1560 = tpu.memref_squeeze %dma_wait3A_1559 : memref<1x56xi32, #tpu.memory_space<vmem>> -> memref<56xi32, #tpu.memory_space<vmem>>
      %dma_wait3A_1561 = arith.constant 0 : i32
      %dma_wait3A_1562 = arith.constant 0 : i32
      %dma_wait3A_1563 = tpu.memref_slice %arg2[%dma_wait3A_1561, %dma_wait3A_1562] : memref<1000000x32xf32, #tpu.memory_space<hbm>> -> memref<1000000x32xf32, #tpu.memory_space<hbm>>
      tpu.wait_indirect_dma semaphore(%arg10 : memref<!tpu.dma_semaphore, #tpu.memory_space<semaphore_mem>>) src(%dma_wait3A_1563 : memref<1000000x32xf32, #tpu.memory_space<hbm>>) dst(%dma_wait3A_1557 : memref<56x32xf32, #tpu.memory_space<vmem>>)
      %mul3A_1564 = arith.constant 8 : i32
      %mul3A_1565 = arith.muli %add3A_1483, %mul3A_1564 : i32
      %add3A_1566 = arith.constant 5 : i32
      %add3A_1567 = arith.addi %mul3A_1565, %add3A_1566 : i32
      %dma_wait3A_1568 = arith.constant 3 : i32
      %dma_wait3A_1569 = arith.constant 5 : i32
      %dma_wait3A_1570 = arith.constant 0 : i32
      %dma_wait3A_1571 = arith.constant 0 : i32
      %dma_wait3A_1572 = tpu.memref_slice %arg6[%dma_wait3A_1568, %dma_wait3A_1569, %dma_wait3A_1570, %dma_wait3A_1571] : memref<4x8x56x32xf32, #tpu.memory_space<vmem>> -> memref<1x1x56x32xf32, #tpu.memory_space<vmem>>
      %dma_wait3A_1573 = tpu.memref_squeeze %dma_wait3A_1572 : memref<1x1x56x32xf32, #tpu.memory_space<vmem>> -> memref<56x32xf32, #tpu.memory_space<vmem>>
      %dma_wait3A_1574 = arith.constant 0 : i32
      %dma_wait3A_1575 = tpu.memref_slice %arg5[%add3A_1567, %dma_wait3A_1574] : memref<512x56xi32, #tpu.memory_space<vmem>> -> memref<1x56xi32, #tpu.memory_space<vmem>>
      %dma_wait3A_1576 = tpu.memref_squeeze %dma_wait3A_1575 : memref<1x56xi32, #tpu.memory_space<vmem>> -> memref<56xi32, #tpu.memory_space<vmem>>
      %dma_wait3A_1577 = arith.constant 0 : i32
      %dma_wait3A_1578 = arith.constant 0 : i32
      %dma_wait3A_1579 = tpu.memref_slice %arg2[%dma_wait3A_1577, %dma_wait3A_1578] : memref<1000000x32xf32, #tpu.memory_space<hbm>> -> memref<1000000x32xf32, #tpu.memory_space<hbm>>
      tpu.wait_indirect_dma semaphore(%arg10 : memref<!tpu.dma_semaphore, #tpu.memory_space<semaphore_mem>>) src(%dma_wait3A_1579 : memref<1000000x32xf32, #tpu.memory_space<hbm>>) dst(%dma_wait3A_1573 : memref<56x32xf32, #tpu.memory_space<vmem>>)
      %mul3A_1580 = arith.constant 8 : i32
      %mul3A_1581 = arith.muli %add3A_1483, %mul3A_1580 : i32
      %add3A_1582 = arith.constant 6 : i32
      %add3A_1583 = arith.addi %mul3A_1581, %add3A_1582 : i32
      %dma_wait3A_1584 = arith.constant 3 : i32
      %dma_wait3A_1585 = arith.constant 6 : i32
      %dma_wait3A_1586 = arith.constant 0 : i32
      %dma_wait3A_1587 = arith.constant 0 : i32
      %dma_wait3A_1588 = tpu.memref_slice %arg6[%dma_wait3A_1584, %dma_wait3A_1585, %dma_wait3A_1586, %dma_wait3A_1587] : memref<4x8x56x32xf32, #tpu.memory_space<vmem>> -> memref<1x1x56x32xf32, #tpu.memory_space<vmem>>
      %dma_wait3A_1589 = tpu.memref_squeeze %dma_wait3A_1588 : memref<1x1x56x32xf32, #tpu.memory_space<vmem>> -> memref<56x32xf32, #tpu.memory_space<vmem>>
      %dma_wait3A_1590 = arith.constant 0 : i32
      %dma_wait3A_1591 = tpu.memref_slice %arg5[%add3A_1583, %dma_wait3A_1590] : memref<512x56xi32, #tpu.memory_space<vmem>> -> memref<1x56xi32, #tpu.memory_space<vmem>>
      %dma_wait3A_1592 = tpu.memref_squeeze %dma_wait3A_1591 : memref<1x56xi32, #tpu.memory_space<vmem>> -> memref<56xi32, #tpu.memory_space<vmem>>
      %dma_wait3A_1593 = arith.constant 0 : i32
      %dma_wait3A_1594 = arith.constant 0 : i32
      %dma_wait3A_1595 = tpu.memref_slice %arg2[%dma_wait3A_1593, %dma_wait3A_1594] : memref<1000000x32xf32, #tpu.memory_space<hbm>> -> memref<1000000x32xf32, #tpu.memory_space<hbm>>
      tpu.wait_indirect_dma semaphore(%arg10 : memref<!tpu.dma_semaphore, #tpu.memory_space<semaphore_mem>>) src(%dma_wait3A_1595 : memref<1000000x32xf32, #tpu.memory_space<hbm>>) dst(%dma_wait3A_1589 : memref<56x32xf32, #tpu.memory_space<vmem>>)
      %mul3A_1596 = arith.constant 8 : i32
      %mul3A_1597 = arith.muli %add3A_1483, %mul3A_1596 : i32
      %add3A_1598 = arith.constant 7 : i32
      %add3A_1599 = arith.addi %mul3A_1597, %add3A_1598 : i32
      %dma_wait3A_1600 = arith.constant 3 : i32
      %dma_wait3A_1601 = arith.constant 7 : i32
      %dma_wait3A_1602 = arith.constant 0 : i32
      %dma_wait3A_1603 = arith.constant 0 : i32
      %dma_wait3A_1604 = tpu.memref_slice %arg6[%dma_wait3A_1600, %dma_wait3A_1601, %dma_wait3A_1602, %dma_wait3A_1603] : memref<4x8x56x32xf32, #tpu.memory_space<vmem>> -> memref<1x1x56x32xf32, #tpu.memory_space<vmem>>
      %dma_wait3A_1605 = tpu.memref_squeeze %dma_wait3A_1604 : memref<1x1x56x32xf32, #tpu.memory_space<vmem>> -> memref<56x32xf32, #tpu.memory_space<vmem>>
      %dma_wait3A_1606 = arith.constant 0 : i32
      %dma_wait3A_1607 = tpu.memref_slice %arg5[%add3A_1599, %dma_wait3A_1606] : memref<512x56xi32, #tpu.memory_space<vmem>> -> memref<1x56xi32, #tpu.memory_space<vmem>>
      %dma_wait3A_1608 = tpu.memref_squeeze %dma_wait3A_1607 : memref<1x56xi32, #tpu.memory_space<vmem>> -> memref<56xi32, #tpu.memory_space<vmem>>
      %dma_wait3A_1609 = arith.constant 0 : i32
      %dma_wait3A_1610 = arith.constant 0 : i32
      %dma_wait3A_1611 = tpu.memref_slice %arg2[%dma_wait3A_1609, %dma_wait3A_1610] : memref<1000000x32xf32, #tpu.memory_space<hbm>> -> memref<1000000x32xf32, #tpu.memory_space<hbm>>
      tpu.wait_indirect_dma semaphore(%arg10 : memref<!tpu.dma_semaphore, #tpu.memory_space<semaphore_mem>>) src(%dma_wait3A_1611 : memref<1000000x32xf32, #tpu.memory_space<hbm>>) dst(%dma_wait3A_1605 : memref<56x32xf32, #tpu.memory_space<vmem>>)
      %mul3A_1612 = arith.constant 8 : i32
      %mul3A_1613 = arith.muli %add3A_1483, %mul3A_1612 : i32
      %add3A_1614 = arith.addi %mul3A_2, %mul3A_1613 : i32
      %add3A_1615 = arith.constant 0 : i32
      %add3A_1616 = arith.addi %add3A_1614, %add3A_1615 : i32
      %dma_start3A_1617 = arith.constant 3 : i32
      %dma_start3A_1618 = arith.constant 0 : i32
      %dma_start3A_1619 = arith.constant 0 : i32
      %dma_start3A_1620 = arith.constant 0 : i32
      %dma_start3A_1621 = tpu.memref_slice %arg6[%dma_start3A_1617, %dma_start3A_1618, %dma_start3A_1619, %dma_start3A_1620] : memref<4x8x56x32xf32, #tpu.memory_space<vmem>> -> memref<1x1x50x32xf32, #tpu.memory_space<vmem>>
      %dma_start3A_1622 = tpu.memref_squeeze %dma_start3A_1621 : memref<1x1x50x32xf32, #tpu.memory_space<vmem>> -> memref<50x32xf32, #tpu.memory_space<vmem>>
      %dma_start3A_1623 = arith.constant 0 : i32
      %dma_start3A_1624 = arith.constant 0 : i32
      %dma_start3A_1625 = tpu.memref_slice %arg4[%add3A_1616, %dma_start3A_1623, %dma_start3A_1624] : memref<16384x50x32xf32, #tpu.memory_space<hbm>> -> memref<1x50x32xf32, #tpu.memory_space<hbm>>
      %dma_start3A_1626 = tpu.memref_squeeze %dma_start3A_1625 : memref<1x50x32xf32, #tpu.memory_space<hbm>> -> memref<50x32xf32, #tpu.memory_space<hbm>>
      %dma_start3A_1627 = arith.constant 0 : i32
      %dma_start3A_1628 = arith.constant 0 : i32
      %dma_start3A_1629 = tpu.memref_slice %arg4[%add3A_1616, %dma_start3A_1627, %dma_start3A_1628] : memref<16384x50x32xf32, #tpu.memory_space<hbm>> -> memref<1x50x32xf32, #tpu.memory_space<hbm>>
      %dma_start3A_1630 = tpu.memref_squeeze %dma_start3A_1629 : memref<1x50x32xf32, #tpu.memory_space<hbm>> -> memref<50x32xf32, #tpu.memory_space<hbm>>
      %dma_start3A_1631 = arith.constant 0 : i32
      %dma_start3A_1632 = arith.constant 0 : i32
      %dma_start3A_1633 = tpu.memref_slice %arg6[%dma_start3A_1617, %dma_start3A_1618, %dma_start3A_1631, %dma_start3A_1632] : memref<4x8x56x32xf32, #tpu.memory_space<vmem>> -> memref<1x1x50x32xf32, #tpu.memory_space<vmem>>
      %dma_start3A_1634 = tpu.memref_squeeze %dma_start3A_1633 : memref<1x1x50x32xf32, #tpu.memory_space<vmem>> -> memref<50x32xf32, #tpu.memory_space<vmem>>
      tpu.enqueue_dma source(%dma_start3A_1634 : memref<50x32xf32, #tpu.memory_space<vmem>>) target(%dma_start3A_1630 : memref<50x32xf32, #tpu.memory_space<hbm>>) target_semaphore(%arg14 : memref<!tpu.dma_semaphore, #tpu.memory_space<semaphore_mem>>)
      %mul3A_1635 = arith.constant 8 : i32
      %mul3A_1636 = arith.muli %add3A_1483, %mul3A_1635 : i32
      %add3A_1637 = arith.addi %mul3A_2, %mul3A_1636 : i32
      %add3A_1638 = arith.constant 1 : i32
      %add3A_1639 = arith.addi %add3A_1637, %add3A_1638 : i32
      %dma_start3A_1640 = arith.constant 3 : i32
      %dma_start3A_1641 = arith.constant 1 : i32
      %dma_start3A_1642 = arith.constant 0 : i32
      %dma_start3A_1643 = arith.constant 0 : i32
      %dma_start3A_1644 = tpu.memref_slice %arg6[%dma_start3A_1640, %dma_start3A_1641, %dma_start3A_1642, %dma_start3A_1643] : memref<4x8x56x32xf32, #tpu.memory_space<vmem>> -> memref<1x1x50x32xf32, #tpu.memory_space<vmem>>
      %dma_start3A_1645 = tpu.memref_squeeze %dma_start3A_1644 : memref<1x1x50x32xf32, #tpu.memory_space<vmem>> -> memref<50x32xf32, #tpu.memory_space<vmem>>
      %dma_start3A_1646 = arith.constant 0 : i32
      %dma_start3A_1647 = arith.constant 0 : i32
      %dma_start3A_1648 = tpu.memref_slice %arg4[%add3A_1639, %dma_start3A_1646, %dma_start3A_1647] : memref<16384x50x32xf32, #tpu.memory_space<hbm>> -> memref<1x50x32xf32, #tpu.memory_space<hbm>>
      %dma_start3A_1649 = tpu.memref_squeeze %dma_start3A_1648 : memref<1x50x32xf32, #tpu.memory_space<hbm>> -> memref<50x32xf32, #tpu.memory_space<hbm>>
      %dma_start3A_1650 = arith.constant 0 : i32
      %dma_start3A_1651 = arith.constant 0 : i32
      %dma_start3A_1652 = tpu.memref_slice %arg4[%add3A_1639, %dma_start3A_1650, %dma_start3A_1651] : memref<16384x50x32xf32, #tpu.memory_space<hbm>> -> memref<1x50x32xf32, #tpu.memory_space<hbm>>
      %dma_start3A_1653 = tpu.memref_squeeze %dma_start3A_1652 : memref<1x50x32xf32, #tpu.memory_space<hbm>> -> memref<50x32xf32, #tpu.memory_space<hbm>>
      %dma_start3A_1654 = arith.constant 0 : i32
      %dma_start3A_1655 = arith.constant 0 : i32
      %dma_start3A_1656 = tpu.memref_slice %arg6[%dma_start3A_1640, %dma_start3A_1641, %dma_start3A_1654, %dma_start3A_1655] : memref<4x8x56x32xf32, #tpu.memory_space<vmem>> -> memref<1x1x50x32xf32, #tpu.memory_space<vmem>>
      %dma_start3A_1657 = tpu.memref_squeeze %dma_start3A_1656 : memref<1x1x50x32xf32, #tpu.memory_space<vmem>> -> memref<50x32xf32, #tpu.memory_space<vmem>>
      tpu.enqueue_dma source(%dma_start3A_1657 : memref<50x32xf32, #tpu.memory_space<vmem>>) target(%dma_start3A_1653 : memref<50x32xf32, #tpu.memory_space<hbm>>) target_semaphore(%arg14 : memref<!tpu.dma_semaphore, #tpu.memory_space<semaphore_mem>>)
      %mul3A_1658 = arith.constant 8 : i32
      %mul3A_1659 = arith.muli %add3A_1483, %mul3A_1658 : i32
      %add3A_1660 = arith.addi %mul3A_2, %mul3A_1659 : i32
      %add3A_1661 = arith.constant 2 : i32
      %add3A_1662 = arith.addi %add3A_1660, %add3A_1661 : i32
      %dma_start3A_1663 = arith.constant 3 : i32
      %dma_start3A_1664 = arith.constant 2 : i32
      %dma_start3A_1665 = arith.constant 0 : i32
      %dma_start3A_1666 = arith.constant 0 : i32
      %dma_start3A_1667 = tpu.memref_slice %arg6[%dma_start3A_1663, %dma_start3A_1664, %dma_start3A_1665, %dma_start3A_1666] : memref<4x8x56x32xf32, #tpu.memory_space<vmem>> -> memref<1x1x50x32xf32, #tpu.memory_space<vmem>>
      %dma_start3A_1668 = tpu.memref_squeeze %dma_start3A_1667 : memref<1x1x50x32xf32, #tpu.memory_space<vmem>> -> memref<50x32xf32, #tpu.memory_space<vmem>>
      %dma_start3A_1669 = arith.constant 0 : i32
      %dma_start3A_1670 = arith.constant 0 : i32
      %dma_start3A_1671 = tpu.memref_slice %arg4[%add3A_1662, %dma_start3A_1669, %dma_start3A_1670] : memref<16384x50x32xf32, #tpu.memory_space<hbm>> -> memref<1x50x32xf32, #tpu.memory_space<hbm>>
      %dma_start3A_1672 = tpu.memref_squeeze %dma_start3A_1671 : memref<1x50x32xf32, #tpu.memory_space<hbm>> -> memref<50x32xf32, #tpu.memory_space<hbm>>
      %dma_start3A_1673 = arith.constant 0 : i32
      %dma_start3A_1674 = arith.constant 0 : i32
      %dma_start3A_1675 = tpu.memref_slice %arg4[%add3A_1662, %dma_start3A_1673, %dma_start3A_1674] : memref<16384x50x32xf32, #tpu.memory_space<hbm>> -> memref<1x50x32xf32, #tpu.memory_space<hbm>>
      %dma_start3A_1676 = tpu.memref_squeeze %dma_start3A_1675 : memref<1x50x32xf32, #tpu.memory_space<hbm>> -> memref<50x32xf32, #tpu.memory_space<hbm>>
      %dma_start3A_1677 = arith.constant 0 : i32
      %dma_start3A_1678 = arith.constant 0 : i32
      %dma_start3A_1679 = tpu.memref_slice %arg6[%dma_start3A_1663, %dma_start3A_1664, %dma_start3A_1677, %dma_start3A_1678] : memref<4x8x56x32xf32, #tpu.memory_space<vmem>> -> memref<1x1x50x32xf32, #tpu.memory_space<vmem>>
      %dma_start3A_1680 = tpu.memref_squeeze %dma_start3A_1679 : memref<1x1x50x32xf32, #tpu.memory_space<vmem>> -> memref<50x32xf32, #tpu.memory_space<vmem>>
      tpu.enqueue_dma source(%dma_start3A_1680 : memref<50x32xf32, #tpu.memory_space<vmem>>) target(%dma_start3A_1676 : memref<50x32xf32, #tpu.memory_space<hbm>>) target_semaphore(%arg14 : memref<!tpu.dma_semaphore, #tpu.memory_space<semaphore_mem>>)
      %mul3A_1681 = arith.constant 8 : i32
      %mul3A_1682 = arith.muli %add3A_1483, %mul3A_1681 : i32
      %add3A_1683 = arith.addi %mul3A_2, %mul3A_1682 : i32
      %add3A_1684 = arith.constant 3 : i32
      %add3A_1685 = arith.addi %add3A_1683, %add3A_1684 : i32
      %dma_start3A_1686 = arith.constant 3 : i32
      %dma_start3A_1687 = arith.constant 3 : i32
      %dma_start3A_1688 = arith.constant 0 : i32
      %dma_start3A_1689 = arith.constant 0 : i32
      %dma_start3A_1690 = tpu.memref_slice %arg6[%dma_start3A_1686, %dma_start3A_1687, %dma_start3A_1688, %dma_start3A_1689] : memref<4x8x56x32xf32, #tpu.memory_space<vmem>> -> memref<1x1x50x32xf32, #tpu.memory_space<vmem>>
      %dma_start3A_1691 = tpu.memref_squeeze %dma_start3A_1690 : memref<1x1x50x32xf32, #tpu.memory_space<vmem>> -> memref<50x32xf32, #tpu.memory_space<vmem>>
      %dma_start3A_1692 = arith.constant 0 : i32
      %dma_start3A_1693 = arith.constant 0 : i32
      %dma_start3A_1694 = tpu.memref_slice %arg4[%add3A_1685, %dma_start3A_1692, %dma_start3A_1693] : memref<16384x50x32xf32, #tpu.memory_space<hbm>> -> memref<1x50x32xf32, #tpu.memory_space<hbm>>
      %dma_start3A_1695 = tpu.memref_squeeze %dma_start3A_1694 : memref<1x50x32xf32, #tpu.memory_space<hbm>> -> memref<50x32xf32, #tpu.memory_space<hbm>>
      %dma_start3A_1696 = arith.constant 0 : i32
      %dma_start3A_1697 = arith.constant 0 : i32
      %dma_start3A_1698 = tpu.memref_slice %arg4[%add3A_1685, %dma_start3A_1696, %dma_start3A_1697] : memref<16384x50x32xf32, #tpu.memory_space<hbm>> -> memref<1x50x32xf32, #tpu.memory_space<hbm>>
      %dma_start3A_1699 = tpu.memref_squeeze %dma_start3A_1698 : memref<1x50x32xf32, #tpu.memory_space<hbm>> -> memref<50x32xf32, #tpu.memory_space<hbm>>
      %dma_start3A_1700 = arith.constant 0 : i32
      %dma_start3A_1701 = arith.constant 0 : i32
      %dma_start3A_1702 = tpu.memref_slice %arg6[%dma_start3A_1686, %dma_start3A_1687, %dma_start3A_1700, %dma_start3A_1701] : memref<4x8x56x32xf32, #tpu.memory_space<vmem>> -> memref<1x1x50x32xf32, #tpu.memory_space<vmem>>
      %dma_start3A_1703 = tpu.memref_squeeze %dma_start3A_1702 : memref<1x1x50x32xf32, #tpu.memory_space<vmem>> -> memref<50x32xf32, #tpu.memory_space<vmem>>
      tpu.enqueue_dma source(%dma_start3A_1703 : memref<50x32xf32, #tpu.memory_space<vmem>>) target(%dma_start3A_1699 : memref<50x32xf32, #tpu.memory_space<hbm>>) target_semaphore(%arg14 : memref<!tpu.dma_semaphore, #tpu.memory_space<semaphore_mem>>)
      %mul3A_1704 = arith.constant 8 : i32
      %mul3A_1705 = arith.muli %add3A_1483, %mul3A_1704 : i32
      %add3A_1706 = arith.addi %mul3A_2, %mul3A_1705 : i32
      %add3A_1707 = arith.constant 4 : i32
      %add3A_1708 = arith.addi %add3A_1706, %add3A_1707 : i32
      %dma_start3A_1709 = arith.constant 3 : i32
      %dma_start3A_1710 = arith.constant 4 : i32
      %dma_start3A_1711 = arith.constant 0 : i32
      %dma_start3A_1712 = arith.constant 0 : i32
      %dma_start3A_1713 = tpu.memref_slice %arg6[%dma_start3A_1709, %dma_start3A_1710, %dma_start3A_1711, %dma_start3A_1712] : memref<4x8x56x32xf32, #tpu.memory_space<vmem>> -> memref<1x1x50x32xf32, #tpu.memory_space<vmem>>
      %dma_start3A_1714 = tpu.memref_squeeze %dma_start3A_1713 : memref<1x1x50x32xf32, #tpu.memory_space<vmem>> -> memref<50x32xf32, #tpu.memory_space<vmem>>
      %dma_start3A_1715 = arith.constant 0 : i32
      %dma_start3A_1716 = arith.constant 0 : i32
      %dma_start3A_1717 = tpu.memref_slice %arg4[%add3A_1708, %dma_start3A_1715, %dma_start3A_1716] : memref<16384x50x32xf32, #tpu.memory_space<hbm>> -> memref<1x50x32xf32, #tpu.memory_space<hbm>>
      %dma_start3A_1718 = tpu.memref_squeeze %dma_start3A_1717 : memref<1x50x32xf32, #tpu.memory_space<hbm>> -> memref<50x32xf32, #tpu.memory_space<hbm>>
      %dma_start3A_1719 = arith.constant 0 : i32
      %dma_start3A_1720 = arith.constant 0 : i32
      %dma_start3A_1721 = tpu.memref_slice %arg4[%add3A_1708, %dma_start3A_1719, %dma_start3A_1720] : memref<16384x50x32xf32, #tpu.memory_space<hbm>> -> memref<1x50x32xf32, #tpu.memory_space<hbm>>
      %dma_start3A_1722 = tpu.memref_squeeze %dma_start3A_1721 : memref<1x50x32xf32, #tpu.memory_space<hbm>> -> memref<50x32xf32, #tpu.memory_space<hbm>>
      %dma_start3A_1723 = arith.constant 0 : i32
      %dma_start3A_1724 = arith.constant 0 : i32
      %dma_start3A_1725 = tpu.memref_slice %arg6[%dma_start3A_1709, %dma_start3A_1710, %dma_start3A_1723, %dma_start3A_1724] : memref<4x8x56x32xf32, #tpu.memory_space<vmem>> -> memref<1x1x50x32xf32, #tpu.memory_space<vmem>>
      %dma_start3A_1726 = tpu.memref_squeeze %dma_start3A_1725 : memref<1x1x50x32xf32, #tpu.memory_space<vmem>> -> memref<50x32xf32, #tpu.memory_space<vmem>>
      tpu.enqueue_dma source(%dma_start3A_1726 : memref<50x32xf32, #tpu.memory_space<vmem>>) target(%dma_start3A_1722 : memref<50x32xf32, #tpu.memory_space<hbm>>) target_semaphore(%arg14 : memref<!tpu.dma_semaphore, #tpu.memory_space<semaphore_mem>>)
      %mul3A_1727 = arith.constant 8 : i32
      %mul3A_1728 = arith.muli %add3A_1483, %mul3A_1727 : i32
      %add3A_1729 = arith.addi %mul3A_2, %mul3A_1728 : i32
      %add3A_1730 = arith.constant 5 : i32
      %add3A_1731 = arith.addi %add3A_1729, %add3A_1730 : i32
      %dma_start3A_1732 = arith.constant 3 : i32
      %dma_start3A_1733 = arith.constant 5 : i32
      %dma_start3A_1734 = arith.constant 0 : i32
      %dma_start3A_1735 = arith.constant 0 : i32
      %dma_start3A_1736 = tpu.memref_slice %arg6[%dma_start3A_1732, %dma_start3A_1733, %dma_start3A_1734, %dma_start3A_1735] : memref<4x8x56x32xf32, #tpu.memory_space<vmem>> -> memref<1x1x50x32xf32, #tpu.memory_space<vmem>>
      %dma_start3A_1737 = tpu.memref_squeeze %dma_start3A_1736 : memref<1x1x50x32xf32, #tpu.memory_space<vmem>> -> memref<50x32xf32, #tpu.memory_space<vmem>>
      %dma_start3A_1738 = arith.constant 0 : i32
      %dma_start3A_1739 = arith.constant 0 : i32
      %dma_start3A_1740 = tpu.memref_slice %arg4[%add3A_1731, %dma_start3A_1738, %dma_start3A_1739] : memref<16384x50x32xf32, #tpu.memory_space<hbm>> -> memref<1x50x32xf32, #tpu.memory_space<hbm>>
      %dma_start3A_1741 = tpu.memref_squeeze %dma_start3A_1740 : memref<1x50x32xf32, #tpu.memory_space<hbm>> -> memref<50x32xf32, #tpu.memory_space<hbm>>
      %dma_start3A_1742 = arith.constant 0 : i32
      %dma_start3A_1743 = arith.constant 0 : i32
      %dma_start3A_1744 = tpu.memref_slice %arg4[%add3A_1731, %dma_start3A_1742, %dma_start3A_1743] : memref<16384x50x32xf32, #tpu.memory_space<hbm>> -> memref<1x50x32xf32, #tpu.memory_space<hbm>>
      %dma_start3A_1745 = tpu.memref_squeeze %dma_start3A_1744 : memref<1x50x32xf32, #tpu.memory_space<hbm>> -> memref<50x32xf32, #tpu.memory_space<hbm>>
      %dma_start3A_1746 = arith.constant 0 : i32
      %dma_start3A_1747 = arith.constant 0 : i32
      %dma_start3A_1748 = tpu.memref_slice %arg6[%dma_start3A_1732, %dma_start3A_1733, %dma_start3A_1746, %dma_start3A_1747] : memref<4x8x56x32xf32, #tpu.memory_space<vmem>> -> memref<1x1x50x32xf32, #tpu.memory_space<vmem>>
      %dma_start3A_1749 = tpu.memref_squeeze %dma_start3A_1748 : memref<1x1x50x32xf32, #tpu.memory_space<vmem>> -> memref<50x32xf32, #tpu.memory_space<vmem>>
      tpu.enqueue_dma source(%dma_start3A_1749 : memref<50x32xf32, #tpu.memory_space<vmem>>) target(%dma_start3A_1745 : memref<50x32xf32, #tpu.memory_space<hbm>>) target_semaphore(%arg14 : memref<!tpu.dma_semaphore, #tpu.memory_space<semaphore_mem>>)
      %mul3A_1750 = arith.constant 8 : i32
      %mul3A_1751 = arith.muli %add3A_1483, %mul3A_1750 : i32
      %add3A_1752 = arith.addi %mul3A_2, %mul3A_1751 : i32
      %add3A_1753 = arith.constant 6 : i32
      %add3A_1754 = arith.addi %add3A_1752, %add3A_1753 : i32
      %dma_start3A_1755 = arith.constant 3 : i32
      %dma_start3A_1756 = arith.constant 6 : i32
      %dma_start3A_1757 = arith.constant 0 : i32
      %dma_start3A_1758 = arith.constant 0 : i32
      %dma_start3A_1759 = tpu.memref_slice %arg6[%dma_start3A_1755, %dma_start3A_1756, %dma_start3A_1757, %dma_start3A_1758] : memref<4x8x56x32xf32, #tpu.memory_space<vmem>> -> memref<1x1x50x32xf32, #tpu.memory_space<vmem>>
      %dma_start3A_1760 = tpu.memref_squeeze %dma_start3A_1759 : memref<1x1x50x32xf32, #tpu.memory_space<vmem>> -> memref<50x32xf32, #tpu.memory_space<vmem>>
      %dma_start3A_1761 = arith.constant 0 : i32
      %dma_start3A_1762 = arith.constant 0 : i32
      %dma_start3A_1763 = tpu.memref_slice %arg4[%add3A_1754, %dma_start3A_1761, %dma_start3A_1762] : memref<16384x50x32xf32, #tpu.memory_space<hbm>> -> memref<1x50x32xf32, #tpu.memory_space<hbm>>
      %dma_start3A_1764 = tpu.memref_squeeze %dma_start3A_1763 : memref<1x50x32xf32, #tpu.memory_space<hbm>> -> memref<50x32xf32, #tpu.memory_space<hbm>>
      %dma_start3A_1765 = arith.constant 0 : i32
      %dma_start3A_1766 = arith.constant 0 : i32
      %dma_start3A_1767 = tpu.memref_slice %arg4[%add3A_1754, %dma_start3A_1765, %dma_start3A_1766] : memref<16384x50x32xf32, #tpu.memory_space<hbm>> -> memref<1x50x32xf32, #tpu.memory_space<hbm>>
      %dma_start3A_1768 = tpu.memref_squeeze %dma_start3A_1767 : memref<1x50x32xf32, #tpu.memory_space<hbm>> -> memref<50x32xf32, #tpu.memory_space<hbm>>
      %dma_start3A_1769 = arith.constant 0 : i32
      %dma_start3A_1770 = arith.constant 0 : i32
      %dma_start3A_1771 = tpu.memref_slice %arg6[%dma_start3A_1755, %dma_start3A_1756, %dma_start3A_1769, %dma_start3A_1770] : memref<4x8x56x32xf32, #tpu.memory_space<vmem>> -> memref<1x1x50x32xf32, #tpu.memory_space<vmem>>
      %dma_start3A_1772 = tpu.memref_squeeze %dma_start3A_1771 : memref<1x1x50x32xf32, #tpu.memory_space<vmem>> -> memref<50x32xf32, #tpu.memory_space<vmem>>
      tpu.enqueue_dma source(%dma_start3A_1772 : memref<50x32xf32, #tpu.memory_space<vmem>>) target(%dma_start3A_1768 : memref<50x32xf32, #tpu.memory_space<hbm>>) target_semaphore(%arg14 : memref<!tpu.dma_semaphore, #tpu.memory_space<semaphore_mem>>)
      %mul3A_1773 = arith.constant 8 : i32
      %mul3A_1774 = arith.muli %add3A_1483, %mul3A_1773 : i32
      %add3A_1775 = arith.addi %mul3A_2, %mul3A_1774 : i32
      %add3A_1776 = arith.constant 7 : i32
      %add3A_1777 = arith.addi %add3A_1775, %add3A_1776 : i32
      %dma_start3A_1778 = arith.constant 3 : i32
      %dma_start3A_1779 = arith.constant 7 : i32
      %dma_start3A_1780 = arith.constant 0 : i32
      %dma_start3A_1781 = arith.constant 0 : i32
      %dma_start3A_1782 = tpu.memref_slice %arg6[%dma_start3A_1778, %dma_start3A_1779, %dma_start3A_1780, %dma_start3A_1781] : memref<4x8x56x32xf32, #tpu.memory_space<vmem>> -> memref<1x1x50x32xf32, #tpu.memory_space<vmem>>
      %dma_start3A_1783 = tpu.memref_squeeze %dma_start3A_1782 : memref<1x1x50x32xf32, #tpu.memory_space<vmem>> -> memref<50x32xf32, #tpu.memory_space<vmem>>
      %dma_start3A_1784 = arith.constant 0 : i32
      %dma_start3A_1785 = arith.constant 0 : i32
      %dma_start3A_1786 = tpu.memref_slice %arg4[%add3A_1777, %dma_start3A_1784, %dma_start3A_1785] : memref<16384x50x32xf32, #tpu.memory_space<hbm>> -> memref<1x50x32xf32, #tpu.memory_space<hbm>>
      %dma_start3A_1787 = tpu.memref_squeeze %dma_start3A_1786 : memref<1x50x32xf32, #tpu.memory_space<hbm>> -> memref<50x32xf32, #tpu.memory_space<hbm>>
      %dma_start3A_1788 = arith.constant 0 : i32
      %dma_start3A_1789 = arith.constant 0 : i32
      %dma_start3A_1790 = tpu.memref_slice %arg4[%add3A_1777, %dma_start3A_1788, %dma_start3A_1789] : memref<16384x50x32xf32, #tpu.memory_space<hbm>> -> memref<1x50x32xf32, #tpu.memory_space<hbm>>
      %dma_start3A_1791 = tpu.memref_squeeze %dma_start3A_1790 : memref<1x50x32xf32, #tpu.memory_space<hbm>> -> memref<50x32xf32, #tpu.memory_space<hbm>>
      %dma_start3A_1792 = arith.constant 0 : i32
      %dma_start3A_1793 = arith.constant 0 : i32
      %dma_start3A_1794 = tpu.memref_slice %arg6[%dma_start3A_1778, %dma_start3A_1779, %dma_start3A_1792, %dma_start3A_1793] : memref<4x8x56x32xf32, #tpu.memory_space<vmem>> -> memref<1x1x50x32xf32, #tpu.memory_space<vmem>>
      %dma_start3A_1795 = tpu.memref_squeeze %dma_start3A_1794 : memref<1x1x50x32xf32, #tpu.memory_space<vmem>> -> memref<50x32xf32, #tpu.memory_space<vmem>>
      tpu.enqueue_dma source(%dma_start3A_1795 : memref<50x32xf32, #tpu.memory_space<vmem>>) target(%dma_start3A_1791 : memref<50x32xf32, #tpu.memory_space<hbm>>) target_semaphore(%arg14 : memref<!tpu.dma_semaphore, #tpu.memory_space<semaphore_mem>>)
      %gt3A_1796 = arith.constant 0 : i32
      %gt3A_1797 = arith.cmpi sgt, %add3A_1483, %gt3A_1796 : i32
      %convert_element_type3A_1798 = arith.extui %gt3A_1797 : i1 to i32
      %cond3A_1799 = arith.constant 0 : i32
      %cond3A_1800 = arith.cmpi ne, %convert_element_type3A_1798, %cond3A_1799 : i32
      scf.if %cond3A_1800 {
        %sub3A_1810 = arith.constant 1 : i32
        %sub3A_1811 = arith.subi %add3A_1483, %sub3A_1810 : i32
        %mul3A_1812 = arith.constant 8 : i32
        %mul3A_1813 = arith.muli %sub3A_1811, %mul3A_1812 : i32
        %add3A_1814 = arith.addi %mul3A_2, %mul3A_1813 : i32
        %add3A_1815 = arith.constant 0 : i32
        %add3A_1816 = arith.addi %add3A_1814, %add3A_1815 : i32
        %dma_wait3A_1817 = arith.constant 2 : i32
        %dma_wait3A_1818 = arith.constant 0 : i32
        %dma_wait3A_1819 = arith.constant 0 : i32
        %dma_wait3A_1820 = arith.constant 0 : i32
        %dma_wait3A_1821 = tpu.memref_slice %arg6[%dma_wait3A_1817, %dma_wait3A_1818, %dma_wait3A_1819, %dma_wait3A_1820] : memref<4x8x56x32xf32, #tpu.memory_space<vmem>> -> memref<1x1x50x32xf32, #tpu.memory_space<vmem>>
        %dma_wait3A_1822 = tpu.memref_squeeze %dma_wait3A_1821 : memref<1x1x50x32xf32, #tpu.memory_space<vmem>> -> memref<50x32xf32, #tpu.memory_space<vmem>>
        %dma_wait3A_1823 = arith.constant 0 : i32
        %dma_wait3A_1824 = arith.constant 0 : i32
        %dma_wait3A_1825 = tpu.memref_slice %arg4[%add3A_1816, %dma_wait3A_1823, %dma_wait3A_1824] : memref<16384x50x32xf32, #tpu.memory_space<hbm>> -> memref<1x50x32xf32, #tpu.memory_space<hbm>>
        %dma_wait3A_1826 = tpu.memref_squeeze %dma_wait3A_1825 : memref<1x50x32xf32, #tpu.memory_space<hbm>> -> memref<50x32xf32, #tpu.memory_space<hbm>>
        %dma_wait3A_1827 = arith.constant 0 : i32
        %dma_wait3A_1828 = arith.constant 0 : i32
        %dma_wait3A_1829 = tpu.memref_slice %arg4[%add3A_1816, %dma_wait3A_1827, %dma_wait3A_1828] : memref<16384x50x32xf32, #tpu.memory_space<hbm>> -> memref<1x50x32xf32, #tpu.memory_space<hbm>>
        %dma_wait3A_1830 = tpu.memref_squeeze %dma_wait3A_1829 : memref<1x50x32xf32, #tpu.memory_space<hbm>> -> memref<50x32xf32, #tpu.memory_space<hbm>>
        %dma_wait3A_1831 = arith.constant 0 : i32
        %dma_wait3A_1832 = arith.constant 0 : i32
        %dma_wait3A_1833 = tpu.memref_slice %arg6[%dma_wait3A_1817, %dma_wait3A_1818, %dma_wait3A_1831, %dma_wait3A_1832] : memref<4x8x56x32xf32, #tpu.memory_space<vmem>> -> memref<1x1x50x32xf32, #tpu.memory_space<vmem>>
        %dma_wait3A_1834 = tpu.memref_squeeze %dma_wait3A_1833 : memref<1x1x50x32xf32, #tpu.memory_space<vmem>> -> memref<50x32xf32, #tpu.memory_space<vmem>>
        tpu.wait_dma2 semaphore(%arg13 : memref<!tpu.dma_semaphore, #tpu.memory_space<semaphore_mem>>) src(%dma_wait3A_1834 : memref<50x32xf32, #tpu.memory_space<vmem>>) dst(%dma_wait3A_1830 : memref<50x32xf32, #tpu.memory_space<hbm>>)
        %mul3A_1835 = arith.constant 8 : i32
        %mul3A_1836 = arith.muli %sub3A_1811, %mul3A_1835 : i32
        %add3A_1837 = arith.addi %mul3A_2, %mul3A_1836 : i32
        %add3A_1838 = arith.constant 1 : i32
        %add3A_1839 = arith.addi %add3A_1837, %add3A_1838 : i32
        %dma_wait3A_1840 = arith.constant 2 : i32
        %dma_wait3A_1841 = arith.constant 1 : i32
        %dma_wait3A_1842 = arith.constant 0 : i32
        %dma_wait3A_1843 = arith.constant 0 : i32
        %dma_wait3A_1844 = tpu.memref_slice %arg6[%dma_wait3A_1840, %dma_wait3A_1841, %dma_wait3A_1842, %dma_wait3A_1843] : memref<4x8x56x32xf32, #tpu.memory_space<vmem>> -> memref<1x1x50x32xf32, #tpu.memory_space<vmem>>
        %dma_wait3A_1845 = tpu.memref_squeeze %dma_wait3A_1844 : memref<1x1x50x32xf32, #tpu.memory_space<vmem>> -> memref<50x32xf32, #tpu.memory_space<vmem>>
        %dma_wait3A_1846 = arith.constant 0 : i32
        %dma_wait3A_1847 = arith.constant 0 : i32
        %dma_wait3A_1848 = tpu.memref_slice %arg4[%add3A_1839, %dma_wait3A_1846, %dma_wait3A_1847] : memref<16384x50x32xf32, #tpu.memory_space<hbm>> -> memref<1x50x32xf32, #tpu.memory_space<hbm>>
        %dma_wait3A_1849 = tpu.memref_squeeze %dma_wait3A_1848 : memref<1x50x32xf32, #tpu.memory_space<hbm>> -> memref<50x32xf32, #tpu.memory_space<hbm>>
        %dma_wait3A_1850 = arith.constant 0 : i32
        %dma_wait3A_1851 = arith.constant 0 : i32
        %dma_wait3A_1852 = tpu.memref_slice %arg4[%add3A_1839, %dma_wait3A_1850, %dma_wait3A_1851] : memref<16384x50x32xf32, #tpu.memory_space<hbm>> -> memref<1x50x32xf32, #tpu.memory_space<hbm>>
        %dma_wait3A_1853 = tpu.memref_squeeze %dma_wait3A_1852 : memref<1x50x32xf32, #tpu.memory_space<hbm>> -> memref<50x32xf32, #tpu.memory_space<hbm>>
        %dma_wait3A_1854 = arith.constant 0 : i32
        %dma_wait3A_1855 = arith.constant 0 : i32
        %dma_wait3A_1856 = tpu.memref_slice %arg6[%dma_wait3A_1840, %dma_wait3A_1841, %dma_wait3A_1854, %dma_wait3A_1855] : memref<4x8x56x32xf32, #tpu.memory_space<vmem>> -> memref<1x1x50x32xf32, #tpu.memory_space<vmem>>
        %dma_wait3A_1857 = tpu.memref_squeeze %dma_wait3A_1856 : memref<1x1x50x32xf32, #tpu.memory_space<vmem>> -> memref<50x32xf32, #tpu.memory_space<vmem>>
        tpu.wait_dma2 semaphore(%arg13 : memref<!tpu.dma_semaphore, #tpu.memory_space<semaphore_mem>>) src(%dma_wait3A_1857 : memref<50x32xf32, #tpu.memory_space<vmem>>) dst(%dma_wait3A_1853 : memref<50x32xf32, #tpu.memory_space<hbm>>)
        %mul3A_1858 = arith.constant 8 : i32
        %mul3A_1859 = arith.muli %sub3A_1811, %mul3A_1858 : i32
        %add3A_1860 = arith.addi %mul3A_2, %mul3A_1859 : i32
        %add3A_1861 = arith.constant 2 : i32
        %add3A_1862 = arith.addi %add3A_1860, %add3A_1861 : i32
        %dma_wait3A_1863 = arith.constant 2 : i32
        %dma_wait3A_1864 = arith.constant 2 : i32
        %dma_wait3A_1865 = arith.constant 0 : i32
        %dma_wait3A_1866 = arith.constant 0 : i32
        %dma_wait3A_1867 = tpu.memref_slice %arg6[%dma_wait3A_1863, %dma_wait3A_1864, %dma_wait3A_1865, %dma_wait3A_1866] : memref<4x8x56x32xf32, #tpu.memory_space<vmem>> -> memref<1x1x50x32xf32, #tpu.memory_space<vmem>>
        %dma_wait3A_1868 = tpu.memref_squeeze %dma_wait3A_1867 : memref<1x1x50x32xf32, #tpu.memory_space<vmem>> -> memref<50x32xf32, #tpu.memory_space<vmem>>
        %dma_wait3A_1869 = arith.constant 0 : i32
        %dma_wait3A_1870 = arith.constant 0 : i32
        %dma_wait3A_1871 = tpu.memref_slice %arg4[%add3A_1862, %dma_wait3A_1869, %dma_wait3A_1870] : memref<16384x50x32xf32, #tpu.memory_space<hbm>> -> memref<1x50x32xf32, #tpu.memory_space<hbm>>
        %dma_wait3A_1872 = tpu.memref_squeeze %dma_wait3A_1871 : memref<1x50x32xf32, #tpu.memory_space<hbm>> -> memref<50x32xf32, #tpu.memory_space<hbm>>
        %dma_wait3A_1873 = arith.constant 0 : i32
        %dma_wait3A_1874 = arith.constant 0 : i32
        %dma_wait3A_1875 = tpu.memref_slice %arg4[%add3A_1862, %dma_wait3A_1873, %dma_wait3A_1874] : memref<16384x50x32xf32, #tpu.memory_space<hbm>> -> memref<1x50x32xf32, #tpu.memory_space<hbm>>
        %dma_wait3A_1876 = tpu.memref_squeeze %dma_wait3A_1875 : memref<1x50x32xf32, #tpu.memory_space<hbm>> -> memref<50x32xf32, #tpu.memory_space<hbm>>
        %dma_wait3A_1877 = arith.constant 0 : i32
        %dma_wait3A_1878 = arith.constant 0 : i32
        %dma_wait3A_1879 = tpu.memref_slice %arg6[%dma_wait3A_1863, %dma_wait3A_1864, %dma_wait3A_1877, %dma_wait3A_1878] : memref<4x8x56x32xf32, #tpu.memory_space<vmem>> -> memref<1x1x50x32xf32, #tpu.memory_space<vmem>>
        %dma_wait3A_1880 = tpu.memref_squeeze %dma_wait3A_1879 : memref<1x1x50x32xf32, #tpu.memory_space<vmem>> -> memref<50x32xf32, #tpu.memory_space<vmem>>
        tpu.wait_dma2 semaphore(%arg13 : memref<!tpu.dma_semaphore, #tpu.memory_space<semaphore_mem>>) src(%dma_wait3A_1880 : memref<50x32xf32, #tpu.memory_space<vmem>>) dst(%dma_wait3A_1876 : memref<50x32xf32, #tpu.memory_space<hbm>>)
        %mul3A_1881 = arith.constant 8 : i32
        %mul3A_1882 = arith.muli %sub3A_1811, %mul3A_1881 : i32
        %add3A_1883 = arith.addi %mul3A_2, %mul3A_1882 : i32
        %add3A_1884 = arith.constant 3 : i32
        %add3A_1885 = arith.addi %add3A_1883, %add3A_1884 : i32
        %dma_wait3A_1886 = arith.constant 2 : i32
        %dma_wait3A_1887 = arith.constant 3 : i32
        %dma_wait3A_1888 = arith.constant 0 : i32
        %dma_wait3A_1889 = arith.constant 0 : i32
        %dma_wait3A_1890 = tpu.memref_slice %arg6[%dma_wait3A_1886, %dma_wait3A_1887, %dma_wait3A_1888, %dma_wait3A_1889] : memref<4x8x56x32xf32, #tpu.memory_space<vmem>> -> memref<1x1x50x32xf32, #tpu.memory_space<vmem>>
        %dma_wait3A_1891 = tpu.memref_squeeze %dma_wait3A_1890 : memref<1x1x50x32xf32, #tpu.memory_space<vmem>> -> memref<50x32xf32, #tpu.memory_space<vmem>>
        %dma_wait3A_1892 = arith.constant 0 : i32
        %dma_wait3A_1893 = arith.constant 0 : i32
        %dma_wait3A_1894 = tpu.memref_slice %arg4[%add3A_1885, %dma_wait3A_1892, %dma_wait3A_1893] : memref<16384x50x32xf32, #tpu.memory_space<hbm>> -> memref<1x50x32xf32, #tpu.memory_space<hbm>>
        %dma_wait3A_1895 = tpu.memref_squeeze %dma_wait3A_1894 : memref<1x50x32xf32, #tpu.memory_space<hbm>> -> memref<50x32xf32, #tpu.memory_space<hbm>>
        %dma_wait3A_1896 = arith.constant 0 : i32
        %dma_wait3A_1897 = arith.constant 0 : i32
        %dma_wait3A_1898 = tpu.memref_slice %arg4[%add3A_1885, %dma_wait3A_1896, %dma_wait3A_1897] : memref<16384x50x32xf32, #tpu.memory_space<hbm>> -> memref<1x50x32xf32, #tpu.memory_space<hbm>>
        %dma_wait3A_1899 = tpu.memref_squeeze %dma_wait3A_1898 : memref<1x50x32xf32, #tpu.memory_space<hbm>> -> memref<50x32xf32, #tpu.memory_space<hbm>>
        %dma_wait3A_1900 = arith.constant 0 : i32
        %dma_wait3A_1901 = arith.constant 0 : i32
        %dma_wait3A_1902 = tpu.memref_slice %arg6[%dma_wait3A_1886, %dma_wait3A_1887, %dma_wait3A_1900, %dma_wait3A_1901] : memref<4x8x56x32xf32, #tpu.memory_space<vmem>> -> memref<1x1x50x32xf32, #tpu.memory_space<vmem>>
        %dma_wait3A_1903 = tpu.memref_squeeze %dma_wait3A_1902 : memref<1x1x50x32xf32, #tpu.memory_space<vmem>> -> memref<50x32xf32, #tpu.memory_space<vmem>>
        tpu.wait_dma2 semaphore(%arg13 : memref<!tpu.dma_semaphore, #tpu.memory_space<semaphore_mem>>) src(%dma_wait3A_1903 : memref<50x32xf32, #tpu.memory_space<vmem>>) dst(%dma_wait3A_1899 : memref<50x32xf32, #tpu.memory_space<hbm>>)
        %mul3A_1904 = arith.constant 8 : i32
        %mul3A_1905 = arith.muli %sub3A_1811, %mul3A_1904 : i32
        %add3A_1906 = arith.addi %mul3A_2, %mul3A_1905 : i32
        %add3A_1907 = arith.constant 4 : i32
        %add3A_1908 = arith.addi %add3A_1906, %add3A_1907 : i32
        %dma_wait3A_1909 = arith.constant 2 : i32
        %dma_wait3A_1910 = arith.constant 4 : i32
        %dma_wait3A_1911 = arith.constant 0 : i32
        %dma_wait3A_1912 = arith.constant 0 : i32
        %dma_wait3A_1913 = tpu.memref_slice %arg6[%dma_wait3A_1909, %dma_wait3A_1910, %dma_wait3A_1911, %dma_wait3A_1912] : memref<4x8x56x32xf32, #tpu.memory_space<vmem>> -> memref<1x1x50x32xf32, #tpu.memory_space<vmem>>
        %dma_wait3A_1914 = tpu.memref_squeeze %dma_wait3A_1913 : memref<1x1x50x32xf32, #tpu.memory_space<vmem>> -> memref<50x32xf32, #tpu.memory_space<vmem>>
        %dma_wait3A_1915 = arith.constant 0 : i32
        %dma_wait3A_1916 = arith.constant 0 : i32
        %dma_wait3A_1917 = tpu.memref_slice %arg4[%add3A_1908, %dma_wait3A_1915, %dma_wait3A_1916] : memref<16384x50x32xf32, #tpu.memory_space<hbm>> -> memref<1x50x32xf32, #tpu.memory_space<hbm>>
        %dma_wait3A_1918 = tpu.memref_squeeze %dma_wait3A_1917 : memref<1x50x32xf32, #tpu.memory_space<hbm>> -> memref<50x32xf32, #tpu.memory_space<hbm>>
        %dma_wait3A_1919 = arith.constant 0 : i32
        %dma_wait3A_1920 = arith.constant 0 : i32
        %dma_wait3A_1921 = tpu.memref_slice %arg4[%add3A_1908, %dma_wait3A_1919, %dma_wait3A_1920] : memref<16384x50x32xf32, #tpu.memory_space<hbm>> -> memref<1x50x32xf32, #tpu.memory_space<hbm>>
        %dma_wait3A_1922 = tpu.memref_squeeze %dma_wait3A_1921 : memref<1x50x32xf32, #tpu.memory_space<hbm>> -> memref<50x32xf32, #tpu.memory_space<hbm>>
        %dma_wait3A_1923 = arith.constant 0 : i32
        %dma_wait3A_1924 = arith.constant 0 : i32
        %dma_wait3A_1925 = tpu.memref_slice %arg6[%dma_wait3A_1909, %dma_wait3A_1910, %dma_wait3A_1923, %dma_wait3A_1924] : memref<4x8x56x32xf32, #tpu.memory_space<vmem>> -> memref<1x1x50x32xf32, #tpu.memory_space<vmem>>
        %dma_wait3A_1926 = tpu.memref_squeeze %dma_wait3A_1925 : memref<1x1x50x32xf32, #tpu.memory_space<vmem>> -> memref<50x32xf32, #tpu.memory_space<vmem>>
        tpu.wait_dma2 semaphore(%arg13 : memref<!tpu.dma_semaphore, #tpu.memory_space<semaphore_mem>>) src(%dma_wait3A_1926 : memref<50x32xf32, #tpu.memory_space<vmem>>) dst(%dma_wait3A_1922 : memref<50x32xf32, #tpu.memory_space<hbm>>)
        %mul3A_1927 = arith.constant 8 : i32
        %mul3A_1928 = arith.muli %sub3A_1811, %mul3A_1927 : i32
        %add3A_1929 = arith.addi %mul3A_2, %mul3A_1928 : i32
        %add3A_1930 = arith.constant 5 : i32
        %add3A_1931 = arith.addi %add3A_1929, %add3A_1930 : i32
        %dma_wait3A_1932 = arith.constant 2 : i32
        %dma_wait3A_1933 = arith.constant 5 : i32
        %dma_wait3A_1934 = arith.constant 0 : i32
        %dma_wait3A_1935 = arith.constant 0 : i32
        %dma_wait3A_1936 = tpu.memref_slice %arg6[%dma_wait3A_1932, %dma_wait3A_1933, %dma_wait3A_1934, %dma_wait3A_1935] : memref<4x8x56x32xf32, #tpu.memory_space<vmem>> -> memref<1x1x50x32xf32, #tpu.memory_space<vmem>>
        %dma_wait3A_1937 = tpu.memref_squeeze %dma_wait3A_1936 : memref<1x1x50x32xf32, #tpu.memory_space<vmem>> -> memref<50x32xf32, #tpu.memory_space<vmem>>
        %dma_wait3A_1938 = arith.constant 0 : i32
        %dma_wait3A_1939 = arith.constant 0 : i32
        %dma_wait3A_1940 = tpu.memref_slice %arg4[%add3A_1931, %dma_wait3A_1938, %dma_wait3A_1939] : memref<16384x50x32xf32, #tpu.memory_space<hbm>> -> memref<1x50x32xf32, #tpu.memory_space<hbm>>
        %dma_wait3A_1941 = tpu.memref_squeeze %dma_wait3A_1940 : memref<1x50x32xf32, #tpu.memory_space<hbm>> -> memref<50x32xf32, #tpu.memory_space<hbm>>
        %dma_wait3A_1942 = arith.constant 0 : i32
        %dma_wait3A_1943 = arith.constant 0 : i32
        %dma_wait3A_1944 = tpu.memref_slice %arg4[%add3A_1931, %dma_wait3A_1942, %dma_wait3A_1943] : memref<16384x50x32xf32, #tpu.memory_space<hbm>> -> memref<1x50x32xf32, #tpu.memory_space<hbm>>
        %dma_wait3A_1945 = tpu.memref_squeeze %dma_wait3A_1944 : memref<1x50x32xf32, #tpu.memory_space<hbm>> -> memref<50x32xf32, #tpu.memory_space<hbm>>
        %dma_wait3A_1946 = arith.constant 0 : i32
        %dma_wait3A_1947 = arith.constant 0 : i32
        %dma_wait3A_1948 = tpu.memref_slice %arg6[%dma_wait3A_1932, %dma_wait3A_1933, %dma_wait3A_1946, %dma_wait3A_1947] : memref<4x8x56x32xf32, #tpu.memory_space<vmem>> -> memref<1x1x50x32xf32, #tpu.memory_space<vmem>>
        %dma_wait3A_1949 = tpu.memref_squeeze %dma_wait3A_1948 : memref<1x1x50x32xf32, #tpu.memory_space<vmem>> -> memref<50x32xf32, #tpu.memory_space<vmem>>
        tpu.wait_dma2 semaphore(%arg13 : memref<!tpu.dma_semaphore, #tpu.memory_space<semaphore_mem>>) src(%dma_wait3A_1949 : memref<50x32xf32, #tpu.memory_space<vmem>>) dst(%dma_wait3A_1945 : memref<50x32xf32, #tpu.memory_space<hbm>>)
        %mul3A_1950 = arith.constant 8 : i32
        %mul3A_1951 = arith.muli %sub3A_1811, %mul3A_1950 : i32
        %add3A_1952 = arith.addi %mul3A_2, %mul3A_1951 : i32
        %add3A_1953 = arith.constant 6 : i32
        %add3A_1954 = arith.addi %add3A_1952, %add3A_1953 : i32
        %dma_wait3A_1955 = arith.constant 2 : i32
        %dma_wait3A_1956 = arith.constant 6 : i32
        %dma_wait3A_1957 = arith.constant 0 : i32
        %dma_wait3A_1958 = arith.constant 0 : i32
        %dma_wait3A_1959 = tpu.memref_slice %arg6[%dma_wait3A_1955, %dma_wait3A_1956, %dma_wait3A_1957, %dma_wait3A_1958] : memref<4x8x56x32xf32, #tpu.memory_space<vmem>> -> memref<1x1x50x32xf32, #tpu.memory_space<vmem>>
        %dma_wait3A_1960 = tpu.memref_squeeze %dma_wait3A_1959 : memref<1x1x50x32xf32, #tpu.memory_space<vmem>> -> memref<50x32xf32, #tpu.memory_space<vmem>>
        %dma_wait3A_1961 = arith.constant 0 : i32
        %dma_wait3A_1962 = arith.constant 0 : i32
        %dma_wait3A_1963 = tpu.memref_slice %arg4[%add3A_1954, %dma_wait3A_1961, %dma_wait3A_1962] : memref<16384x50x32xf32, #tpu.memory_space<hbm>> -> memref<1x50x32xf32, #tpu.memory_space<hbm>>
        %dma_wait3A_1964 = tpu.memref_squeeze %dma_wait3A_1963 : memref<1x50x32xf32, #tpu.memory_space<hbm>> -> memref<50x32xf32, #tpu.memory_space<hbm>>
        %dma_wait3A_1965 = arith.constant 0 : i32
        %dma_wait3A_1966 = arith.constant 0 : i32
        %dma_wait3A_1967 = tpu.memref_slice %arg4[%add3A_1954, %dma_wait3A_1965, %dma_wait3A_1966] : memref<16384x50x32xf32, #tpu.memory_space<hbm>> -> memref<1x50x32xf32, #tpu.memory_space<hbm>>
        %dma_wait3A_1968 = tpu.memref_squeeze %dma_wait3A_1967 : memref<1x50x32xf32, #tpu.memory_space<hbm>> -> memref<50x32xf32, #tpu.memory_space<hbm>>
        %dma_wait3A_1969 = arith.constant 0 : i32
        %dma_wait3A_1970 = arith.constant 0 : i32
        %dma_wait3A_1971 = tpu.memref_slice %arg6[%dma_wait3A_1955, %dma_wait3A_1956, %dma_wait3A_1969, %dma_wait3A_1970] : memref<4x8x56x32xf32, #tpu.memory_space<vmem>> -> memref<1x1x50x32xf32, #tpu.memory_space<vmem>>
        %dma_wait3A_1972 = tpu.memref_squeeze %dma_wait3A_1971 : memref<1x1x50x32xf32, #tpu.memory_space<vmem>> -> memref<50x32xf32, #tpu.memory_space<vmem>>
        tpu.wait_dma2 semaphore(%arg13 : memref<!tpu.dma_semaphore, #tpu.memory_space<semaphore_mem>>) src(%dma_wait3A_1972 : memref<50x32xf32, #tpu.memory_space<vmem>>) dst(%dma_wait3A_1968 : memref<50x32xf32, #tpu.memory_space<hbm>>)
        %mul3A_1973 = arith.constant 8 : i32
        %mul3A_1974 = arith.muli %sub3A_1811, %mul3A_1973 : i32
        %add3A_1975 = arith.addi %mul3A_2, %mul3A_1974 : i32
        %add3A_1976 = arith.constant 7 : i32
        %add3A_1977 = arith.addi %add3A_1975, %add3A_1976 : i32
        %dma_wait3A_1978 = arith.constant 2 : i32
        %dma_wait3A_1979 = arith.constant 7 : i32
        %dma_wait3A_1980 = arith.constant 0 : i32
        %dma_wait3A_1981 = arith.constant 0 : i32
        %dma_wait3A_1982 = tpu.memref_slice %arg6[%dma_wait3A_1978, %dma_wait3A_1979, %dma_wait3A_1980, %dma_wait3A_1981] : memref<4x8x56x32xf32, #tpu.memory_space<vmem>> -> memref<1x1x50x32xf32, #tpu.memory_space<vmem>>
        %dma_wait3A_1983 = tpu.memref_squeeze %dma_wait3A_1982 : memref<1x1x50x32xf32, #tpu.memory_space<vmem>> -> memref<50x32xf32, #tpu.memory_space<vmem>>
        %dma_wait3A_1984 = arith.constant 0 : i32
        %dma_wait3A_1985 = arith.constant 0 : i32
        %dma_wait3A_1986 = tpu.memref_slice %arg4[%add3A_1977, %dma_wait3A_1984, %dma_wait3A_1985] : memref<16384x50x32xf32, #tpu.memory_space<hbm>> -> memref<1x50x32xf32, #tpu.memory_space<hbm>>
        %dma_wait3A_1987 = tpu.memref_squeeze %dma_wait3A_1986 : memref<1x50x32xf32, #tpu.memory_space<hbm>> -> memref<50x32xf32, #tpu.memory_space<hbm>>
        %dma_wait3A_1988 = arith.constant 0 : i32
        %dma_wait3A_1989 = arith.constant 0 : i32
        %dma_wait3A_1990 = tpu.memref_slice %arg4[%add3A_1977, %dma_wait3A_1988, %dma_wait3A_1989] : memref<16384x50x32xf32, #tpu.memory_space<hbm>> -> memref<1x50x32xf32, #tpu.memory_space<hbm>>
        %dma_wait3A_1991 = tpu.memref_squeeze %dma_wait3A_1990 : memref<1x50x32xf32, #tpu.memory_space<hbm>> -> memref<50x32xf32, #tpu.memory_space<hbm>>
        %dma_wait3A_1992 = arith.constant 0 : i32
        %dma_wait3A_1993 = arith.constant 0 : i32
        %dma_wait3A_1994 = tpu.memref_slice %arg6[%dma_wait3A_1978, %dma_wait3A_1979, %dma_wait3A_1992, %dma_wait3A_1993] : memref<4x8x56x32xf32, #tpu.memory_space<vmem>> -> memref<1x1x50x32xf32, #tpu.memory_space<vmem>>
        %dma_wait3A_1995 = tpu.memref_squeeze %dma_wait3A_1994 : memref<1x1x50x32xf32, #tpu.memory_space<vmem>> -> memref<50x32xf32, #tpu.memory_space<vmem>>
        tpu.wait_dma2 semaphore(%arg13 : memref<!tpu.dma_semaphore, #tpu.memory_space<semaphore_mem>>) src(%dma_wait3A_1995 : memref<50x32xf32, #tpu.memory_space<vmem>>) dst(%dma_wait3A_1991 : memref<50x32xf32, #tpu.memory_space<hbm>>)
      } else {
      }
      %add3A_1801 = arith.constant 4 : i32
      %add3A_1802 = arith.addi %add3A_1483, %add3A_1801 : i32
      %sub3A_1803 = arith.constant 1 : i32
      %sub3A_1804 = arith.subi %add3A_1802, %sub3A_1803 : i32
      %lt3A_1805 = arith.constant 64 : i32
      %lt3A_1806 = arith.cmpi slt, %sub3A_1804, %lt3A_1805 : i32
      %convert_element_type3A_1807 = arith.extui %lt3A_1806 : i1 to i32
      %cond3A_1808 = arith.constant 0 : i32
      %cond3A_1809 = arith.cmpi ne, %convert_element_type3A_1807, %cond3A_1808 : i32
      scf.if %cond3A_1809 {
        %add3A_1810 = arith.constant 4 : i32
        %add3A_1811 = arith.addi %add3A_1483, %add3A_1810 : i32
        %sub3A_1812 = arith.constant 1 : i32
        %sub3A_1813 = arith.subi %add3A_1811, %sub3A_1812 : i32
        %mul3A_1814 = arith.constant 8 : i32
        %mul3A_1815 = arith.muli %sub3A_1813, %mul3A_1814 : i32
        %add3A_1816 = arith.constant 0 : i32
        %add3A_1817 = arith.addi %mul3A_1815, %add3A_1816 : i32
        %dma_start3A_1818 = arith.constant 2 : i32
        %dma_start3A_1819 = arith.constant 0 : i32
        %dma_start3A_1820 = arith.constant 0 : i32
        %dma_start3A_1821 = arith.constant 0 : i32
        %dma_start3A_1822 = tpu.memref_slice %arg6[%dma_start3A_1818, %dma_start3A_1819, %dma_start3A_1820, %dma_start3A_1821] : memref<4x8x56x32xf32, #tpu.memory_space<vmem>> -> memref<1x1x56x32xf32, #tpu.memory_space<vmem>>
        %dma_start3A_1823 = tpu.memref_squeeze %dma_start3A_1822 : memref<1x1x56x32xf32, #tpu.memory_space<vmem>> -> memref<56x32xf32, #tpu.memory_space<vmem>>
        %dma_start3A_1824 = arith.constant 0 : i32
        %dma_start3A_1825 = tpu.memref_slice %arg5[%add3A_1817, %dma_start3A_1824] : memref<512x56xi32, #tpu.memory_space<vmem>> -> memref<1x56xi32, #tpu.memory_space<vmem>>
        %dma_start3A_1826 = tpu.memref_squeeze %dma_start3A_1825 : memref<1x56xi32, #tpu.memory_space<vmem>> -> memref<56xi32, #tpu.memory_space<vmem>>
        %dma_start3A_1827 = arith.constant 0 : i32
        %dma_start3A_1828 = arith.constant 0 : i32
        %dma_start3A_1829 = tpu.memref_slice %arg2[%dma_start3A_1827, %dma_start3A_1828] : memref<1000000x32xf32, #tpu.memory_space<hbm>> -> memref<1000000x32xf32, #tpu.memory_space<hbm>>
        tpu.enqueue_indirect_dma source(%dma_start3A_1829 : memref<1000000x32xf32, #tpu.memory_space<hbm>>) target(%dma_start3A_1823 : memref<56x32xf32, #tpu.memory_space<vmem>>) offsets(%dma_start3A_1826 : memref<56xi32, #tpu.memory_space<vmem>>) semaphore(%arg9 : memref<!tpu.dma_semaphore, #tpu.memory_space<semaphore_mem>>)
        %mul3A_1830 = arith.constant 8 : i32
        %mul3A_1831 = arith.muli %sub3A_1813, %mul3A_1830 : i32
        %add3A_1832 = arith.constant 1 : i32
        %add3A_1833 = arith.addi %mul3A_1831, %add3A_1832 : i32
        %dma_start3A_1834 = arith.constant 2 : i32
        %dma_start3A_1835 = arith.constant 1 : i32
        %dma_start3A_1836 = arith.constant 0 : i32
        %dma_start3A_1837 = arith.constant 0 : i32
        %dma_start3A_1838 = tpu.memref_slice %arg6[%dma_start3A_1834, %dma_start3A_1835, %dma_start3A_1836, %dma_start3A_1837] : memref<4x8x56x32xf32, #tpu.memory_space<vmem>> -> memref<1x1x56x32xf32, #tpu.memory_space<vmem>>
        %dma_start3A_1839 = tpu.memref_squeeze %dma_start3A_1838 : memref<1x1x56x32xf32, #tpu.memory_space<vmem>> -> memref<56x32xf32, #tpu.memory_space<vmem>>
        %dma_start3A_1840 = arith.constant 0 : i32
        %dma_start3A_1841 = tpu.memref_slice %arg5[%add3A_1833, %dma_start3A_1840] : memref<512x56xi32, #tpu.memory_space<vmem>> -> memref<1x56xi32, #tpu.memory_space<vmem>>
        %dma_start3A_1842 = tpu.memref_squeeze %dma_start3A_1841 : memref<1x56xi32, #tpu.memory_space<vmem>> -> memref<56xi32, #tpu.memory_space<vmem>>
        %dma_start3A_1843 = arith.constant 0 : i32
        %dma_start3A_1844 = arith.constant 0 : i32
        %dma_start3A_1845 = tpu.memref_slice %arg2[%dma_start3A_1843, %dma_start3A_1844] : memref<1000000x32xf32, #tpu.memory_space<hbm>> -> memref<1000000x32xf32, #tpu.memory_space<hbm>>
        tpu.enqueue_indirect_dma source(%dma_start3A_1845 : memref<1000000x32xf32, #tpu.memory_space<hbm>>) target(%dma_start3A_1839 : memref<56x32xf32, #tpu.memory_space<vmem>>) offsets(%dma_start3A_1842 : memref<56xi32, #tpu.memory_space<vmem>>) semaphore(%arg9 : memref<!tpu.dma_semaphore, #tpu.memory_space<semaphore_mem>>)
        %mul3A_1846 = arith.constant 8 : i32
        %mul3A_1847 = arith.muli %sub3A_1813, %mul3A_1846 : i32
        %add3A_1848 = arith.constant 2 : i32
        %add3A_1849 = arith.addi %mul3A_1847, %add3A_1848 : i32
        %dma_start3A_1850 = arith.constant 2 : i32
        %dma_start3A_1851 = arith.constant 2 : i32
        %dma_start3A_1852 = arith.constant 0 : i32
        %dma_start3A_1853 = arith.constant 0 : i32
        %dma_start3A_1854 = tpu.memref_slice %arg6[%dma_start3A_1850, %dma_start3A_1851, %dma_start3A_1852, %dma_start3A_1853] : memref<4x8x56x32xf32, #tpu.memory_space<vmem>> -> memref<1x1x56x32xf32, #tpu.memory_space<vmem>>
        %dma_start3A_1855 = tpu.memref_squeeze %dma_start3A_1854 : memref<1x1x56x32xf32, #tpu.memory_space<vmem>> -> memref<56x32xf32, #tpu.memory_space<vmem>>
        %dma_start3A_1856 = arith.constant 0 : i32
        %dma_start3A_1857 = tpu.memref_slice %arg5[%add3A_1849, %dma_start3A_1856] : memref<512x56xi32, #tpu.memory_space<vmem>> -> memref<1x56xi32, #tpu.memory_space<vmem>>
        %dma_start3A_1858 = tpu.memref_squeeze %dma_start3A_1857 : memref<1x56xi32, #tpu.memory_space<vmem>> -> memref<56xi32, #tpu.memory_space<vmem>>
        %dma_start3A_1859 = arith.constant 0 : i32
        %dma_start3A_1860 = arith.constant 0 : i32
        %dma_start3A_1861 = tpu.memref_slice %arg2[%dma_start3A_1859, %dma_start3A_1860] : memref<1000000x32xf32, #tpu.memory_space<hbm>> -> memref<1000000x32xf32, #tpu.memory_space<hbm>>
        tpu.enqueue_indirect_dma source(%dma_start3A_1861 : memref<1000000x32xf32, #tpu.memory_space<hbm>>) target(%dma_start3A_1855 : memref<56x32xf32, #tpu.memory_space<vmem>>) offsets(%dma_start3A_1858 : memref<56xi32, #tpu.memory_space<vmem>>) semaphore(%arg9 : memref<!tpu.dma_semaphore, #tpu.memory_space<semaphore_mem>>)
        %mul3A_1862 = arith.constant 8 : i32
        %mul3A_1863 = arith.muli %sub3A_1813, %mul3A_1862 : i32
        %add3A_1864 = arith.constant 3 : i32
        %add3A_1865 = arith.addi %mul3A_1863, %add3A_1864 : i32
        %dma_start3A_1866 = arith.constant 2 : i32
        %dma_start3A_1867 = arith.constant 3 : i32
        %dma_start3A_1868 = arith.constant 0 : i32
        %dma_start3A_1869 = arith.constant 0 : i32
        %dma_start3A_1870 = tpu.memref_slice %arg6[%dma_start3A_1866, %dma_start3A_1867, %dma_start3A_1868, %dma_start3A_1869] : memref<4x8x56x32xf32, #tpu.memory_space<vmem>> -> memref<1x1x56x32xf32, #tpu.memory_space<vmem>>
        %dma_start3A_1871 = tpu.memref_squeeze %dma_start3A_1870 : memref<1x1x56x32xf32, #tpu.memory_space<vmem>> -> memref<56x32xf32, #tpu.memory_space<vmem>>
        %dma_start3A_1872 = arith.constant 0 : i32
        %dma_start3A_1873 = tpu.memref_slice %arg5[%add3A_1865, %dma_start3A_1872] : memref<512x56xi32, #tpu.memory_space<vmem>> -> memref<1x56xi32, #tpu.memory_space<vmem>>
        %dma_start3A_1874 = tpu.memref_squeeze %dma_start3A_1873 : memref<1x56xi32, #tpu.memory_space<vmem>> -> memref<56xi32, #tpu.memory_space<vmem>>
        %dma_start3A_1875 = arith.constant 0 : i32
        %dma_start3A_1876 = arith.constant 0 : i32
        %dma_start3A_1877 = tpu.memref_slice %arg2[%dma_start3A_1875, %dma_start3A_1876] : memref<1000000x32xf32, #tpu.memory_space<hbm>> -> memref<1000000x32xf32, #tpu.memory_space<hbm>>
        tpu.enqueue_indirect_dma source(%dma_start3A_1877 : memref<1000000x32xf32, #tpu.memory_space<hbm>>) target(%dma_start3A_1871 : memref<56x32xf32, #tpu.memory_space<vmem>>) offsets(%dma_start3A_1874 : memref<56xi32, #tpu.memory_space<vmem>>) semaphore(%arg9 : memref<!tpu.dma_semaphore, #tpu.memory_space<semaphore_mem>>)
        %mul3A_1878 = arith.constant 8 : i32
        %mul3A_1879 = arith.muli %sub3A_1813, %mul3A_1878 : i32
        %add3A_1880 = arith.constant 4 : i32
        %add3A_1881 = arith.addi %mul3A_1879, %add3A_1880 : i32
        %dma_start3A_1882 = arith.constant 2 : i32
        %dma_start3A_1883 = arith.constant 4 : i32
        %dma_start3A_1884 = arith.constant 0 : i32
        %dma_start3A_1885 = arith.constant 0 : i32
        %dma_start3A_1886 = tpu.memref_slice %arg6[%dma_start3A_1882, %dma_start3A_1883, %dma_start3A_1884, %dma_start3A_1885] : memref<4x8x56x32xf32, #tpu.memory_space<vmem>> -> memref<1x1x56x32xf32, #tpu.memory_space<vmem>>
        %dma_start3A_1887 = tpu.memref_squeeze %dma_start3A_1886 : memref<1x1x56x32xf32, #tpu.memory_space<vmem>> -> memref<56x32xf32, #tpu.memory_space<vmem>>
        %dma_start3A_1888 = arith.constant 0 : i32
        %dma_start3A_1889 = tpu.memref_slice %arg5[%add3A_1881, %dma_start3A_1888] : memref<512x56xi32, #tpu.memory_space<vmem>> -> memref<1x56xi32, #tpu.memory_space<vmem>>
        %dma_start3A_1890 = tpu.memref_squeeze %dma_start3A_1889 : memref<1x56xi32, #tpu.memory_space<vmem>> -> memref<56xi32, #tpu.memory_space<vmem>>
        %dma_start3A_1891 = arith.constant 0 : i32
        %dma_start3A_1892 = arith.constant 0 : i32
        %dma_start3A_1893 = tpu.memref_slice %arg2[%dma_start3A_1891, %dma_start3A_1892] : memref<1000000x32xf32, #tpu.memory_space<hbm>> -> memref<1000000x32xf32, #tpu.memory_space<hbm>>
        tpu.enqueue_indirect_dma source(%dma_start3A_1893 : memref<1000000x32xf32, #tpu.memory_space<hbm>>) target(%dma_start3A_1887 : memref<56x32xf32, #tpu.memory_space<vmem>>) offsets(%dma_start3A_1890 : memref<56xi32, #tpu.memory_space<vmem>>) semaphore(%arg9 : memref<!tpu.dma_semaphore, #tpu.memory_space<semaphore_mem>>)
        %mul3A_1894 = arith.constant 8 : i32
        %mul3A_1895 = arith.muli %sub3A_1813, %mul3A_1894 : i32
        %add3A_1896 = arith.constant 5 : i32
        %add3A_1897 = arith.addi %mul3A_1895, %add3A_1896 : i32
        %dma_start3A_1898 = arith.constant 2 : i32
        %dma_start3A_1899 = arith.constant 5 : i32
        %dma_start3A_1900 = arith.constant 0 : i32
        %dma_start3A_1901 = arith.constant 0 : i32
        %dma_start3A_1902 = tpu.memref_slice %arg6[%dma_start3A_1898, %dma_start3A_1899, %dma_start3A_1900, %dma_start3A_1901] : memref<4x8x56x32xf32, #tpu.memory_space<vmem>> -> memref<1x1x56x32xf32, #tpu.memory_space<vmem>>
        %dma_start3A_1903 = tpu.memref_squeeze %dma_start3A_1902 : memref<1x1x56x32xf32, #tpu.memory_space<vmem>> -> memref<56x32xf32, #tpu.memory_space<vmem>>
        %dma_start3A_1904 = arith.constant 0 : i32
        %dma_start3A_1905 = tpu.memref_slice %arg5[%add3A_1897, %dma_start3A_1904] : memref<512x56xi32, #tpu.memory_space<vmem>> -> memref<1x56xi32, #tpu.memory_space<vmem>>
        %dma_start3A_1906 = tpu.memref_squeeze %dma_start3A_1905 : memref<1x56xi32, #tpu.memory_space<vmem>> -> memref<56xi32, #tpu.memory_space<vmem>>
        %dma_start3A_1907 = arith.constant 0 : i32
        %dma_start3A_1908 = arith.constant 0 : i32
        %dma_start3A_1909 = tpu.memref_slice %arg2[%dma_start3A_1907, %dma_start3A_1908] : memref<1000000x32xf32, #tpu.memory_space<hbm>> -> memref<1000000x32xf32, #tpu.memory_space<hbm>>
        tpu.enqueue_indirect_dma source(%dma_start3A_1909 : memref<1000000x32xf32, #tpu.memory_space<hbm>>) target(%dma_start3A_1903 : memref<56x32xf32, #tpu.memory_space<vmem>>) offsets(%dma_start3A_1906 : memref<56xi32, #tpu.memory_space<vmem>>) semaphore(%arg9 : memref<!tpu.dma_semaphore, #tpu.memory_space<semaphore_mem>>)
        %mul3A_1910 = arith.constant 8 : i32
        %mul3A_1911 = arith.muli %sub3A_1813, %mul3A_1910 : i32
        %add3A_1912 = arith.constant 6 : i32
        %add3A_1913 = arith.addi %mul3A_1911, %add3A_1912 : i32
        %dma_start3A_1914 = arith.constant 2 : i32
        %dma_start3A_1915 = arith.constant 6 : i32
        %dma_start3A_1916 = arith.constant 0 : i32
        %dma_start3A_1917 = arith.constant 0 : i32
        %dma_start3A_1918 = tpu.memref_slice %arg6[%dma_start3A_1914, %dma_start3A_1915, %dma_start3A_1916, %dma_start3A_1917] : memref<4x8x56x32xf32, #tpu.memory_space<vmem>> -> memref<1x1x56x32xf32, #tpu.memory_space<vmem>>
        %dma_start3A_1919 = tpu.memref_squeeze %dma_start3A_1918 : memref<1x1x56x32xf32, #tpu.memory_space<vmem>> -> memref<56x32xf32, #tpu.memory_space<vmem>>
        %dma_start3A_1920 = arith.constant 0 : i32
        %dma_start3A_1921 = tpu.memref_slice %arg5[%add3A_1913, %dma_start3A_1920] : memref<512x56xi32, #tpu.memory_space<vmem>> -> memref<1x56xi32, #tpu.memory_space<vmem>>
        %dma_start3A_1922 = tpu.memref_squeeze %dma_start3A_1921 : memref<1x56xi32, #tpu.memory_space<vmem>> -> memref<56xi32, #tpu.memory_space<vmem>>
        %dma_start3A_1923 = arith.constant 0 : i32
        %dma_start3A_1924 = arith.constant 0 : i32
        %dma_start3A_1925 = tpu.memref_slice %arg2[%dma_start3A_1923, %dma_start3A_1924] : memref<1000000x32xf32, #tpu.memory_space<hbm>> -> memref<1000000x32xf32, #tpu.memory_space<hbm>>
        tpu.enqueue_indirect_dma source(%dma_start3A_1925 : memref<1000000x32xf32, #tpu.memory_space<hbm>>) target(%dma_start3A_1919 : memref<56x32xf32, #tpu.memory_space<vmem>>) offsets(%dma_start3A_1922 : memref<56xi32, #tpu.memory_space<vmem>>) semaphore(%arg9 : memref<!tpu.dma_semaphore, #tpu.memory_space<semaphore_mem>>)
        %mul3A_1926 = arith.constant 8 : i32
        %mul3A_1927 = arith.muli %sub3A_1813, %mul3A_1926 : i32
        %add3A_1928 = arith.constant 7 : i32
        %add3A_1929 = arith.addi %mul3A_1927, %add3A_1928 : i32
        %dma_start3A_1930 = arith.constant 2 : i32
        %dma_start3A_1931 = arith.constant 7 : i32
        %dma_start3A_1932 = arith.constant 0 : i32
        %dma_start3A_1933 = arith.constant 0 : i32
        %dma_start3A_1934 = tpu.memref_slice %arg6[%dma_start3A_1930, %dma_start3A_1931, %dma_start3A_1932, %dma_start3A_1933] : memref<4x8x56x32xf32, #tpu.memory_space<vmem>> -> memref<1x1x56x32xf32, #tpu.memory_space<vmem>>
        %dma_start3A_1935 = tpu.memref_squeeze %dma_start3A_1934 : memref<1x1x56x32xf32, #tpu.memory_space<vmem>> -> memref<56x32xf32, #tpu.memory_space<vmem>>
        %dma_start3A_1936 = arith.constant 0 : i32
        %dma_start3A_1937 = tpu.memref_slice %arg5[%add3A_1929, %dma_start3A_1936] : memref<512x56xi32, #tpu.memory_space<vmem>> -> memref<1x56xi32, #tpu.memory_space<vmem>>
        %dma_start3A_1938 = tpu.memref_squeeze %dma_start3A_1937 : memref<1x56xi32, #tpu.memory_space<vmem>> -> memref<56xi32, #tpu.memory_space<vmem>>
        %dma_start3A_1939 = arith.constant 0 : i32
        %dma_start3A_1940 = arith.constant 0 : i32
        %dma_start3A_1941 = tpu.memref_slice %arg2[%dma_start3A_1939, %dma_start3A_1940] : memref<1000000x32xf32, #tpu.memory_space<hbm>> -> memref<1000000x32xf32, #tpu.memory_space<hbm>>
        tpu.enqueue_indirect_dma source(%dma_start3A_1941 : memref<1000000x32xf32, #tpu.memory_space<hbm>>) target(%dma_start3A_1935 : memref<56x32xf32, #tpu.memory_space<vmem>>) offsets(%dma_start3A_1938 : memref<56xi32, #tpu.memory_space<vmem>>) semaphore(%arg9 : memref<!tpu.dma_semaphore, #tpu.memory_space<semaphore_mem>>)
      } else {
      }
    }
    %scan3A_318 = arith.constant 16 : i32
    %add3A_319 = arith.constant 504 : i32
    %add3A_320 = arith.addi %mul3A_2, %add3A_319 : i32
    %add3A_321 = arith.constant 0 : i32
    %add3A_322 = arith.addi %add3A_320, %add3A_321 : i32
    %dma_wait3A = arith.constant 3 : i32
    %dma_wait3A_323 = arith.constant 0 : i32
    %dma_wait3A_324 = arith.constant 0 : i32
    %dma_wait3A_325 = arith.constant 0 : i32
    %dma_wait3A_326 = tpu.memref_slice %arg6[%dma_wait3A, %dma_wait3A_323, %dma_wait3A_324, %dma_wait3A_325] : memref<4x8x56x32xf32, #tpu.memory_space<vmem>> -> memref<1x1x50x32xf32, #tpu.memory_space<vmem>>
    %dma_wait3A_327 = tpu.memref_squeeze %dma_wait3A_326 : memref<1x1x50x32xf32, #tpu.memory_space<vmem>> -> memref<50x32xf32, #tpu.memory_space<vmem>>
    %dma_wait3A_328 = arith.constant 0 : i32
    %dma_wait3A_329 = arith.constant 0 : i32
    %dma_wait3A_330 = tpu.memref_slice %arg4[%add3A_322, %dma_wait3A_328, %dma_wait3A_329] : memref<16384x50x32xf32, #tpu.memory_space<hbm>> -> memref<1x50x32xf32, #tpu.memory_space<hbm>>
    %dma_wait3A_331 = tpu.memref_squeeze %dma_wait3A_330 : memref<1x50x32xf32, #tpu.memory_space<hbm>> -> memref<50x32xf32, #tpu.memory_space<hbm>>
    %dma_wait3A_332 = arith.constant 0 : i32
    %dma_wait3A_333 = arith.constant 0 : i32
    %dma_wait3A_334 = tpu.memref_slice %arg4[%add3A_322, %dma_wait3A_332, %dma_wait3A_333] : memref<16384x50x32xf32, #tpu.memory_space<hbm>> -> memref<1x50x32xf32, #tpu.memory_space<hbm>>
    %dma_wait3A_335 = tpu.memref_squeeze %dma_wait3A_334 : memref<1x50x32xf32, #tpu.memory_space<hbm>> -> memref<50x32xf32, #tpu.memory_space<hbm>>
    %dma_wait3A_336 = arith.constant 0 : i32
    %dma_wait3A_337 = arith.constant 0 : i32
    %dma_wait3A_338 = tpu.memref_slice %arg6[%dma_wait3A, %dma_wait3A_323, %dma_wait3A_336, %dma_wait3A_337] : memref<4x8x56x32xf32, #tpu.memory_space<vmem>> -> memref<1x1x50x32xf32, #tpu.memory_space<vmem>>
    %dma_wait3A_339 = tpu.memref_squeeze %dma_wait3A_338 : memref<1x1x50x32xf32, #tpu.memory_space<vmem>> -> memref<50x32xf32, #tpu.memory_space<vmem>>
    tpu.wait_dma2 semaphore(%arg14 : memref<!tpu.dma_semaphore, #tpu.memory_space<semaphore_mem>>) src(%dma_wait3A_339 : memref<50x32xf32, #tpu.memory_space<vmem>>) dst(%dma_wait3A_335 : memref<50x32xf32, #tpu.memory_space<hbm>>)
    %add3A_340 = arith.constant 504 : i32
    %add3A_341 = arith.addi %mul3A_2, %add3A_340 : i32
    %add3A_342 = arith.constant 1 : i32
    %add3A_343 = arith.addi %add3A_341, %add3A_342 : i32
    %dma_wait3A_344 = arith.constant 3 : i32
    %dma_wait3A_345 = arith.constant 1 : i32
    %dma_wait3A_346 = arith.constant 0 : i32
    %dma_wait3A_347 = arith.constant 0 : i32
    %dma_wait3A_348 = tpu.memref_slice %arg6[%dma_wait3A_344, %dma_wait3A_345, %dma_wait3A_346, %dma_wait3A_347] : memref<4x8x56x32xf32, #tpu.memory_space<vmem>> -> memref<1x1x50x32xf32, #tpu.memory_space<vmem>>
    %dma_wait3A_349 = tpu.memref_squeeze %dma_wait3A_348 : memref<1x1x50x32xf32, #tpu.memory_space<vmem>> -> memref<50x32xf32, #tpu.memory_space<vmem>>
    %dma_wait3A_350 = arith.constant 0 : i32
    %dma_wait3A_351 = arith.constant 0 : i32
    %dma_wait3A_352 = tpu.memref_slice %arg4[%add3A_343, %dma_wait3A_350, %dma_wait3A_351] : memref<16384x50x32xf32, #tpu.memory_space<hbm>> -> memref<1x50x32xf32, #tpu.memory_space<hbm>>
    %dma_wait3A_353 = tpu.memref_squeeze %dma_wait3A_352 : memref<1x50x32xf32, #tpu.memory_space<hbm>> -> memref<50x32xf32, #tpu.memory_space<hbm>>
    %dma_wait3A_354 = arith.constant 0 : i32
    %dma_wait3A_355 = arith.constant 0 : i32
    %dma_wait3A_356 = tpu.memref_slice %arg4[%add3A_343, %dma_wait3A_354, %dma_wait3A_355] : memref<16384x50x32xf32, #tpu.memory_space<hbm>> -> memref<1x50x32xf32, #tpu.memory_space<hbm>>
    %dma_wait3A_357 = tpu.memref_squeeze %dma_wait3A_356 : memref<1x50x32xf32, #tpu.memory_space<hbm>> -> memref<50x32xf32, #tpu.memory_space<hbm>>
    %dma_wait3A_358 = arith.constant 0 : i32
    %dma_wait3A_359 = arith.constant 0 : i32
    %dma_wait3A_360 = tpu.memref_slice %arg6[%dma_wait3A_344, %dma_wait3A_345, %dma_wait3A_358, %dma_wait3A_359] : memref<4x8x56x32xf32, #tpu.memory_space<vmem>> -> memref<1x1x50x32xf32, #tpu.memory_space<vmem>>
    %dma_wait3A_361 = tpu.memref_squeeze %dma_wait3A_360 : memref<1x1x50x32xf32, #tpu.memory_space<vmem>> -> memref<50x32xf32, #tpu.memory_space<vmem>>
    tpu.wait_dma2 semaphore(%arg14 : memref<!tpu.dma_semaphore, #tpu.memory_space<semaphore_mem>>) src(%dma_wait3A_361 : memref<50x32xf32, #tpu.memory_space<vmem>>) dst(%dma_wait3A_357 : memref<50x32xf32, #tpu.memory_space<hbm>>)
    %add3A_362 = arith.constant 504 : i32
    %add3A_363 = arith.addi %mul3A_2, %add3A_362 : i32
    %add3A_364 = arith.constant 2 : i32
    %add3A_365 = arith.addi %add3A_363, %add3A_364 : i32
    %dma_wait3A_366 = arith.constant 3 : i32
    %dma_wait3A_367 = arith.constant 2 : i32
    %dma_wait3A_368 = arith.constant 0 : i32
    %dma_wait3A_369 = arith.constant 0 : i32
    %dma_wait3A_370 = tpu.memref_slice %arg6[%dma_wait3A_366, %dma_wait3A_367, %dma_wait3A_368, %dma_wait3A_369] : memref<4x8x56x32xf32, #tpu.memory_space<vmem>> -> memref<1x1x50x32xf32, #tpu.memory_space<vmem>>
    %dma_wait3A_371 = tpu.memref_squeeze %dma_wait3A_370 : memref<1x1x50x32xf32, #tpu.memory_space<vmem>> -> memref<50x32xf32, #tpu.memory_space<vmem>>
    %dma_wait3A_372 = arith.constant 0 : i32
    %dma_wait3A_373 = arith.constant 0 : i32
    %dma_wait3A_374 = tpu.memref_slice %arg4[%add3A_365, %dma_wait3A_372, %dma_wait3A_373] : memref<16384x50x32xf32, #tpu.memory_space<hbm>> -> memref<1x50x32xf32, #tpu.memory_space<hbm>>
    %dma_wait3A_375 = tpu.memref_squeeze %dma_wait3A_374 : memref<1x50x32xf32, #tpu.memory_space<hbm>> -> memref<50x32xf32, #tpu.memory_space<hbm>>
    %dma_wait3A_376 = arith.constant 0 : i32
    %dma_wait3A_377 = arith.constant 0 : i32
    %dma_wait3A_378 = tpu.memref_slice %arg4[%add3A_365, %dma_wait3A_376, %dma_wait3A_377] : memref<16384x50x32xf32, #tpu.memory_space<hbm>> -> memref<1x50x32xf32, #tpu.memory_space<hbm>>
    %dma_wait3A_379 = tpu.memref_squeeze %dma_wait3A_378 : memref<1x50x32xf32, #tpu.memory_space<hbm>> -> memref<50x32xf32, #tpu.memory_space<hbm>>
    %dma_wait3A_380 = arith.constant 0 : i32
    %dma_wait3A_381 = arith.constant 0 : i32
    %dma_wait3A_382 = tpu.memref_slice %arg6[%dma_wait3A_366, %dma_wait3A_367, %dma_wait3A_380, %dma_wait3A_381] : memref<4x8x56x32xf32, #tpu.memory_space<vmem>> -> memref<1x1x50x32xf32, #tpu.memory_space<vmem>>
    %dma_wait3A_383 = tpu.memref_squeeze %dma_wait3A_382 : memref<1x1x50x32xf32, #tpu.memory_space<vmem>> -> memref<50x32xf32, #tpu.memory_space<vmem>>
    tpu.wait_dma2 semaphore(%arg14 : memref<!tpu.dma_semaphore, #tpu.memory_space<semaphore_mem>>) src(%dma_wait3A_383 : memref<50x32xf32, #tpu.memory_space<vmem>>) dst(%dma_wait3A_379 : memref<50x32xf32, #tpu.memory_space<hbm>>)
    %add3A_384 = arith.constant 504 : i32
    %add3A_385 = arith.addi %mul3A_2, %add3A_384 : i32
    %add3A_386 = arith.constant 3 : i32
    %add3A_387 = arith.addi %add3A_385, %add3A_386 : i32
    %dma_wait3A_388 = arith.constant 3 : i32
    %dma_wait3A_389 = arith.constant 3 : i32
    %dma_wait3A_390 = arith.constant 0 : i32
    %dma_wait3A_391 = arith.constant 0 : i32
    %dma_wait3A_392 = tpu.memref_slice %arg6[%dma_wait3A_388, %dma_wait3A_389, %dma_wait3A_390, %dma_wait3A_391] : memref<4x8x56x32xf32, #tpu.memory_space<vmem>> -> memref<1x1x50x32xf32, #tpu.memory_space<vmem>>
    %dma_wait3A_393 = tpu.memref_squeeze %dma_wait3A_392 : memref<1x1x50x32xf32, #tpu.memory_space<vmem>> -> memref<50x32xf32, #tpu.memory_space<vmem>>
    %dma_wait3A_394 = arith.constant 0 : i32
    %dma_wait3A_395 = arith.constant 0 : i32
    %dma_wait3A_396 = tpu.memref_slice %arg4[%add3A_387, %dma_wait3A_394, %dma_wait3A_395] : memref<16384x50x32xf32, #tpu.memory_space<hbm>> -> memref<1x50x32xf32, #tpu.memory_space<hbm>>
    %dma_wait3A_397 = tpu.memref_squeeze %dma_wait3A_396 : memref<1x50x32xf32, #tpu.memory_space<hbm>> -> memref<50x32xf32, #tpu.memory_space<hbm>>
    %dma_wait3A_398 = arith.constant 0 : i32
    %dma_wait3A_399 = arith.constant 0 : i32
    %dma_wait3A_400 = tpu.memref_slice %arg4[%add3A_387, %dma_wait3A_398, %dma_wait3A_399] : memref<16384x50x32xf32, #tpu.memory_space<hbm>> -> memref<1x50x32xf32, #tpu.memory_space<hbm>>
    %dma_wait3A_401 = tpu.memref_squeeze %dma_wait3A_400 : memref<1x50x32xf32, #tpu.memory_space<hbm>> -> memref<50x32xf32, #tpu.memory_space<hbm>>
    %dma_wait3A_402 = arith.constant 0 : i32
    %dma_wait3A_403 = arith.constant 0 : i32
    %dma_wait3A_404 = tpu.memref_slice %arg6[%dma_wait3A_388, %dma_wait3A_389, %dma_wait3A_402, %dma_wait3A_403] : memref<4x8x56x32xf32, #tpu.memory_space<vmem>> -> memref<1x1x50x32xf32, #tpu.memory_space<vmem>>
    %dma_wait3A_405 = tpu.memref_squeeze %dma_wait3A_404 : memref<1x1x50x32xf32, #tpu.memory_space<vmem>> -> memref<50x32xf32, #tpu.memory_space<vmem>>
    tpu.wait_dma2 semaphore(%arg14 : memref<!tpu.dma_semaphore, #tpu.memory_space<semaphore_mem>>) src(%dma_wait3A_405 : memref<50x32xf32, #tpu.memory_space<vmem>>) dst(%dma_wait3A_401 : memref<50x32xf32, #tpu.memory_space<hbm>>)
    %add3A_406 = arith.constant 504 : i32
    %add3A_407 = arith.addi %mul3A_2, %add3A_406 : i32
    %add3A_408 = arith.constant 4 : i32
    %add3A_409 = arith.addi %add3A_407, %add3A_408 : i32
    %dma_wait3A_410 = arith.constant 3 : i32
    %dma_wait3A_411 = arith.constant 4 : i32
    %dma_wait3A_412 = arith.constant 0 : i32
    %dma_wait3A_413 = arith.constant 0 : i32
    %dma_wait3A_414 = tpu.memref_slice %arg6[%dma_wait3A_410, %dma_wait3A_411, %dma_wait3A_412, %dma_wait3A_413] : memref<4x8x56x32xf32, #tpu.memory_space<vmem>> -> memref<1x1x50x32xf32, #tpu.memory_space<vmem>>
    %dma_wait3A_415 = tpu.memref_squeeze %dma_wait3A_414 : memref<1x1x50x32xf32, #tpu.memory_space<vmem>> -> memref<50x32xf32, #tpu.memory_space<vmem>>
    %dma_wait3A_416 = arith.constant 0 : i32
    %dma_wait3A_417 = arith.constant 0 : i32
    %dma_wait3A_418 = tpu.memref_slice %arg4[%add3A_409, %dma_wait3A_416, %dma_wait3A_417] : memref<16384x50x32xf32, #tpu.memory_space<hbm>> -> memref<1x50x32xf32, #tpu.memory_space<hbm>>
    %dma_wait3A_419 = tpu.memref_squeeze %dma_wait3A_418 : memref<1x50x32xf32, #tpu.memory_space<hbm>> -> memref<50x32xf32, #tpu.memory_space<hbm>>
    %dma_wait3A_420 = arith.constant 0 : i32
    %dma_wait3A_421 = arith.constant 0 : i32
    %dma_wait3A_422 = tpu.memref_slice %arg4[%add3A_409, %dma_wait3A_420, %dma_wait3A_421] : memref<16384x50x32xf32, #tpu.memory_space<hbm>> -> memref<1x50x32xf32, #tpu.memory_space<hbm>>
    %dma_wait3A_423 = tpu.memref_squeeze %dma_wait3A_422 : memref<1x50x32xf32, #tpu.memory_space<hbm>> -> memref<50x32xf32, #tpu.memory_space<hbm>>
    %dma_wait3A_424 = arith.constant 0 : i32
    %dma_wait3A_425 = arith.constant 0 : i32
    %dma_wait3A_426 = tpu.memref_slice %arg6[%dma_wait3A_410, %dma_wait3A_411, %dma_wait3A_424, %dma_wait3A_425] : memref<4x8x56x32xf32, #tpu.memory_space<vmem>> -> memref<1x1x50x32xf32, #tpu.memory_space<vmem>>
    %dma_wait3A_427 = tpu.memref_squeeze %dma_wait3A_426 : memref<1x1x50x32xf32, #tpu.memory_space<vmem>> -> memref<50x32xf32, #tpu.memory_space<vmem>>
    tpu.wait_dma2 semaphore(%arg14 : memref<!tpu.dma_semaphore, #tpu.memory_space<semaphore_mem>>) src(%dma_wait3A_427 : memref<50x32xf32, #tpu.memory_space<vmem>>) dst(%dma_wait3A_423 : memref<50x32xf32, #tpu.memory_space<hbm>>)
    %add3A_428 = arith.constant 504 : i32
    %add3A_429 = arith.addi %mul3A_2, %add3A_428 : i32
    %add3A_430 = arith.constant 5 : i32
    %add3A_431 = arith.addi %add3A_429, %add3A_430 : i32
    %dma_wait3A_432 = arith.constant 3 : i32
    %dma_wait3A_433 = arith.constant 5 : i32
    %dma_wait3A_434 = arith.constant 0 : i32
    %dma_wait3A_435 = arith.constant 0 : i32
    %dma_wait3A_436 = tpu.memref_slice %arg6[%dma_wait3A_432, %dma_wait3A_433, %dma_wait3A_434, %dma_wait3A_435] : memref<4x8x56x32xf32, #tpu.memory_space<vmem>> -> memref<1x1x50x32xf32, #tpu.memory_space<vmem>>
    %dma_wait3A_437 = tpu.memref_squeeze %dma_wait3A_436 : memref<1x1x50x32xf32, #tpu.memory_space<vmem>> -> memref<50x32xf32, #tpu.memory_space<vmem>>
    %dma_wait3A_438 = arith.constant 0 : i32
    %dma_wait3A_439 = arith.constant 0 : i32
    %dma_wait3A_440 = tpu.memref_slice %arg4[%add3A_431, %dma_wait3A_438, %dma_wait3A_439] : memref<16384x50x32xf32, #tpu.memory_space<hbm>> -> memref<1x50x32xf32, #tpu.memory_space<hbm>>
    %dma_wait3A_441 = tpu.memref_squeeze %dma_wait3A_440 : memref<1x50x32xf32, #tpu.memory_space<hbm>> -> memref<50x32xf32, #tpu.memory_space<hbm>>
    %dma_wait3A_442 = arith.constant 0 : i32
    %dma_wait3A_443 = arith.constant 0 : i32
    %dma_wait3A_444 = tpu.memref_slice %arg4[%add3A_431, %dma_wait3A_442, %dma_wait3A_443] : memref<16384x50x32xf32, #tpu.memory_space<hbm>> -> memref<1x50x32xf32, #tpu.memory_space<hbm>>
    %dma_wait3A_445 = tpu.memref_squeeze %dma_wait3A_444 : memref<1x50x32xf32, #tpu.memory_space<hbm>> -> memref<50x32xf32, #tpu.memory_space<hbm>>
    %dma_wait3A_446 = arith.constant 0 : i32
    %dma_wait3A_447 = arith.constant 0 : i32
    %dma_wait3A_448 = tpu.memref_slice %arg6[%dma_wait3A_432, %dma_wait3A_433, %dma_wait3A_446, %dma_wait3A_447] : memref<4x8x56x32xf32, #tpu.memory_space<vmem>> -> memref<1x1x50x32xf32, #tpu.memory_space<vmem>>
    %dma_wait3A_449 = tpu.memref_squeeze %dma_wait3A_448 : memref<1x1x50x32xf32, #tpu.memory_space<vmem>> -> memref<50x32xf32, #tpu.memory_space<vmem>>
    tpu.wait_dma2 semaphore(%arg14 : memref<!tpu.dma_semaphore, #tpu.memory_space<semaphore_mem>>) src(%dma_wait3A_449 : memref<50x32xf32, #tpu.memory_space<vmem>>) dst(%dma_wait3A_445 : memref<50x32xf32, #tpu.memory_space<hbm>>)
    %add3A_450 = arith.constant 504 : i32
    %add3A_451 = arith.addi %mul3A_2, %add3A_450 : i32
    %add3A_452 = arith.constant 6 : i32
    %add3A_453 = arith.addi %add3A_451, %add3A_452 : i32
    %dma_wait3A_454 = arith.constant 3 : i32
    %dma_wait3A_455 = arith.constant 6 : i32
    %dma_wait3A_456 = arith.constant 0 : i32
    %dma_wait3A_457 = arith.constant 0 : i32
    %dma_wait3A_458 = tpu.memref_slice %arg6[%dma_wait3A_454, %dma_wait3A_455, %dma_wait3A_456, %dma_wait3A_457] : memref<4x8x56x32xf32, #tpu.memory_space<vmem>> -> memref<1x1x50x32xf32, #tpu.memory_space<vmem>>
    %dma_wait3A_459 = tpu.memref_squeeze %dma_wait3A_458 : memref<1x1x50x32xf32, #tpu.memory_space<vmem>> -> memref<50x32xf32, #tpu.memory_space<vmem>>
    %dma_wait3A_460 = arith.constant 0 : i32
    %dma_wait3A_461 = arith.constant 0 : i32
    %dma_wait3A_462 = tpu.memref_slice %arg4[%add3A_453, %dma_wait3A_460, %dma_wait3A_461] : memref<16384x50x32xf32, #tpu.memory_space<hbm>> -> memref<1x50x32xf32, #tpu.memory_space<hbm>>
    %dma_wait3A_463 = tpu.memref_squeeze %dma_wait3A_462 : memref<1x50x32xf32, #tpu.memory_space<hbm>> -> memref<50x32xf32, #tpu.memory_space<hbm>>
    %dma_wait3A_464 = arith.constant 0 : i32
    %dma_wait3A_465 = arith.constant 0 : i32
    %dma_wait3A_466 = tpu.memref_slice %arg4[%add3A_453, %dma_wait3A_464, %dma_wait3A_465] : memref<16384x50x32xf32, #tpu.memory_space<hbm>> -> memref<1x50x32xf32, #tpu.memory_space<hbm>>
    %dma_wait3A_467 = tpu.memref_squeeze %dma_wait3A_466 : memref<1x50x32xf32, #tpu.memory_space<hbm>> -> memref<50x32xf32, #tpu.memory_space<hbm>>
    %dma_wait3A_468 = arith.constant 0 : i32
    %dma_wait3A_469 = arith.constant 0 : i32
    %dma_wait3A_470 = tpu.memref_slice %arg6[%dma_wait3A_454, %dma_wait3A_455, %dma_wait3A_468, %dma_wait3A_469] : memref<4x8x56x32xf32, #tpu.memory_space<vmem>> -> memref<1x1x50x32xf32, #tpu.memory_space<vmem>>
    %dma_wait3A_471 = tpu.memref_squeeze %dma_wait3A_470 : memref<1x1x50x32xf32, #tpu.memory_space<vmem>> -> memref<50x32xf32, #tpu.memory_space<vmem>>
    tpu.wait_dma2 semaphore(%arg14 : memref<!tpu.dma_semaphore, #tpu.memory_space<semaphore_mem>>) src(%dma_wait3A_471 : memref<50x32xf32, #tpu.memory_space<vmem>>) dst(%dma_wait3A_467 : memref<50x32xf32, #tpu.memory_space<hbm>>)
    %add3A_472 = arith.constant 504 : i32
    %add3A_473 = arith.addi %mul3A_2, %add3A_472 : i32
    %add3A_474 = arith.constant 7 : i32
    %add3A_475 = arith.addi %add3A_473, %add3A_474 : i32
    %dma_wait3A_476 = arith.constant 3 : i32
    %dma_wait3A_477 = arith.constant 7 : i32
    %dma_wait3A_478 = arith.constant 0 : i32
    %dma_wait3A_479 = arith.constant 0 : i32
    %dma_wait3A_480 = tpu.memref_slice %arg6[%dma_wait3A_476, %dma_wait3A_477, %dma_wait3A_478, %dma_wait3A_479] : memref<4x8x56x32xf32, #tpu.memory_space<vmem>> -> memref<1x1x50x32xf32, #tpu.memory_space<vmem>>
    %dma_wait3A_481 = tpu.memref_squeeze %dma_wait3A_480 : memref<1x1x50x32xf32, #tpu.memory_space<vmem>> -> memref<50x32xf32, #tpu.memory_space<vmem>>
    %dma_wait3A_482 = arith.constant 0 : i32
    %dma_wait3A_483 = arith.constant 0 : i32
    %dma_wait3A_484 = tpu.memref_slice %arg4[%add3A_475, %dma_wait3A_482, %dma_wait3A_483] : memref<16384x50x32xf32, #tpu.memory_space<hbm>> -> memref<1x50x32xf32, #tpu.memory_space<hbm>>
    %dma_wait3A_485 = tpu.memref_squeeze %dma_wait3A_484 : memref<1x50x32xf32, #tpu.memory_space<hbm>> -> memref<50x32xf32, #tpu.memory_space<hbm>>
    %dma_wait3A_486 = arith.constant 0 : i32
    %dma_wait3A_487 = arith.constant 0 : i32
    %dma_wait3A_488 = tpu.memref_slice %arg4[%add3A_475, %dma_wait3A_486, %dma_wait3A_487] : memref<16384x50x32xf32, #tpu.memory_space<hbm>> -> memref<1x50x32xf32, #tpu.memory_space<hbm>>
    %dma_wait3A_489 = tpu.memref_squeeze %dma_wait3A_488 : memref<1x50x32xf32, #tpu.memory_space<hbm>> -> memref<50x32xf32, #tpu.memory_space<hbm>>
    %dma_wait3A_490 = arith.constant 0 : i32
    %dma_wait3A_491 = arith.constant 0 : i32
    %dma_wait3A_492 = tpu.memref_slice %arg6[%dma_wait3A_476, %dma_wait3A_477, %dma_wait3A_490, %dma_wait3A_491] : memref<4x8x56x32xf32, #tpu.memory_space<vmem>> -> memref<1x1x50x32xf32, #tpu.memory_space<vmem>>
    %dma_wait3A_493 = tpu.memref_squeeze %dma_wait3A_492 : memref<1x1x50x32xf32, #tpu.memory_space<vmem>> -> memref<50x32xf32, #tpu.memory_space<vmem>>
    tpu.wait_dma2 semaphore(%arg14 : memref<!tpu.dma_semaphore, #tpu.memory_space<semaphore_mem>>) src(%dma_wait3A_493 : memref<50x32xf32, #tpu.memory_space<vmem>>) dst(%dma_wait3A_489 : memref<50x32xf32, #tpu.memory_space<hbm>>)
    return
  }
}

</mosaic_0001>

<sc_bundles>
// kernel: kernel.3.cloned.1.call-start
scs
__scs_entry_jumppad:
0x0: {  	(pc) =	sbr.rel $0x88, $3  }
0x1: {  	(tag) =	ssettag $0x0;
	lr =	simm.s32 $0x1  }
0x2: {  	[smem:$0x3F9F] =	sst lr;
	_ =	strace $0xD0000000  }
0x3: {  	_ = 	snop  }
0x4: {  	_ = 	snop  }
0x5: {  	_ = 	snop  }
0x6: {  	_ = 	snop  }
0x7: {  	_ = 	snop  }
__scs_overlays_trampoline_lowered:
0x8: {  	[smem:$0x3FAE] =	sst s0  }
0x9: {  	[smem:$0x3FAF] =	sst s1  }
0xa: {  	[smem:$0x3FB0] =	sst s2  }
0xb: {  	[smem:$0x3FB1] =	sst s3  }
0xc: {  	[smem:$0x3FB2] =	sst s4  }
0xd: {  	[smem:$0x3FB3] =	sst s5  }
0xe: {  	[smem:$0x3FB4] =	sst s6  }
0xf: {  	[smem:$0x3FB5] =	sst s7  }
0x10: {  	[smem:$0x3FB6] =	sst s8  }
0x11: {  	[smem:$0x3FB7] =	sst s9;
	s0 =	simm.s32 @!p0 $0x0  }
0x12: {  	s1 =	sld [smem:$0x3F9D];
	s0 =	simm.s32 @p0 $0x1  }
0x13: {  	[smem:$0x3FB8] =	sst s0;
	s0 =	simm.s32 @!p1 $0x0  }
0x14: {  	s2 =	sld [smem:$0x3F9C];
	s0 =	simm.s32 @p1 $0x1  }
0x15: {  	[smem:$0x3FB9] =	sst s0;
	s0 =	simm.s32 @!p2 $0x0  }
0x16: {  	s3 =	sld [smem:$0x3FDB];
	s0 =	simm.s32 @p2 $0x1  }
0x17: {  	s4 =	simm.s32 $0x1BF5;
	[smem:$0x3FBB] =	sst s0  }
0x18: {  	s0 =	sld [smem:$0x3F9E];
	_ =	swait.ge [sflag:s4], $0x0  }
0x19: {  	s7 =	sld [smem:$0x3F9F]  }
0x1a: {  	s8 =	sadd.s32 $0xFFFFE003, lr  }
0x1b: {  	s9 =	sadd.s32 $0xFFFFFEF7, lr;
	s5 =	simm.s32 $0xFFFFFFFF;
	p2 =	slt.u32 s8, $0xFFFFF086  }
0x1c: {  	p1 =	slt.u32 s9, $0xF7A;
	s5 =	simm.s32 @!p2 $0x0  }
0x1d: {  	s5 =	simm.s32 @p1 $0x1;
	p0 =	seq.s32 s7, s2  }
0x1e: {  	s7 =	smul.u32 @!p0 $0xF7A, s2;
	p2 =	seq.s32 @!p0 s5, $0x0  }
0x1f: {  	s9 =	smul.u32 $0xF7A, s1;
	s8 =	simm.s32 @!p0 $0x1BF5;
	p2 =	por !p2, p0  }
0x20: {  	[sflag:s8] =	ssyncset.s32 @!p0 $0xFFFFF086;
	s6 =	sadd.s32 @!p0 s3, s7;
	s7 =	simm.s32 @!p0 $0x108  }
0x21: {  	s3 =	sadd.s32 s3, s9;
	s6 =	sadd.s32 @!p0 $0x88, s6;
	s7 =	simm.s32 @p2 $0x1082  }
0x22: {  	[simem:s7], [sflag:s8] =	dma.local @!p0 [hbm:s6], $0xF7A  }
0x23: {  	s9 =	sor.u32 $0xD0000000, s2;
	s6 =	simm.s32 $0x108;
	_ =	swait.ge @!p0 [sflag:s8], $0x0  }
0x24: {  	s3 =	sadd.s32 $0x88, s3;
	s6 =	simm.s32 @!p1 $0x1082;
	[sflag:s4] =	ssyncset.s32 $0xFFFFF086  }
0x25: {  	[simem:s6], [sflag:s4] =	dma.local [hbm:s3], $0xF7A  }
0x26: {  	[smem:$0x3F9F] =	sst s1;
	(tag) =	ssettag s2;
	_ =	strace s9  }
0x27: {  	s1 =	sld [smem:$0x3FAF]  }
0x28: {  	s2 =	sld [smem:$0x3FB0]  }
0x29: {  	s4 =	sld [smem:$0x3FB2]  }
0x2a: {  	p0 =	seq.s32 s5, $0x0;
	s5 =	sld [smem:$0x3FB3]  }
0x2b: {  	s6 =	sld [smem:$0x3FB4]  }
0x2c: {  	s7 =	sld [smem:$0x3FB5]  }
0x2d: {  	s3 =	simm.s32 $0x108;
	s8 =	sld [smem:$0x3FB6]  }
0x2e: {  	s3 =	simm.s32 @!p0 $0x1082;
	s9 =	sld [smem:$0x3FB7]  }
0x2f: {  	lr =	sadd.s32 s0, s3;
	s0 =	sld [smem:$0x3FAE]  }
0x30: {  	s3 =	sld [smem:$0x3FB1]  }
0x31: {  	[smem:$0x3FBA] =	sst s10  }
0x32: {  	s10 =	sld [smem:$0x3FB8];
	_ =	sdelay $0x3  }
0x33: {  	p0 =	seq.s32 s10, $0x1;
	s10 =	sld [smem:$0x3FBA];
	_ =	sdelay $0x3  }
0x34: {  	[smem:$0x3FBA] =	sst s10  }
0x35: {  	s10 =	sld [smem:$0x3FB9];
	_ =	sdelay $0x3  }
0x36: {  	p1 =	seq.s32 s10, $0x1;
	s10 =	sld [smem:$0x3FBA];
	_ =	sdelay $0x3  }
0x37: {  	[smem:$0x3FBA] =	sst s10  }
0x38: {  	s10 =	sld [smem:$0x3FBB]  }
0x39: {  	_ = 	snop;
	(pc) =	sbr.ind lr, $3  }
0x3a: {  	_ = 	snop  }
0x3b: {  	_ = 	snop  }
0x3c: {  	p2 =	seq.s32 s10, $0x1;
	s10 =	sld [smem:$0x3FBA]  }
0x3d: {  	_ =	shalt  }
0x3e: {  	_ =	shalt  }
0x3f: {  	_ =	shalt  }
0x40: {  	_ =	shalt  }
0x41: {  	_ =	shalt  }
0x42: {  	_ =	shalt  }
0x43: {  	_ =	shalt  }
0x44: {  	_ =	shalt  }
0x45: {  	_ =	shalt  }
0x46: {  	_ =	shalt  }
0x47: {  	_ =	shalt  }
0x48: {  	_ =	shalt  }
0x49: {  	_ =	shalt  }
0x4a: {  	_ =	shalt  }
0x4b: {  	_ =	shalt  }
0x4c: {  	_ =	shalt  }
0x4d: {  	_ =	shalt  }
0x4e: {  	_ =	shalt  }
0x4f: {  	_ =	shalt  }
0x50: {  	_ =	shalt  }
0x51: {  	_ =	shalt  }
0x52: {  	_ =	shalt  }
0x53: {  	_ =	shalt  }
0x54: {  	_ =	shalt  }
0x55: {  	_ =	shalt  }
0x56: {  	_ =	shalt  }
0x57: {  	_ =	shalt  }
0x58: {  	_ =	shalt  }
0x59: {  	_ =	shalt  }
0x5a: {  	_ =	shalt  }
0x5b: {  	_ =	shalt  }
0x5c: {  	_ =	shalt  }
0x5d: {  	_ =	shalt  }
0x5e: {  	_ =	shalt  }
0x5f: {  	_ =	shalt  }
0x60: {  	_ =	shalt  }
0x61: {  	_ =	shalt  }
0x62: {  	_ =	shalt  }
0x63: {  	_ =	shalt  }
0x64: {  	_ =	shalt  }
0x65: {  	_ =	shalt  }
0x66: {  	_ =	shalt  }
0x67: {  	_ =	shalt  }
0x68: {  	_ =	shalt  }
0x69: {  	_ =	shalt  }
0x6a: {  	_ =	shalt  }
0x6b: {  	_ =	shalt  }
0x6c: {  	_ =	shalt  }
0x6d: {  	_ =	shalt  }
0x6e: {  	_ =	shalt  }
0x6f: {  	_ =	shalt  }
0x70: {  	_ =	shalt  }
0x71: {  	_ =	shalt  }
0x72: {  	_ =	shalt  }
0x73: {  	_ =	shalt  }
0x74: {  	_ =	shalt  }
0x75: {  	_ =	shalt  }
0x76: {  	_ =	shalt  }
0x77: {  	_ =	shalt  }
0x78: {  	_ =	shalt  }
0x79: {  	_ =	shalt  }
0x7a: {  	_ =	shalt  }
0x7b: {  	_ =	shalt  }
0x7c: {  	_ =	shalt  }
0x7d: {  	_ =	shalt  }
0x7e: {  	_ =	shalt  }
0x7f: {  	_ =	shalt  }
0x80: {  	_ =	shalt  }
0x81: {  	_ =	shalt  }
0x82: {  	_ =	shalt  }
0x83: {  	_ =	shalt  }
0x84: {  	_ =	shalt  }
0x85: {  	_ =	shalt  }
0x86: {  	_ =	shalt  }
0x87: {  	_ =	shalt  }
.Lfunc_end0:
.L_simem_size_0:
called_computation.1_lowered:
.L_overlay_start_0:
0x88: {  	s2 =	sld [smem:$0x3FD9]  }
0x89: {  	s3 =	sld [smem:$0x3FFE];
	_ =	sdelay $0x1  }
0x8a: {  	s1 =	srdreg.scid  }
0x8b: {  	s0 =	sand.u32 $0x1, s1  }
0x8c: {  	s17 =	sshll.u32 s0, $0xA;
	s2 =	sadd.s32 s3, s2  }
0x8d: {  	s2 =	sadd.s32 s2, s17  }
0x8e: {  	[smem:$0x3FC6] =	sst s2  }
0x8f: {  	_ = 	snop  }
0x90: {  	s2 =	sld [smem:$0x3FD0];
	(tm) =	ssettm $0x1  }
0x91: {  	s18 =	sld [smem:$0x3FFB];
	_ =	sdelay $0x3  }
0x92: {  	_ =	strace s18  }
0x93: {  	s3 =	sld [smem:$0x3FFC];
	_ =	sdelay $0x3  }
0x94: {  	_ =	strace s3  }
0x95: {  	s3 =	sld [smem:$0x3FFD];
	_ =	sdelay $0x3  }
0x96: {  	_ =	strace s3  }
0x97: {  	_ =	strace $0x8FFFFFFF  }
0x98: {  	s19 =	sld [smem:$0x3FDB];
	_ =	sdelay $0x1  }
0x99: {  	s4 =	simm.s32 $_scs_section_size  }
0x9a: {  	s5 =	simm.s32 $_size__tile_overlayer_lowered;
	s6 =	simm.s32 $_tile_overlayer_lowered  }
0x9b: {  	s22 =	simm.s32 $0x1BFF;
	s21 =	sshll.u32 s6, $0x1;
	s3 =	sadd.s32 s4, s19  }
0x9c: {  	s7 =	simm.s32 $0x0;
	s20 =	sshll.u32 s5, $0x1;
	s5 =	sadd.s32 s21, s3  }
0x9d: {  	[timem:s7], [sflag:s22] =	dma.local [hbm:s5], s20  }
0x9e: {  	_ =	swait.ge [sflag:s22], s20  }
0x9f: {  	s4 =	ssub.s32 $0x0, s20;
	[sflag:s22] =	ssyncset.done $0x0  }
0xa0: {  	[sflag:s22] =	ssyncadd.s32 s4;
	_ =	sdelay $0x1  }
0xa1: {  	s23 =	simm.s32 $0x1B8B  }
0xa2: {  	_ =	swait.ge [sflag:s23], $0x1  }
0xa3: {  	[sflag:s23] =	ssyncset.done $0x0  }
0xa4: {  	s25 =	simm.s32 $0x1B8E;
	s24 =	sld [smem:$0x3FFE];
	[sflag:s23] =	ssyncadd.s32 $0xFFFFFFFF  }
0xa5: {  	s26 =	simm.s32 $execute0_lowered;
	[smem:$0x3FD2] =	sst s25  }
0xa6: {  	s5 =	sshll.u32 s26, $0x1;
	_ =	strace $0x80000046;
	[dreg:$0x1] =	wrdreg $0xFFFFFFFF  }
0xa7: {  	s28 =	simm.s32 $_size_execute0_lowered;
	s3 =	sadd.s32 s3, s5;
	[dreg:$0x0] =	wrdreg $0x0  }
0xa8: {  	s5 =	sshll.u32 s28, $0x1;
	[dreg:$0x2] =	wrdreg s3  }
0xa9: {  	[dreg:$0x3] =	wrdreg s5  }
0xaa: {  	[dreg:$0x4] =	wrdreg $0xC0  }
0xab: {  	_ =	task [dreg:s7], $0x5FFFF  }
0xac: {  	[dreg:$0x1] =	wrdreg $0xFFFFFFFF  }
0xad: {  	[dreg:$0x0] =	wrdreg $0x60  }
0xae: {  	[dreg:$0x2] =	wrdreg s24  }
0xaf: {  	[dreg:$0x3] =	wrdreg s2  }
0xb0: {  	[dreg:$0x4] =	wrdreg $0x9  }
0xb1: {  	_ =	task.clear_ibuf [dreg:s7], $0x5FFFF;
	_ =	strace $0x90000046  }
0xb2: {  	s29 =	simm.s32 $0x9;
	_ =	strace $0x80000048  }
0xb3: {  	_ =	swait.ge [sflag:s29], $0x1  }
0xb4: {  	[sflag:s29] =	ssyncadd.s32 $0xFFFFFFFF  }
0xb5: {  	_ =	strace $0x90000048  }
0xb6: {  	_ =	sfence  }
0xb7: {  	s30 =	sld [smem:$0x0];
	_ =	sdelay $0x2  }
0xb8: {  	s31 =	sshll.u32 s1, $0xD;
	s1 =	sshrl.u32 s1, $0x2  }
0xb9: {  	s3 =	sand.u32 $0x4000, s31;
	s1 =	sadd.s32 s1, s30  }
0xba: {  	s0 =	sor.u32 s3, s0;
	s1 =	sshll.u32 s1, $0x11  }
0xbb: {  	s0 =	sor.u32 s1, s0  }
0xbc: {  	s0 =	sadd.s32 $0x8F2B, s0  }
0xbd: {  	[sflag:s0] =	ssyncadd.remote.s32 $0x1  }
0xbe: {  	_ =	sfence.sel $0xFFFF  }
0xbf: {  	[dreg:$0x0] =	wrdreg $0xFFFFFFFF;
	(pc) =	sbr.abs _section_cstart, $3  }
0xc0: {  	[dreg:$0x1] =	wrdreg $0xFFFFFFFF  }
0xc1: {  	_ =	task.clear_ibuf [dreg:s7], $0x2FFFF;
	_ =	strace $0x9FFFFFFF  }
0xc2: {  	(tm) =	ssettm $0x7FFFFFFF  }
0xc3: {  	_ =	shalt  }
tec
execute0_lowered:
.L_overlay_start_1:
0x0: {  	(tag) =	ssettag $0x1  }
0x1: {  	s8 =	stileid.u32  }
0x2: {  	s0 =	srdreg.scid;
	s5 =	smul.u32 $0x190000, s8  }
0x3: {  	s1 =	rddreg [dreg:$0x0];
	s0 =	sand.u32 $0x1, s0;
	s21 =	smul.u32 $0x32000, s8  }
0x4: {  	s2 =	sshll.u32 s8, $0xA;
	s3 =	sshll.u32 s0, $0x9;
	s7 =	smul.u32 $0xC8000, s0  }
0x5: {  	s6 =	ssub.s32 $0x2, s0;
	s0 =	smul.u32 $0x19000, s0;
	s2 =	sor.u32 s3, s2  }
0x6: {  	s28 =	simm.s32 $0x6;
	s3 =	simm.s32 $0x0;
	s2 =	smul.u32 $0x7, s2  }
0x7: {  	s4 =	sadd.s32 $0xF43200, s1;
	s14 =	sshrl.u32 s6, $0x1;
	[smem:$0x7FF] =	sst s3  }
0x8: {  	s0 =	sadd.s32 s0, s21;
	_ =	strace $0x80000047;
	s1 =	sadd.s32 s2, s1  }
0x9: {  	[dreg:$0xc] =	wrdreg s0;
	s2 =	ssub.s32 s6, s14;
	s1 =	sadd.s32 $0xE00, s1  }
0xa: {  	s29 =	simm.s32 $0x4;
	s2 =	smax.u32 s2, $0x1;
	[dreg:$0x3] =	wrdreg s1  }
0xb: {  	s30 =	simm.s32 $0x7;
	s1 =	sadd.s32 s7, s5;
	[dreg:$0x4] =	wrdreg s2  }
0xc: {  	s15 =	sadd.s32 $0x8FC0, s1;
	s5 =	sadd.s32 $0x8980, s1;
	s17 =	sadd.s32 $0x8340, s1  }
0xd: {  	s18 =	sor.u32 $0x7D00, s1;
	s19 =	sor.u32 $0x76C0, s1;
	s22 =	sor.u32 $0x7080, s1  }
0xe: {  	s23 =	sor.u32 $0x6A40, s1;
	s25 =	sor.u32 $0x5DC0, s1;
	s31 =	sor.u32 $0x5780, s1  }
0xf: {  	s7 =	sor.u32 $0x44C0, s1;
	s8 =	sor.u32 $0x3E80, s1;
	s9 =	sor.u32 $0x3840, s1  }
0x10: {  	s11 =	sor.u32 $0x2BC0, s1;
	s12 =	sor.u32 $0x2580, s1;
	s13 =	sor.u32 $0x1F40, s1  }
0x11: {  	s21 =	sadd.s32 $0xB540, s1;
	s2 =	sshrl.u32 s15, $0x3;
	s16 =	sshrl.u32 s5, $0x3  }
0x12: {  	s20 =	sshrl.u32 s19, $0x3;
	s5 =	sshrl.u32 s22, $0x3;
	[dreg:$0x5] =	wrdreg s2  }
0x13: {  	s24 =	sshrl.u32 s23, $0x3;
	s26 =	sshrl.u32 s25, $0x3;
	[dreg:$0x6] =	wrdreg s16  }
0x14: {  	s0 =	sshrl.u32 s31, $0x3;
	s10 =	sshrl.u32 s9, $0x3;
	[dreg:$0x9] =	wrdreg s20  }
0x15: {  	s14 =	sshrl.u32 s13, $0x3;
	s15 =	sor.u32 $0x1900, s1;
	[dreg:$0xa] =	wrdreg s5  }
0x16: {  	s19 =	sadd.s32 $0xC1C0, s1;
	s22 =	sshrl.u32 s21, $0x3;
	[dreg:$0xb] =	wrdreg s24  }
0x17: {  	s23 =	sadd.s32 $0xAF00, s1;
	s25 =	sadd.s32 $0xA280, s1;
	[dreg:$0xd] =	wrdreg s26  }
0x18: {  	s31 =	sadd.s32 $0x9C40, s1;
	s9 =	simm.s32 $0xFC00;
	[dreg:$0xe] =	wrdreg s0  }
0x19: {  	s13 =	simm.s32 $0x0;
	s21 =	simm.s32 $0x12600;
	[dreg:$0x13] =	wrdreg s10  }
0x1a: {  	s2 =	sshrl.u32 s17, $0x3;
	s5 =	sor.u32 $0x4B00, s1;
	[dreg:$0x16] =	wrdreg s14  }
0x1b: {  	s16 =	sor.u32 $0x12C0, s1;
	s17 =	sor.u32 $0xC80, s1;
	s20 =	sadd.s32 $0xBB80, s1  }
0x1c: {  	[dreg:$0x1c] =	wrdreg s22;
	s24 =	sadd.s32 $0xA8C0, s1;
	s26 =	sshrl.u32 s25, $0x3  }
0x1d: {  	s10 =	simm.s32 $0x10300;
	s25 =	simm.s32 $0x5;
	s14 =	simm.s32 $0xFC00  }
0x1e: {  	s22 =	simm.s32 $0x12D00;
	[dreg:$0x7] =	wrdreg s2;
	s2 =	sshrl.u32 s18, $0x3  }
0x1f: {  	s6 =	sshrl.u32 s5, $0x3;
	s18 =	sshrl.u32 s17, $0x3;
	[dreg:$0x1f] =	wrdreg s26  }
0x20: {  	s5 =	simm.s32 $0xE700;
	s26 =	simm.s32 $0x3;
	[dreg:$0x8] =	wrdreg s2  }
0x21: {  	s17 =	simm.s32 $0x10A00;
	s2 =	sor.u32 $0x5140, s1;
	[dreg:$0x10] =	wrdreg s6  }
0x22: {  	[dreg:$0x19] =	wrdreg s18;
	s6 =	simm.s32 $0x38;
	s0 =	sshrl.u32 s2, $0x3  }
0x23: {  	s18 =	simm.s32 $0x11100;
	[dreg:$0xf] =	wrdreg s0;
	s0 =	sshrl.u32 s7, $0x3  }
0x24: {  	s2 =	simm.s32 $0xE000;
	[dreg:$0x11] =	wrdreg s0;
	s0 =	sshrl.u32 s8, $0x3  }
0x25: {  	s7 =	simm.s32 $0xEE00;
	[dreg:$0x12] =	wrdreg s0;
	s0 =	sshrl.u32 s11, $0x3  }
0x26: {  	s8 =	simm.s32 $0xF500;
	[dreg:$0x14] =	wrdreg s0;
	s0 =	sshrl.u32 s12, $0x3  }
0x27: {  	s11 =	simm.s32 $0x10A00;
	[dreg:$0x15] =	wrdreg s0;
	s0 =	sshrl.u32 s15, $0x3  }
0x28: {  	s12 =	simm.s32 $0x11100;
	[dreg:$0x17] =	wrdreg s0;
	s0 =	sshrl.u32 s16, $0x3  }
0x29: {  	s15 =	simm.s32 $0x1;
	[dreg:$0x18] =	wrdreg s0;
	s0 =	sshrl.u32 s19, $0x3  }
.Ltmp0:
0x2a: {  	[dreg:$0x1a] =	wrdreg s0;
	s0 =	sshrl.u32 s20, $0x3;
	(pc) =	sbr.rel .LBB2_1-.Ltmp0, $4  }
0x2b: {  	s16 =	simm.s32 $0x13B00;
	[dreg:$0x1b] =	wrdreg s0;
	s0 =	sshrl.u32 s23, $0x3  }
0x2c: {  	s19 =	simm.s32 $0x11800;
	[dreg:$0x1d] =	wrdreg s0;
	s0 =	sshrl.u32 s24, $0x3  }
0x2d: {  	s20 =	simm.s32 $0x11F00;
	[dreg:$0x1e] =	wrdreg s0;
	s0 =	sshrl.u32 s31, $0x3  }
0x2e: {  	s23 =	simm.s32 $0x13400;
	s24 =	simm.s32 $0x2;
	[smem:$0x7FD] =	sst s0  }
.LBB2_4:
0x2f: {  	s1 =	simm.s32 $0x8  }
0x30: {  	_ =	swait.ge [sflag:s1], $0x640  }
0x31: {  	[sflag:s1] =	ssyncset.done $0x0  }
0x32: {  	[sflag:s1] =	ssyncadd.s32 $0xFFFFF9C0  }
0x33: {  	_ =	swait.ge [sflag:s1], $0x640  }
0x34: {  	[sflag:s1] =	ssyncset.done $0x0  }
0x35: {  	[sflag:s1] =	ssyncadd.s32 $0xFFFFF9C0  }
0x36: {  	_ =	swait.ge [sflag:s1], $0x640  }
0x37: {  	[sflag:s1] =	ssyncset.done $0x0  }
0x38: {  	[sflag:s1] =	ssyncadd.s32 $0xFFFFF9C0  }
0x39: {  	_ =	swait.ge [sflag:s1], $0x640  }
0x3a: {  	[sflag:s1] =	ssyncset.done $0x0  }
0x3b: {  	[sflag:s1] =	ssyncadd.s32 $0xFFFFF9C0  }
0x3c: {  	_ =	swait.ge [sflag:s1], $0x640  }
0x3d: {  	[sflag:s1] =	ssyncset.done $0x0  }
0x3e: {  	[sflag:s1] =	ssyncadd.s32 $0xFFFFF9C0  }
0x3f: {  	_ =	swait.ge [sflag:s1], $0x640  }
0x40: {  	[sflag:s1] =	ssyncset.done $0x0  }
0x41: {  	[sflag:s1] =	ssyncadd.s32 $0xFFFFF9C0  }
0x42: {  	_ =	swait.ge [sflag:s1], $0x640  }
0x43: {  	[sflag:s1] =	ssyncset.done $0x0  }
0x44: {  	[sflag:s1] =	ssyncadd.s32 $0xFFFFF9C0  }
0x45: {  	_ =	swait.ge [sflag:s1], $0x640  }
0x46: {  	s13 =	sld [smem:$0x7FC];
	_ =	sdelay $0x2  }
0x47: {  	s0 =	rddreg [dreg:$0x4];
	s13 =	sadd.s32 $0x1, s13  }
0x48: {  	p0 =	sne.s32 s13, s0  }
.Ltmp1:
0x49: {  	_ = 	snop;
	(pc) =	sbr.rel @!p0 .LBB2_5-.Ltmp1, $4  }
0x4a: {  	s2 =	simm.s32 $0xE000  }
0x4b: {  	s5 =	simm.s32 $0xE700;
	s7 =	simm.s32 $0xEE00;
	s8 =	simm.s32 $0xF500  }
0x4c: {  	s9 =	simm.s32 $0xFC00;
	s10 =	simm.s32 $0x10300;
	[sflag:s1] =	ssyncset.done $0x0  }
0x4d: {  	s11 =	simm.s32 $0x10A00;
	s12 =	simm.s32 $0x11100;
	[sflag:s1] =	ssyncadd.s32 $0xFFFFF9C0  }
.LBB2_1:
0x4e: {  	[smem:$0x7FC] =	sst s13  }
0x4f: {  	s0 =	rddreg [dreg:$0x3];
	s1 =	simm.s32 $0x9  }
0x50: {  	[tilespmem:s3], [sflag:$0x9] =	stream.linear.gather [hbm4b:s0+s3], $0x7000, $0x38;
	[tilespmem:$0x15000] =	vst v63  }
0x51: {  	_ =	swait.ge [sflag:s1], $0x7000  }
0x52: {  	[sflag:s1] =	ssyncset.done $0x0  }
0x53: {  	s13 =	simm.s32 $0x7000;
	[sflag:s1] =	ssyncadd.s32 $0xFFFF9000  }
0x54: {  	[tilespmem:s13], [sflag:$0x1] =	stream.indirect.gather [hbm4b:s4+s6], $0x20, s3, s6, $0xb8;
	[tilespmem:$0x15000] =	vst v63  }
0x55: {  	s1 =	simm.s32 $0x7700  }
0x56: {  	[tilespmem:s1], [sflag:$0x1] =	stream.indirect.gather [hbm4b:s4+s6], $0x20, s6, s6, $0xb8;
	[tilespmem:$0x15000] =	vst v63  }
0x57: {  	s13 =	simm.s32 $0x70;
	s1 =	simm.s32 $0x7E00  }
0x58: {  	[tilespmem:s1], [sflag:$0x1] =	stream.indirect.gather [hbm4b:s4+s6], $0x20, s13, s6, $0xb8;
	[tilespmem:$0x15000] =	vst v63  }
0x59: {  	s1 =	simm.s32 $0xA8;
	s13 =	simm.s32 $0x8500  }
0x5a: {  	[tilespmem:s13], [sflag:$0x1] =	stream.indirect.gather [hbm4b:s4+s6], $0x20, s1, s6, $0xb8;
	[tilespmem:$0x15000] =	vst v63  }
0x5b: {  	s1 =	simm.s32 $0xE0;
	s13 =	simm.s32 $0x8C00  }
0x5c: {  	[tilespmem:s13], [sflag:$0x1] =	stream.indirect.gather [hbm4b:s4+s6], $0x20, s1, s6, $0xb8;
	[tilespmem:$0x15000] =	vst v63  }
0x5d: {  	s1 =	simm.s32 $0x118;
	s13 =	simm.s32 $0x9300  }
0x5e: {  	[tilespmem:s13], [sflag:$0x1] =	stream.indirect.gather [hbm4b:s4+s6], $0x20, s1, s6, $0xb8;
	[tilespmem:$0x15000] =	vst v63  }
0x5f: {  	s1 =	simm.s32 $0x150;
	s13 =	simm.s32 $0x9A00  }
0x60: {  	[tilespmem:s13], [sflag:$0x1] =	stream.indirect.gather [hbm4b:s4+s6], $0x20, s1, s6, $0xb8;
	[tilespmem:$0x15000] =	vst v63  }
0x61: {  	s1 =	simm.s32 $0x188;
	s13 =	simm.s32 $0xA100  }
0x62: {  	[tilespmem:s13], [sflag:$0x1] =	stream.indirect.gather [hbm4b:s4+s6], $0x20, s1, s6, $0xb8;
	[tilespmem:$0x15000] =	vst v63  }
0x63: {  	s1 =	simm.s32 $0x1C0;
	s13 =	simm.s32 $0xA800  }
0x64: {  	[tilespmem:s13], [sflag:$0x2] =	stream.indirect.gather [hbm4b:s4+s6], $0x20, s1, s6, $0xb8;
	[tilespmem:$0x15000] =	vst v63  }
0x65: {  	s1 =	simm.s32 $0x1F8;
	s13 =	simm.s32 $0xAF00  }
0x66: {  	[tilespmem:s13], [sflag:$0x2] =	stream.indirect.gather [hbm4b:s4+s6], $0x20, s1, s6, $0xb8;
	[tilespmem:$0x15000] =	vst v63  }
0x67: {  	s1 =	simm.s32 $0x230;
	s13 =	simm.s32 $0xB600  }
0x68: {  	[tilespmem:s13], [sflag:$0x2] =	stream.indirect.gather [hbm4b:s4+s6], $0x20, s1, s6, $0xb8;
	[tilespmem:$0x15000] =	vst v63  }
0x69: {  	s1 =	simm.s32 $0x268;
	s13 =	simm.s32 $0xBD00  }
0x6a: {  	[tilespmem:s13], [sflag:$0x2] =	stream.indirect.gather [hbm4b:s4+s6], $0x20, s1, s6, $0xb8;
	[tilespmem:$0x15000] =	vst v63  }
0x6b: {  	s1 =	simm.s32 $0x2A0;
	s13 =	simm.s32 $0xC400  }
0x6c: {  	[tilespmem:s13], [sflag:$0x2] =	stream.indirect.gather [hbm4b:s4+s6], $0x20, s1, s6, $0xb8;
	[tilespmem:$0x15000] =	vst v63  }
0x6d: {  	s1 =	simm.s32 $0x2D8;
	s13 =	simm.s32 $0xCB00  }
0x6e: {  	[tilespmem:s13], [sflag:$0x2] =	stream.indirect.gather [hbm4b:s4+s6], $0x20, s1, s6, $0xb8;
	[tilespmem:$0x15000] =	vst v63  }
0x6f: {  	s1 =	simm.s32 $0x310;
	s13 =	simm.s32 $0xD200  }
0x70: {  	[tilespmem:s13], [sflag:$0x2] =	stream.indirect.gather [hbm4b:s4+s6], $0x20, s1, s6, $0xb8;
	[tilespmem:$0x15000] =	vst v63  }
0x71: {  	s1 =	simm.s32 $0x348;
	s13 =	simm.s32 $0xD900  }
0x72: {  	[tilespmem:s13], [sflag:$0x2] =	stream.indirect.gather [hbm4b:s4+s6], $0x20, s1, s6, $0xb8;
	[tilespmem:$0x15000] =	vst v63  }
0x73: {  	s1 =	simm.s32 $0x380  }
0x74: {  	[tilespmem:s2], [sflag:$0x3] =	stream.indirect.gather [hbm4b:s4+s6], $0x20, s1, s6, $0xb8;
	[tilespmem:$0x15000] =	vst v63  }
0x75: {  	s2 =	simm.s32 $0x3B8  }
0x76: {  	[tilespmem:s5], [sflag:$0x3] =	stream.indirect.gather [hbm4b:s4+s6], $0x20, s2, s6, $0xb8;
	[tilespmem:$0x15000] =	vst v63  }
0x77: {  	s5 =	simm.s32 $0x3F0  }
0x78: {  	[tilespmem:s7], [sflag:$0x3] =	stream.indirect.gather [hbm4b:s4+s6], $0x20, s5, s6, $0xb8;
	[tilespmem:$0x15000] =	vst v63  }
0x79: {  	s7 =	simm.s32 $0x428  }
0x7a: {  	[tilespmem:s8], [sflag:$0x3] =	stream.indirect.gather [hbm4b:s4+s6], $0x20, s7, s6, $0xb8;
	[tilespmem:$0x15000] =	vst v63  }
0x7b: {  	s8 =	simm.s32 $0x460  }
0x7c: {  	[tilespmem:s9], [sflag:$0x3] =	stream.indirect.gather [hbm4b:s4+s6], $0x20, s8, s6, $0xb8;
	[tilespmem:$0x15000] =	vst v63  }
0x7d: {  	s9 =	simm.s32 $0x498  }
0x7e: {  	[tilespmem:s10], [sflag:$0x3] =	stream.indirect.gather [hbm4b:s4+s6], $0x20, s9, s6, $0xb8;
	[tilespmem:$0x15000] =	vst v63  }
0x7f: {  	s10 =	simm.s32 $0x4D0  }
0x80: {  	[tilespmem:s11], [sflag:$0x3] =	stream.indirect.gather [hbm4b:s4+s6], $0x20, s10, s6, $0xb8;
	[tilespmem:$0x15000] =	vst v63  }
0x81: {  	s31 =	rddreg [dreg:$0x1];
	s13 =	simm.s32 $0x508  }
0x82: {  	[tilespmem:s12], [sflag:$0x3] =	stream.indirect.gather [hbm4b:s4+s6], $0x20, s13, s6, $0xb8;
	[tilespmem:$0x15000] =	vst v63  }
0x83: {  	s1 =	simm.s32 $0x0;
	s12 =	simm.s32 $0xEE00;
	s13 =	simm.s32 $0xF500  }
.LBB2_2:
0x84: {  	_ =	swait.ge [sflag:s15], $0x700  }
0x85: {  	[sflag:s15] =	ssyncset.done $0x0  }
0x86: {  	[sflag:s15] =	ssyncadd.s32 $0xFFFFF900  }
0x87: {  	_ =	swait.ge [sflag:s15], $0x700  }
0x88: {  	[sflag:s15] =	ssyncset.done $0x0  }
0x89: {  	[sflag:s15] =	ssyncadd.s32 $0xFFFFF900  }
0x8a: {  	_ =	swait.ge [sflag:s15], $0x700  }
0x8b: {  	[sflag:s15] =	ssyncset.done $0x0  }
0x8c: {  	[sflag:s15] =	ssyncadd.s32 $0xFFFFF900  }
0x8d: {  	_ =	swait.ge [sflag:s15], $0x700  }
0x8e: {  	[sflag:s15] =	ssyncset.done $0x0  }
0x8f: {  	[sflag:s15] =	ssyncadd.s32 $0xFFFFF900  }
0x90: {  	_ =	swait.ge [sflag:s15], $0x700  }
0x91: {  	[sflag:s15] =	ssyncset.done $0x0  }
0x92: {  	[sflag:s15] =	ssyncadd.s32 $0xFFFFF900  }
0x93: {  	_ =	swait.ge [sflag:s15], $0x700  }
0x94: {  	[sflag:s15] =	ssyncset.done $0x0  }
0x95: {  	[sflag:s15] =	ssyncadd.s32 $0xFFFFF900  }
0x96: {  	_ =	swait.ge [sflag:s15], $0x700  }
0x97: {  	[sflag:s15] =	ssyncset.done $0x0  }
0x98: {  	[sflag:s15] =	ssyncadd.s32 $0xFFFFF900  }
0x99: {  	_ =	swait.ge [sflag:s15], $0x700  }
0x9a: {  	s8 =	simm.s32 $0x7000;
	[sflag:s15] =	ssyncset.done $0x0;
	s0 =	rddreg [dreg:$0xc]  }
0x9b: {  	s5 =	simm.s32 $0x7700;
	[sflag:s15] =	ssyncadd.s32 $0xFFFFF900;
	s2 =	sadd.s32 s31, s0  }
0x9c: {  	[hbm4b:s2+s3] =	stream.linear.scatter [tilespmem:s8], [sflag:$0x5], $0x640, $0x38;
	[tilespmem:$0x15000] =	vst v63  }
0x9d: {  	s11 =	simm.s32 $0x7E00;
	s10 =	rddreg [dreg:$0x19];
	s9 =	sadd.s32 $0xC8, s2  }
0x9e: {  	[hbm4b:s9+s3] =	stream.linear.scatter [tilespmem:s5], [sflag:$0x5], $0x640, $0x38;
	[tilespmem:$0x15000] =	vst v63  }
0x9f: {  	s7 =	simm.s32 $0x8500;
	s0 =	sadd.s32 s31, s10;
	s5 =	rddreg [dreg:$0x18]  }
0xa0: {  	[hbm4b:s0+s3] =	stream.linear.scatter [tilespmem:s11], [sflag:$0x5], $0x640, $0x38;
	[tilespmem:$0x15000] =	vst v63  }
0xa1: {  	p0 =	seq.s32 s1, $0x0;
	s8 =	rddreg [dreg:$0x17];
	s0 =	sadd.s32 s31, s5  }
0xa2: {  	[hbm4b:s0+s3] =	stream.linear.scatter [tilespmem:s7], [sflag:$0x5], $0x640, $0x38;
	[tilespmem:$0x15000] =	vst v63  }
0xa3: {  	s10 =	rddreg [dreg:$0x16];
	s9 =	simm.s32 $0x8C00;
	s0 =	sadd.s32 s31, s8  }
0xa4: {  	[hbm4b:s0+s3] =	stream.linear.scatter [tilespmem:s9], [sflag:$0x5], $0x640, $0x38;
	[tilespmem:$0x15000] =	vst v63  }
0xa5: {  	s11 =	simm.s32 $0x9300;
	s7 =	rddreg [dreg:$0x15];
	s0 =	sadd.s32 s31, s10  }
0xa6: {  	[hbm4b:s0+s3] =	stream.linear.scatter [tilespmem:s11], [sflag:$0x5], $0x640, $0x38;
	[tilespmem:$0x15000] =	vst v63  }
0xa7: {  	s8 =	simm.s32 $0x9A00;
	s9 =	rddreg [dreg:$0x14];
	s0 =	sadd.s32 s31, s7  }
0xa8: {  	[hbm4b:s0+s3] =	stream.linear.scatter [tilespmem:s8], [sflag:$0x5], $0x640, $0x38;
	[tilespmem:$0x15000] =	vst v63  }
0xa9: {  	s5 =	simm.s32 @!p0 $0x8;
	s10 =	simm.s32 $0xA100;
	s0 =	sadd.s32 s31, s9  }
0xaa: {  	[hbm4b:s0+s3] =	stream.linear.scatter [tilespmem:s10], [sflag:$0x5], $0x640, $0x38;
	[tilespmem:$0x15000] =	vst v63  }
0xab: {  	_ =	swait.ge @!p0 [sflag:s5], $0x640  }
0xac: {  	[sflag:s5] =	ssyncset.done @!p0 $0x0  }
0xad: {  	[sflag:s5] =	ssyncadd.s32 @!p0 $0xFFFFF9C0  }
0xae: {  	_ =	swait.ge @!p0 [sflag:s5], $0x640  }
0xaf: {  	[sflag:s5] =	ssyncset.done @!p0 $0x0  }
0xb0: {  	[sflag:s5] =	ssyncadd.s32 @!p0 $0xFFFFF9C0  }
0xb1: {  	_ =	swait.ge @!p0 [sflag:s5], $0x640  }
0xb2: {  	[sflag:s5] =	ssyncset.done @!p0 $0x0  }
0xb3: {  	[sflag:s5] =	ssyncadd.s32 @!p0 $0xFFFFF9C0  }
0xb4: {  	_ =	swait.ge @!p0 [sflag:s5], $0x640  }
0xb5: {  	[sflag:s5] =	ssyncset.done @!p0 $0x0  }
0xb6: {  	[sflag:s5] =	ssyncadd.s32 @!p0 $0xFFFFF9C0  }
0xb7: {  	_ =	swait.ge @!p0 [sflag:s5], $0x640  }
0xb8: {  	[sflag:s5] =	ssyncset.done @!p0 $0x0  }
0xb9: {  	[sflag:s5] =	ssyncadd.s32 @!p0 $0xFFFFF9C0  }
0xba: {  	_ =	swait.ge @!p0 [sflag:s5], $0x640  }
0xbb: {  	[sflag:s5] =	ssyncset.done @!p0 $0x0  }
0xbc: {  	[sflag:s5] =	ssyncadd.s32 @!p0 $0xFFFFF9C0  }
0xbd: {  	_ =	swait.ge @!p0 [sflag:s5], $0x640  }
0xbe: {  	[sflag:s5] =	ssyncset.done @!p0 $0x0  }
0xbf: {  	[sflag:s5] =	ssyncadd.s32 @!p0 $0xFFFFF9C0  }
0xc0: {  	_ =	swait.ge @!p0 [sflag:s5], $0x640  }
0xc1: {  	s0 =	sshra.s32 s1, $0x2;
	[sflag:s5] =	ssyncset.done @!p0 $0x0  }
0xc2: {  	s11 =	sadd.s32 $0x540, s0;
	[sflag:s5] =	ssyncadd.s32 @!p0 $0xFFFFF9C0  }
0xc3: {  	[tilespmem:s19], [sflag:$0x4] =	stream.indirect.gather [hbm4b:s4+s6], $0x20, s11, s6, $0xb8;
	[tilespmem:$0x15000] =	vst v63  }
0xc4: {  	s7 =	sadd.s32 $0x578, s0  }
0xc5: {  	[tilespmem:s20], [sflag:$0x4] =	stream.indirect.gather [hbm4b:s4+s6], $0x20, s7, s6, $0xb8;
	[tilespmem:$0x15000] =	vst v63  }
0xc6: {  	s8 =	sadd.s32 $0x5B0, s0  }
0xc7: {  	[tilespmem:s21], [sflag:$0x4] =	stream.indirect.gather [hbm4b:s4+s6], $0x20, s8, s6, $0xb8;
	[tilespmem:$0x15000] =	vst v63  }
0xc8: {  	s9 =	sadd.s32 $0x5E8, s0  }
0xc9: {  	[tilespmem:s22], [sflag:$0x4] =	stream.indirect.gather [hbm4b:s4+s6], $0x20, s9, s6, $0xb8;
	[tilespmem:$0x15000] =	vst v63  }
0xca: {  	s10 =	sadd.s32 $0x620, s0  }
0xcb: {  	[tilespmem:s23], [sflag:$0x4] =	stream.indirect.gather [hbm4b:s4+s6], $0x20, s10, s6, $0xb8;
	[tilespmem:$0x15000] =	vst v63  }
0xcc: {  	s11 =	sadd.s32 $0x658, s0  }
0xcd: {  	[tilespmem:s16], [sflag:$0x4] =	stream.indirect.gather [hbm4b:s4+s6], $0x20, s11, s6, $0xb8;
	[tilespmem:$0x15000] =	vst v63  }
0xce: {  	s7 =	sadd.s32 $0x690, s0;
	s10 =	simm.s32 $0x14200  }
0xcf: {  	[tilespmem:s10], [sflag:$0x4] =	stream.indirect.gather [hbm4b:s4+s6], $0x20, s7, s6, $0xb8;
	[tilespmem:$0x15000] =	vst v63  }
0xd0: {  	s8 =	sadd.s32 $0x6C8, s0;
	s11 =	simm.s32 $0x14900  }
0xd1: {  	[tilespmem:s11], [sflag:$0x4] =	stream.indirect.gather [hbm4b:s4+s6], $0x20, s8, s6, $0xb8;
	[tilespmem:$0x15000] =	vst v63  }
0xd2: {  	_ =	swait.ge [sflag:s24], $0x700  }
0xd3: {  	[sflag:s24] =	ssyncset.done $0x0  }
0xd4: {  	[sflag:s24] =	ssyncadd.s32 $0xFFFFF900  }
0xd5: {  	_ =	swait.ge [sflag:s24], $0x700  }
0xd6: {  	[sflag:s24] =	ssyncset.done $0x0  }
0xd7: {  	[sflag:s24] =	ssyncadd.s32 $0xFFFFF900  }
0xd8: {  	_ =	swait.ge [sflag:s24], $0x700  }
0xd9: {  	[sflag:s24] =	ssyncset.done $0x0  }
0xda: {  	[sflag:s24] =	ssyncadd.s32 $0xFFFFF900  }
0xdb: {  	_ =	swait.ge [sflag:s24], $0x700  }
0xdc: {  	[sflag:s24] =	ssyncset.done $0x0  }
0xdd: {  	[sflag:s24] =	ssyncadd.s32 $0xFFFFF900  }
0xde: {  	_ =	swait.ge [sflag:s24], $0x700  }
0xdf: {  	[sflag:s24] =	ssyncset.done $0x0  }
0xe0: {  	[sflag:s24] =	ssyncadd.s32 $0xFFFFF900  }
0xe1: {  	_ =	swait.ge [sflag:s24], $0x700  }
0xe2: {  	[sflag:s24] =	ssyncset.done $0x0  }
0xe3: {  	[sflag:s24] =	ssyncadd.s32 $0xFFFFF900  }
0xe4: {  	_ =	swait.ge [sflag:s24], $0x700  }
0xe5: {  	[sflag:s24] =	ssyncset.done $0x0  }
0xe6: {  	[sflag:s24] =	ssyncadd.s32 $0xFFFFF900  }
0xe7: {  	_ =	swait.ge [sflag:s24], $0x700  }
0xe8: {  	s9 =	sadd.s32 $0x640, s2;
	[sflag:s24] =	ssyncset.done $0x0  }
0xe9: {  	s7 =	simm.s32 $0xA800;
	s8 =	rddreg [dreg:$0x13];
	[sflag:s24] =	ssyncadd.s32 $0xFFFFF900  }
0xea: {  	[hbm4b:s9+s3] =	stream.linear.scatter [tilespmem:s7], [sflag:$0x6], $0x640, $0x38;
	[tilespmem:$0x15000] =	vst v63  }
0xeb: {  	s5 =	sadd.s32 s31, s8;
	s8 =	rddreg [dreg:$0x12];
	s9 =	simm.s32 $0xAF00  }
0xec: {  	[hbm4b:s5+s3] =	stream.linear.scatter [tilespmem:s9], [sflag:$0x6], $0x640, $0x38;
	[tilespmem:$0x15000] =	vst v63  }
0xed: {  	s5 =	sadd.s32 s31, s8;
	s9 =	simm.s32 $0xB600;
	s8 =	rddreg [dreg:$0x11]  }
0xee: {  	[hbm4b:s5+s3] =	stream.linear.scatter [tilespmem:s9], [sflag:$0x6], $0x640, $0x38;
	[tilespmem:$0x15000] =	vst v63  }
0xef: {  	s5 =	sadd.s32 s31, s8;
	s9 =	simm.s32 $0xBD00;
	s8 =	rddreg [dreg:$0x10]  }
0xf0: {  	[hbm4b:s5+s3] =	stream.linear.scatter [tilespmem:s9], [sflag:$0x6], $0x640, $0x38;
	[tilespmem:$0x15000] =	vst v63  }
0xf1: {  	s5 =	sadd.s32 s31, s8;
	s9 =	simm.s32 $0xC400;
	s8 =	rddreg [dreg:$0xf]  }
0xf2: {  	[hbm4b:s5+s3] =	stream.linear.scatter [tilespmem:s9], [sflag:$0x6], $0x640, $0x38;
	[tilespmem:$0x15000] =	vst v63  }
0xf3: {  	s5 =	sadd.s32 s31, s8;
	s9 =	simm.s32 $0xCB00;
	s8 =	rddreg [dreg:$0xe]  }
0xf4: {  	[hbm4b:s5+s3] =	stream.linear.scatter [tilespmem:s9], [sflag:$0x6], $0x640, $0x38;
	[tilespmem:$0x15000] =	vst v63  }
0xf5: {  	s7 =	rddreg [dreg:$0xd];
	s5 =	sadd.s32 s31, s8;
	s9 =	simm.s32 $0xD200  }
0xf6: {  	[hbm4b:s5+s3] =	stream.linear.scatter [tilespmem:s9], [sflag:$0x6], $0x640, $0x38;
	[tilespmem:$0x15000] =	vst v63  }
0xf7: {  	s8 =	simm.s32 $0xD900;
	s5 =	sadd.s32 s31, s7  }
0xf8: {  	[hbm4b:s5+s3] =	stream.linear.scatter [tilespmem:s8], [sflag:$0x6], $0x640, $0x38;
	[tilespmem:$0x15000] =	vst v63  }
0xf9: {  	_ =	swait.ge [sflag:s25], $0x640  }
0xfa: {  	[sflag:s25] =	ssyncset.done $0x0  }
0xfb: {  	[sflag:s25] =	ssyncadd.s32 $0xFFFFF9C0  }
0xfc: {  	_ =	swait.ge [sflag:s25], $0x640  }
0xfd: {  	[sflag:s25] =	ssyncset.done $0x0  }
0xfe: {  	[sflag:s25] =	ssyncadd.s32 $0xFFFFF9C0  }
0xff: {  	_ =	swait.ge [sflag:s25], $0x640  }
0x100: {  	[sflag:s25] =	ssyncset.done $0x0  }
0x101: {  	[sflag:s25] =	ssyncadd.s32 $0xFFFFF9C0  }
0x102: {  	_ =	swait.ge [sflag:s25], $0x640  }
0x103: {  	[sflag:s25] =	ssyncset.done $0x0  }
0x104: {  	[sflag:s25] =	ssyncadd.s32 $0xFFFFF9C0  }
0x105: {  	_ =	swait.ge [sflag:s25], $0x640  }
0x106: {  	[sflag:s25] =	ssyncset.done $0x0  }
0x107: {  	[sflag:s25] =	ssyncadd.s32 $0xFFFFF9C0  }
0x108: {  	_ =	swait.ge [sflag:s25], $0x640  }
0x109: {  	[sflag:s25] =	ssyncset.done $0x0  }
0x10a: {  	[sflag:s25] =	ssyncadd.s32 $0xFFFFF9C0  }
0x10b: {  	_ =	swait.ge [sflag:s25], $0x640  }
0x10c: {  	[sflag:s25] =	ssyncset.done $0x0  }
0x10d: {  	[sflag:s25] =	ssyncadd.s32 $0xFFFFF9C0  }
0x10e: {  	p0 =	seq.s32 s1, $0x1A400;
	_ =	swait.ge [sflag:s25], $0x640  }
0x10f: {  	s7 =	simm.s32 @!p0 $0x38;
	s5 =	sshra.s32 @!p0 s1, $0x2;
	[sflag:s25] =	ssyncset.done $0x0  }
0x110: {  	s9 =	simm.s32 @!p0 $0x7000;
	s8 =	sadd.s32 @!p0 $0x700, s5;
	[sflag:s25] =	ssyncadd.s32 $0xFFFFF9C0  }
0x111: {  	[tilespmem:s9], [sflag:$0x1] =	stream.indirect.gather @!p0 [hbm4b:s4+s7], $0x20, s8, s7, $0xb8;
	[tilespmem:$0x15000] =	vst v63  }
0x112: {  	s8 =	sadd.s32 @!p0 $0x738, s5;
	s9 =	simm.s32 @!p0 $0x7700  }
0x113: {  	[tilespmem:s9], [sflag:$0x1] =	stream.indirect.gather @!p0 [hbm4b:s4+s7], $0x20, s8, s7, $0xb8;
	[tilespmem:$0x15000] =	vst v63  }
0x114: {  	s8 =	sadd.s32 @!p0 $0x770, s5;
	s9 =	simm.s32 @!p0 $0x7E00  }
0x115: {  	[tilespmem:s9], [sflag:$0x1] =	stream.indirect.gather @!p0 [hbm4b:s4+s7], $0x20, s8, s7, $0xb8;
	[tilespmem:$0x15000] =	vst v63  }
0x116: {  	s8 =	sadd.s32 @!p0 $0x7A8, s5;
	s9 =	simm.s32 @!p0 $0x8500  }
0x117: {  	[tilespmem:s9], [sflag:$0x1] =	stream.indirect.gather @!p0 [hbm4b:s4+s7], $0x20, s8, s7, $0xb8;
	[tilespmem:$0x15000] =	vst v63  }
0x118: {  	s8 =	sadd.s32 @!p0 $0x7E0, s5;
	s9 =	simm.s32 @!p0 $0x8C00  }
0x119: {  	[tilespmem:s9], [sflag:$0x1] =	stream.indirect.gather @!p0 [hbm4b:s4+s7], $0x20, s8, s7, $0xb8;
	[tilespmem:$0x15000] =	vst v63  }
0x11a: {  	s8 =	sadd.s32 @!p0 $0x818, s5;
	s9 =	simm.s32 @!p0 $0x9300  }
0x11b: {  	[tilespmem:s9], [sflag:$0x1] =	stream.indirect.gather @!p0 [hbm4b:s4+s7], $0x20, s8, s7, $0xb8;
	[tilespmem:$0x15000] =	vst v63  }
0x11c: {  	s8 =	sadd.s32 @!p0 $0x850, s5;
	s9 =	simm.s32 @!p0 $0x9A00  }
0x11d: {  	[tilespmem:s9], [sflag:$0x1] =	stream.indirect.gather @!p0 [hbm4b:s4+s7], $0x20, s8, s7, $0xb8;
	[tilespmem:$0x15000] =	vst v63  }
0x11e: {  	s8 =	sadd.s32 @!p0 $0x888, s5;
	s9 =	simm.s32 @!p0 $0xA100  }
0x11f: {  	[tilespmem:s9], [sflag:$0x1] =	stream.indirect.gather @!p0 [hbm4b:s4+s7], $0x20, s8, s7, $0xb8;
	[tilespmem:$0x15000] =	vst v63  }
0x120: {  	_ =	swait.ge [sflag:s26], $0x700  }
0x121: {  	[sflag:s26] =	ssyncset.done $0x0  }
0x122: {  	[sflag:s26] =	ssyncadd.s32 $0xFFFFF900  }
0x123: {  	_ =	swait.ge [sflag:s26], $0x700  }
0x124: {  	[sflag:s26] =	ssyncset.done $0x0  }
0x125: {  	[sflag:s26] =	ssyncadd.s32 $0xFFFFF900  }
0x126: {  	_ =	swait.ge [sflag:s26], $0x700  }
0x127: {  	[sflag:s26] =	ssyncset.done $0x0  }
0x128: {  	[sflag:s26] =	ssyncadd.s32 $0xFFFFF900  }
0x129: {  	_ =	swait.ge [sflag:s26], $0x700  }
0x12a: {  	[sflag:s26] =	ssyncset.done $0x0  }
0x12b: {  	[sflag:s26] =	ssyncadd.s32 $0xFFFFF900  }
0x12c: {  	_ =	swait.ge [sflag:s26], $0x700  }
0x12d: {  	[sflag:s26] =	ssyncset.done $0x0  }
0x12e: {  	[sflag:s26] =	ssyncadd.s32 $0xFFFFF900  }
0x12f: {  	_ =	swait.ge [sflag:s26], $0x700  }
0x130: {  	[sflag:s26] =	ssyncset.done $0x0  }
0x131: {  	[sflag:s26] =	ssyncadd.s32 $0xFFFFF900  }
0x132: {  	_ =	swait.ge [sflag:s26], $0x700  }
0x133: {  	[sflag:s26] =	ssyncset.done $0x0  }
0x134: {  	[sflag:s26] =	ssyncadd.s32 $0xFFFFF900  }
0x135: {  	_ =	swait.ge [sflag:s26], $0x700  }
0x136: {  	[sflag:s26] =	ssyncset.done $0x0  }
0x137: {  	s8 =	sadd.s32 $0xC80, s2;
	s9 =	simm.s32 $0xE000;
	[sflag:s26] =	ssyncadd.s32 $0xFFFFF900  }
0x138: {  	[hbm4b:s8+s3] =	stream.linear.scatter [tilespmem:s9], [sflag:$0x7], $0x640, $0x38;
	[tilespmem:$0x15000] =	vst v63  }
0x139: {  	s9 =	rddreg [dreg:$0xb]  }
0x13a: {  	s8 =	sadd.s32 s31, s9;
	s9 =	simm.s32 $0xE700  }
0x13b: {  	[hbm4b:s8+s3] =	stream.linear.scatter [tilespmem:s9], [sflag:$0x7], $0x640, $0x38;
	[tilespmem:$0x15000] =	vst v63  }
0x13c: {  	s9 =	rddreg [dreg:$0xa]  }
0x13d: {  	s8 =	sadd.s32 s31, s9;
	s9 =	rddreg [dreg:$0x9]  }
0x13e: {  	[hbm4b:s8+s3] =	stream.linear.scatter [tilespmem:s12], [sflag:$0x7], $0x640, $0x38;
	[tilespmem:$0x15000] =	vst v63  }
0x13f: {  	s8 =	sadd.s32 s31, s9;
	s9 =	rddreg [dreg:$0x8]  }
0x140: {  	[hbm4b:s8+s3] =	stream.linear.scatter [tilespmem:s13], [sflag:$0x7], $0x640, $0x38;
	[tilespmem:$0x15000] =	vst v63  }
0x141: {  	s8 =	sadd.s32 s31, s9;
	s9 =	rddreg [dreg:$0x7]  }
0x142: {  	[hbm4b:s8+s3] =	stream.linear.scatter [tilespmem:s14], [sflag:$0x7], $0x640, $0x38;
	[tilespmem:$0x15000] =	vst v63  }
0x143: {  	s8 =	sadd.s32 s31, s9;
	s9 =	simm.s32 $0x10300  }
0x144: {  	[hbm4b:s8+s3] =	stream.linear.scatter [tilespmem:s9], [sflag:$0x7], $0x640, $0x38;
	[tilespmem:$0x15000] =	vst v63  }
0x145: {  	s9 =	rddreg [dreg:$0x6]  }
0x146: {  	s8 =	sadd.s32 s31, s9;
	s9 =	rddreg [dreg:$0x5]  }
0x147: {  	[hbm4b:s8+s3] =	stream.linear.scatter [tilespmem:s17], [sflag:$0x7], $0x640, $0x38;
	[tilespmem:$0x15000] =	vst v63  }
0x148: {  	s8 =	sadd.s32 s31, s9  }
0x149: {  	[hbm4b:s8+s3] =	stream.linear.scatter [tilespmem:s18], [sflag:$0x7], $0x640, $0x38;
	[tilespmem:$0x15000] =	vst v63  }
0x14a: {  	_ =	swait.ge [sflag:s28], $0x640  }
0x14b: {  	[sflag:s28] =	ssyncset.done $0x0  }
0x14c: {  	[sflag:s28] =	ssyncadd.s32 $0xFFFFF9C0  }
0x14d: {  	_ =	swait.ge [sflag:s28], $0x640  }
0x14e: {  	[sflag:s28] =	ssyncset.done $0x0  }
0x14f: {  	[sflag:s28] =	ssyncadd.s32 $0xFFFFF9C0  }
0x150: {  	_ =	swait.ge [sflag:s28], $0x640  }
0x151: {  	[sflag:s28] =	ssyncset.done $0x0  }
0x152: {  	[sflag:s28] =	ssyncadd.s32 $0xFFFFF9C0  }
0x153: {  	_ =	swait.ge [sflag:s28], $0x640  }
0x154: {  	[sflag:s28] =	ssyncset.done $0x0  }
0x155: {  	[sflag:s28] =	ssyncadd.s32 $0xFFFFF9C0  }
0x156: {  	_ =	swait.ge [sflag:s28], $0x640  }
0x157: {  	[sflag:s28] =	ssyncset.done $0x0  }
0x158: {  	[sflag:s28] =	ssyncadd.s32 $0xFFFFF9C0  }
0x159: {  	_ =	swait.ge [sflag:s28], $0x640  }
0x15a: {  	[sflag:s28] =	ssyncset.done $0x0  }
0x15b: {  	[sflag:s28] =	ssyncadd.s32 $0xFFFFF9C0  }
0x15c: {  	_ =	swait.ge [sflag:s28], $0x640  }
0x15d: {  	[sflag:s28] =	ssyncset.done $0x0  }
0x15e: {  	[sflag:s28] =	ssyncadd.s32 $0xFFFFF9C0  }
0x15f: {  	_ =	swait.ge [sflag:s28], $0x640  }
0x160: {  	[sflag:s28] =	ssyncset.done $0x0  }
0x161: {  	s9 =	simm.s32 @!p0 $0xA800;
	s8 =	sadd.s32 @!p0 $0x8C0, s5;
	[sflag:s28] =	ssyncadd.s32 $0xFFFFF9C0  }
0x162: {  	[tilespmem:s9], [sflag:$0x2] =	stream.indirect.gather @!p0 [hbm4b:s4+s7], $0x20, s8, s7, $0xb8;
	[tilespmem:$0x15000] =	vst v63  }
0x163: {  	s8 =	sadd.s32 @!p0 $0x8F8, s5;
	s9 =	simm.s32 @!p0 $0xAF00  }
0x164: {  	[tilespmem:s9], [sflag:$0x2] =	stream.indirect.gather @!p0 [hbm4b:s4+s7], $0x20, s8, s7, $0xb8;
	[tilespmem:$0x15000] =	vst v63  }
0x165: {  	s8 =	sadd.s32 @!p0 $0x930, s5;
	s9 =	simm.s32 @!p0 $0xB600  }
0x166: {  	[tilespmem:s9], [sflag:$0x2] =	stream.indirect.gather @!p0 [hbm4b:s4+s7], $0x20, s8, s7, $0xb8;
	[tilespmem:$0x15000] =	vst v63  }
0x167: {  	s8 =	sadd.s32 @!p0 $0x968, s5;
	s9 =	simm.s32 @!p0 $0xBD00  }
0x168: {  	[tilespmem:s9], [sflag:$0x2] =	stream.indirect.gather @!p0 [hbm4b:s4+s7], $0x20, s8, s7, $0xb8;
	[tilespmem:$0x15000] =	vst v63  }
0x169: {  	s8 =	sadd.s32 @!p0 $0x9A0, s5;
	s9 =	simm.s32 @!p0 $0xC400  }
0x16a: {  	[tilespmem:s9], [sflag:$0x2] =	stream.indirect.gather @!p0 [hbm4b:s4+s7], $0x20, s8, s7, $0xb8;
	[tilespmem:$0x15000] =	vst v63  }
0x16b: {  	s8 =	sadd.s32 @!p0 $0x9D8, s5;
	s9 =	simm.s32 @!p0 $0xCB00  }
0x16c: {  	[tilespmem:s9], [sflag:$0x2] =	stream.indirect.gather @!p0 [hbm4b:s4+s7], $0x20, s8, s7, $0xb8;
	[tilespmem:$0x15000] =	vst v63  }
0x16d: {  	s8 =	sadd.s32 @!p0 $0xA10, s5;
	s9 =	simm.s32 @!p0 $0xD200  }
0x16e: {  	[tilespmem:s9], [sflag:$0x2] =	stream.indirect.gather @!p0 [hbm4b:s4+s7], $0x20, s8, s7, $0xb8;
	[tilespmem:$0x15000] =	vst v63  }
0x16f: {  	s5 =	sadd.s32 @!p0 $0xA48, s5;
	s8 =	simm.s32 @!p0 $0xD900  }
0x170: {  	[tilespmem:s8], [sflag:$0x2] =	stream.indirect.gather @!p0 [hbm4b:s4+s7], $0x20, s5, s7, $0xb8;
	[tilespmem:$0x15000] =	vst v63  }
0x171: {  	_ =	swait.ge [sflag:s29], $0x700  }
0x172: {  	[sflag:s29] =	ssyncset.done $0x0  }
0x173: {  	[sflag:s29] =	ssyncadd.s32 $0xFFFFF900  }
0x174: {  	_ =	swait.ge [sflag:s29], $0x700  }
0x175: {  	[sflag:s29] =	ssyncset.done $0x0  }
0x176: {  	[sflag:s29] =	ssyncadd.s32 $0xFFFFF900  }
0x177: {  	_ =	swait.ge [sflag:s29], $0x700  }
0x178: {  	[sflag:s29] =	ssyncset.done $0x0  }
0x179: {  	[sflag:s29] =	ssyncadd.s32 $0xFFFFF900  }
0x17a: {  	_ =	swait.ge [sflag:s29], $0x700  }
0x17b: {  	[sflag:s29] =	ssyncset.done $0x0  }
0x17c: {  	[sflag:s29] =	ssyncadd.s32 $0xFFFFF900  }
0x17d: {  	_ =	swait.ge [sflag:s29], $0x700  }
0x17e: {  	[sflag:s29] =	ssyncset.done $0x0  }
0x17f: {  	[sflag:s29] =	ssyncadd.s32 $0xFFFFF900  }
0x180: {  	_ =	swait.ge [sflag:s29], $0x700  }
0x181: {  	[sflag:s29] =	ssyncset.done $0x0  }
0x182: {  	[sflag:s29] =	ssyncadd.s32 $0xFFFFF900  }
0x183: {  	_ =	swait.ge [sflag:s29], $0x700  }
0x184: {  	[sflag:s29] =	ssyncset.done $0x0  }
0x185: {  	[sflag:s29] =	ssyncadd.s32 $0xFFFFF900  }
0x186: {  	_ =	swait.ge [sflag:s29], $0x700  }
0x187: {  	[sflag:s29] =	ssyncset.done $0x0;
	s8 =	sld [smem:$0x7FD]  }
0x188: {  	s2 =	sadd.s32 $0x12C0, s2;
	[sflag:s29] =	ssyncadd.s32 $0xFFFFF900  }
0x189: {  	[hbm4b:s2+s3] =	stream.linear.scatter [tilespmem:s19], [sflag:$0x8], $0x640, $0x38;
	[tilespmem:$0x15000] =	vst v63  }
0x18a: {  	s9 =	rddreg [dreg:$0x1f];
	s2 =	sadd.s32 s31, s8  }
0x18b: {  	[hbm4b:s2+s3] =	stream.linear.scatter [tilespmem:s20], [sflag:$0x8], $0x640, $0x38;
	[tilespmem:$0x15000] =	vst v63  }
0x18c: {  	s5 =	rddreg [dreg:$0x1e];
	s2 =	sadd.s32 s31, s9  }
0x18d: {  	[hbm4b:s2+s3] =	stream.linear.scatter [tilespmem:s21], [sflag:$0x8], $0x640, $0x38;
	[tilespmem:$0x15000] =	vst v63  }
0x18e: {  	s7 =	rddreg [dreg:$0x1d];
	s2 =	sadd.s32 s31, s5  }
0x18f: {  	[hbm4b:s2+s3] =	stream.linear.scatter [tilespmem:s22], [sflag:$0x8], $0x640, $0x38;
	[tilespmem:$0x15000] =	vst v63  }
0x190: {  	s8 =	rddreg [dreg:$0x1c];
	s2 =	sadd.s32 s31, s7  }
0x191: {  	[hbm4b:s2+s3] =	stream.linear.scatter [tilespmem:s23], [sflag:$0x8], $0x640, $0x38;
	[tilespmem:$0x15000] =	vst v63  }
0x192: {  	s9 =	rddreg [dreg:$0x1b];
	s2 =	sadd.s32 s31, s8  }
0x193: {  	[hbm4b:s2+s3] =	stream.linear.scatter [tilespmem:s16], [sflag:$0x8], $0x640, $0x38;
	[tilespmem:$0x15000] =	vst v63  }
0x194: {  	s2 =	sadd.s32 s31, s9  }
0x195: {  	[hbm4b:s2+s3] =	stream.linear.scatter [tilespmem:s10], [sflag:$0x8], $0x640, $0x38;
	[tilespmem:$0x15000] =	vst v63  }
0x196: {  	s10 =	rddreg [dreg:$0x1a]  }
0x197: {  	s2 =	sadd.s32 s31, s10  }
0x198: {  	[hbm4b:s2+s3] =	stream.linear.scatter [tilespmem:s11], [sflag:$0x8], $0x640, $0x38;
	[tilespmem:$0x15000] =	vst v63  }
0x199: {  	_ =	swait.ge [sflag:s30], $0x640  }
0x19a: {  	[sflag:s30] =	ssyncset.done $0x0  }
0x19b: {  	[sflag:s30] =	ssyncadd.s32 $0xFFFFF9C0  }
0x19c: {  	_ =	swait.ge [sflag:s30], $0x640  }
0x19d: {  	[sflag:s30] =	ssyncset.done $0x0  }
0x19e: {  	[sflag:s30] =	ssyncadd.s32 $0xFFFFF9C0  }
0x19f: {  	_ =	swait.ge [sflag:s30], $0x640  }
0x1a0: {  	[sflag:s30] =	ssyncset.done $0x0  }
0x1a1: {  	[sflag:s30] =	ssyncadd.s32 $0xFFFFF9C0  }
0x1a2: {  	_ =	swait.ge [sflag:s30], $0x640  }
0x1a3: {  	[sflag:s30] =	ssyncset.done $0x0  }
0x1a4: {  	[sflag:s30] =	ssyncadd.s32 $0xFFFFF9C0  }
0x1a5: {  	_ =	swait.ge [sflag:s30], $0x640  }
0x1a6: {  	[sflag:s30] =	ssyncset.done $0x0  }
0x1a7: {  	[sflag:s30] =	ssyncadd.s32 $0xFFFFF9C0  }
0x1a8: {  	_ =	swait.ge [sflag:s30], $0x640  }
0x1a9: {  	[sflag:s30] =	ssyncset.done $0x0  }
0x1aa: {  	[sflag:s30] =	ssyncadd.s32 $0xFFFFF9C0  }
0x1ab: {  	_ =	swait.ge [sflag:s30], $0x640  }
.Ltmp2:
0x1ac: {  	[sflag:s30] =	ssyncset.done $0x0;
	(pc) =	sbr.rel @p0 .LBB2_4-.Ltmp2, $4  }
0x1ad: {  	[sflag:s30] =	ssyncadd.s32 $0xFFFFF9C0  }
0x1ae: {  	_ =	swait.ge [sflag:s30], $0x640  }
0x1af: {  	[sflag:s30] =	ssyncset.done $0x0  }
0x1b0: {  	[sflag:s30] =	ssyncadd.s32 $0xFFFFF9C0  }
0x1b1: {  	s2 =	sadd.s32 $0xA80, s0;
	s5 =	simm.s32 $0xE000  }
0x1b2: {  	[tilespmem:s5], [sflag:$0x3] =	stream.indirect.gather [hbm4b:s4+s6], $0x20, s2, s6, $0xb8;
	[tilespmem:$0x15000] =	vst v63  }
0x1b3: {  	s9 =	sadd.s32 $0xAB8, s0;
	s10 =	simm.s32 $0xE700  }
0x1b4: {  	[tilespmem:s10], [sflag:$0x3] =	stream.indirect.gather [hbm4b:s4+s6], $0x20, s9, s6, $0xb8;
	[tilespmem:$0x15000] =	vst v63  }
0x1b5: {  	s11 =	sadd.s32 $0xAF0, s0  }
0x1b6: {  	[tilespmem:s12], [sflag:$0x3] =	stream.indirect.gather [hbm4b:s4+s6], $0x20, s11, s6, $0xb8;
	[tilespmem:$0x15000] =	vst v63  }
0x1b7: {  	s5 =	sadd.s32 $0xB28, s0  }
0x1b8: {  	[tilespmem:s13], [sflag:$0x3] =	stream.indirect.gather [hbm4b:s4+s6], $0x20, s5, s6, $0xb8;
	[tilespmem:$0x15000] =	vst v63  }
0x1b9: {  	s7 =	sadd.s32 $0xB60, s0  }
0x1ba: {  	[tilespmem:s14], [sflag:$0x3] =	stream.indirect.gather [hbm4b:s4+s6], $0x20, s7, s6, $0xb8;
	[tilespmem:$0x15000] =	vst v63  }
0x1bb: {  	s8 =	sadd.s32 $0xB98, s0;
	s9 =	simm.s32 $0x10300  }
0x1bc: {  	[tilespmem:s9], [sflag:$0x3] =	stream.indirect.gather [hbm4b:s4+s6], $0x20, s8, s6, $0xb8;
	[tilespmem:$0x15000] =	vst v63  }
.Ltmp3:
0x1bd: {  	_ = 	snop;
	(pc) =	sbr.rel .LBB2_2-.Ltmp3, $4  }
0x1be: {  	s10 =	sadd.s32 $0xBD0, s0  }
0x1bf: {  	[tilespmem:s17], [sflag:$0x3] =	stream.indirect.gather [hbm4b:s4+s6], $0x20, s10, s6, $0xb8;
	[tilespmem:$0x15000] =	vst v63  }
0x1c0: {  	s1 =	sadd.s32 $0x1C00, s1;
	s31 =	sadd.s32 $0x1900, s31;
	s11 =	sadd.s32 $0xC08, s0  }
0x1c1: {  	[tilespmem:s18], [sflag:$0x3] =	stream.indirect.gather [hbm4b:s4+s6], $0x20, s11, s6, $0xb8;
	[tilespmem:$0x15000] =	vst v63  }
.LBB2_5:
0x1c2: {  	_ =	sfence.sel $0x180000  }
0x1c3: {  	[bflag:$0x0] =	sbarrier.arrive $0xFFFF  }
0x1c4: {  	_ =	strace $0x90000047  }
0x1c5: {  	s0 =	stileid.u32;
	[bflag:$0x2] =	sbarrier.arrive $0xFFFF  }
0x1c6: {  	p0 =	sne.s32 s0, $0x0;
	s0 =	rddreg [dreg:$0x2]  }
0x1c7: {  	s0 =	sadd.s32 @!p0 $0x100000, s0  }
0x1c8: {  	[sflag:s0] =	ssyncadd.tile.s32 @!p0 $0x1;
	_ =	shalt  }
.Lfunc_end2:
_tile_overlayer_lowered:
.L_overlay_start_2:
0x1c9: {  	(tag) =	ssettag $0x2  }
0x1ca: {  	s0 =	rddreg [dreg:$0x0];
	s2 =	stileid.u32  }
0x1cb: {  	s1 =	rddreg [dreg:$0x1];
	p0 =	sne.s32 s2, $0x0  }
0x1cc: {  	s3 =	rddreg [dreg:$0x2];
	[bflag:$0x3] =	sbarrier.arrive $0xFFFF;
	s2 =	simm.s32 @!p0 $0x1C09  }
0x1cd: {  	[timem:s3], [sflag:s2] =	dma.local @!p0 [hbm:s0], s1  }
0x1ce: {  	s0 =	simm.s32 @!p0 $0x9  }
0x1cf: {  	_ =	swait.ge @!p0 [sflag:s0], s1  }
0x1d0: {  	s1 =	ssub.s32 @!p0 $0x0, s1;
	[sflag:s0] =	ssyncset.done @!p0 $0x0  }
0x1d1: {  	[sflag:s0] =	ssyncadd.s32 @!p0 s1  }
0x1d2: {  	[bflag:$0x3] =	sbarrier.arrive $0xFFFF  }
0x1d3: {  	_ =	shalt  }

// kernel: sparse-core-data-format-call.cloned.1.call-start
scs
called_computation_lowered:
.L_overlay_start_0:
0x0: {  	s2 =	sld [smem:$0x3FD9]  }
0x1: {  	s3 =	sld [smem:$0x3FFE];
	_ =	sdelay $0x1  }
0x2: {  	s1 =	srdreg.scid  }
0x3: {  	s0 =	sand.u32 $0x1, s1  }
0x4: {  	s18 =	sshll.u32 s0, $0xA;
	s2 =	sadd.s32 s3, s2  }
0x5: {  	s2 =	sadd.s32 s2, s18  }
0x6: {  	[smem:$0x3FC6] =	sst s2  }
0x7: {  	_ = 	snop  }
0x8: {  	s2 =	sld [smem:$0x3FD0];
	(tm) =	ssettm $0x1  }
0x9: {  	s19 =	sld [smem:$0x3FFB];
	_ =	sdelay $0x3  }
0xa: {  	_ =	strace s19  }
0xb: {  	s3 =	sld [smem:$0x3FFC];
	_ =	sdelay $0x3  }
0xc: {  	_ =	strace s3  }
0xd: {  	s3 =	sld [smem:$0x3FFD];
	_ =	sdelay $0x3  }
0xe: {  	_ =	strace s3  }
0xf: {  	_ =	strace $0x8FFFFFFF  }
0x10: {  	s20 =	sld [smem:$0x3FDB];
	_ =	sdelay $0x1  }
0x11: {  	s4 =	simm.s32 $_scs_section_size  }
0x12: {  	s5 =	simm.s32 $_size__tile_overlayer_lowered;
	s6 =	simm.s32 $_tile_overlayer_lowered  }
0x13: {  	s23 =	simm.s32 $0x1BFF;
	s22 =	sshll.u32 s6, $0x1;
	s3 =	sadd.s32 s4, s20  }
0x14: {  	s7 =	simm.s32 $0x0;
	s21 =	sshll.u32 s5, $0x1;
	s5 =	sadd.s32 s22, s3  }
0x15: {  	[timem:s7], [sflag:s23] =	dma.local [hbm:s5], s21  }
0x16: {  	_ =	swait.ge [sflag:s23], s21  }
0x17: {  	s4 =	ssub.s32 $0x0, s21;
	[sflag:s23] =	ssyncset.done $0x0  }
0x18: {  	[sflag:s23] =	ssyncadd.s32 s4;
	_ =	sdelay $0x1  }
0x19: {  	s24 =	simm.s32 $0x1B8B  }
0x1a: {  	_ =	swait.ge [sflag:s24], $0x1  }
0x1b: {  	[sflag:s24] =	ssyncset.done $0x0  }
0x1c: {  	s26 =	simm.s32 $0x1B8E;
	s25 =	sld [smem:$0x3FFE];
	[sflag:s24] =	ssyncadd.s32 $0xFFFFFFFF  }
0x1d: {  	s27 =	simm.s32 $execute0_lowered;
	[smem:$0x3FD2] =	sst s26  }
0x1e: {  	s5 =	sshll.u32 s27, $0x1;
	_ =	strace $0x80000049;
	[dreg:$0x1] =	wrdreg $0xFFFFFFFF  }
0x1f: {  	s28 =	simm.s32 $_size_execute0_lowered;
	s3 =	sadd.s32 s3, s5;
	[dreg:$0x0] =	wrdreg $0x0  }
0x20: {  	s5 =	sshll.u32 s28, $0x1;
	[dreg:$0x2] =	wrdreg s3  }
0x21: {  	[dreg:$0x3] =	wrdreg s5  }
0x22: {  	[dreg:$0x4] =	wrdreg $0xC0  }
0x23: {  	_ =	task [dreg:s7], $0x5FFFF  }
0x24: {  	[dreg:$0x1] =	wrdreg $0xFFFFFFFF  }
0x25: {  	[dreg:$0x0] =	wrdreg $0x60  }
0x26: {  	[dreg:$0x2] =	wrdreg s25  }
0x27: {  	[dreg:$0x3] =	wrdreg s2  }
0x28: {  	[dreg:$0x4] =	wrdreg $0x9  }
0x29: {  	_ =	task.clear_ibuf [dreg:s7], $0x5FFFF;
	_ =	strace $0x90000049  }
0x2a: {  	s29 =	simm.s32 $0x9;
	_ =	strace $0x8000004B  }
0x2b: {  	_ =	swait.ge [sflag:s29], $0x1  }
0x2c: {  	[sflag:s29] =	ssyncadd.s32 $0xFFFFFFFF  }
0x2d: {  	_ =	strace $0x9000004B  }
0x2e: {  	_ =	sfence  }
0x2f: {  	s30 =	sld [smem:$0x0];
	_ =	sdelay $0x2  }
0x30: {  	s31 =	sshll.u32 s1, $0xD;
	s1 =	sshrl.u32 s1, $0x2  }
0x31: {  	s3 =	sand.u32 $0x4000, s31;
	s1 =	sadd.s32 s1, s30  }
0x32: {  	s0 =	sor.u32 s3, s0;
	s1 =	sshll.u32 s1, $0x11  }
0x33: {  	s0 =	sor.u32 s1, s0  }
0x34: {  	s0 =	sadd.s32 $0x8F2B, s0  }
0x35: {  	[sflag:s0] =	ssyncadd.remote.s32 $0x1  }
0x36: {  	_ =	sfence.sel $0xFFFF  }
0x37: {  	[dreg:$0x0] =	wrdreg $0xFFFFFFFF;
	(pc) =	sbr.abs _section_cstart, $3  }
0x38: {  	[dreg:$0x1] =	wrdreg $0xFFFFFFFF  }
0x39: {  	_ =	task.clear_ibuf [dreg:s7], $0x2FFFF;
	_ =	strace $0x9FFFFFFF  }
0x3a: {  	(tm) =	ssettm $0x7FFFFFFF  }
0x3b: {  	_ =	shalt  }
tec
execute0_lowered:
.L_overlay_start_1:
0x0: {  	(tag) =	ssettag $0x1  }
0x1: {  	s0 =	srdreg.scid  }
0x2: {  	s1 =	sshll.u32 s0, $0x4  }
0x3: {  	s0 =	stileid.u32;
	s1 =	sand.u32 $0x10, s1  }
0x4: {  	s1 =	sor.u32 s0, s1  }
0x5: {  	s6 =	rddreg [dreg:$0x0];
	s4 =	simm.s32 $0x1;
	s2 =	sshll.u32 s1, $0x7  }
0x6: {  	s7 =	simm.s32 $0x2;
	s12 =	simm.s32 $0x0;
	s1 =	ssub.s32 $0x4000, s2  }
0x7: {  	s8 =	simm.s32 $0x20000;
	s13 =	simm.s32 $0x0;
	s3 =	sand.u32 $0xF80, s1  }
0x8: {  	s9 =	simm.s32 $0x0;
	s5 =	sshrl.u32 s1, $0xC;
	p0 =	sne.s32 s3, $0x0  }
.Ltmp0:
0x9: {  	s1 =	rddreg [dreg:$0x2];
	s4 =	simm.s32 @!p0 $0x0;
	(pc) =	sbr.rel .LBB1_1-.Ltmp0, $4  }
0xa: {  	s11 =	simm.s32 $0x0;
	s3 =	rddreg [dreg:$0x1];
	s5 =	sadd.s32 s4, s5  }
0xb: {  	_ =	strace $0x8000004A;
	s4 =	simm.s32 $0x1;
	s5 =	smul.u32 $0x32, s5  }
0xc: {  	s6 =	sadd.s32 $0xE00, s6;
	s10 =	smov.u32 s2;
	[sflag:s4] =	ssyncpa.u1 $0x0  }
0xd: {  	p0 =	por $0x0, $0x0;
	[sflag:s7] =	ssyncpa.u1 $0x0;
	s7 =	sor.u32 $0x1, s5  }
.LBB1_4:
0xe: {  	s16 =	sshll.u32 s13, $0x3;
	s17 =	sand.u32 $0x78, s13  }
0xf: {  	s30 =	sand.u32 $0xF800, s13;
	s12 =	sshll.u32 s12, $0x10;
	s16 =	sand.u32 $0x3C00, s16  }
0x10: {  	s31 =	sand.u32 $0x7, s13;
	s16 =	sor.u32 s17, s16;
	s17 =	sadd.s32 s3, s30  }
0x11: {  	s13 =	sshll.u32 s31, $0x12;
	s16 =	sshrl.u32 s16, $0x3;
	s12 =	sadd.s32 s12, s17  }
0x12: {  	[tilespmem:s15+$0x0 ss:$0x81] =	vst.msk $0xffff, v0;
	s13 =	sor.u32 $0x400, s13;
	s12 =	sadd.s32 s16, s12  }
0x13: {  	[hbm4b:s12+s13] =	stream.strided.scatter [tilespmem:s14], [sflag:$0x2], $0x1000, s8, s13, $0x20;
	[tilespmem:$0x4040] =	vst v63  }
.LBB1_5:
0x14: {  	s14 =	sadd.s32 $0x1, s9  }
0x15: {  	s12 =	sadd.s32 $0x1000, s10;
	s16 =	smov.u32 s10;
	p2 =	sgt.s32 s14, $0x31  }
0x16: {  	s16 =	smov.u32 @p2 s12  }
0x17: {  	s14 =	simm.s32 @p2 $0x0;
	p2 =	sgt.s32 s16, $0x3FFF  }
0x18: {  	s16 =	smov.u32 @p2 s2;
	p2 =	sne.s32 s11, s7  }
.Ltmp1:
0x19: {  	p1 =	slt.u32 s11, $0x2;
	(pc) =	sbr.rel @!p2 .LBB1_6-.Ltmp1, $4  }
0x1a: {  	s15 =	simm.s32 @!p1 $0x2  }
0x1b: {  	s13 =	smov.u32 s10;
	p0 =	por !p0, !p0;
	_ =	swait.ge @!p1 [sflag:s15], $0x1000  }
0x1c: {  	s12 =	smov.u32 s9;
	[sflag:s15] =	ssyncset.done @!p1 $0x0;
	s9 =	smov.u32 s14  }
0x1d: {  	s11 =	sadd.s32 $0x1, s11;
	[sflag:s15] =	ssyncadd.s32 @!p1 $0xFFFFF000;
	s10 =	smov.u32 s16  }
.LBB1_1:
0x1e: {  	p1 =	sge.u32 s11, s5  }
0x1f: {  	s14 =	sand.u32 @!p1 $0x1FFFFFF, s9  }
0x20: {  	s15 =	smulhi.u32 @!p1 $0x4924925, s14;
	_ =	sdelay $0x1  }
0x21: {  	s15 =	smul.u32 @!p1 $0x38, s15  }
0x22: {  	s16 =	sxor.u32 @!p1 $0xFFFFFFFF, s11;
	s17 =	smul.u32 @!p1 $0x380, s10  }
0x23: {  	s31 =	sadd.s32 $0xFFFFFFFF, s11;
	s16 =	sshll.u32 @!p1 s16, $0xC;
	s14 =	ssub.s32 @!p1 s14, s15  }
0x24: {  	s15 =	sand.u32 @!p1 $0x1000, s16;
	s16 =	sadd.s32 @!p1 s6, s17;
	s14 =	sshll.u32 @!p1 s14, $0x4  }
0x25: {  	s17 =	simm.s32 @!p1 $0x1C00;
	s14 =	sadd.s32 @!p1 s14, s16;
	s16 =	simm.s32 @!p1 $0x20  }
0x26: {  	[tilespmem:s15], [sflag:$0x1] =	stream.strided.gather @!p1 [hbm4b:s14+s16], $0x1000, s17, s16, $0x38;
	[tilespmem:$0x4040] =	vst v63  }
0x27: {  	p1 =	sge.u32 s31, s5  }
.Ltmp2:
0x28: {  	_ = 	snop;
	(pc) =	sbr.rel @p1 .LBB1_5-.Ltmp2, $1  }
0x29: {  	_ =	sdelay $0x3  }
0x2a: {  	s14 =	simm.s32 $0x1  }
0x2b: {  	_ =	swait.ge [sflag:s4], $0x1000;
	s14 =	simm.s32 @!p0 $0x0  }
0x2c: {  	[sflag:s4] =	ssyncset.done $0x0;
	s15 =	sshll.u32 s14, $0xC  }
0x2d: {  	[sflag:s4] =	ssyncadd.s32 $0xFFFFF000;
	s18 =	sor.u32 $0x10, s15  }
0x2e: {  	s14 =	smul.u32 $0x4080, s14;
	v1 =	vld [tilespmem:s18+$0x0]  }
0x2f: {  	s30 =	sand.u32 $0x1, s11;
	v0 =	vld [tilespmem:s18+$0xFFFFFFF0]  }
0x30: {  	s15 =	smul.u32 $0x4080, s30;
	s14 =	sshrl.u32 s14, $0x2  }
0x31: {  	s16 =	sor.u32 $0x2000, s14  }
0x32: {  	s31 =	sshrl.u32 s15, $0x2;
	s15 =	sadd.s32 $0x0, s16  }
0x33: {  	s17 =	simm.s32 $0x4;
	s18 =	sadd.s32 $0x20, s18;
	s14 =	sor.u32 $0x2000, s31;
	[tilespmem:s15+$0x810 ss:$0x81] =	vst.msk $0xffff, v1  }
.LBB1_3:
0x34: {  	v1 =	vld [tilespmem:s18+$0x0];
	p1 =	sne.s32 s17, $0x1FC;
	[tilespmem:s15+$0x0 ss:$0x81] =	vst.msk $0xffff, v0;
	s15 =	smov.u32 s17;
	s17 =	sadd.s32 $0x4, s17  }
.Ltmp3:
0x35: {  	v0 =	vld [tilespmem:s18+$0xFFFFFFF0];
	(pc) =	sbr.rel @p1 .LBB1_3-.Ltmp3, $4  }
0x36: {  	_ = 	snop  }
0x37: {  	s15 =	sshra.s32 s15, $0x2  }
0x38: {  	s15 =	sadd.s32 s15, s16  }
0x39: {  	s18 =	sadd.s32 $0x20, s18;
	[tilespmem:s15+$0x810 ss:$0x81] =	vst.msk $0xffff, v1  }
.Ltmp4:
0x3a: {  	_ = 	snop;
	(pc) =	sbr.rel .LBB1_4-.Ltmp4, $1  }
0x3b: {  	_ =	sdelay $0x3  }
.LBB1_6:
0x3c: {  	_ =	sfence.sel $0x180000  }
0x3d: {  	s2 =	simm.s32 $0x1;
	[bflag:$0x0] =	sbarrier.arrive $0xFFFF  }
0x3e: {  	s31 =	simm.s32 $0x2;
	[sflag:s2] =	ssyncpa.u1 $0x1  }
0x3f: {  	[sflag:s31] =	ssyncpa.u1 $0x1  }
0x40: {  	p0 =	sne.s32 s0, $0x0;
	_ =	strace $0x9000004A  }
0x41: {  	s0 =	sadd.s32 @!p0 $0x100000, s1;
	[bflag:$0x2] =	sbarrier.arrive $0xFFFF  }
0x42: {  	[sflag:s0] =	ssyncadd.tile.s32 @!p0 $0x1;
	_ =	shalt  }
.Lfunc_end1:
_tile_overlayer_lowered:
.L_overlay_start_2:
0x43: {  	(tag) =	ssettag $0x2  }
0x44: {  	s0 =	rddreg [dreg:$0x0];
	s2 =	stileid.u32  }
0x45: {  	s1 =	rddreg [dreg:$0x1];
	p0 =	sne.s32 s2, $0x0  }
0x46: {  	s3 =	rddreg [dreg:$0x2];
	[bflag:$0x3] =	sbarrier.arrive $0xFFFF;
	s2 =	simm.s32 @!p0 $0x1C01  }
0x47: {  	[timem:s3], [sflag:s2] =	dma.local @!p0 [hbm:s0], s1  }
0x48: {  	s0 =	simm.s32 @!p0 $0x1  }
0x49: {  	_ =	swait.ge @!p0 [sflag:s0], s1  }
0x4a: {  	s1 =	ssub.s32 @!p0 $0x0, s1;
	[sflag:s0] =	ssyncset.done @!p0 $0x0  }
0x4b: {  	[sflag:s0] =	ssyncadd.s32 @!p0 s1  }
0x4c: {  	[bflag:$0x3] =	sbarrier.arrive $0xFFFF  }
0x4d: {  	_ =	shalt  }

</sc_bundles>
